<compile_context>
chip_gen: v7x
topology: tpu7x:2x2x1
jax: 0.10.2.dev20260603
libtpu: 0.0.44.dev20260713+nightly
codegen_flags: <defaults>
</compile_context>

<pallas_src>
import functools

import jax
import jax.numpy as jnp
from jax import lax
from jax.experimental import pallas as pl
from jax.experimental.pallas import tpu as pltpu
from jax.experimental.pallas import tpu_sc as plsc

_NUM_FACTORS = 50000
_NUM_VARS = 100000
_S = 16
_E = 1600000
_LN_ZERO = -99.0
_ALPHA = 0.5

_NW = 32
_CHUNK = 128
_CH = _E // _CHUNK
_BASE = _CH // _NW
_EXTRA = _CH % _NW


def _mesh():
    return plsc.VectorSubcoreMesh(core_axis_name="c", subcore_axis_name="s")


_SC_PARAMS = pltpu.CompilerParams(use_tc_tiling_on_sc=False)


def _worker_range(c, s):
    wid = s * 2 + c
    nch = _BASE + (wid < _EXTRA).astype(jnp.int32)
    start = wid * _BASE + jnp.minimum(wid, _EXTRA)
    return start, nch


_K = 24


def _sc_gather(table, idx2):

    nsub = 2
    sub = _K * _CHUNK // nsub

    @functools.partial(
        pl.kernel,
        mesh=_mesh(),
        out_type=jax.ShapeDtypeStruct((_E, _S), jnp.float32),
        scratch_types=[
            pltpu.VMEM((_K * _CHUNK,), jnp.int32),
            pltpu.VMEM((_K * _CHUNK, _S), jnp.float32),
            pltpu.SemaphoreType.DMA,
            pltpu.SemaphoreType.DMA,
        ],
        compiler_params=_SC_PARAMS,
    )
    def gk(table_hbm, idx_hbm, out_hbm, idx_v, rows_v, gsem, wsem):
        start, nch = _worker_range(lax.axis_index("c"), lax.axis_index("s"))
        nsup = nch // _K

        def sup(t, carry):
            off = (start + t * _K) * _CHUNK
            pltpu.sync_copy(idx_hbm.at[pl.ds(off, _K * _CHUNK)], idx_v)

            @pl.when(t > 0)
            def _wait_prev_write():
                pltpu.make_async_copy(
                    rows_v, out_hbm.at[pl.ds(off, _K * _CHUNK)], wsem).wait()

            descs = [
                pltpu.async_copy(
                    table_hbm.at[idx_v.at[pl.ds(j * sub, sub)]],
                    rows_v.at[pl.ds(j * sub, sub)], gsem)
                for j in range(nsub)
            ]
            for d in descs:
                d.wait()
            pltpu.async_copy(rows_v, out_hbm.at[pl.ds(off, _K * _CHUNK)], wsem)
            return carry

        lax.fori_loop(0, nsup, sup, jnp.int32(0))

        @pl.when(nsup > 0)
        def _drain_last_write():
            pltpu.make_async_copy(
                rows_v, out_hbm.at[pl.ds(0, _K * _CHUNK)], wsem).wait()

        def tail(i, carry):
            off = (start + nsup * _K + i) * _CHUNK
            pltpu.sync_copy(idx_hbm.at[pl.ds(off, _CHUNK)],
                            idx_v.at[pl.ds(0, _CHUNK)])
            pltpu.async_copy(
                table_hbm.at[idx_v.at[pl.ds(0, _CHUNK)]],
                rows_v.at[pl.ds(0, _CHUNK)], gsem).wait()
            pltpu.sync_copy(rows_v.at[pl.ds(0, _CHUNK)],
                            out_hbm.at[pl.ds(off, _CHUNK)])
            return carry

        lax.fori_loop(0, nch - nsup * _K, tail, jnp.int32(0))

    return gk(table, idx2)


def _sc_scatter_add(msgs3, idx2, n_rows, zeros, k):
    span = n_rows // 16

    @functools.partial(
        pl.kernel,
        mesh=_mesh(),
        out_type=jax.ShapeDtypeStruct((2, n_rows, _S), jnp.float32),
        scratch_types=[
            pltpu.VMEM((k, _CHUNK), jnp.int32),
            pltpu.VMEM((k, _CHUNK, _S), jnp.float32),
            pltpu.VMEM_SHARED((n_rows, _S), jnp.float32),
            pltpu.SemaphoreType.DMA,
        ],
        compiler_params=_SC_PARAMS,
    )
    def sk(msgs_hbm, idx_hbm, zeros_hbm, out_hbm, idx_v, rows_v, accum, asem):
        c = lax.axis_index("c")
        s = lax.axis_index("s")
        start, nch = _worker_range(c, s)
        nsup = nch // k
        pltpu.sync_copy(zeros_hbm.at[pl.ds(s * span, span)],
                        accum.at[pl.ds(s * span, span)])
        plsc.subcore_barrier()

        def sup(t, carry):
            cr = start + t * k
            pltpu.sync_copy(idx_hbm.at[pl.ds(cr, k)], idx_v)
            pltpu.sync_copy(msgs_hbm.at[pl.ds(cr, k)], rows_v)
            descs = [
                pltpu.async_copy(
                    rows_v.at[j], accum.at[idx_v.at[j]], asem, add=True)
                for j in range(k)
            ]
            for d in descs:
                d.wait()
            return carry

        lax.fori_loop(0, nsup, sup, jnp.int32(0))

        def tail(i, carry):
            cr = start + nsup * k + i
            pltpu.sync_copy(idx_hbm.at[pl.ds(cr, 1)], idx_v.at[pl.ds(0, 1)])
            pltpu.sync_copy(msgs_hbm.at[pl.ds(cr, 1)], rows_v.at[pl.ds(0, 1)])
            pltpu.async_copy(
                rows_v.at[0], accum.at[idx_v.at[0]], asem, add=True).wait()
            return carry

        lax.fori_loop(0, nch - nsup * k, tail, jnp.int32(0))
        plsc.subcore_barrier()
        pltpu.sync_copy(accum.at[pl.ds(s * span, span)],
                        out_hbm.at[c, pl.ds(s * span, span)])

    return sk(msgs3, idx2, zeros)


def _dense_pass(a2d, b2d, r2d, w, bias):
    rows = a2d.shape[0]
    br = 2000
    res_from_x = r2d is None

    def body(*refs):
        refs = list(refs)
        a_ref = refs.pop(0)
        b_ref = refs.pop(0)
        r_ref = None if res_from_x else refs.pop(0)
        w_ref, bias_ref, o_ref = refs
        x = a_ref[...] - b_ref[...]
        y = jnp.dot(x, w_ref[...], preferred_element_type=jnp.float32)
        y = y + bias_ref[...]
        res = x if res_from_x else r_ref[...]
        m = jnp.maximum(_ALPHA * y + (1.0 - _ALPHA) * res, _LN_ZERO)
        lane = lax.broadcasted_iota(jnp.int32, m.shape, 1)
        mx = m
        for sft in (1, 2, 4, 8):
            up = pltpu.roll(mx, 128 - sft, 1)
            dn = pltpu.roll(mx, sft, 1)
            mx = jnp.maximum(mx, jnp.where((lane & sft) != 0, dn, up))
        e = jnp.exp(m - mx)
        gi = lax.broadcasted_iota(jnp.int32, (128, 128), 0)
        gj = lax.broadcasted_iota(jnp.int32, (128, 128), 1)
        ones_bd = ((gi // 16) == (gj // 16)).astype(jnp.float32)
        ssum = jnp.dot(e, ones_bd, preferred_element_type=jnp.float32)
        o_ref[...] = m - mx - jnp.log(ssum)

    edge_spec = pl.BlockSpec((br, 128), lambda i: (i, 0))
    in_specs = [edge_spec, edge_spec]
    operands = [a2d, b2d]
    if not res_from_x:
        in_specs.append(edge_spec)
        operands.append(r2d)
    in_specs += [
        pl.BlockSpec((128, 128), lambda i: (0, 0)),
        pl.BlockSpec((1, 128), lambda i: (0, 0)),
    ]
    operands += [w, bias]
    return pl.pallas_call(
        body,
        grid=(rows // br,),
        in_specs=in_specs,
        out_specs=edge_spec,
        out_shape=jax.ShapeDtypeStruct((rows, 128), jnp.float32),
    )(*operands)


def _add_pair(p):
    n_rows = p.shape[1]
    a = p[0].reshape(n_rows * _S // 128, 128)
    b = p[1].reshape(n_rows * _S // 128, 128)
    rows = a.shape[0]
    br = 512
    grid = (rows + br - 1) // br

    def body(a_ref, b_ref, o_ref):
        o_ref[...] = a_ref[...] + b_ref[...]

    spec = pl.BlockSpec((br, 128), lambda i: (i, 0))
    out = pl.pallas_call(
        body,
        grid=(grid,),
        in_specs=[spec, spec],
        out_specs=spec,
        out_shape=jax.ShapeDtypeStruct((rows, 128), jnp.float32),
    )(a, b)
    return out.reshape(n_rows, _S)


def kernel(prv_varToFactor_messages, prv_factorToVar_messages, prv_factor_beliefs,
           W1, b1, W2, b2, W3, b3, W4, b4,
           factor_edge_idx, var_edge_idx):
    f_idx = factor_edge_idx.astype(jnp.int32)
    v_idx = var_edge_idx.astype(jnp.int32)
    f_idx2 = f_idx.reshape(_CH, _CHUNK)
    v_idx2 = v_idx.reshape(_CH, _CHUNK)

    wc1 = W2 @ W1
    bc1 = b1 @ W2.T + b2
    wc2 = W4 @ W3
    bc2 = b3 @ W4.T + b4
    eye8 = jnp.eye(8, dtype=jnp.float32)
    bd1 = jnp.kron(eye8, wc1.T)
    bd2 = jnp.kron(eye8, wc2.T)
    bt1 = jnp.tile(bc1, 8)[None, :]
    bt2 = jnp.tile(bc2, 8)[None, :]

    rows2d = _E * _S // 128

    fb_edges = _sc_gather(prv_factor_beliefs, f_idx)

    ftv2d = _dense_pass(
        fb_edges.reshape(rows2d, 128),
        prv_varToFactor_messages.reshape(rows2d, 128),
        prv_factorToVar_messages.reshape(rows2d, 128),
        bd1, bt1)
    factorToVar_messages = ftv2d.reshape(_E, _S)

    vz = jnp.zeros((_NUM_VARS, _S), jnp.float32)
    vparts = _sc_scatter_add(
        ftv2d.reshape(_CH, _CHUNK, _S), v_idx2, _NUM_VARS, vz, 12)
    var_beliefs = _add_pair(vparts)

    vb_edges = _sc_gather(var_beliefs, v_idx)

    vtf2d = _dense_pass(
        vb_edges.reshape(rows2d, 128),
        ftv2d,
        None,
        bd2, bt2)
    varToFactor_messages = vtf2d.reshape(_E, _S)

    fz = jnp.zeros((_NUM_FACTORS, _S), jnp.float32)
    fparts = _sc_scatter_add(
        vtf2d.reshape(_CH, _CHUNK, _S), f_idx2, _NUM_FACTORS, fz, 24)
    factor_beliefs = _add_pair(fparts)

    return (varToFactor_messages, factorToVar_messages, factor_beliefs, var_beliefs)

# --- scband reference (transcript-rebuilt; emitter-appended) ---
"""Pipeline reference for scband-factor-graph-msg-passing-layer-no-double-counting-71940702208298 (READ-ONLY COPY).

The authoritative reference and input builder live on the scoring server;
editing this copy changes nothing except your own understanding.
"""

import jax, jax.numpy as jnp
import numpy as np
from jax.scipy.special import logsumexp

NUM_FACTORS = 50000
NUM_VARS = 100000
S = 16
E = 1600000
LN_ZERO = -99.0
ALPHA = 0.5
ALPHA2 = 0.5


def setup_inputs(seed: int = 0) -> dict:
    key = jax.random.key(seed)
    ks = jax.random.split(key, 6)
    factor_edge_idx = jax.random.randint(ks[0], (E,), 0, NUM_FACTORS)
    var_edge_idx = jax.random.randint(ks[1], (E,), 0, NUM_VARS)
    prv_varToFactor_messages = jax.random.normal(ks[2], (E, S), dtype=jnp.float32)
    prv_factorToVar_messages = jax.random.normal(ks[3], (E, S), dtype=jnp.float32)
    prv_factor_beliefs = jax.random.normal(ks[4], (NUM_FACTORS, S), dtype=jnp.float32)
    # learned params; module initializes linears to identity / zero bias
    W1 = jnp.eye(S, dtype=jnp.float32)
    b1 = jnp.zeros((S,), dtype=jnp.float32)
    W2 = jnp.eye(S, dtype=jnp.float32)
    b2 = jnp.zeros((S,), dtype=jnp.float32)
    W3 = jnp.eye(S, dtype=jnp.float32)
    b3 = jnp.zeros((S,), dtype=jnp.float32)
    W4 = jnp.eye(S, dtype=jnp.float32)
    b4 = jnp.zeros((S,), dtype=jnp.float32)
    return {
        'prv_varToFactor_messages': prv_varToFactor_messages,
        'prv_factorToVar_messages': prv_factorToVar_messages,
        'prv_factor_beliefs': prv_factor_beliefs,
        'W1': W1, 'b1': b1, 'W2': W2, 'b2': b2,
        'W3': W3, 'b3': b3, 'W4': W4, 'b4': b4,
        'factor_edge_idx': factor_edge_idx,
        'var_edge_idx': var_edge_idx,
    }


def reference(prv_varToFactor_messages, prv_factorToVar_messages, prv_factor_beliefs,
              W1, b1, W2, b2, W3, b3, W4, b4,
              factor_edge_idx, var_edge_idx):
    # map factor beliefs to edges (index_select over facToVar_edge_idx[0])
    fb_edges = jnp.take(prv_factor_beliefs, factor_edge_idx, axis=0)
    # factor->var messages: divide out (subtract in log space) previously sent var->factor messages (no double counting)
    ftv = fb_edges - prv_varToFactor_messages
    # mlp1 in log space (lne_mlp=False): two stacked linear layers (identity init)
    ftv_mlp = (ftv @ W1.T + b1) @ W2.T + b2
    # residual weighting with previous factorToVar messages
    factorToVar_messages = ALPHA * ftv_mlp + (1.0 - ALPHA) * prv_factorToVar_messages
    # clamp messages (safe to clamp at LN_ZERO)
    factorToVar_messages = jnp.maximum(factorToVar_messages, LN_ZERO)
    # normalize messages in log space
    factorToVar_messages = factorToVar_messages - logsumexp(factorToVar_messages, axis=1, keepdims=True)
    # variable beliefs: scatter-add messages to destination variables
    var_beliefs = jnp.zeros((NUM_VARS, S), dtype=jnp.float32).at[var_edge_idx].add(factorToVar_messages)
    # var->factor messages: subtract out message along same edge (no double counting)
    vtf = jnp.take(var_beliefs, var_edge_idx, axis=0) - factorToVar_messages
    # mlp2 in log space with residual weighting alpha2
    vtf_mlp = (vtf @ W3.T + b3) @ W4.T + b4
    varToFactor_messages = ALPHA2 * vtf_mlp + (1.0 - ALPHA2) * vtf
    varToFactor_messages = jnp.maximum(varToFactor_messages, LN_ZERO)
    varToFactor_messages = varToFactor_messages - logsumexp(varToFactor_messages, axis=1, keepdims=True)
    # updated factor beliefs: scatter-add var->factor messages back to factors
    factor_beliefs = jnp.zeros((NUM_FACTORS, S), dtype=jnp.float32).at[factor_edge_idx].add(varToFactor_messages)
    return (varToFactor_messages, factorToVar_messages, factor_beliefs, var_beliefs)

if __name__ == "__main__":
    import jax
    _d = setup_inputs()
    print(jax.jit(kernel)(*tuple(_d.values())))

</pallas_src>

<mosaic_0001>
#map = affine_map<(d0, d1) -> (0, 0)>
#map1 = affine_map<(d0, d1) -> (0)>
module attributes {stable_mosaic.version = 14 : i64} {
  func.func @gk(%arg0: i32, %arg1: i32, %arg2: memref<50000x16xf32, #tpu.memory_space<hbm>>, %arg3: memref<1600000xi32, #tpu.memory_space<hbm>>, %arg4: memref<1600000x16xf32, #tpu.memory_space<hbm>>, %arg5: memref<3072xi32, #tpu.memory_space<vmem>>, %arg6: memref<3072x16xf32, #tpu.memory_space<vmem>>, %arg7: memref<!tpu.dma_semaphore, #tpu.memory_space<semaphore_mem>>, %arg8: memref<!tpu.dma_semaphore, #tpu.memory_space<semaphore_mem>>) attributes {dimension_semantics = [#tpu.dimension_semantics<core_parallel>, #tpu.dimension_semantics<subcore_parallel>], iteration_bounds = array<i64: 2, 16>, scalar_prefetch = 0 : i64, scratch_operands = 4 : i64, tpu.core_type = #tpu.core_type<sc_vector_subcore>, window_params = [{transform_indices = #map}, {transform_indices = #map1}, {transform_indices = #map}]} {
    %mul3A = arith.constant 2 : i32
    %mul3A_0 = arith.muli %arg1, %mul3A : i32
    %add3A = arith.addi %mul3A_0, %arg0 : i32
    %lt3A = arith.constant 20 : i32
    %lt3A_1 = arith.cmpi slt, %add3A, %lt3A : i32
    %convert_element_type3A = arith.extui %lt3A_1 : i1 to i32
    %add3A_2 = arith.constant 390 : i32
    %add3A_3 = arith.addi %add3A_2, %convert_element_type3A : i32
    %mul3A_4 = arith.constant 390 : i32
    %mul3A_5 = arith.muli %add3A, %mul3A_4 : i32
    %min3A = arith.constant 20 : i32
    %min3A_6 = arith.minsi %add3A, %min3A : i32
    %add3A_7 = arith.addi %mul3A_5, %min3A_6 : i32
    %jit3A = arith.constant 24 : i32
    %div3A = arith.divsi %add3A_3, %jit3A : i32
    %sign3A = arith.constant 0 : i32
    %sign3A_8 = arith.cmpi sgt, %add3A_3, %sign3A : i32
    %sign3A_9 = arith.extui %sign3A_8 : i1 to i32
    %sign3A_10 = arith.constant 0 : i32
    %sign3A_11 = arith.cmpi slt, %add3A_3, %sign3A_10 : i32
    %sign3A_12 = arith.extui %sign3A_11 : i1 to i32
    %sign3A_13 = arith.subi %sign3A_9, %sign3A_12 : i32
    %sign3A_14 = arith.constant 0 : i32
    %sign3A_15 = arith.cmpi sgt, %jit3A, %sign3A_14 : i32
    %sign3A_16 = arith.extui %sign3A_15 : i1 to i32
    %sign3A_17 = arith.constant 0 : i32
    %sign3A_18 = arith.cmpi slt, %jit3A, %sign3A_17 : i32
    %sign3A_19 = arith.extui %sign3A_18 : i1 to i32
    %sign3A_20 = arith.subi %sign3A_16, %sign3A_19 : i32
    %ne3A = arith.cmpi ne, %sign3A_13, %sign3A_20 : i32
    %rem3A = arith.remsi %add3A_3, %jit3A : i32
    %ne3A_21 = arith.constant 0 : i32
    %ne3A_22 = arith.cmpi ne, %rem3A, %ne3A_21 : i32
    %and3A = arith.andi %ne3A, %ne3A_22 : i1
    %sub3A = arith.constant 1 : i32
    %sub3A_23 = arith.subi %div3A, %sub3A : i32
    %select_n3A = arith.select %and3A, %sub3A_23, %div3A : i32
    %while3A = arith.constant 0 : i32
    %while3A_24 = arith.constant 0 : i32
    %while3A_25 = arith.subi %select_n3A, %while3A_24 : i32
    %while3A_26 = arith.addi %while3A_24, %while3A_25 : i32
    %while3A_27 = arith.constant 1 : i32
    %while3A_28 = arith.divsi %while3A_25, %while3A_27 : i32
    %while3A_29 = arith.muli %while3A_28, %while3A_27 : i32
    %while3A_30 = arith.addi %while3A_24, %while3A_29 : i32
    %while3A_31 = arith.constant 1 : i32
    scf.for %while3A_49 = %while3A_24 to %while3A_30 step %while3A_31  : i32 {
      %mul3A_50 = arith.constant 24 : i32
      %mul3A_51 = arith.muli %while3A_49, %mul3A_50 : i32
      %add3A_52 = arith.addi %add3A_7, %mul3A_51 : i32
      %mul3A_53 = arith.constant 128 : i32
      %mul3A_54 = arith.muli %add3A_52, %mul3A_53 : i32
      "tpu.region"() ({
        %run_scoped3A = tpu.sem_alloc : memref<!tpu.dma_semaphore, #tpu.memory_space<semaphore_mem>>
        %dma_start3A_94 = tpu.memref_slice %arg3[%mul3A_54] : memref<1600000xi32, #tpu.memory_space<hbm>> -> memref<3072xi32, #tpu.memory_space<hbm>>
        %dma_start3A_95 = tpu.memref_slice %arg3[%mul3A_54] : memref<1600000xi32, #tpu.memory_space<hbm>> -> memref<3072xi32, #tpu.memory_space<hbm>>
        tpu.enqueue_dma source(%dma_start3A_95 : memref<3072xi32, #tpu.memory_space<hbm>>) target(%arg5 : memref<3072xi32, #tpu.memory_space<vmem>>) target_semaphore(%run_scoped3A : memref<!tpu.dma_semaphore, #tpu.memory_space<semaphore_mem>>)
        %dma_wait3A_96 = tpu.memref_slice %arg3[%mul3A_54] : memref<1600000xi32, #tpu.memory_space<hbm>> -> memref<3072xi32, #tpu.memory_space<hbm>>
        %dma_wait3A_97 = tpu.memref_slice %arg3[%mul3A_54] : memref<1600000xi32, #tpu.memory_space<hbm>> -> memref<3072xi32, #tpu.memory_space<hbm>>
        tpu.wait_dma2 semaphore(%run_scoped3A : memref<!tpu.dma_semaphore, #tpu.memory_space<semaphore_mem>>) src(%dma_wait3A_97 : memref<3072xi32, #tpu.memory_space<hbm>>) dst(%arg5 : memref<3072xi32, #tpu.memory_space<vmem>>)
        tpu.yield
      }) : () -> ()
      %gt3A_55 = arith.constant 0 : i32
      %gt3A_56 = arith.cmpi sgt, %while3A_49, %gt3A_55 : i32
      %convert_element_type3A_57 = arith.extui %gt3A_56 : i1 to i32
      %cond3A_58 = arith.constant 0 : i32
      %cond3A_59 = arith.cmpi ne, %convert_element_type3A_57, %cond3A_58 : i32
      scf.if %cond3A_59 {
        %dma_wait3A_94 = arith.constant 0 : i32
        %dma_wait3A_95 = tpu.memref_slice %arg4[%mul3A_54, %dma_wait3A_94] : memref<1600000x16xf32, #tpu.memory_space<hbm>> -> memref<3072x16xf32, #tpu.memory_space<hbm>>
        %dma_wait3A_96 = arith.constant 0 : i32
        %dma_wait3A_97 = tpu.memref_slice %arg4[%mul3A_54, %dma_wait3A_96] : memref<1600000x16xf32, #tpu.memory_space<hbm>> -> memref<3072x16xf32, #tpu.memory_space<hbm>>
        tpu.wait_dma2 semaphore(%arg8 : memref<!tpu.dma_semaphore, #tpu.memory_space<semaphore_mem>>) src(%arg6 : memref<3072x16xf32, #tpu.memory_space<vmem>>) dst(%dma_wait3A_97 : memref<3072x16xf32, #tpu.memory_space<hbm>>)
      } else {
      }
      %dma_start3A = arith.constant 0 : i32
      %dma_start3A_60 = arith.constant 0 : i32
      %dma_start3A_61 = tpu.memref_slice %arg6[%dma_start3A, %dma_start3A_60] : memref<3072x16xf32, #tpu.memory_space<vmem>> -> memref<1536x16xf32, #tpu.memory_space<vmem>>
      %dma_start3A_62 = arith.constant 0 : i32
      %dma_start3A_63 = tpu.memref_slice %arg5[%dma_start3A_62] : memref<3072xi32, #tpu.memory_space<vmem>> -> memref<1536xi32, #tpu.memory_space<vmem>>
      %dma_start3A_64 = arith.constant 0 : i32
      %dma_start3A_65 = arith.constant 0 : i32
      %dma_start3A_66 = tpu.memref_slice %arg2[%dma_start3A_64, %dma_start3A_65] : memref<50000x16xf32, #tpu.memory_space<hbm>> -> memref<50000x16xf32, #tpu.memory_space<hbm>>
      tpu.enqueue_indirect_dma source(%dma_start3A_66 : memref<50000x16xf32, #tpu.memory_space<hbm>>) target(%dma_start3A_61 : memref<1536x16xf32, #tpu.memory_space<vmem>>) offsets(%dma_start3A_63 : memref<1536xi32, #tpu.memory_space<vmem>>) semaphore(%arg7 : memref<!tpu.dma_semaphore, #tpu.memory_space<semaphore_mem>>)
      %dma_start3A_67 = arith.constant 1536 : i32
      %dma_start3A_68 = arith.constant 0 : i32
      %dma_start3A_69 = tpu.memref_slice %arg6[%dma_start3A_67, %dma_start3A_68] : memref<3072x16xf32, #tpu.memory_space<vmem>> -> memref<1536x16xf32, #tpu.memory_space<vmem>>
      %dma_start3A_70 = arith.constant 1536 : i32
      %dma_start3A_71 = tpu.memref_slice %arg5[%dma_start3A_70] : memref<3072xi32, #tpu.memory_space<vmem>> -> memref<1536xi32, #tpu.memory_space<vmem>>
      %dma_start3A_72 = arith.constant 0 : i32
      %dma_start3A_73 = arith.constant 0 : i32
      %dma_start3A_74 = tpu.memref_slice %arg2[%dma_start3A_72, %dma_start3A_73] : memref<50000x16xf32, #tpu.memory_space<hbm>> -> memref<50000x16xf32, #tpu.memory_space<hbm>>
      tpu.enqueue_indirect_dma source(%dma_start3A_74 : memref<50000x16xf32, #tpu.memory_space<hbm>>) target(%dma_start3A_69 : memref<1536x16xf32, #tpu.memory_space<vmem>>) offsets(%dma_start3A_71 : memref<1536xi32, #tpu.memory_space<vmem>>) semaphore(%arg7 : memref<!tpu.dma_semaphore, #tpu.memory_space<semaphore_mem>>)
      %dma_wait3A = arith.constant 0 : i32
      %dma_wait3A_75 = arith.constant 0 : i32
      %dma_wait3A_76 = tpu.memref_slice %arg6[%dma_wait3A, %dma_wait3A_75] : memref<3072x16xf32, #tpu.memory_space<vmem>> -> memref<1536x16xf32, #tpu.memory_space<vmem>>
      %dma_wait3A_77 = arith.constant 0 : i32
      %dma_wait3A_78 = tpu.memref_slice %arg5[%dma_wait3A_77] : memref<3072xi32, #tpu.memory_space<vmem>> -> memref<1536xi32, #tpu.memory_space<vmem>>
      %dma_wait3A_79 = arith.constant 0 : i32
      %dma_wait3A_80 = arith.constant 0 : i32
      %dma_wait3A_81 = tpu.memref_slice %arg2[%dma_wait3A_79, %dma_wait3A_80] : memref<50000x16xf32, #tpu.memory_space<hbm>> -> memref<50000x16xf32, #tpu.memory_space<hbm>>
      tpu.wait_indirect_dma semaphore(%arg7 : memref<!tpu.dma_semaphore, #tpu.memory_space<semaphore_mem>>) src(%dma_wait3A_81 : memref<50000x16xf32, #tpu.memory_space<hbm>>) dst(%dma_wait3A_76 : memref<1536x16xf32, #tpu.memory_space<vmem>>)
      %dma_wait3A_82 = arith.constant 1536 : i32
      %dma_wait3A_83 = arith.constant 0 : i32
      %dma_wait3A_84 = tpu.memref_slice %arg6[%dma_wait3A_82, %dma_wait3A_83] : memref<3072x16xf32, #tpu.memory_space<vmem>> -> memref<1536x16xf32, #tpu.memory_space<vmem>>
      %dma_wait3A_85 = arith.constant 1536 : i32
      %dma_wait3A_86 = tpu.memref_slice %arg5[%dma_wait3A_85] : memref<3072xi32, #tpu.memory_space<vmem>> -> memref<1536xi32, #tpu.memory_space<vmem>>
      %dma_wait3A_87 = arith.constant 0 : i32
      %dma_wait3A_88 = arith.constant 0 : i32
      %dma_wait3A_89 = tpu.memref_slice %arg2[%dma_wait3A_87, %dma_wait3A_88] : memref<50000x16xf32, #tpu.memory_space<hbm>> -> memref<50000x16xf32, #tpu.memory_space<hbm>>
      tpu.wait_indirect_dma semaphore(%arg7 : memref<!tpu.dma_semaphore, #tpu.memory_space<semaphore_mem>>) src(%dma_wait3A_89 : memref<50000x16xf32, #tpu.memory_space<hbm>>) dst(%dma_wait3A_84 : memref<1536x16xf32, #tpu.memory_space<vmem>>)
      %dma_start3A_90 = arith.constant 0 : i32
      %dma_start3A_91 = tpu.memref_slice %arg4[%mul3A_54, %dma_start3A_90] : memref<1600000x16xf32, #tpu.memory_space<hbm>> -> memref<3072x16xf32, #tpu.memory_space<hbm>>
      %dma_start3A_92 = arith.constant 0 : i32
      %dma_start3A_93 = tpu.memref_slice %arg4[%mul3A_54, %dma_start3A_92] : memref<1600000x16xf32, #tpu.memory_space<hbm>> -> memref<3072x16xf32, #tpu.memory_space<hbm>>
      tpu.enqueue_dma source(%arg6 : memref<3072x16xf32, #tpu.memory_space<vmem>>) target(%dma_start3A_93 : memref<3072x16xf32, #tpu.memory_space<hbm>>) target_semaphore(%arg8 : memref<!tpu.dma_semaphore, #tpu.memory_space<semaphore_mem>>)
    }
    %while3A_32 = arith.constant 1 : i32
    scf.for %while3A_49 = %while3A_30 to %while3A_26 step %while3A_32  : i32 {
      %mul3A_50 = arith.constant 24 : i32
      %mul3A_51 = arith.muli %while3A_49, %mul3A_50 : i32
      %add3A_52 = arith.addi %add3A_7, %mul3A_51 : i32
      %mul3A_53 = arith.constant 128 : i32
      %mul3A_54 = arith.muli %add3A_52, %mul3A_53 : i32
      "tpu.region"() ({
        %run_scoped3A = tpu.sem_alloc : memref<!tpu.dma_semaphore, #tpu.memory_space<semaphore_mem>>
        %dma_start3A_94 = tpu.memref_slice %arg3[%mul3A_54] : memref<1600000xi32, #tpu.memory_space<hbm>> -> memref<3072xi32, #tpu.memory_space<hbm>>
        %dma_start3A_95 = tpu.memref_slice %arg3[%mul3A_54] : memref<1600000xi32, #tpu.memory_space<hbm>> -> memref<3072xi32, #tpu.memory_space<hbm>>
        tpu.enqueue_dma source(%dma_start3A_95 : memref<3072xi32, #tpu.memory_space<hbm>>) target(%arg5 : memref<3072xi32, #tpu.memory_space<vmem>>) target_semaphore(%run_scoped3A : memref<!tpu.dma_semaphore, #tpu.memory_space<semaphore_mem>>)
        %dma_wait3A_96 = tpu.memref_slice %arg3[%mul3A_54] : memref<1600000xi32, #tpu.memory_space<hbm>> -> memref<3072xi32, #tpu.memory_space<hbm>>
        %dma_wait3A_97 = tpu.memref_slice %arg3[%mul3A_54] : memref<1600000xi32, #tpu.memory_space<hbm>> -> memref<3072xi32, #tpu.memory_space<hbm>>
        tpu.wait_dma2 semaphore(%run_scoped3A : memref<!tpu.dma_semaphore, #tpu.memory_space<semaphore_mem>>) src(%dma_wait3A_97 : memref<3072xi32, #tpu.memory_space<hbm>>) dst(%arg5 : memref<3072xi32, #tpu.memory_space<vmem>>)
        tpu.yield
      }) : () -> ()
      %gt3A_55 = arith.constant 0 : i32
      %gt3A_56 = arith.cmpi sgt, %while3A_49, %gt3A_55 : i32
      %convert_element_type3A_57 = arith.extui %gt3A_56 : i1 to i32
      %cond3A_58 = arith.constant 0 : i32
      %cond3A_59 = arith.cmpi ne, %convert_element_type3A_57, %cond3A_58 : i32
      scf.if %cond3A_59 {
        %dma_wait3A_94 = arith.constant 0 : i32
        %dma_wait3A_95 = tpu.memref_slice %arg4[%mul3A_54, %dma_wait3A_94] : memref<1600000x16xf32, #tpu.memory_space<hbm>> -> memref<3072x16xf32, #tpu.memory_space<hbm>>
        %dma_wait3A_96 = arith.constant 0 : i32
        %dma_wait3A_97 = tpu.memref_slice %arg4[%mul3A_54, %dma_wait3A_96] : memref<1600000x16xf32, #tpu.memory_space<hbm>> -> memref<3072x16xf32, #tpu.memory_space<hbm>>
        tpu.wait_dma2 semaphore(%arg8 : memref<!tpu.dma_semaphore, #tpu.memory_space<semaphore_mem>>) src(%arg6 : memref<3072x16xf32, #tpu.memory_space<vmem>>) dst(%dma_wait3A_97 : memref<3072x16xf32, #tpu.memory_space<hbm>>)
      } else {
      }
      %dma_start3A = arith.constant 0 : i32
      %dma_start3A_60 = arith.constant 0 : i32
      %dma_start3A_61 = tpu.memref_slice %arg6[%dma_start3A, %dma_start3A_60] : memref<3072x16xf32, #tpu.memory_space<vmem>> -> memref<1536x16xf32, #tpu.memory_space<vmem>>
      %dma_start3A_62 = arith.constant 0 : i32
      %dma_start3A_63 = tpu.memref_slice %arg5[%dma_start3A_62] : memref<3072xi32, #tpu.memory_space<vmem>> -> memref<1536xi32, #tpu.memory_space<vmem>>
      %dma_start3A_64 = arith.constant 0 : i32
      %dma_start3A_65 = arith.constant 0 : i32
      %dma_start3A_66 = tpu.memref_slice %arg2[%dma_start3A_64, %dma_start3A_65] : memref<50000x16xf32, #tpu.memory_space<hbm>> -> memref<50000x16xf32, #tpu.memory_space<hbm>>
      tpu.enqueue_indirect_dma source(%dma_start3A_66 : memref<50000x16xf32, #tpu.memory_space<hbm>>) target(%dma_start3A_61 : memref<1536x16xf32, #tpu.memory_space<vmem>>) offsets(%dma_start3A_63 : memref<1536xi32, #tpu.memory_space<vmem>>) semaphore(%arg7 : memref<!tpu.dma_semaphore, #tpu.memory_space<semaphore_mem>>)
      %dma_start3A_67 = arith.constant 1536 : i32
      %dma_start3A_68 = arith.constant 0 : i32
      %dma_start3A_69 = tpu.memref_slice %arg6[%dma_start3A_67, %dma_start3A_68] : memref<3072x16xf32, #tpu.memory_space<vmem>> -> memref<1536x16xf32, #tpu.memory_space<vmem>>
      %dma_start3A_70 = arith.constant 1536 : i32
      %dma_start3A_71 = tpu.memref_slice %arg5[%dma_start3A_70] : memref<3072xi32, #tpu.memory_space<vmem>> -> memref<1536xi32, #tpu.memory_space<vmem>>
      %dma_start3A_72 = arith.constant 0 : i32
      %dma_start3A_73 = arith.constant 0 : i32
      %dma_start3A_74 = tpu.memref_slice %arg2[%dma_start3A_72, %dma_start3A_73] : memref<50000x16xf32, #tpu.memory_space<hbm>> -> memref<50000x16xf32, #tpu.memory_space<hbm>>
      tpu.enqueue_indirect_dma source(%dma_start3A_74 : memref<50000x16xf32, #tpu.memory_space<hbm>>) target(%dma_start3A_69 : memref<1536x16xf32, #tpu.memory_space<vmem>>) offsets(%dma_start3A_71 : memref<1536xi32, #tpu.memory_space<vmem>>) semaphore(%arg7 : memref<!tpu.dma_semaphore, #tpu.memory_space<semaphore_mem>>)
      %dma_wait3A = arith.constant 0 : i32
      %dma_wait3A_75 = arith.constant 0 : i32
      %dma_wait3A_76 = tpu.memref_slice %arg6[%dma_wait3A, %dma_wait3A_75] : memref<3072x16xf32, #tpu.memory_space<vmem>> -> memref<1536x16xf32, #tpu.memory_space<vmem>>
      %dma_wait3A_77 = arith.constant 0 : i32
      %dma_wait3A_78 = tpu.memref_slice %arg5[%dma_wait3A_77] : memref<3072xi32, #tpu.memory_space<vmem>> -> memref<1536xi32, #tpu.memory_space<vmem>>
      %dma_wait3A_79 = arith.constant 0 : i32
      %dma_wait3A_80 = arith.constant 0 : i32
      %dma_wait3A_81 = tpu.memref_slice %arg2[%dma_wait3A_79, %dma_wait3A_80] : memref<50000x16xf32, #tpu.memory_space<hbm>> -> memref<50000x16xf32, #tpu.memory_space<hbm>>
      tpu.wait_indirect_dma semaphore(%arg7 : memref<!tpu.dma_semaphore, #tpu.memory_space<semaphore_mem>>) src(%dma_wait3A_81 : memref<50000x16xf32, #tpu.memory_space<hbm>>) dst(%dma_wait3A_76 : memref<1536x16xf32, #tpu.memory_space<vmem>>)
      %dma_wait3A_82 = arith.constant 1536 : i32
      %dma_wait3A_83 = arith.constant 0 : i32
      %dma_wait3A_84 = tpu.memref_slice %arg6[%dma_wait3A_82, %dma_wait3A_83] : memref<3072x16xf32, #tpu.memory_space<vmem>> -> memref<1536x16xf32, #tpu.memory_space<vmem>>
      %dma_wait3A_85 = arith.constant 1536 : i32
      %dma_wait3A_86 = tpu.memref_slice %arg5[%dma_wait3A_85] : memref<3072xi32, #tpu.memory_space<vmem>> -> memref<1536xi32, #tpu.memory_space<vmem>>
      %dma_wait3A_87 = arith.constant 0 : i32
      %dma_wait3A_88 = arith.constant 0 : i32
      %dma_wait3A_89 = tpu.memref_slice %arg2[%dma_wait3A_87, %dma_wait3A_88] : memref<50000x16xf32, #tpu.memory_space<hbm>> -> memref<50000x16xf32, #tpu.memory_space<hbm>>
      tpu.wait_indirect_dma semaphore(%arg7 : memref<!tpu.dma_semaphore, #tpu.memory_space<semaphore_mem>>) src(%dma_wait3A_89 : memref<50000x16xf32, #tpu.memory_space<hbm>>) dst(%dma_wait3A_84 : memref<1536x16xf32, #tpu.memory_space<vmem>>)
      %dma_start3A_90 = arith.constant 0 : i32
      %dma_start3A_91 = tpu.memref_slice %arg4[%mul3A_54, %dma_start3A_90] : memref<1600000x16xf32, #tpu.memory_space<hbm>> -> memref<3072x16xf32, #tpu.memory_space<hbm>>
      %dma_start3A_92 = arith.constant 0 : i32
      %dma_start3A_93 = tpu.memref_slice %arg4[%mul3A_54, %dma_start3A_92] : memref<1600000x16xf32, #tpu.memory_space<hbm>> -> memref<3072x16xf32, #tpu.memory_space<hbm>>
      tpu.enqueue_dma source(%arg6 : memref<3072x16xf32, #tpu.memory_space<vmem>>) target(%dma_start3A_93 : memref<3072x16xf32, #tpu.memory_space<hbm>>) target_semaphore(%arg8 : memref<!tpu.dma_semaphore, #tpu.memory_space<semaphore_mem>>)
    }
    %gt3A = arith.constant 0 : i32
    %gt3A_33 = arith.cmpi sgt, %select_n3A, %gt3A : i32
    %convert_element_type3A_34 = arith.extui %gt3A_33 : i1 to i32
    %cond3A = arith.constant 0 : i32
    %cond3A_35 = arith.cmpi ne, %convert_element_type3A_34, %cond3A : i32
    scf.if %cond3A_35 {
      %dma_wait3A = arith.constant 0 : i32
      %dma_wait3A_49 = arith.constant 0 : i32
      %dma_wait3A_50 = tpu.memref_slice %arg4[%dma_wait3A, %dma_wait3A_49] : memref<1600000x16xf32, #tpu.memory_space<hbm>> -> memref<3072x16xf32, #tpu.memory_space<hbm>>
      %dma_wait3A_51 = arith.constant 0 : i32
      %dma_wait3A_52 = arith.constant 0 : i32
      %dma_wait3A_53 = tpu.memref_slice %arg4[%dma_wait3A_51, %dma_wait3A_52] : memref<1600000x16xf32, #tpu.memory_space<hbm>> -> memref<3072x16xf32, #tpu.memory_space<hbm>>
      tpu.wait_dma2 semaphore(%arg8 : memref<!tpu.dma_semaphore, #tpu.memory_space<semaphore_mem>>) src(%arg6 : memref<3072x16xf32, #tpu.memory_space<vmem>>) dst(%dma_wait3A_53 : memref<3072x16xf32, #tpu.memory_space<hbm>>)
    } else {
    }
    %mul3A_36 = arith.constant 24 : i32
    %mul3A_37 = arith.muli %select_n3A, %mul3A_36 : i32
    %sub3A_38 = arith.subi %add3A_3, %mul3A_37 : i32
    %while3A_39 = arith.constant 0 : i32
    %while3A_40 = arith.constant 0 : i32
    %while3A_41 = arith.subi %sub3A_38, %while3A_40 : i32
    %while3A_42 = arith.addi %while3A_40, %while3A_41 : i32
    %while3A_43 = arith.constant 1 : i32
    %while3A_44 = arith.divsi %while3A_41, %while3A_43 : i32
    %while3A_45 = arith.muli %while3A_44, %while3A_43 : i32
    %while3A_46 = arith.addi %while3A_40, %while3A_45 : i32
    %while3A_47 = arith.constant 1 : i32
    scf.for %while3A_49 = %while3A_40 to %while3A_46 step %while3A_47  : i32 {
      %mul3A_50 = arith.constant 24 : i32
      %mul3A_51 = arith.muli %select_n3A, %mul3A_50 : i32
      %add3A_52 = arith.addi %add3A_7, %mul3A_51 : i32
      %add3A_53 = arith.addi %add3A_52, %while3A_49 : i32
      %mul3A_54 = arith.constant 128 : i32
      %mul3A_55 = arith.muli %add3A_53, %mul3A_54 : i32
      "tpu.region"() ({
        %run_scoped3A = tpu.sem_alloc : memref<!tpu.dma_semaphore, #tpu.memory_space<semaphore_mem>>
        %dma_start3A_70 = arith.constant 0 : i32
        %dma_start3A_71 = tpu.memref_slice %arg5[%dma_start3A_70] : memref<3072xi32, #tpu.memory_space<vmem>> -> memref<128xi32, #tpu.memory_space<vmem>>
        %dma_start3A_72 = tpu.memref_slice %arg3[%mul3A_55] : memref<1600000xi32, #tpu.memory_space<hbm>> -> memref<128xi32, #tpu.memory_space<hbm>>
        %dma_start3A_73 = arith.constant 0 : i32
        %dma_start3A_74 = tpu.memref_slice %arg5[%dma_start3A_73] : memref<3072xi32, #tpu.memory_space<vmem>> -> memref<128xi32, #tpu.memory_space<vmem>>
        %dma_start3A_75 = tpu.memref_slice %arg3[%mul3A_55] : memref<1600000xi32, #tpu.memory_space<hbm>> -> memref<128xi32, #tpu.memory_space<hbm>>
        tpu.enqueue_dma source(%dma_start3A_75 : memref<128xi32, #tpu.memory_space<hbm>>) target(%dma_start3A_74 : memref<128xi32, #tpu.memory_space<vmem>>) target_semaphore(%run_scoped3A : memref<!tpu.dma_semaphore, #tpu.memory_space<semaphore_mem>>)
        %dma_wait3A_76 = arith.constant 0 : i32
        %dma_wait3A_77 = tpu.memref_slice %arg5[%dma_wait3A_76] : memref<3072xi32, #tpu.memory_space<vmem>> -> memref<128xi32, #tpu.memory_space<vmem>>
        %dma_wait3A_78 = tpu.memref_slice %arg3[%mul3A_55] : memref<1600000xi32, #tpu.memory_space<hbm>> -> memref<128xi32, #tpu.memory_space<hbm>>
        %dma_wait3A_79 = arith.constant 0 : i32
        %dma_wait3A_80 = tpu.memref_slice %arg5[%dma_wait3A_79] : memref<3072xi32, #tpu.memory_space<vmem>> -> memref<128xi32, #tpu.memory_space<vmem>>
        %dma_wait3A_81 = tpu.memref_slice %arg3[%mul3A_55] : memref<1600000xi32, #tpu.memory_space<hbm>> -> memref<128xi32, #tpu.memory_space<hbm>>
        tpu.wait_dma2 semaphore(%run_scoped3A : memref<!tpu.dma_semaphore, #tpu.memory_space<semaphore_mem>>) src(%dma_wait3A_81 : memref<128xi32, #tpu.memory_space<hbm>>) dst(%dma_wait3A_80 : memref<128xi32, #tpu.memory_space<vmem>>)
        tpu.yield
      }) : () -> ()
      %dma_start3A = arith.constant 0 : i32
      %dma_start3A_56 = arith.constant 0 : i32
      %dma_start3A_57 = tpu.memref_slice %arg6[%dma_start3A, %dma_start3A_56] : memref<3072x16xf32, #tpu.memory_space<vmem>> -> memref<128x16xf32, #tpu.memory_space<vmem>>
      %dma_start3A_58 = arith.constant 0 : i32
      %dma_start3A_59 = tpu.memref_slice %arg5[%dma_start3A_58] : memref<3072xi32, #tpu.memory_space<vmem>> -> memref<128xi32, #tpu.memory_space<vmem>>
      %dma_start3A_60 = arith.constant 0 : i32
      %dma_start3A_61 = arith.constant 0 : i32
      %dma_start3A_62 = tpu.memref_slice %arg2[%dma_start3A_60, %dma_start3A_61] : memref<50000x16xf32, #tpu.memory_space<hbm>> -> memref<50000x16xf32, #tpu.memory_space<hbm>>
      tpu.enqueue_indirect_dma source(%dma_start3A_62 : memref<50000x16xf32, #tpu.memory_space<hbm>>) target(%dma_start3A_57 : memref<128x16xf32, #tpu.memory_space<vmem>>) offsets(%dma_start3A_59 : memref<128xi32, #tpu.memory_space<vmem>>) semaphore(%arg7 : memref<!tpu.dma_semaphore, #tpu.memory_space<semaphore_mem>>)
      %dma_wait3A = arith.constant 0 : i32
      %dma_wait3A_63 = arith.constant 0 : i32
      %dma_wait3A_64 = tpu.memref_slice %arg6[%dma_wait3A, %dma_wait3A_63] : memref<3072x16xf32, #tpu.memory_space<vmem>> -> memref<128x16xf32, #tpu.memory_space<vmem>>
      %dma_wait3A_65 = arith.constant 0 : i32
      %dma_wait3A_66 = tpu.memref_slice %arg5[%dma_wait3A_65] : memref<3072xi32, #tpu.memory_space<vmem>> -> memref<128xi32, #tpu.memory_space<vmem>>
      %dma_wait3A_67 = arith.constant 0 : i32
      %dma_wait3A_68 = arith.constant 0 : i32
      %dma_wait3A_69 = tpu.memref_slice %arg2[%dma_wait3A_67, %dma_wait3A_68] : memref<50000x16xf32, #tpu.memory_space<hbm>> -> memref<50000x16xf32, #tpu.memory_space<hbm>>
      tpu.wait_indirect_dma semaphore(%arg7 : memref<!tpu.dma_semaphore, #tpu.memory_space<semaphore_mem>>) src(%dma_wait3A_69 : memref<50000x16xf32, #tpu.memory_space<hbm>>) dst(%dma_wait3A_64 : memref<128x16xf32, #tpu.memory_space<vmem>>)
      "tpu.region"() ({
        %run_scoped3A = tpu.sem_alloc : memref<!tpu.dma_semaphore, #tpu.memory_space<semaphore_mem>>
        %dma_start3A_70 = arith.constant 0 : i32
        %dma_start3A_71 = arith.constant 0 : i32
        %dma_start3A_72 = tpu.memref_slice %arg6[%dma_start3A_70, %dma_start3A_71] : memref<3072x16xf32, #tpu.memory_space<vmem>> -> memref<128x16xf32, #tpu.memory_space<vmem>>
        %dma_start3A_73 = arith.constant 0 : i32
        %dma_start3A_74 = tpu.memref_slice %arg4[%mul3A_55, %dma_start3A_73] : memref<1600000x16xf32, #tpu.memory_space<hbm>> -> memref<128x16xf32, #tpu.memory_space<hbm>>
        %dma_start3A_75 = arith.constant 0 : i32
        %dma_start3A_76 = tpu.memref_slice %arg4[%mul3A_55, %dma_start3A_75] : memref<1600000x16xf32, #tpu.memory_space<hbm>> -> memref<128x16xf32, #tpu.memory_space<hbm>>
        %dma_start3A_77 = arith.constant 0 : i32
        %dma_start3A_78 = arith.constant 0 : i32
        %dma_start3A_79 = tpu.memref_slice %arg6[%dma_start3A_77, %dma_start3A_78] : memref<3072x16xf32, #tpu.memory_space<vmem>> -> memref<128x16xf32, #tpu.memory_space<vmem>>
        tpu.enqueue_dma source(%dma_start3A_79 : memref<128x16xf32, #tpu.memory_space<vmem>>) target(%dma_start3A_76 : memref<128x16xf32, #tpu.memory_space<hbm>>) target_semaphore(%run_scoped3A : memref<!tpu.dma_semaphore, #tpu.memory_space<semaphore_mem>>)
        %dma_wait3A_80 = arith.constant 0 : i32
        %dma_wait3A_81 = arith.constant 0 : i32
        %dma_wait3A_82 = tpu.memref_slice %arg6[%dma_wait3A_80, %dma_wait3A_81] : memref<3072x16xf32, #tpu.memory_space<vmem>> -> memref<128x16xf32, #tpu.memory_space<vmem>>
        %dma_wait3A_83 = arith.constant 0 : i32
        %dma_wait3A_84 = tpu.memref_slice %arg4[%mul3A_55, %dma_wait3A_83] : memref<1600000x16xf32, #tpu.memory_space<hbm>> -> memref<128x16xf32, #tpu.memory_space<hbm>>
        %dma_wait3A_85 = arith.constant 0 : i32
        %dma_wait3A_86 = tpu.memref_slice %arg4[%mul3A_55, %dma_wait3A_85] : memref<1600000x16xf32, #tpu.memory_space<hbm>> -> memref<128x16xf32, #tpu.memory_space<hbm>>
        %dma_wait3A_87 = arith.constant 0 : i32
        %dma_wait3A_88 = arith.constant 0 : i32
        %dma_wait3A_89 = tpu.memref_slice %arg6[%dma_wait3A_87, %dma_wait3A_88] : memref<3072x16xf32, #tpu.memory_space<vmem>> -> memref<128x16xf32, #tpu.memory_space<vmem>>
        tpu.wait_dma2 semaphore(%run_scoped3A : memref<!tpu.dma_semaphore, #tpu.memory_space<semaphore_mem>>) src(%dma_wait3A_89 : memref<128x16xf32, #tpu.memory_space<vmem>>) dst(%dma_wait3A_86 : memref<128x16xf32, #tpu.memory_space<hbm>>)
        tpu.yield
      }) : () -> ()
    }
    %while3A_48 = arith.constant 1 : i32
    scf.for %while3A_49 = %while3A_46 to %while3A_42 step %while3A_48  : i32 {
      %mul3A_50 = arith.constant 24 : i32
      %mul3A_51 = arith.muli %select_n3A, %mul3A_50 : i32
      %add3A_52 = arith.addi %add3A_7, %mul3A_51 : i32
      %add3A_53 = arith.addi %add3A_52, %while3A_49 : i32
      %mul3A_54 = arith.constant 128 : i32
      %mul3A_55 = arith.muli %add3A_53, %mul3A_54 : i32
      "tpu.region"() ({
        %run_scoped3A = tpu.sem_alloc : memref<!tpu.dma_semaphore, #tpu.memory_space<semaphore_mem>>
        %dma_start3A_70 = arith.constant 0 : i32
        %dma_start3A_71 = tpu.memref_slice %arg5[%dma_start3A_70] : memref<3072xi32, #tpu.memory_space<vmem>> -> memref<128xi32, #tpu.memory_space<vmem>>
        %dma_start3A_72 = tpu.memref_slice %arg3[%mul3A_55] : memref<1600000xi32, #tpu.memory_space<hbm>> -> memref<128xi32, #tpu.memory_space<hbm>>
        %dma_start3A_73 = arith.constant 0 : i32
        %dma_start3A_74 = tpu.memref_slice %arg5[%dma_start3A_73] : memref<3072xi32, #tpu.memory_space<vmem>> -> memref<128xi32, #tpu.memory_space<vmem>>
        %dma_start3A_75 = tpu.memref_slice %arg3[%mul3A_55] : memref<1600000xi32, #tpu.memory_space<hbm>> -> memref<128xi32, #tpu.memory_space<hbm>>
        tpu.enqueue_dma source(%dma_start3A_75 : memref<128xi32, #tpu.memory_space<hbm>>) target(%dma_start3A_74 : memref<128xi32, #tpu.memory_space<vmem>>) target_semaphore(%run_scoped3A : memref<!tpu.dma_semaphore, #tpu.memory_space<semaphore_mem>>)
        %dma_wait3A_76 = arith.constant 0 : i32
        %dma_wait3A_77 = tpu.memref_slice %arg5[%dma_wait3A_76] : memref<3072xi32, #tpu.memory_space<vmem>> -> memref<128xi32, #tpu.memory_space<vmem>>
        %dma_wait3A_78 = tpu.memref_slice %arg3[%mul3A_55] : memref<1600000xi32, #tpu.memory_space<hbm>> -> memref<128xi32, #tpu.memory_space<hbm>>
        %dma_wait3A_79 = arith.constant 0 : i32
        %dma_wait3A_80 = tpu.memref_slice %arg5[%dma_wait3A_79] : memref<3072xi32, #tpu.memory_space<vmem>> -> memref<128xi32, #tpu.memory_space<vmem>>
        %dma_wait3A_81 = tpu.memref_slice %arg3[%mul3A_55] : memref<1600000xi32, #tpu.memory_space<hbm>> -> memref<128xi32, #tpu.memory_space<hbm>>
        tpu.wait_dma2 semaphore(%run_scoped3A : memref<!tpu.dma_semaphore, #tpu.memory_space<semaphore_mem>>) src(%dma_wait3A_81 : memref<128xi32, #tpu.memory_space<hbm>>) dst(%dma_wait3A_80 : memref<128xi32, #tpu.memory_space<vmem>>)
        tpu.yield
      }) : () -> ()
      %dma_start3A = arith.constant 0 : i32
      %dma_start3A_56 = arith.constant 0 : i32
      %dma_start3A_57 = tpu.memref_slice %arg6[%dma_start3A, %dma_start3A_56] : memref<3072x16xf32, #tpu.memory_space<vmem>> -> memref<128x16xf32, #tpu.memory_space<vmem>>
      %dma_start3A_58 = arith.constant 0 : i32
      %dma_start3A_59 = tpu.memref_slice %arg5[%dma_start3A_58] : memref<3072xi32, #tpu.memory_space<vmem>> -> memref<128xi32, #tpu.memory_space<vmem>>
      %dma_start3A_60 = arith.constant 0 : i32
      %dma_start3A_61 = arith.constant 0 : i32
      %dma_start3A_62 = tpu.memref_slice %arg2[%dma_start3A_60, %dma_start3A_61] : memref<50000x16xf32, #tpu.memory_space<hbm>> -> memref<50000x16xf32, #tpu.memory_space<hbm>>
      tpu.enqueue_indirect_dma source(%dma_start3A_62 : memref<50000x16xf32, #tpu.memory_space<hbm>>) target(%dma_start3A_57 : memref<128x16xf32, #tpu.memory_space<vmem>>) offsets(%dma_start3A_59 : memref<128xi32, #tpu.memory_space<vmem>>) semaphore(%arg7 : memref<!tpu.dma_semaphore, #tpu.memory_space<semaphore_mem>>)
      %dma_wait3A = arith.constant 0 : i32
      %dma_wait3A_63 = arith.constant 0 : i32
      %dma_wait3A_64 = tpu.memref_slice %arg6[%dma_wait3A, %dma_wait3A_63] : memref<3072x16xf32, #tpu.memory_space<vmem>> -> memref<128x16xf32, #tpu.memory_space<vmem>>
      %dma_wait3A_65 = arith.constant 0 : i32
      %dma_wait3A_66 = tpu.memref_slice %arg5[%dma_wait3A_65] : memref<3072xi32, #tpu.memory_space<vmem>> -> memref<128xi32, #tpu.memory_space<vmem>>
      %dma_wait3A_67 = arith.constant 0 : i32
      %dma_wait3A_68 = arith.constant 0 : i32
      %dma_wait3A_69 = tpu.memref_slice %arg2[%dma_wait3A_67, %dma_wait3A_68] : memref<50000x16xf32, #tpu.memory_space<hbm>> -> memref<50000x16xf32, #tpu.memory_space<hbm>>
      tpu.wait_indirect_dma semaphore(%arg7 : memref<!tpu.dma_semaphore, #tpu.memory_space<semaphore_mem>>) src(%dma_wait3A_69 : memref<50000x16xf32, #tpu.memory_space<hbm>>) dst(%dma_wait3A_64 : memref<128x16xf32, #tpu.memory_space<vmem>>)
      "tpu.region"() ({
        %run_scoped3A = tpu.sem_alloc : memref<!tpu.dma_semaphore, #tpu.memory_space<semaphore_mem>>
        %dma_start3A_70 = arith.constant 0 : i32
        %dma_start3A_71 = arith.constant 0 : i32
        %dma_start3A_72 = tpu.memref_slice %arg6[%dma_start3A_70, %dma_start3A_71] : memref<3072x16xf32, #tpu.memory_space<vmem>> -> memref<128x16xf32, #tpu.memory_space<vmem>>
        %dma_start3A_73 = arith.constant 0 : i32
        %dma_start3A_74 = tpu.memref_slice %arg4[%mul3A_55, %dma_start3A_73] : memref<1600000x16xf32, #tpu.memory_space<hbm>> -> memref<128x16xf32, #tpu.memory_space<hbm>>
        %dma_start3A_75 = arith.constant 0 : i32
        %dma_start3A_76 = tpu.memref_slice %arg4[%mul3A_55, %dma_start3A_75] : memref<1600000x16xf32, #tpu.memory_space<hbm>> -> memref<128x16xf32, #tpu.memory_space<hbm>>
        %dma_start3A_77 = arith.constant 0 : i32
        %dma_start3A_78 = arith.constant 0 : i32
        %dma_start3A_79 = tpu.memref_slice %arg6[%dma_start3A_77, %dma_start3A_78] : memref<3072x16xf32, #tpu.memory_space<vmem>> -> memref<128x16xf32, #tpu.memory_space<vmem>>
        tpu.enqueue_dma source(%dma_start3A_79 : memref<128x16xf32, #tpu.memory_space<vmem>>) target(%dma_start3A_76 : memref<128x16xf32, #tpu.memory_space<hbm>>) target_semaphore(%run_scoped3A : memref<!tpu.dma_semaphore, #tpu.memory_space<semaphore_mem>>)
        %dma_wait3A_80 = arith.constant 0 : i32
        %dma_wait3A_81 = arith.constant 0 : i32
        %dma_wait3A_82 = tpu.memref_slice %arg6[%dma_wait3A_80, %dma_wait3A_81] : memref<3072x16xf32, #tpu.memory_space<vmem>> -> memref<128x16xf32, #tpu.memory_space<vmem>>
        %dma_wait3A_83 = arith.constant 0 : i32
        %dma_wait3A_84 = tpu.memref_slice %arg4[%mul3A_55, %dma_wait3A_83] : memref<1600000x16xf32, #tpu.memory_space<hbm>> -> memref<128x16xf32, #tpu.memory_space<hbm>>
        %dma_wait3A_85 = arith.constant 0 : i32
        %dma_wait3A_86 = tpu.memref_slice %arg4[%mul3A_55, %dma_wait3A_85] : memref<1600000x16xf32, #tpu.memory_space<hbm>> -> memref<128x16xf32, #tpu.memory_space<hbm>>
        %dma_wait3A_87 = arith.constant 0 : i32
        %dma_wait3A_88 = arith.constant 0 : i32
        %dma_wait3A_89 = tpu.memref_slice %arg6[%dma_wait3A_87, %dma_wait3A_88] : memref<3072x16xf32, #tpu.memory_space<vmem>> -> memref<128x16xf32, #tpu.memory_space<vmem>>
        tpu.wait_dma2 semaphore(%run_scoped3A : memref<!tpu.dma_semaphore, #tpu.memory_space<semaphore_mem>>) src(%dma_wait3A_89 : memref<128x16xf32, #tpu.memory_space<vmem>>) dst(%dma_wait3A_86 : memref<128x16xf32, #tpu.memory_space<hbm>>)
        tpu.yield
      }) : () -> ()
    }
    return
  }
}

#map = affine_map<(d0, d1) -> (0, 0)>
#map1 = affine_map<(d0, d1) -> (0)>
module attributes {stable_mosaic.version = 14 : i64} {
  func.func @gk(%arg0: i32, %arg1: i32, %arg2: memref<100000x16xf32, #tpu.memory_space<hbm>>, %arg3: memref<1600000xi32, #tpu.memory_space<hbm>>, %arg4: memref<1600000x16xf32, #tpu.memory_space<hbm>>, %arg5: memref<3072xi32, #tpu.memory_space<vmem>>, %arg6: memref<3072x16xf32, #tpu.memory_space<vmem>>, %arg7: memref<!tpu.dma_semaphore, #tpu.memory_space<semaphore_mem>>, %arg8: memref<!tpu.dma_semaphore, #tpu.memory_space<semaphore_mem>>) attributes {dimension_semantics = [#tpu.dimension_semantics<core_parallel>, #tpu.dimension_semantics<subcore_parallel>], iteration_bounds = array<i64: 2, 16>, scalar_prefetch = 0 : i64, scratch_operands = 4 : i64, tpu.core_type = #tpu.core_type<sc_vector_subcore>, window_params = [{transform_indices = #map}, {transform_indices = #map1}, {transform_indices = #map}]} {
    %mul3A = arith.constant 2 : i32
    %mul3A_0 = arith.muli %arg1, %mul3A : i32
    %add3A = arith.addi %mul3A_0, %arg0 : i32
    %lt3A = arith.constant 20 : i32
    %lt3A_1 = arith.cmpi slt, %add3A, %lt3A : i32
    %convert_element_type3A = arith.extui %lt3A_1 : i1 to i32
    %add3A_2 = arith.constant 390 : i32
    %add3A_3 = arith.addi %add3A_2, %convert_element_type3A : i32
    %mul3A_4 = arith.constant 390 : i32
    %mul3A_5 = arith.muli %add3A, %mul3A_4 : i32
    %min3A = arith.constant 20 : i32
    %min3A_6 = arith.minsi %add3A, %min3A : i32
    %add3A_7 = arith.addi %mul3A_5, %min3A_6 : i32
    %jit3A = arith.constant 24 : i32
    %div3A = arith.divsi %add3A_3, %jit3A : i32
    %sign3A = arith.constant 0 : i32
    %sign3A_8 = arith.cmpi sgt, %add3A_3, %sign3A : i32
    %sign3A_9 = arith.extui %sign3A_8 : i1 to i32
    %sign3A_10 = arith.constant 0 : i32
    %sign3A_11 = arith.cmpi slt, %add3A_3, %sign3A_10 : i32
    %sign3A_12 = arith.extui %sign3A_11 : i1 to i32
    %sign3A_13 = arith.subi %sign3A_9, %sign3A_12 : i32
    %sign3A_14 = arith.constant 0 : i32
    %sign3A_15 = arith.cmpi sgt, %jit3A, %sign3A_14 : i32
    %sign3A_16 = arith.extui %sign3A_15 : i1 to i32
    %sign3A_17 = arith.constant 0 : i32
    %sign3A_18 = arith.cmpi slt, %jit3A, %sign3A_17 : i32
    %sign3A_19 = arith.extui %sign3A_18 : i1 to i32
    %sign3A_20 = arith.subi %sign3A_16, %sign3A_19 : i32
    %ne3A = arith.cmpi ne, %sign3A_13, %sign3A_20 : i32
    %rem3A = arith.remsi %add3A_3, %jit3A : i32
    %ne3A_21 = arith.constant 0 : i32
    %ne3A_22 = arith.cmpi ne, %rem3A, %ne3A_21 : i32
    %and3A = arith.andi %ne3A, %ne3A_22 : i1
    %sub3A = arith.constant 1 : i32
    %sub3A_23 = arith.subi %div3A, %sub3A : i32
    %select_n3A = arith.select %and3A, %sub3A_23, %div3A : i32
    %while3A = arith.constant 0 : i32
    %while3A_24 = arith.constant 0 : i32
    %while3A_25 = arith.subi %select_n3A, %while3A_24 : i32
    %while3A_26 = arith.addi %while3A_24, %while3A_25 : i32
    %while3A_27 = arith.constant 1 : i32
    %while3A_28 = arith.divsi %while3A_25, %while3A_27 : i32
    %while3A_29 = arith.muli %while3A_28, %while3A_27 : i32
    %while3A_30 = arith.addi %while3A_24, %while3A_29 : i32
    %while3A_31 = arith.constant 1 : i32
    scf.for %while3A_49 = %while3A_24 to %while3A_30 step %while3A_31  : i32 {
      %mul3A_50 = arith.constant 24 : i32
      %mul3A_51 = arith.muli %while3A_49, %mul3A_50 : i32
      %add3A_52 = arith.addi %add3A_7, %mul3A_51 : i32
      %mul3A_53 = arith.constant 128 : i32
      %mul3A_54 = arith.muli %add3A_52, %mul3A_53 : i32
      "tpu.region"() ({
        %run_scoped3A = tpu.sem_alloc : memref<!tpu.dma_semaphore, #tpu.memory_space<semaphore_mem>>
        %dma_start3A_94 = tpu.memref_slice %arg3[%mul3A_54] : memref<1600000xi32, #tpu.memory_space<hbm>> -> memref<3072xi32, #tpu.memory_space<hbm>>
        %dma_start3A_95 = tpu.memref_slice %arg3[%mul3A_54] : memref<1600000xi32, #tpu.memory_space<hbm>> -> memref<3072xi32, #tpu.memory_space<hbm>>
        tpu.enqueue_dma source(%dma_start3A_95 : memref<3072xi32, #tpu.memory_space<hbm>>) target(%arg5 : memref<3072xi32, #tpu.memory_space<vmem>>) target_semaphore(%run_scoped3A : memref<!tpu.dma_semaphore, #tpu.memory_space<semaphore_mem>>)
        %dma_wait3A_96 = tpu.memref_slice %arg3[%mul3A_54] : memref<1600000xi32, #tpu.memory_space<hbm>> -> memref<3072xi32, #tpu.memory_space<hbm>>
        %dma_wait3A_97 = tpu.memref_slice %arg3[%mul3A_54] : memref<1600000xi32, #tpu.memory_space<hbm>> -> memref<3072xi32, #tpu.memory_space<hbm>>
        tpu.wait_dma2 semaphore(%run_scoped3A : memref<!tpu.dma_semaphore, #tpu.memory_space<semaphore_mem>>) src(%dma_wait3A_97 : memref<3072xi32, #tpu.memory_space<hbm>>) dst(%arg5 : memref<3072xi32, #tpu.memory_space<vmem>>)
        tpu.yield
      }) : () -> ()
      %gt3A_55 = arith.constant 0 : i32
      %gt3A_56 = arith.cmpi sgt, %while3A_49, %gt3A_55 : i32
      %convert_element_type3A_57 = arith.extui %gt3A_56 : i1 to i32
      %cond3A_58 = arith.constant 0 : i32
      %cond3A_59 = arith.cmpi ne, %convert_element_type3A_57, %cond3A_58 : i32
      scf.if %cond3A_59 {
        %dma_wait3A_94 = arith.constant 0 : i32
        %dma_wait3A_95 = tpu.memref_slice %arg4[%mul3A_54, %dma_wait3A_94] : memref<1600000x16xf32, #tpu.memory_space<hbm>> -> memref<3072x16xf32, #tpu.memory_space<hbm>>
        %dma_wait3A_96 = arith.constant 0 : i32
        %dma_wait3A_97 = tpu.memref_slice %arg4[%mul3A_54, %dma_wait3A_96] : memref<1600000x16xf32, #tpu.memory_space<hbm>> -> memref<3072x16xf32, #tpu.memory_space<hbm>>
        tpu.wait_dma2 semaphore(%arg8 : memref<!tpu.dma_semaphore, #tpu.memory_space<semaphore_mem>>) src(%arg6 : memref<3072x16xf32, #tpu.memory_space<vmem>>) dst(%dma_wait3A_97 : memref<3072x16xf32, #tpu.memory_space<hbm>>)
      } else {
      }
      %dma_start3A = arith.constant 0 : i32
      %dma_start3A_60 = arith.constant 0 : i32
      %dma_start3A_61 = tpu.memref_slice %arg6[%dma_start3A, %dma_start3A_60] : memref<3072x16xf32, #tpu.memory_space<vmem>> -> memref<1536x16xf32, #tpu.memory_space<vmem>>
      %dma_start3A_62 = arith.constant 0 : i32
      %dma_start3A_63 = tpu.memref_slice %arg5[%dma_start3A_62] : memref<3072xi32, #tpu.memory_space<vmem>> -> memref<1536xi32, #tpu.memory_space<vmem>>
      %dma_start3A_64 = arith.constant 0 : i32
      %dma_start3A_65 = arith.constant 0 : i32
      %dma_start3A_66 = tpu.memref_slice %arg2[%dma_start3A_64, %dma_start3A_65] : memref<100000x16xf32, #tpu.memory_space<hbm>> -> memref<100000x16xf32, #tpu.memory_space<hbm>>
      tpu.enqueue_indirect_dma source(%dma_start3A_66 : memref<100000x16xf32, #tpu.memory_space<hbm>>) target(%dma_start3A_61 : memref<1536x16xf32, #tpu.memory_space<vmem>>) offsets(%dma_start3A_63 : memref<1536xi32, #tpu.memory_space<vmem>>) semaphore(%arg7 : memref<!tpu.dma_semaphore, #tpu.memory_space<semaphore_mem>>)
      %dma_start3A_67 = arith.constant 1536 : i32
      %dma_start3A_68 = arith.constant 0 : i32
      %dma_start3A_69 = tpu.memref_slice %arg6[%dma_start3A_67, %dma_start3A_68] : memref<3072x16xf32, #tpu.memory_space<vmem>> -> memref<1536x16xf32, #tpu.memory_space<vmem>>
      %dma_start3A_70 = arith.constant 1536 : i32
      %dma_start3A_71 = tpu.memref_slice %arg5[%dma_start3A_70] : memref<3072xi32, #tpu.memory_space<vmem>> -> memref<1536xi32, #tpu.memory_space<vmem>>
      %dma_start3A_72 = arith.constant 0 : i32
      %dma_start3A_73 = arith.constant 0 : i32
      %dma_start3A_74 = tpu.memref_slice %arg2[%dma_start3A_72, %dma_start3A_73] : memref<100000x16xf32, #tpu.memory_space<hbm>> -> memref<100000x16xf32, #tpu.memory_space<hbm>>
      tpu.enqueue_indirect_dma source(%dma_start3A_74 : memref<100000x16xf32, #tpu.memory_space<hbm>>) target(%dma_start3A_69 : memref<1536x16xf32, #tpu.memory_space<vmem>>) offsets(%dma_start3A_71 : memref<1536xi32, #tpu.memory_space<vmem>>) semaphore(%arg7 : memref<!tpu.dma_semaphore, #tpu.memory_space<semaphore_mem>>)
      %dma_wait3A = arith.constant 0 : i32
      %dma_wait3A_75 = arith.constant 0 : i32
      %dma_wait3A_76 = tpu.memref_slice %arg6[%dma_wait3A, %dma_wait3A_75] : memref<3072x16xf32, #tpu.memory_space<vmem>> -> memref<1536x16xf32, #tpu.memory_space<vmem>>
      %dma_wait3A_77 = arith.constant 0 : i32
      %dma_wait3A_78 = tpu.memref_slice %arg5[%dma_wait3A_77] : memref<3072xi32, #tpu.memory_space<vmem>> -> memref<1536xi32, #tpu.memory_space<vmem>>
      %dma_wait3A_79 = arith.constant 0 : i32
      %dma_wait3A_80 = arith.constant 0 : i32
      %dma_wait3A_81 = tpu.memref_slice %arg2[%dma_wait3A_79, %dma_wait3A_80] : memref<100000x16xf32, #tpu.memory_space<hbm>> -> memref<100000x16xf32, #tpu.memory_space<hbm>>
      tpu.wait_indirect_dma semaphore(%arg7 : memref<!tpu.dma_semaphore, #tpu.memory_space<semaphore_mem>>) src(%dma_wait3A_81 : memref<100000x16xf32, #tpu.memory_space<hbm>>) dst(%dma_wait3A_76 : memref<1536x16xf32, #tpu.memory_space<vmem>>)
      %dma_wait3A_82 = arith.constant 1536 : i32
      %dma_wait3A_83 = arith.constant 0 : i32
      %dma_wait3A_84 = tpu.memref_slice %arg6[%dma_wait3A_82, %dma_wait3A_83] : memref<3072x16xf32, #tpu.memory_space<vmem>> -> memref<1536x16xf32, #tpu.memory_space<vmem>>
      %dma_wait3A_85 = arith.constant 1536 : i32
      %dma_wait3A_86 = tpu.memref_slice %arg5[%dma_wait3A_85] : memref<3072xi32, #tpu.memory_space<vmem>> -> memref<1536xi32, #tpu.memory_space<vmem>>
      %dma_wait3A_87 = arith.constant 0 : i32
      %dma_wait3A_88 = arith.constant 0 : i32
      %dma_wait3A_89 = tpu.memref_slice %arg2[%dma_wait3A_87, %dma_wait3A_88] : memref<100000x16xf32, #tpu.memory_space<hbm>> -> memref<100000x16xf32, #tpu.memory_space<hbm>>
      tpu.wait_indirect_dma semaphore(%arg7 : memref<!tpu.dma_semaphore, #tpu.memory_space<semaphore_mem>>) src(%dma_wait3A_89 : memref<100000x16xf32, #tpu.memory_space<hbm>>) dst(%dma_wait3A_84 : memref<1536x16xf32, #tpu.memory_space<vmem>>)
      %dma_start3A_90 = arith.constant 0 : i32
      %dma_start3A_91 = tpu.memref_slice %arg4[%mul3A_54, %dma_start3A_90] : memref<1600000x16xf32, #tpu.memory_space<hbm>> -> memref<3072x16xf32, #tpu.memory_space<hbm>>
      %dma_start3A_92 = arith.constant 0 : i32
      %dma_start3A_93 = tpu.memref_slice %arg4[%mul3A_54, %dma_start3A_92] : memref<1600000x16xf32, #tpu.memory_space<hbm>> -> memref<3072x16xf32, #tpu.memory_space<hbm>>
      tpu.enqueue_dma source(%arg6 : memref<3072x16xf32, #tpu.memory_space<vmem>>) target(%dma_start3A_93 : memref<3072x16xf32, #tpu.memory_space<hbm>>) target_semaphore(%arg8 : memref<!tpu.dma_semaphore, #tpu.memory_space<semaphore_mem>>)
    }
    %while3A_32 = arith.constant 1 : i32
    scf.for %while3A_49 = %while3A_30 to %while3A_26 step %while3A_32  : i32 {
      %mul3A_50 = arith.constant 24 : i32
      %mul3A_51 = arith.muli %while3A_49, %mul3A_50 : i32
      %add3A_52 = arith.addi %add3A_7, %mul3A_51 : i32
      %mul3A_53 = arith.constant 128 : i32
      %mul3A_54 = arith.muli %add3A_52, %mul3A_53 : i32
      "tpu.region"() ({
        %run_scoped3A = tpu.sem_alloc : memref<!tpu.dma_semaphore, #tpu.memory_space<semaphore_mem>>
        %dma_start3A_94 = tpu.memref_slice %arg3[%mul3A_54] : memref<1600000xi32, #tpu.memory_space<hbm>> -> memref<3072xi32, #tpu.memory_space<hbm>>
        %dma_start3A_95 = tpu.memref_slice %arg3[%mul3A_54] : memref<1600000xi32, #tpu.memory_space<hbm>> -> memref<3072xi32, #tpu.memory_space<hbm>>
        tpu.enqueue_dma source(%dma_start3A_95 : memref<3072xi32, #tpu.memory_space<hbm>>) target(%arg5 : memref<3072xi32, #tpu.memory_space<vmem>>) target_semaphore(%run_scoped3A : memref<!tpu.dma_semaphore, #tpu.memory_space<semaphore_mem>>)
        %dma_wait3A_96 = tpu.memref_slice %arg3[%mul3A_54] : memref<1600000xi32, #tpu.memory_space<hbm>> -> memref<3072xi32, #tpu.memory_space<hbm>>
        %dma_wait3A_97 = tpu.memref_slice %arg3[%mul3A_54] : memref<1600000xi32, #tpu.memory_space<hbm>> -> memref<3072xi32, #tpu.memory_space<hbm>>
        tpu.wait_dma2 semaphore(%run_scoped3A : memref<!tpu.dma_semaphore, #tpu.memory_space<semaphore_mem>>) src(%dma_wait3A_97 : memref<3072xi32, #tpu.memory_space<hbm>>) dst(%arg5 : memref<3072xi32, #tpu.memory_space<vmem>>)
        tpu.yield
      }) : () -> ()
      %gt3A_55 = arith.constant 0 : i32
      %gt3A_56 = arith.cmpi sgt, %while3A_49, %gt3A_55 : i32
      %convert_element_type3A_57 = arith.extui %gt3A_56 : i1 to i32
      %cond3A_58 = arith.constant 0 : i32
      %cond3A_59 = arith.cmpi ne, %convert_element_type3A_57, %cond3A_58 : i32
      scf.if %cond3A_59 {
        %dma_wait3A_94 = arith.constant 0 : i32
        %dma_wait3A_95 = tpu.memref_slice %arg4[%mul3A_54, %dma_wait3A_94] : memref<1600000x16xf32, #tpu.memory_space<hbm>> -> memref<3072x16xf32, #tpu.memory_space<hbm>>
        %dma_wait3A_96 = arith.constant 0 : i32
        %dma_wait3A_97 = tpu.memref_slice %arg4[%mul3A_54, %dma_wait3A_96] : memref<1600000x16xf32, #tpu.memory_space<hbm>> -> memref<3072x16xf32, #tpu.memory_space<hbm>>
        tpu.wait_dma2 semaphore(%arg8 : memref<!tpu.dma_semaphore, #tpu.memory_space<semaphore_mem>>) src(%arg6 : memref<3072x16xf32, #tpu.memory_space<vmem>>) dst(%dma_wait3A_97 : memref<3072x16xf32, #tpu.memory_space<hbm>>)
      } else {
      }
      %dma_start3A = arith.constant 0 : i32
      %dma_start3A_60 = arith.constant 0 : i32
      %dma_start3A_61 = tpu.memref_slice %arg6[%dma_start3A, %dma_start3A_60] : memref<3072x16xf32, #tpu.memory_space<vmem>> -> memref<1536x16xf32, #tpu.memory_space<vmem>>
      %dma_start3A_62 = arith.constant 0 : i32
      %dma_start3A_63 = tpu.memref_slice %arg5[%dma_start3A_62] : memref<3072xi32, #tpu.memory_space<vmem>> -> memref<1536xi32, #tpu.memory_space<vmem>>
      %dma_start3A_64 = arith.constant 0 : i32
      %dma_start3A_65 = arith.constant 0 : i32
      %dma_start3A_66 = tpu.memref_slice %arg2[%dma_start3A_64, %dma_start3A_65] : memref<100000x16xf32, #tpu.memory_space<hbm>> -> memref<100000x16xf32, #tpu.memory_space<hbm>>
      tpu.enqueue_indirect_dma source(%dma_start3A_66 : memref<100000x16xf32, #tpu.memory_space<hbm>>) target(%dma_start3A_61 : memref<1536x16xf32, #tpu.memory_space<vmem>>) offsets(%dma_start3A_63 : memref<1536xi32, #tpu.memory_space<vmem>>) semaphore(%arg7 : memref<!tpu.dma_semaphore, #tpu.memory_space<semaphore_mem>>)
      %dma_start3A_67 = arith.constant 1536 : i32
      %dma_start3A_68 = arith.constant 0 : i32
      %dma_start3A_69 = tpu.memref_slice %arg6[%dma_start3A_67, %dma_start3A_68] : memref<3072x16xf32, #tpu.memory_space<vmem>> -> memref<1536x16xf32, #tpu.memory_space<vmem>>
      %dma_start3A_70 = arith.constant 1536 : i32
      %dma_start3A_71 = tpu.memref_slice %arg5[%dma_start3A_70] : memref<3072xi32, #tpu.memory_space<vmem>> -> memref<1536xi32, #tpu.memory_space<vmem>>
      %dma_start3A_72 = arith.constant 0 : i32
      %dma_start3A_73 = arith.constant 0 : i32
      %dma_start3A_74 = tpu.memref_slice %arg2[%dma_start3A_72, %dma_start3A_73] : memref<100000x16xf32, #tpu.memory_space<hbm>> -> memref<100000x16xf32, #tpu.memory_space<hbm>>
      tpu.enqueue_indirect_dma source(%dma_start3A_74 : memref<100000x16xf32, #tpu.memory_space<hbm>>) target(%dma_start3A_69 : memref<1536x16xf32, #tpu.memory_space<vmem>>) offsets(%dma_start3A_71 : memref<1536xi32, #tpu.memory_space<vmem>>) semaphore(%arg7 : memref<!tpu.dma_semaphore, #tpu.memory_space<semaphore_mem>>)
      %dma_wait3A = arith.constant 0 : i32
      %dma_wait3A_75 = arith.constant 0 : i32
      %dma_wait3A_76 = tpu.memref_slice %arg6[%dma_wait3A, %dma_wait3A_75] : memref<3072x16xf32, #tpu.memory_space<vmem>> -> memref<1536x16xf32, #tpu.memory_space<vmem>>
      %dma_wait3A_77 = arith.constant 0 : i32
      %dma_wait3A_78 = tpu.memref_slice %arg5[%dma_wait3A_77] : memref<3072xi32, #tpu.memory_space<vmem>> -> memref<1536xi32, #tpu.memory_space<vmem>>
      %dma_wait3A_79 = arith.constant 0 : i32
      %dma_wait3A_80 = arith.constant 0 : i32
      %dma_wait3A_81 = tpu.memref_slice %arg2[%dma_wait3A_79, %dma_wait3A_80] : memref<100000x16xf32, #tpu.memory_space<hbm>> -> memref<100000x16xf32, #tpu.memory_space<hbm>>
      tpu.wait_indirect_dma semaphore(%arg7 : memref<!tpu.dma_semaphore, #tpu.memory_space<semaphore_mem>>) src(%dma_wait3A_81 : memref<100000x16xf32, #tpu.memory_space<hbm>>) dst(%dma_wait3A_76 : memref<1536x16xf32, #tpu.memory_space<vmem>>)
      %dma_wait3A_82 = arith.constant 1536 : i32
      %dma_wait3A_83 = arith.constant 0 : i32
      %dma_wait3A_84 = tpu.memref_slice %arg6[%dma_wait3A_82, %dma_wait3A_83] : memref<3072x16xf32, #tpu.memory_space<vmem>> -> memref<1536x16xf32, #tpu.memory_space<vmem>>
      %dma_wait3A_85 = arith.constant 1536 : i32
      %dma_wait3A_86 = tpu.memref_slice %arg5[%dma_wait3A_85] : memref<3072xi32, #tpu.memory_space<vmem>> -> memref<1536xi32, #tpu.memory_space<vmem>>
      %dma_wait3A_87 = arith.constant 0 : i32
      %dma_wait3A_88 = arith.constant 0 : i32
      %dma_wait3A_89 = tpu.memref_slice %arg2[%dma_wait3A_87, %dma_wait3A_88] : memref<100000x16xf32, #tpu.memory_space<hbm>> -> memref<100000x16xf32, #tpu.memory_space<hbm>>
      tpu.wait_indirect_dma semaphore(%arg7 : memref<!tpu.dma_semaphore, #tpu.memory_space<semaphore_mem>>) src(%dma_wait3A_89 : memref<100000x16xf32, #tpu.memory_space<hbm>>) dst(%dma_wait3A_84 : memref<1536x16xf32, #tpu.memory_space<vmem>>)
      %dma_start3A_90 = arith.constant 0 : i32
      %dma_start3A_91 = tpu.memref_slice %arg4[%mul3A_54, %dma_start3A_90] : memref<1600000x16xf32, #tpu.memory_space<hbm>> -> memref<3072x16xf32, #tpu.memory_space<hbm>>
      %dma_start3A_92 = arith.constant 0 : i32
      %dma_start3A_93 = tpu.memref_slice %arg4[%mul3A_54, %dma_start3A_92] : memref<1600000x16xf32, #tpu.memory_space<hbm>> -> memref<3072x16xf32, #tpu.memory_space<hbm>>
      tpu.enqueue_dma source(%arg6 : memref<3072x16xf32, #tpu.memory_space<vmem>>) target(%dma_start3A_93 : memref<3072x16xf32, #tpu.memory_space<hbm>>) target_semaphore(%arg8 : memref<!tpu.dma_semaphore, #tpu.memory_space<semaphore_mem>>)
    }
    %gt3A = arith.constant 0 : i32
    %gt3A_33 = arith.cmpi sgt, %select_n3A, %gt3A : i32
    %convert_element_type3A_34 = arith.extui %gt3A_33 : i1 to i32
    %cond3A = arith.constant 0 : i32
    %cond3A_35 = arith.cmpi ne, %convert_element_type3A_34, %cond3A : i32
    scf.if %cond3A_35 {
      %dma_wait3A = arith.constant 0 : i32
      %dma_wait3A_49 = arith.constant 0 : i32
      %dma_wait3A_50 = tpu.memref_slice %arg4[%dma_wait3A, %dma_wait3A_49] : memref<1600000x16xf32, #tpu.memory_space<hbm>> -> memref<3072x16xf32, #tpu.memory_space<hbm>>
      %dma_wait3A_51 = arith.constant 0 : i32
      %dma_wait3A_52 = arith.constant 0 : i32
      %dma_wait3A_53 = tpu.memref_slice %arg4[%dma_wait3A_51, %dma_wait3A_52] : memref<1600000x16xf32, #tpu.memory_space<hbm>> -> memref<3072x16xf32, #tpu.memory_space<hbm>>
      tpu.wait_dma2 semaphore(%arg8 : memref<!tpu.dma_semaphore, #tpu.memory_space<semaphore_mem>>) src(%arg6 : memref<3072x16xf32, #tpu.memory_space<vmem>>) dst(%dma_wait3A_53 : memref<3072x16xf32, #tpu.memory_space<hbm>>)
    } else {
    }
    %mul3A_36 = arith.constant 24 : i32
    %mul3A_37 = arith.muli %select_n3A, %mul3A_36 : i32
    %sub3A_38 = arith.subi %add3A_3, %mul3A_37 : i32
    %while3A_39 = arith.constant 0 : i32
    %while3A_40 = arith.constant 0 : i32
    %while3A_41 = arith.subi %sub3A_38, %while3A_40 : i32
    %while3A_42 = arith.addi %while3A_40, %while3A_41 : i32
    %while3A_43 = arith.constant 1 : i32
    %while3A_44 = arith.divsi %while3A_41, %while3A_43 : i32
    %while3A_45 = arith.muli %while3A_44, %while3A_43 : i32
    %while3A_46 = arith.addi %while3A_40, %while3A_45 : i32
    %while3A_47 = arith.constant 1 : i32
    scf.for %while3A_49 = %while3A_40 to %while3A_46 step %while3A_47  : i32 {
      %mul3A_50 = arith.constant 24 : i32
      %mul3A_51 = arith.muli %select_n3A, %mul3A_50 : i32
      %add3A_52 = arith.addi %add3A_7, %mul3A_51 : i32
      %add3A_53 = arith.addi %add3A_52, %while3A_49 : i32
      %mul3A_54 = arith.constant 128 : i32
      %mul3A_55 = arith.muli %add3A_53, %mul3A_54 : i32
      "tpu.region"() ({
        %run_scoped3A = tpu.sem_alloc : memref<!tpu.dma_semaphore, #tpu.memory_space<semaphore_mem>>
        %dma_start3A_70 = arith.constant 0 : i32
        %dma_start3A_71 = tpu.memref_slice %arg5[%dma_start3A_70] : memref<3072xi32, #tpu.memory_space<vmem>> -> memref<128xi32, #tpu.memory_space<vmem>>
        %dma_start3A_72 = tpu.memref_slice %arg3[%mul3A_55] : memref<1600000xi32, #tpu.memory_space<hbm>> -> memref<128xi32, #tpu.memory_space<hbm>>
        %dma_start3A_73 = arith.constant 0 : i32
        %dma_start3A_74 = tpu.memref_slice %arg5[%dma_start3A_73] : memref<3072xi32, #tpu.memory_space<vmem>> -> memref<128xi32, #tpu.memory_space<vmem>>
        %dma_start3A_75 = tpu.memref_slice %arg3[%mul3A_55] : memref<1600000xi32, #tpu.memory_space<hbm>> -> memref<128xi32, #tpu.memory_space<hbm>>
        tpu.enqueue_dma source(%dma_start3A_75 : memref<128xi32, #tpu.memory_space<hbm>>) target(%dma_start3A_74 : memref<128xi32, #tpu.memory_space<vmem>>) target_semaphore(%run_scoped3A : memref<!tpu.dma_semaphore, #tpu.memory_space<semaphore_mem>>)
        %dma_wait3A_76 = arith.constant 0 : i32
        %dma_wait3A_77 = tpu.memref_slice %arg5[%dma_wait3A_76] : memref<3072xi32, #tpu.memory_space<vmem>> -> memref<128xi32, #tpu.memory_space<vmem>>
        %dma_wait3A_78 = tpu.memref_slice %arg3[%mul3A_55] : memref<1600000xi32, #tpu.memory_space<hbm>> -> memref<128xi32, #tpu.memory_space<hbm>>
        %dma_wait3A_79 = arith.constant 0 : i32
        %dma_wait3A_80 = tpu.memref_slice %arg5[%dma_wait3A_79] : memref<3072xi32, #tpu.memory_space<vmem>> -> memref<128xi32, #tpu.memory_space<vmem>>
        %dma_wait3A_81 = tpu.memref_slice %arg3[%mul3A_55] : memref<1600000xi32, #tpu.memory_space<hbm>> -> memref<128xi32, #tpu.memory_space<hbm>>
        tpu.wait_dma2 semaphore(%run_scoped3A : memref<!tpu.dma_semaphore, #tpu.memory_space<semaphore_mem>>) src(%dma_wait3A_81 : memref<128xi32, #tpu.memory_space<hbm>>) dst(%dma_wait3A_80 : memref<128xi32, #tpu.memory_space<vmem>>)
        tpu.yield
      }) : () -> ()
      %dma_start3A = arith.constant 0 : i32
      %dma_start3A_56 = arith.constant 0 : i32
      %dma_start3A_57 = tpu.memref_slice %arg6[%dma_start3A, %dma_start3A_56] : memref<3072x16xf32, #tpu.memory_space<vmem>> -> memref<128x16xf32, #tpu.memory_space<vmem>>
      %dma_start3A_58 = arith.constant 0 : i32
      %dma_start3A_59 = tpu.memref_slice %arg5[%dma_start3A_58] : memref<3072xi32, #tpu.memory_space<vmem>> -> memref<128xi32, #tpu.memory_space<vmem>>
      %dma_start3A_60 = arith.constant 0 : i32
      %dma_start3A_61 = arith.constant 0 : i32
      %dma_start3A_62 = tpu.memref_slice %arg2[%dma_start3A_60, %dma_start3A_61] : memref<100000x16xf32, #tpu.memory_space<hbm>> -> memref<100000x16xf32, #tpu.memory_space<hbm>>
      tpu.enqueue_indirect_dma source(%dma_start3A_62 : memref<100000x16xf32, #tpu.memory_space<hbm>>) target(%dma_start3A_57 : memref<128x16xf32, #tpu.memory_space<vmem>>) offsets(%dma_start3A_59 : memref<128xi32, #tpu.memory_space<vmem>>) semaphore(%arg7 : memref<!tpu.dma_semaphore, #tpu.memory_space<semaphore_mem>>)
      %dma_wait3A = arith.constant 0 : i32
      %dma_wait3A_63 = arith.constant 0 : i32
      %dma_wait3A_64 = tpu.memref_slice %arg6[%dma_wait3A, %dma_wait3A_63] : memref<3072x16xf32, #tpu.memory_space<vmem>> -> memref<128x16xf32, #tpu.memory_space<vmem>>
      %dma_wait3A_65 = arith.constant 0 : i32
      %dma_wait3A_66 = tpu.memref_slice %arg5[%dma_wait3A_65] : memref<3072xi32, #tpu.memory_space<vmem>> -> memref<128xi32, #tpu.memory_space<vmem>>
      %dma_wait3A_67 = arith.constant 0 : i32
      %dma_wait3A_68 = arith.constant 0 : i32
      %dma_wait3A_69 = tpu.memref_slice %arg2[%dma_wait3A_67, %dma_wait3A_68] : memref<100000x16xf32, #tpu.memory_space<hbm>> -> memref<100000x16xf32, #tpu.memory_space<hbm>>
      tpu.wait_indirect_dma semaphore(%arg7 : memref<!tpu.dma_semaphore, #tpu.memory_space<semaphore_mem>>) src(%dma_wait3A_69 : memref<100000x16xf32, #tpu.memory_space<hbm>>) dst(%dma_wait3A_64 : memref<128x16xf32, #tpu.memory_space<vmem>>)
      "tpu.region"() ({
        %run_scoped3A = tpu.sem_alloc : memref<!tpu.dma_semaphore, #tpu.memory_space<semaphore_mem>>
        %dma_start3A_70 = arith.constant 0 : i32
        %dma_start3A_71 = arith.constant 0 : i32
        %dma_start3A_72 = tpu.memref_slice %arg6[%dma_start3A_70, %dma_start3A_71] : memref<3072x16xf32, #tpu.memory_space<vmem>> -> memref<128x16xf32, #tpu.memory_space<vmem>>
        %dma_start3A_73 = arith.constant 0 : i32
        %dma_start3A_74 = tpu.memref_slice %arg4[%mul3A_55, %dma_start3A_73] : memref<1600000x16xf32, #tpu.memory_space<hbm>> -> memref<128x16xf32, #tpu.memory_space<hbm>>
        %dma_start3A_75 = arith.constant 0 : i32
        %dma_start3A_76 = tpu.memref_slice %arg4[%mul3A_55, %dma_start3A_75] : memref<1600000x16xf32, #tpu.memory_space<hbm>> -> memref<128x16xf32, #tpu.memory_space<hbm>>
        %dma_start3A_77 = arith.constant 0 : i32
        %dma_start3A_78 = arith.constant 0 : i32
        %dma_start3A_79 = tpu.memref_slice %arg6[%dma_start3A_77, %dma_start3A_78] : memref<3072x16xf32, #tpu.memory_space<vmem>> -> memref<128x16xf32, #tpu.memory_space<vmem>>
        tpu.enqueue_dma source(%dma_start3A_79 : memref<128x16xf32, #tpu.memory_space<vmem>>) target(%dma_start3A_76 : memref<128x16xf32, #tpu.memory_space<hbm>>) target_semaphore(%run_scoped3A : memref<!tpu.dma_semaphore, #tpu.memory_space<semaphore_mem>>)
        %dma_wait3A_80 = arith.constant 0 : i32
        %dma_wait3A_81 = arith.constant 0 : i32
        %dma_wait3A_82 = tpu.memref_slice %arg6[%dma_wait3A_80, %dma_wait3A_81] : memref<3072x16xf32, #tpu.memory_space<vmem>> -> memref<128x16xf32, #tpu.memory_space<vmem>>
        %dma_wait3A_83 = arith.constant 0 : i32
        %dma_wait3A_84 = tpu.memref_slice %arg4[%mul3A_55, %dma_wait3A_83] : memref<1600000x16xf32, #tpu.memory_space<hbm>> -> memref<128x16xf32, #tpu.memory_space<hbm>>
        %dma_wait3A_85 = arith.constant 0 : i32
        %dma_wait3A_86 = tpu.memref_slice %arg4[%mul3A_55, %dma_wait3A_85] : memref<1600000x16xf32, #tpu.memory_space<hbm>> -> memref<128x16xf32, #tpu.memory_space<hbm>>
        %dma_wait3A_87 = arith.constant 0 : i32
        %dma_wait3A_88 = arith.constant 0 : i32
        %dma_wait3A_89 = tpu.memref_slice %arg6[%dma_wait3A_87, %dma_wait3A_88] : memref<3072x16xf32, #tpu.memory_space<vmem>> -> memref<128x16xf32, #tpu.memory_space<vmem>>
        tpu.wait_dma2 semaphore(%run_scoped3A : memref<!tpu.dma_semaphore, #tpu.memory_space<semaphore_mem>>) src(%dma_wait3A_89 : memref<128x16xf32, #tpu.memory_space<vmem>>) dst(%dma_wait3A_86 : memref<128x16xf32, #tpu.memory_space<hbm>>)
        tpu.yield
      }) : () -> ()
    }
    %while3A_48 = arith.constant 1 : i32
    scf.for %while3A_49 = %while3A_46 to %while3A_42 step %while3A_48  : i32 {
      %mul3A_50 = arith.constant 24 : i32
      %mul3A_51 = arith.muli %select_n3A, %mul3A_50 : i32
      %add3A_52 = arith.addi %add3A_7, %mul3A_51 : i32
      %add3A_53 = arith.addi %add3A_52, %while3A_49 : i32
      %mul3A_54 = arith.constant 128 : i32
      %mul3A_55 = arith.muli %add3A_53, %mul3A_54 : i32
      "tpu.region"() ({
        %run_scoped3A = tpu.sem_alloc : memref<!tpu.dma_semaphore, #tpu.memory_space<semaphore_mem>>
        %dma_start3A_70 = arith.constant 0 : i32
        %dma_start3A_71 = tpu.memref_slice %arg5[%dma_start3A_70] : memref<3072xi32, #tpu.memory_space<vmem>> -> memref<128xi32, #tpu.memory_space<vmem>>
        %dma_start3A_72 = tpu.memref_slice %arg3[%mul3A_55] : memref<1600000xi32, #tpu.memory_space<hbm>> -> memref<128xi32, #tpu.memory_space<hbm>>
        %dma_start3A_73 = arith.constant 0 : i32
        %dma_start3A_74 = tpu.memref_slice %arg5[%dma_start3A_73] : memref<3072xi32, #tpu.memory_space<vmem>> -> memref<128xi32, #tpu.memory_space<vmem>>
        %dma_start3A_75 = tpu.memref_slice %arg3[%mul3A_55] : memref<1600000xi32, #tpu.memory_space<hbm>> -> memref<128xi32, #tpu.memory_space<hbm>>
        tpu.enqueue_dma source(%dma_start3A_75 : memref<128xi32, #tpu.memory_space<hbm>>) target(%dma_start3A_74 : memref<128xi32, #tpu.memory_space<vmem>>) target_semaphore(%run_scoped3A : memref<!tpu.dma_semaphore, #tpu.memory_space<semaphore_mem>>)
        %dma_wait3A_76 = arith.constant 0 : i32
        %dma_wait3A_77 = tpu.memref_slice %arg5[%dma_wait3A_76] : memref<3072xi32, #tpu.memory_space<vmem>> -> memref<128xi32, #tpu.memory_space<vmem>>
        %dma_wait3A_78 = tpu.memref_slice %arg3[%mul3A_55] : memref<1600000xi32, #tpu.memory_space<hbm>> -> memref<128xi32, #tpu.memory_space<hbm>>
        %dma_wait3A_79 = arith.constant 0 : i32
        %dma_wait3A_80 = tpu.memref_slice %arg5[%dma_wait3A_79] : memref<3072xi32, #tpu.memory_space<vmem>> -> memref<128xi32, #tpu.memory_space<vmem>>
        %dma_wait3A_81 = tpu.memref_slice %arg3[%mul3A_55] : memref<1600000xi32, #tpu.memory_space<hbm>> -> memref<128xi32, #tpu.memory_space<hbm>>
        tpu.wait_dma2 semaphore(%run_scoped3A : memref<!tpu.dma_semaphore, #tpu.memory_space<semaphore_mem>>) src(%dma_wait3A_81 : memref<128xi32, #tpu.memory_space<hbm>>) dst(%dma_wait3A_80 : memref<128xi32, #tpu.memory_space<vmem>>)
        tpu.yield
      }) : () -> ()
      %dma_start3A = arith.constant 0 : i32
      %dma_start3A_56 = arith.constant 0 : i32
      %dma_start3A_57 = tpu.memref_slice %arg6[%dma_start3A, %dma_start3A_56] : memref<3072x16xf32, #tpu.memory_space<vmem>> -> memref<128x16xf32, #tpu.memory_space<vmem>>
      %dma_start3A_58 = arith.constant 0 : i32
      %dma_start3A_59 = tpu.memref_slice %arg5[%dma_start3A_58] : memref<3072xi32, #tpu.memory_space<vmem>> -> memref<128xi32, #tpu.memory_space<vmem>>
      %dma_start3A_60 = arith.constant 0 : i32
      %dma_start3A_61 = arith.constant 0 : i32
      %dma_start3A_62 = tpu.memref_slice %arg2[%dma_start3A_60, %dma_start3A_61] : memref<100000x16xf32, #tpu.memory_space<hbm>> -> memref<100000x16xf32, #tpu.memory_space<hbm>>
      tpu.enqueue_indirect_dma source(%dma_start3A_62 : memref<100000x16xf32, #tpu.memory_space<hbm>>) target(%dma_start3A_57 : memref<128x16xf32, #tpu.memory_space<vmem>>) offsets(%dma_start3A_59 : memref<128xi32, #tpu.memory_space<vmem>>) semaphore(%arg7 : memref<!tpu.dma_semaphore, #tpu.memory_space<semaphore_mem>>)
      %dma_wait3A = arith.constant 0 : i32
      %dma_wait3A_63 = arith.constant 0 : i32
      %dma_wait3A_64 = tpu.memref_slice %arg6[%dma_wait3A, %dma_wait3A_63] : memref<3072x16xf32, #tpu.memory_space<vmem>> -> memref<128x16xf32, #tpu.memory_space<vmem>>
      %dma_wait3A_65 = arith.constant 0 : i32
      %dma_wait3A_66 = tpu.memref_slice %arg5[%dma_wait3A_65] : memref<3072xi32, #tpu.memory_space<vmem>> -> memref<128xi32, #tpu.memory_space<vmem>>
      %dma_wait3A_67 = arith.constant 0 : i32
      %dma_wait3A_68 = arith.constant 0 : i32
      %dma_wait3A_69 = tpu.memref_slice %arg2[%dma_wait3A_67, %dma_wait3A_68] : memref<100000x16xf32, #tpu.memory_space<hbm>> -> memref<100000x16xf32, #tpu.memory_space<hbm>>
      tpu.wait_indirect_dma semaphore(%arg7 : memref<!tpu.dma_semaphore, #tpu.memory_space<semaphore_mem>>) src(%dma_wait3A_69 : memref<100000x16xf32, #tpu.memory_space<hbm>>) dst(%dma_wait3A_64 : memref<128x16xf32, #tpu.memory_space<vmem>>)
      "tpu.region"() ({
        %run_scoped3A = tpu.sem_alloc : memref<!tpu.dma_semaphore, #tpu.memory_space<semaphore_mem>>
        %dma_start3A_70 = arith.constant 0 : i32
        %dma_start3A_71 = arith.constant 0 : i32
        %dma_start3A_72 = tpu.memref_slice %arg6[%dma_start3A_70, %dma_start3A_71] : memref<3072x16xf32, #tpu.memory_space<vmem>> -> memref<128x16xf32, #tpu.memory_space<vmem>>
        %dma_start3A_73 = arith.constant 0 : i32
        %dma_start3A_74 = tpu.memref_slice %arg4[%mul3A_55, %dma_start3A_73] : memref<1600000x16xf32, #tpu.memory_space<hbm>> -> memref<128x16xf32, #tpu.memory_space<hbm>>
        %dma_start3A_75 = arith.constant 0 : i32
        %dma_start3A_76 = tpu.memref_slice %arg4[%mul3A_55, %dma_start3A_75] : memref<1600000x16xf32, #tpu.memory_space<hbm>> -> memref<128x16xf32, #tpu.memory_space<hbm>>
        %dma_start3A_77 = arith.constant 0 : i32
        %dma_start3A_78 = arith.constant 0 : i32
        %dma_start3A_79 = tpu.memref_slice %arg6[%dma_start3A_77, %dma_start3A_78] : memref<3072x16xf32, #tpu.memory_space<vmem>> -> memref<128x16xf32, #tpu.memory_space<vmem>>
        tpu.enqueue_dma source(%dma_start3A_79 : memref<128x16xf32, #tpu.memory_space<vmem>>) target(%dma_start3A_76 : memref<128x16xf32, #tpu.memory_space<hbm>>) target_semaphore(%run_scoped3A : memref<!tpu.dma_semaphore, #tpu.memory_space<semaphore_mem>>)
        %dma_wait3A_80 = arith.constant 0 : i32
        %dma_wait3A_81 = arith.constant 0 : i32
        %dma_wait3A_82 = tpu.memref_slice %arg6[%dma_wait3A_80, %dma_wait3A_81] : memref<3072x16xf32, #tpu.memory_space<vmem>> -> memref<128x16xf32, #tpu.memory_space<vmem>>
        %dma_wait3A_83 = arith.constant 0 : i32
        %dma_wait3A_84 = tpu.memref_slice %arg4[%mul3A_55, %dma_wait3A_83] : memref<1600000x16xf32, #tpu.memory_space<hbm>> -> memref<128x16xf32, #tpu.memory_space<hbm>>
        %dma_wait3A_85 = arith.constant 0 : i32
        %dma_wait3A_86 = tpu.memref_slice %arg4[%mul3A_55, %dma_wait3A_85] : memref<1600000x16xf32, #tpu.memory_space<hbm>> -> memref<128x16xf32, #tpu.memory_space<hbm>>
        %dma_wait3A_87 = arith.constant 0 : i32
        %dma_wait3A_88 = arith.constant 0 : i32
        %dma_wait3A_89 = tpu.memref_slice %arg6[%dma_wait3A_87, %dma_wait3A_88] : memref<3072x16xf32, #tpu.memory_space<vmem>> -> memref<128x16xf32, #tpu.memory_space<vmem>>
        tpu.wait_dma2 semaphore(%run_scoped3A : memref<!tpu.dma_semaphore, #tpu.memory_space<semaphore_mem>>) src(%dma_wait3A_89 : memref<128x16xf32, #tpu.memory_space<vmem>>) dst(%dma_wait3A_86 : memref<128x16xf32, #tpu.memory_space<hbm>>)
        tpu.yield
      }) : () -> ()
    }
    return
  }
}

#map = affine_map<(d0, d1) -> (0, 0, 0)>
#map1 = affine_map<(d0, d1) -> (0, 0)>
module attributes {stable_mosaic.version = 14 : i64} {
  func.func @sk(%arg0: i32, %arg1: i32, %arg2: memref<12500x128x16xf32, #tpu.memory_space<hbm>>, %arg3: memref<12500x128xi32, #tpu.memory_space<hbm>>, %arg4: memref<100000x16xf32, #tpu.memory_space<hbm>>, %arg5: memref<2x100000x16xf32, #tpu.memory_space<hbm>>, %arg6: memref<12x128xi32, #tpu.memory_space<vmem>>, %arg7: memref<12x128x16xf32, #tpu.memory_space<vmem>>, %arg8: memref<100000x16xf32, #tpu.memory_space<vmem_shared>>, %arg9: memref<!tpu.dma_semaphore, #tpu.memory_space<semaphore_mem>>) attributes {dimension_semantics = [#tpu.dimension_semantics<core_parallel>, #tpu.dimension_semantics<subcore_parallel>], iteration_bounds = array<i64: 2, 16>, scalar_prefetch = 0 : i64, scratch_operands = 4 : i64, tpu.core_type = #tpu.core_type<sc_vector_subcore>, window_params = [{transform_indices = #map}, {transform_indices = #map1}, {transform_indices = #map1}, {transform_indices = #map}]} {
    %mul3A = arith.constant 2 : i32
    %mul3A_0 = arith.muli %arg1, %mul3A : i32
    %add3A = arith.addi %mul3A_0, %arg0 : i32
    %lt3A = arith.constant 20 : i32
    %lt3A_1 = arith.cmpi slt, %add3A, %lt3A : i32
    %convert_element_type3A = arith.extui %lt3A_1 : i1 to i32
    %add3A_2 = arith.constant 390 : i32
    %add3A_3 = arith.addi %add3A_2, %convert_element_type3A : i32
    %mul3A_4 = arith.constant 390 : i32
    %mul3A_5 = arith.muli %add3A, %mul3A_4 : i32
    %min3A = arith.constant 20 : i32
    %min3A_6 = arith.minsi %add3A, %min3A : i32
    %add3A_7 = arith.addi %mul3A_5, %min3A_6 : i32
    %jit3A = arith.constant 12 : i32
    %div3A = arith.divsi %add3A_3, %jit3A : i32
    %sign3A = arith.constant 0 : i32
    %sign3A_8 = arith.cmpi sgt, %add3A_3, %sign3A : i32
    %sign3A_9 = arith.extui %sign3A_8 : i1 to i32
    %sign3A_10 = arith.constant 0 : i32
    %sign3A_11 = arith.cmpi slt, %add3A_3, %sign3A_10 : i32
    %sign3A_12 = arith.extui %sign3A_11 : i1 to i32
    %sign3A_13 = arith.subi %sign3A_9, %sign3A_12 : i32
    %sign3A_14 = arith.constant 0 : i32
    %sign3A_15 = arith.cmpi sgt, %jit3A, %sign3A_14 : i32
    %sign3A_16 = arith.extui %sign3A_15 : i1 to i32
    %sign3A_17 = arith.constant 0 : i32
    %sign3A_18 = arith.cmpi slt, %jit3A, %sign3A_17 : i32
    %sign3A_19 = arith.extui %sign3A_18 : i1 to i32
    %sign3A_20 = arith.subi %sign3A_16, %sign3A_19 : i32
    %ne3A = arith.cmpi ne, %sign3A_13, %sign3A_20 : i32
    %rem3A = arith.remsi %add3A_3, %jit3A : i32
    %ne3A_21 = arith.constant 0 : i32
    %ne3A_22 = arith.cmpi ne, %rem3A, %ne3A_21 : i32
    %and3A = arith.andi %ne3A, %ne3A_22 : i1
    %sub3A = arith.constant 1 : i32
    %sub3A_23 = arith.subi %div3A, %sub3A : i32
    %select_n3A = arith.select %and3A, %sub3A_23, %div3A : i32
    %mul3A_24 = arith.constant 6250 : i32
    %mul3A_25 = arith.muli %arg1, %mul3A_24 : i32
    %mul3A_26 = arith.constant 6250 : i32
    %mul3A_27 = arith.muli %arg1, %mul3A_26 : i32
    "tpu.region"() ({
      %run_scoped3A = tpu.sem_alloc : memref<!tpu.dma_semaphore, #tpu.memory_space<semaphore_mem>>
      %dma_start3A = arith.constant 0 : i32
      %dma_start3A_55 = tpu.memref_slice %arg8[%mul3A_27, %dma_start3A] : memref<100000x16xf32, #tpu.memory_space<vmem_shared>> -> memref<6250x16xf32, #tpu.memory_space<vmem_shared>>
      %dma_start3A_56 = arith.constant 0 : i32
      %dma_start3A_57 = tpu.memref_slice %arg4[%mul3A_25, %dma_start3A_56] : memref<100000x16xf32, #tpu.memory_space<hbm>> -> memref<6250x16xf32, #tpu.memory_space<hbm>>
      tpu.enqueue_dma source(%dma_start3A_57 : memref<6250x16xf32, #tpu.memory_space<hbm>>) target(%dma_start3A_55 : memref<6250x16xf32, #tpu.memory_space<vmem_shared>>) target_semaphore(%run_scoped3A : memref<!tpu.dma_semaphore, #tpu.memory_space<semaphore_mem>>)
      %dma_wait3A = arith.constant 0 : i32
      %dma_wait3A_58 = tpu.memref_slice %arg8[%mul3A_27, %dma_wait3A] : memref<100000x16xf32, #tpu.memory_space<vmem_shared>> -> memref<6250x16xf32, #tpu.memory_space<vmem_shared>>
      %dma_wait3A_59 = arith.constant 0 : i32
      %dma_wait3A_60 = tpu.memref_slice %arg4[%mul3A_25, %dma_wait3A_59] : memref<100000x16xf32, #tpu.memory_space<hbm>> -> memref<6250x16xf32, #tpu.memory_space<hbm>>
      tpu.wait_dma2 semaphore(%run_scoped3A : memref<!tpu.dma_semaphore, #tpu.memory_space<semaphore_mem>>) src(%dma_wait3A_60 : memref<6250x16xf32, #tpu.memory_space<hbm>>) dst(%dma_wait3A_58 : memref<6250x16xf32, #tpu.memory_space<vmem_shared>>)
      tpu.yield
    }) : () -> ()
    %barrier3A = arith.constant 0 : index
    tpu.barrier barrier_id(%barrier3A)
    %while3A = arith.constant 0 : i32
    %while3A_28 = arith.constant 0 : i32
    %while3A_29 = arith.subi %select_n3A, %while3A_28 : i32
    %while3A_30 = arith.addi %while3A_28, %while3A_29 : i32
    %while3A_31 = arith.constant 1 : i32
    %while3A_32 = arith.divsi %while3A_29, %while3A_31 : i32
    %while3A_33 = arith.muli %while3A_32, %while3A_31 : i32
    %while3A_34 = arith.addi %while3A_28, %while3A_33 : i32
    %while3A_35 = arith.constant 1 : i32
    scf.for %while3A_55 = %while3A_28 to %while3A_34 step %while3A_35  : i32 {
      %mul3A_56 = arith.constant 12 : i32
      %mul3A_57 = arith.muli %while3A_55, %mul3A_56 : i32
      %add3A_58 = arith.addi %add3A_7, %mul3A_57 : i32
      "tpu.region"() ({
        %run_scoped3A = tpu.sem_alloc : memref<!tpu.dma_semaphore, #tpu.memory_space<semaphore_mem>>
        %dma_start3A_345 = arith.constant 0 : i32
        %dma_start3A_346 = tpu.memref_slice %arg3[%add3A_58, %dma_start3A_345] : memref<12500x128xi32, #tpu.memory_space<hbm>> -> memref<12x128xi32, #tpu.memory_space<hbm>>
        %dma_start3A_347 = arith.constant 0 : i32
        %dma_start3A_348 = tpu.memref_slice %arg3[%add3A_58, %dma_start3A_347] : memref<12500x128xi32, #tpu.memory_space<hbm>> -> memref<12x128xi32, #tpu.memory_space<hbm>>
        tpu.enqueue_dma source(%dma_start3A_348 : memref<12x128xi32, #tpu.memory_space<hbm>>) target(%arg6 : memref<12x128xi32, #tpu.memory_space<vmem>>) target_semaphore(%run_scoped3A : memref<!tpu.dma_semaphore, #tpu.memory_space<semaphore_mem>>)
        %dma_wait3A_349 = arith.constant 0 : i32
        %dma_wait3A_350 = tpu.memref_slice %arg3[%add3A_58, %dma_wait3A_349] : memref<12500x128xi32, #tpu.memory_space<hbm>> -> memref<12x128xi32, #tpu.memory_space<hbm>>
        %dma_wait3A_351 = arith.constant 0 : i32
        %dma_wait3A_352 = tpu.memref_slice %arg3[%add3A_58, %dma_wait3A_351] : memref<12500x128xi32, #tpu.memory_space<hbm>> -> memref<12x128xi32, #tpu.memory_space<hbm>>
        tpu.wait_dma2 semaphore(%run_scoped3A : memref<!tpu.dma_semaphore, #tpu.memory_space<semaphore_mem>>) src(%dma_wait3A_352 : memref<12x128xi32, #tpu.memory_space<hbm>>) dst(%arg6 : memref<12x128xi32, #tpu.memory_space<vmem>>)
        tpu.yield
      }) : () -> ()
      "tpu.region"() ({
        %run_scoped3A = tpu.sem_alloc : memref<!tpu.dma_semaphore, #tpu.memory_space<semaphore_mem>>
        %dma_start3A_345 = arith.constant 0 : i32
        %dma_start3A_346 = arith.constant 0 : i32
        %dma_start3A_347 = tpu.memref_slice %arg2[%add3A_58, %dma_start3A_345, %dma_start3A_346] : memref<12500x128x16xf32, #tpu.memory_space<hbm>> -> memref<12x128x16xf32, #tpu.memory_space<hbm>>
        %dma_start3A_348 = arith.constant 0 : i32
        %dma_start3A_349 = arith.constant 0 : i32
        %dma_start3A_350 = tpu.memref_slice %arg2[%add3A_58, %dma_start3A_348, %dma_start3A_349] : memref<12500x128x16xf32, #tpu.memory_space<hbm>> -> memref<12x128x16xf32, #tpu.memory_space<hbm>>
        tpu.enqueue_dma source(%dma_start3A_350 : memref<12x128x16xf32, #tpu.memory_space<hbm>>) target(%arg7 : memref<12x128x16xf32, #tpu.memory_space<vmem>>) target_semaphore(%run_scoped3A : memref<!tpu.dma_semaphore, #tpu.memory_space<semaphore_mem>>)
        %dma_wait3A_351 = arith.constant 0 : i32
        %dma_wait3A_352 = arith.constant 0 : i32
        %dma_wait3A_353 = tpu.memref_slice %arg2[%add3A_58, %dma_wait3A_351, %dma_wait3A_352] : memref<12500x128x16xf32, #tpu.memory_space<hbm>> -> memref<12x128x16xf32, #tpu.memory_space<hbm>>
        %dma_wait3A_354 = arith.constant 0 : i32
        %dma_wait3A_355 = arith.constant 0 : i32
        %dma_wait3A_356 = tpu.memref_slice %arg2[%add3A_58, %dma_wait3A_354, %dma_wait3A_355] : memref<12500x128x16xf32, #tpu.memory_space<hbm>> -> memref<12x128x16xf32, #tpu.memory_space<hbm>>
        tpu.wait_dma2 semaphore(%run_scoped3A : memref<!tpu.dma_semaphore, #tpu.memory_space<semaphore_mem>>) src(%dma_wait3A_356 : memref<12x128x16xf32, #tpu.memory_space<hbm>>) dst(%arg7 : memref<12x128x16xf32, #tpu.memory_space<vmem>>)
        tpu.yield
      }) : () -> ()
      %dma_start3A = arith.constant 0 : i32
      %dma_start3A_59 = arith.constant 0 : i32
      %dma_start3A_60 = arith.constant 0 : i32
      %dma_start3A_61 = arith.constant 0 : i32
      %dma_start3A_62 = tpu.memref_slice %arg7[%dma_start3A, %dma_start3A_60, %dma_start3A_61] : memref<12x128x16xf32, #tpu.memory_space<vmem>> -> memref<1x128x16xf32, #tpu.memory_space<vmem>>
      %dma_start3A_63 = tpu.memref_squeeze %dma_start3A_62 : memref<1x128x16xf32, #tpu.memory_space<vmem>> -> memref<128x16xf32, #tpu.memory_space<vmem>>
      %dma_start3A_64 = arith.constant 0 : i32
      %dma_start3A_65 = tpu.memref_slice %arg6[%dma_start3A_59, %dma_start3A_64] : memref<12x128xi32, #tpu.memory_space<vmem>> -> memref<1x128xi32, #tpu.memory_space<vmem>>
      %dma_start3A_66 = tpu.memref_squeeze %dma_start3A_65 : memref<1x128xi32, #tpu.memory_space<vmem>> -> memref<128xi32, #tpu.memory_space<vmem>>
      %dma_start3A_67 = arith.constant 0 : i32
      %dma_start3A_68 = arith.constant 0 : i32
      %dma_start3A_69 = tpu.memref_slice %arg8[%dma_start3A_67, %dma_start3A_68] : memref<100000x16xf32, #tpu.memory_space<vmem_shared>> -> memref<100000x16xf32, #tpu.memory_space<vmem_shared>>
      tpu.enqueue_indirect_dma source(%dma_start3A_63 : memref<128x16xf32, #tpu.memory_space<vmem>>) target(%dma_start3A_69 : memref<100000x16xf32, #tpu.memory_space<vmem_shared>>) offsets(%dma_start3A_66 : memref<128xi32, #tpu.memory_space<vmem>>) semaphore(%arg9 : memref<!tpu.dma_semaphore, #tpu.memory_space<semaphore_mem>>) {add = true}
      %dma_start3A_70 = arith.constant 1 : i32
      %dma_start3A_71 = arith.constant 1 : i32
      %dma_start3A_72 = arith.constant 0 : i32
      %dma_start3A_73 = arith.constant 0 : i32
      %dma_start3A_74 = tpu.memref_slice %arg7[%dma_start3A_70, %dma_start3A_72, %dma_start3A_73] : memref<12x128x16xf32, #tpu.memory_space<vmem>> -> memref<1x128x16xf32, #tpu.memory_space<vmem>>
      %dma_start3A_75 = tpu.memref_squeeze %dma_start3A_74 : memref<1x128x16xf32, #tpu.memory_space<vmem>> -> memref<128x16xf32, #tpu.memory_space<vmem>>
      %dma_start3A_76 = arith.constant 0 : i32
      %dma_start3A_77 = tpu.memref_slice %arg6[%dma_start3A_71, %dma_start3A_76] : memref<12x128xi32, #tpu.memory_space<vmem>> -> memref<1x128xi32, #tpu.memory_space<vmem>>
      %dma_start3A_78 = tpu.memref_squeeze %dma_start3A_77 : memref<1x128xi32, #tpu.memory_space<vmem>> -> memref<128xi32, #tpu.memory_space<vmem>>
      %dma_start3A_79 = arith.constant 0 : i32
      %dma_start3A_80 = arith.constant 0 : i32
      %dma_start3A_81 = tpu.memref_slice %arg8[%dma_start3A_79, %dma_start3A_80] : memref<100000x16xf32, #tpu.memory_space<vmem_shared>> -> memref<100000x16xf32, #tpu.memory_space<vmem_shared>>
      tpu.enqueue_indirect_dma source(%dma_start3A_75 : memref<128x16xf32, #tpu.memory_space<vmem>>) target(%dma_start3A_81 : memref<100000x16xf32, #tpu.memory_space<vmem_shared>>) offsets(%dma_start3A_78 : memref<128xi32, #tpu.memory_space<vmem>>) semaphore(%arg9 : memref<!tpu.dma_semaphore, #tpu.memory_space<semaphore_mem>>) {add = true}
      %dma_start3A_82 = arith.constant 2 : i32
      %dma_start3A_83 = arith.constant 2 : i32
      %dma_start3A_84 = arith.constant 0 : i32
      %dma_start3A_85 = arith.constant 0 : i32
      %dma_start3A_86 = tpu.memref_slice %arg7[%dma_start3A_82, %dma_start3A_84, %dma_start3A_85] : memref<12x128x16xf32, #tpu.memory_space<vmem>> -> memref<1x128x16xf32, #tpu.memory_space<vmem>>
      %dma_start3A_87 = tpu.memref_squeeze %dma_start3A_86 : memref<1x128x16xf32, #tpu.memory_space<vmem>> -> memref<128x16xf32, #tpu.memory_space<vmem>>
      %dma_start3A_88 = arith.constant 0 : i32
      %dma_start3A_89 = tpu.memref_slice %arg6[%dma_start3A_83, %dma_start3A_88] : memref<12x128xi32, #tpu.memory_space<vmem>> -> memref<1x128xi32, #tpu.memory_space<vmem>>
      %dma_start3A_90 = tpu.memref_squeeze %dma_start3A_89 : memref<1x128xi32, #tpu.memory_space<vmem>> -> memref<128xi32, #tpu.memory_space<vmem>>
      %dma_start3A_91 = arith.constant 0 : i32
      %dma_start3A_92 = arith.constant 0 : i32
      %dma_start3A_93 = tpu.memref_slice %arg8[%dma_start3A_91, %dma_start3A_92] : memref<100000x16xf32, #tpu.memory_space<vmem_shared>> -> memref<100000x16xf32, #tpu.memory_space<vmem_shared>>
      tpu.enqueue_indirect_dma source(%dma_start3A_87 : memref<128x16xf32, #tpu.memory_space<vmem>>) target(%dma_start3A_93 : memref<100000x16xf32, #tpu.memory_space<vmem_shared>>) offsets(%dma_start3A_90 : memref<128xi32, #tpu.memory_space<vmem>>) semaphore(%arg9 : memref<!tpu.dma_semaphore, #tpu.memory_space<semaphore_mem>>) {add = true}
      %dma_start3A_94 = arith.constant 3 : i32
      %dma_start3A_95 = arith.constant 3 : i32
      %dma_start3A_96 = arith.constant 0 : i32
      %dma_start3A_97 = arith.constant 0 : i32
      %dma_start3A_98 = tpu.memref_slice %arg7[%dma_start3A_94, %dma_start3A_96, %dma_start3A_97] : memref<12x128x16xf32, #tpu.memory_space<vmem>> -> memref<1x128x16xf32, #tpu.memory_space<vmem>>
      %dma_start3A_99 = tpu.memref_squeeze %dma_start3A_98 : memref<1x128x16xf32, #tpu.memory_space<vmem>> -> memref<128x16xf32, #tpu.memory_space<vmem>>
      %dma_start3A_100 = arith.constant 0 : i32
      %dma_start3A_101 = tpu.memref_slice %arg6[%dma_start3A_95, %dma_start3A_100] : memref<12x128xi32, #tpu.memory_space<vmem>> -> memref<1x128xi32, #tpu.memory_space<vmem>>
      %dma_start3A_102 = tpu.memref_squeeze %dma_start3A_101 : memref<1x128xi32, #tpu.memory_space<vmem>> -> memref<128xi32, #tpu.memory_space<vmem>>
      %dma_start3A_103 = arith.constant 0 : i32
      %dma_start3A_104 = arith.constant 0 : i32
      %dma_start3A_105 = tpu.memref_slice %arg8[%dma_start3A_103, %dma_start3A_104] : memref<100000x16xf32, #tpu.memory_space<vmem_shared>> -> memref<100000x16xf32, #tpu.memory_space<vmem_shared>>
      tpu.enqueue_indirect_dma source(%dma_start3A_99 : memref<128x16xf32, #tpu.memory_space<vmem>>) target(%dma_start3A_105 : memref<100000x16xf32, #tpu.memory_space<vmem_shared>>) offsets(%dma_start3A_102 : memref<128xi32, #tpu.memory_space<vmem>>) semaphore(%arg9 : memref<!tpu.dma_semaphore, #tpu.memory_space<semaphore_mem>>) {add = true}
      %dma_start3A_106 = arith.constant 4 : i32
      %dma_start3A_107 = arith.constant 4 : i32
      %dma_start3A_108 = arith.constant 0 : i32
      %dma_start3A_109 = arith.constant 0 : i32
      %dma_start3A_110 = tpu.memref_slice %arg7[%dma_start3A_106, %dma_start3A_108, %dma_start3A_109] : memref<12x128x16xf32, #tpu.memory_space<vmem>> -> memref<1x128x16xf32, #tpu.memory_space<vmem>>
      %dma_start3A_111 = tpu.memref_squeeze %dma_start3A_110 : memref<1x128x16xf32, #tpu.memory_space<vmem>> -> memref<128x16xf32, #tpu.memory_space<vmem>>
      %dma_start3A_112 = arith.constant 0 : i32
      %dma_start3A_113 = tpu.memref_slice %arg6[%dma_start3A_107, %dma_start3A_112] : memref<12x128xi32, #tpu.memory_space<vmem>> -> memref<1x128xi32, #tpu.memory_space<vmem>>
      %dma_start3A_114 = tpu.memref_squeeze %dma_start3A_113 : memref<1x128xi32, #tpu.memory_space<vmem>> -> memref<128xi32, #tpu.memory_space<vmem>>
      %dma_start3A_115 = arith.constant 0 : i32
      %dma_start3A_116 = arith.constant 0 : i32
      %dma_start3A_117 = tpu.memref_slice %arg8[%dma_start3A_115, %dma_start3A_116] : memref<100000x16xf32, #tpu.memory_space<vmem_shared>> -> memref<100000x16xf32, #tpu.memory_space<vmem_shared>>
      tpu.enqueue_indirect_dma source(%dma_start3A_111 : memref<128x16xf32, #tpu.memory_space<vmem>>) target(%dma_start3A_117 : memref<100000x16xf32, #tpu.memory_space<vmem_shared>>) offsets(%dma_start3A_114 : memref<128xi32, #tpu.memory_space<vmem>>) semaphore(%arg9 : memref<!tpu.dma_semaphore, #tpu.memory_space<semaphore_mem>>) {add = true}
      %dma_start3A_118 = arith.constant 5 : i32
      %dma_start3A_119 = arith.constant 5 : i32
      %dma_start3A_120 = arith.constant 0 : i32
      %dma_start3A_121 = arith.constant 0 : i32
      %dma_start3A_122 = tpu.memref_slice %arg7[%dma_start3A_118, %dma_start3A_120, %dma_start3A_121] : memref<12x128x16xf32, #tpu.memory_space<vmem>> -> memref<1x128x16xf32, #tpu.memory_space<vmem>>
      %dma_start3A_123 = tpu.memref_squeeze %dma_start3A_122 : memref<1x128x16xf32, #tpu.memory_space<vmem>> -> memref<128x16xf32, #tpu.memory_space<vmem>>
      %dma_start3A_124 = arith.constant 0 : i32
      %dma_start3A_125 = tpu.memref_slice %arg6[%dma_start3A_119, %dma_start3A_124] : memref<12x128xi32, #tpu.memory_space<vmem>> -> memref<1x128xi32, #tpu.memory_space<vmem>>
      %dma_start3A_126 = tpu.memref_squeeze %dma_start3A_125 : memref<1x128xi32, #tpu.memory_space<vmem>> -> memref<128xi32, #tpu.memory_space<vmem>>
      %dma_start3A_127 = arith.constant 0 : i32
      %dma_start3A_128 = arith.constant 0 : i32
      %dma_start3A_129 = tpu.memref_slice %arg8[%dma_start3A_127, %dma_start3A_128] : memref<100000x16xf32, #tpu.memory_space<vmem_shared>> -> memref<100000x16xf32, #tpu.memory_space<vmem_shared>>
      tpu.enqueue_indirect_dma source(%dma_start3A_123 : memref<128x16xf32, #tpu.memory_space<vmem>>) target(%dma_start3A_129 : memref<100000x16xf32, #tpu.memory_space<vmem_shared>>) offsets(%dma_start3A_126 : memref<128xi32, #tpu.memory_space<vmem>>) semaphore(%arg9 : memref<!tpu.dma_semaphore, #tpu.memory_space<semaphore_mem>>) {add = true}
      %dma_start3A_130 = arith.constant 6 : i32
      %dma_start3A_131 = arith.constant 6 : i32
      %dma_start3A_132 = arith.constant 0 : i32
      %dma_start3A_133 = arith.constant 0 : i32
      %dma_start3A_134 = tpu.memref_slice %arg7[%dma_start3A_130, %dma_start3A_132, %dma_start3A_133] : memref<12x128x16xf32, #tpu.memory_space<vmem>> -> memref<1x128x16xf32, #tpu.memory_space<vmem>>
      %dma_start3A_135 = tpu.memref_squeeze %dma_start3A_134 : memref<1x128x16xf32, #tpu.memory_space<vmem>> -> memref<128x16xf32, #tpu.memory_space<vmem>>
      %dma_start3A_136 = arith.constant 0 : i32
      %dma_start3A_137 = tpu.memref_slice %arg6[%dma_start3A_131, %dma_start3A_136] : memref<12x128xi32, #tpu.memory_space<vmem>> -> memref<1x128xi32, #tpu.memory_space<vmem>>
      %dma_start3A_138 = tpu.memref_squeeze %dma_start3A_137 : memref<1x128xi32, #tpu.memory_space<vmem>> -> memref<128xi32, #tpu.memory_space<vmem>>
      %dma_start3A_139 = arith.constant 0 : i32
      %dma_start3A_140 = arith.constant 0 : i32
      %dma_start3A_141 = tpu.memref_slice %arg8[%dma_start3A_139, %dma_start3A_140] : memref<100000x16xf32, #tpu.memory_space<vmem_shared>> -> memref<100000x16xf32, #tpu.memory_space<vmem_shared>>
      tpu.enqueue_indirect_dma source(%dma_start3A_135 : memref<128x16xf32, #tpu.memory_space<vmem>>) target(%dma_start3A_141 : memref<100000x16xf32, #tpu.memory_space<vmem_shared>>) offsets(%dma_start3A_138 : memref<128xi32, #tpu.memory_space<vmem>>) semaphore(%arg9 : memref<!tpu.dma_semaphore, #tpu.memory_space<semaphore_mem>>) {add = true}
      %dma_start3A_142 = arith.constant 7 : i32
      %dma_start3A_143 = arith.constant 7 : i32
      %dma_start3A_144 = arith.constant 0 : i32
      %dma_start3A_145 = arith.constant 0 : i32
      %dma_start3A_146 = tpu.memref_slice %arg7[%dma_start3A_142, %dma_start3A_144, %dma_start3A_145] : memref<12x128x16xf32, #tpu.memory_space<vmem>> -> memref<1x128x16xf32, #tpu.memory_space<vmem>>
      %dma_start3A_147 = tpu.memref_squeeze %dma_start3A_146 : memref<1x128x16xf32, #tpu.memory_space<vmem>> -> memref<128x16xf32, #tpu.memory_space<vmem>>
      %dma_start3A_148 = arith.constant 0 : i32
      %dma_start3A_149 = tpu.memref_slice %arg6[%dma_start3A_143, %dma_start3A_148] : memref<12x128xi32, #tpu.memory_space<vmem>> -> memref<1x128xi32, #tpu.memory_space<vmem>>
      %dma_start3A_150 = tpu.memref_squeeze %dma_start3A_149 : memref<1x128xi32, #tpu.memory_space<vmem>> -> memref<128xi32, #tpu.memory_space<vmem>>
      %dma_start3A_151 = arith.constant 0 : i32
      %dma_start3A_152 = arith.constant 0 : i32
      %dma_start3A_153 = tpu.memref_slice %arg8[%dma_start3A_151, %dma_start3A_152] : memref<100000x16xf32, #tpu.memory_space<vmem_shared>> -> memref<100000x16xf32, #tpu.memory_space<vmem_shared>>
      tpu.enqueue_indirect_dma source(%dma_start3A_147 : memref<128x16xf32, #tpu.memory_space<vmem>>) target(%dma_start3A_153 : memref<100000x16xf32, #tpu.memory_space<vmem_shared>>) offsets(%dma_start3A_150 : memref<128xi32, #tpu.memory_space<vmem>>) semaphore(%arg9 : memref<!tpu.dma_semaphore, #tpu.memory_space<semaphore_mem>>) {add = true}
      %dma_start3A_154 = arith.constant 8 : i32
      %dma_start3A_155 = arith.constant 8 : i32
      %dma_start3A_156 = arith.constant 0 : i32
      %dma_start3A_157 = arith.constant 0 : i32
      %dma_start3A_158 = tpu.memref_slice %arg7[%dma_start3A_154, %dma_start3A_156, %dma_start3A_157] : memref<12x128x16xf32, #tpu.memory_space<vmem>> -> memref<1x128x16xf32, #tpu.memory_space<vmem>>
      %dma_start3A_159 = tpu.memref_squeeze %dma_start3A_158 : memref<1x128x16xf32, #tpu.memory_space<vmem>> -> memref<128x16xf32, #tpu.memory_space<vmem>>
      %dma_start3A_160 = arith.constant 0 : i32
      %dma_start3A_161 = tpu.memref_slice %arg6[%dma_start3A_155, %dma_start3A_160] : memref<12x128xi32, #tpu.memory_space<vmem>> -> memref<1x128xi32, #tpu.memory_space<vmem>>
      %dma_start3A_162 = tpu.memref_squeeze %dma_start3A_161 : memref<1x128xi32, #tpu.memory_space<vmem>> -> memref<128xi32, #tpu.memory_space<vmem>>
      %dma_start3A_163 = arith.constant 0 : i32
      %dma_start3A_164 = arith.constant 0 : i32
      %dma_start3A_165 = tpu.memref_slice %arg8[%dma_start3A_163, %dma_start3A_164] : memref<100000x16xf32, #tpu.memory_space<vmem_shared>> -> memref<100000x16xf32, #tpu.memory_space<vmem_shared>>
      tpu.enqueue_indirect_dma source(%dma_start3A_159 : memref<128x16xf32, #tpu.memory_space<vmem>>) target(%dma_start3A_165 : memref<100000x16xf32, #tpu.memory_space<vmem_shared>>) offsets(%dma_start3A_162 : memref<128xi32, #tpu.memory_space<vmem>>) semaphore(%arg9 : memref<!tpu.dma_semaphore, #tpu.memory_space<semaphore_mem>>) {add = true}
      %dma_start3A_166 = arith.constant 9 : i32
      %dma_start3A_167 = arith.constant 9 : i32
      %dma_start3A_168 = arith.constant 0 : i32
      %dma_start3A_169 = arith.constant 0 : i32
      %dma_start3A_170 = tpu.memref_slice %arg7[%dma_start3A_166, %dma_start3A_168, %dma_start3A_169] : memref<12x128x16xf32, #tpu.memory_space<vmem>> -> memref<1x128x16xf32, #tpu.memory_space<vmem>>
      %dma_start3A_171 = tpu.memref_squeeze %dma_start3A_170 : memref<1x128x16xf32, #tpu.memory_space<vmem>> -> memref<128x16xf32, #tpu.memory_space<vmem>>
      %dma_start3A_172 = arith.constant 0 : i32
      %dma_start3A_173 = tpu.memref_slice %arg6[%dma_start3A_167, %dma_start3A_172] : memref<12x128xi32, #tpu.memory_space<vmem>> -> memref<1x128xi32, #tpu.memory_space<vmem>>
      %dma_start3A_174 = tpu.memref_squeeze %dma_start3A_173 : memref<1x128xi32, #tpu.memory_space<vmem>> -> memref<128xi32, #tpu.memory_space<vmem>>
      %dma_start3A_175 = arith.constant 0 : i32
      %dma_start3A_176 = arith.constant 0 : i32
      %dma_start3A_177 = tpu.memref_slice %arg8[%dma_start3A_175, %dma_start3A_176] : memref<100000x16xf32, #tpu.memory_space<vmem_shared>> -> memref<100000x16xf32, #tpu.memory_space<vmem_shared>>
      tpu.enqueue_indirect_dma source(%dma_start3A_171 : memref<128x16xf32, #tpu.memory_space<vmem>>) target(%dma_start3A_177 : memref<100000x16xf32, #tpu.memory_space<vmem_shared>>) offsets(%dma_start3A_174 : memref<128xi32, #tpu.memory_space<vmem>>) semaphore(%arg9 : memref<!tpu.dma_semaphore, #tpu.memory_space<semaphore_mem>>) {add = true}
      %dma_start3A_178 = arith.constant 10 : i32
      %dma_start3A_179 = arith.constant 10 : i32
      %dma_start3A_180 = arith.constant 0 : i32
      %dma_start3A_181 = arith.constant 0 : i32
      %dma_start3A_182 = tpu.memref_slice %arg7[%dma_start3A_178, %dma_start3A_180, %dma_start3A_181] : memref<12x128x16xf32, #tpu.memory_space<vmem>> -> memref<1x128x16xf32, #tpu.memory_space<vmem>>
      %dma_start3A_183 = tpu.memref_squeeze %dma_start3A_182 : memref<1x128x16xf32, #tpu.memory_space<vmem>> -> memref<128x16xf32, #tpu.memory_space<vmem>>
      %dma_start3A_184 = arith.constant 0 : i32
      %dma_start3A_185 = tpu.memref_slice %arg6[%dma_start3A_179, %dma_start3A_184] : memref<12x128xi32, #tpu.memory_space<vmem>> -> memref<1x128xi32, #tpu.memory_space<vmem>>
      %dma_start3A_186 = tpu.memref_squeeze %dma_start3A_185 : memref<1x128xi32, #tpu.memory_space<vmem>> -> memref<128xi32, #tpu.memory_space<vmem>>
      %dma_start3A_187 = arith.constant 0 : i32
      %dma_start3A_188 = arith.constant 0 : i32
      %dma_start3A_189 = tpu.memref_slice %arg8[%dma_start3A_187, %dma_start3A_188] : memref<100000x16xf32, #tpu.memory_space<vmem_shared>> -> memref<100000x16xf32, #tpu.memory_space<vmem_shared>>
      tpu.enqueue_indirect_dma source(%dma_start3A_183 : memref<128x16xf32, #tpu.memory_space<vmem>>) target(%dma_start3A_189 : memref<100000x16xf32, #tpu.memory_space<vmem_shared>>) offsets(%dma_start3A_186 : memref<128xi32, #tpu.memory_space<vmem>>) semaphore(%arg9 : memref<!tpu.dma_semaphore, #tpu.memory_space<semaphore_mem>>) {add = true}
      %dma_start3A_190 = arith.constant 11 : i32
      %dma_start3A_191 = arith.constant 11 : i32
      %dma_start3A_192 = arith.constant 0 : i32
      %dma_start3A_193 = arith.constant 0 : i32
      %dma_start3A_194 = tpu.memref_slice %arg7[%dma_start3A_190, %dma_start3A_192, %dma_start3A_193] : memref<12x128x16xf32, #tpu.memory_space<vmem>> -> memref<1x128x16xf32, #tpu.memory_space<vmem>>
      %dma_start3A_195 = tpu.memref_squeeze %dma_start3A_194 : memref<1x128x16xf32, #tpu.memory_space<vmem>> -> memref<128x16xf32, #tpu.memory_space<vmem>>
      %dma_start3A_196 = arith.constant 0 : i32
      %dma_start3A_197 = tpu.memref_slice %arg6[%dma_start3A_191, %dma_start3A_196] : memref<12x128xi32, #tpu.memory_space<vmem>> -> memref<1x128xi32, #tpu.memory_space<vmem>>
      %dma_start3A_198 = tpu.memref_squeeze %dma_start3A_197 : memref<1x128xi32, #tpu.memory_space<vmem>> -> memref<128xi32, #tpu.memory_space<vmem>>
      %dma_start3A_199 = arith.constant 0 : i32
      %dma_start3A_200 = arith.constant 0 : i32
      %dma_start3A_201 = tpu.memref_slice %arg8[%dma_start3A_199, %dma_start3A_200] : memref<100000x16xf32, #tpu.memory_space<vmem_shared>> -> memref<100000x16xf32, #tpu.memory_space<vmem_shared>>
      tpu.enqueue_indirect_dma source(%dma_start3A_195 : memref<128x16xf32, #tpu.memory_space<vmem>>) target(%dma_start3A_201 : memref<100000x16xf32, #tpu.memory_space<vmem_shared>>) offsets(%dma_start3A_198 : memref<128xi32, #tpu.memory_space<vmem>>) semaphore(%arg9 : memref<!tpu.dma_semaphore, #tpu.memory_space<semaphore_mem>>) {add = true}
      %dma_wait3A = arith.constant 0 : i32
      %dma_wait3A_202 = arith.constant 0 : i32
      %dma_wait3A_203 = arith.constant 0 : i32
      %dma_wait3A_204 = arith.constant 0 : i32
      %dma_wait3A_205 = tpu.memref_slice %arg7[%dma_wait3A, %dma_wait3A_203, %dma_wait3A_204] : memref<12x128x16xf32, #tpu.memory_space<vmem>> -> memref<1x128x16xf32, #tpu.memory_space<vmem>>
      %dma_wait3A_206 = tpu.memref_squeeze %dma_wait3A_205 : memref<1x128x16xf32, #tpu.memory_space<vmem>> -> memref<128x16xf32, #tpu.memory_space<vmem>>
      %dma_wait3A_207 = arith.constant 0 : i32
      %dma_wait3A_208 = tpu.memref_slice %arg6[%dma_wait3A_202, %dma_wait3A_207] : memref<12x128xi32, #tpu.memory_space<vmem>> -> memref<1x128xi32, #tpu.memory_space<vmem>>
      %dma_wait3A_209 = tpu.memref_squeeze %dma_wait3A_208 : memref<1x128xi32, #tpu.memory_space<vmem>> -> memref<128xi32, #tpu.memory_space<vmem>>
      %dma_wait3A_210 = arith.constant 0 : i32
      %dma_wait3A_211 = arith.constant 0 : i32
      %dma_wait3A_212 = tpu.memref_slice %arg8[%dma_wait3A_210, %dma_wait3A_211] : memref<100000x16xf32, #tpu.memory_space<vmem_shared>> -> memref<100000x16xf32, #tpu.memory_space<vmem_shared>>
      tpu.wait_indirect_dma semaphore(%arg9 : memref<!tpu.dma_semaphore, #tpu.memory_space<semaphore_mem>>) src(%dma_wait3A_206 : memref<128x16xf32, #tpu.memory_space<vmem>>) dst(%dma_wait3A_212 : memref<100000x16xf32, #tpu.memory_space<vmem_shared>>)
      %dma_wait3A_213 = arith.constant 1 : i32
      %dma_wait3A_214 = arith.constant 1 : i32
      %dma_wait3A_215 = arith.constant 0 : i32
      %dma_wait3A_216 = arith.constant 0 : i32
      %dma_wait3A_217 = tpu.memref_slice %arg7[%dma_wait3A_213, %dma_wait3A_215, %dma_wait3A_216] : memref<12x128x16xf32, #tpu.memory_space<vmem>> -> memref<1x128x16xf32, #tpu.memory_space<vmem>>
      %dma_wait3A_218 = tpu.memref_squeeze %dma_wait3A_217 : memref<1x128x16xf32, #tpu.memory_space<vmem>> -> memref<128x16xf32, #tpu.memory_space<vmem>>
      %dma_wait3A_219 = arith.constant 0 : i32
      %dma_wait3A_220 = tpu.memref_slice %arg6[%dma_wait3A_214, %dma_wait3A_219] : memref<12x128xi32, #tpu.memory_space<vmem>> -> memref<1x128xi32, #tpu.memory_space<vmem>>
      %dma_wait3A_221 = tpu.memref_squeeze %dma_wait3A_220 : memref<1x128xi32, #tpu.memory_space<vmem>> -> memref<128xi32, #tpu.memory_space<vmem>>
      %dma_wait3A_222 = arith.constant 0 : i32
      %dma_wait3A_223 = arith.constant 0 : i32
      %dma_wait3A_224 = tpu.memref_slice %arg8[%dma_wait3A_222, %dma_wait3A_223] : memref<100000x16xf32, #tpu.memory_space<vmem_shared>> -> memref<100000x16xf32, #tpu.memory_space<vmem_shared>>
      tpu.wait_indirect_dma semaphore(%arg9 : memref<!tpu.dma_semaphore, #tpu.memory_space<semaphore_mem>>) src(%dma_wait3A_218 : memref<128x16xf32, #tpu.memory_space<vmem>>) dst(%dma_wait3A_224 : memref<100000x16xf32, #tpu.memory_space<vmem_shared>>)
      %dma_wait3A_225 = arith.constant 2 : i32
      %dma_wait3A_226 = arith.constant 2 : i32
      %dma_wait3A_227 = arith.constant 0 : i32
      %dma_wait3A_228 = arith.constant 0 : i32
      %dma_wait3A_229 = tpu.memref_slice %arg7[%dma_wait3A_225, %dma_wait3A_227, %dma_wait3A_228] : memref<12x128x16xf32, #tpu.memory_space<vmem>> -> memref<1x128x16xf32, #tpu.memory_space<vmem>>
      %dma_wait3A_230 = tpu.memref_squeeze %dma_wait3A_229 : memref<1x128x16xf32, #tpu.memory_space<vmem>> -> memref<128x16xf32, #tpu.memory_space<vmem>>
      %dma_wait3A_231 = arith.constant 0 : i32
      %dma_wait3A_232 = tpu.memref_slice %arg6[%dma_wait3A_226, %dma_wait3A_231] : memref<12x128xi32, #tpu.memory_space<vmem>> -> memref<1x128xi32, #tpu.memory_space<vmem>>
      %dma_wait3A_233 = tpu.memref_squeeze %dma_wait3A_232 : memref<1x128xi32, #tpu.memory_space<vmem>> -> memref<128xi32, #tpu.memory_space<vmem>>
      %dma_wait3A_234 = arith.constant 0 : i32
      %dma_wait3A_235 = arith.constant 0 : i32
      %dma_wait3A_236 = tpu.memref_slice %arg8[%dma_wait3A_234, %dma_wait3A_235] : memref<100000x16xf32, #tpu.memory_space<vmem_shared>> -> memref<100000x16xf32, #tpu.memory_space<vmem_shared>>
      tpu.wait_indirect_dma semaphore(%arg9 : memref<!tpu.dma_semaphore, #tpu.memory_space<semaphore_mem>>) src(%dma_wait3A_230 : memref<128x16xf32, #tpu.memory_space<vmem>>) dst(%dma_wait3A_236 : memref<100000x16xf32, #tpu.memory_space<vmem_shared>>)
      %dma_wait3A_237 = arith.constant 3 : i32
      %dma_wait3A_238 = arith.constant 3 : i32
      %dma_wait3A_239 = arith.constant 0 : i32
      %dma_wait3A_240 = arith.constant 0 : i32
      %dma_wait3A_241 = tpu.memref_slice %arg7[%dma_wait3A_237, %dma_wait3A_239, %dma_wait3A_240] : memref<12x128x16xf32, #tpu.memory_space<vmem>> -> memref<1x128x16xf32, #tpu.memory_space<vmem>>
      %dma_wait3A_242 = tpu.memref_squeeze %dma_wait3A_241 : memref<1x128x16xf32, #tpu.memory_space<vmem>> -> memref<128x16xf32, #tpu.memory_space<vmem>>
      %dma_wait3A_243 = arith.constant 0 : i32
      %dma_wait3A_244 = tpu.memref_slice %arg6[%dma_wait3A_238, %dma_wait3A_243] : memref<12x128xi32, #tpu.memory_space<vmem>> -> memref<1x128xi32, #tpu.memory_space<vmem>>
      %dma_wait3A_245 = tpu.memref_squeeze %dma_wait3A_244 : memref<1x128xi32, #tpu.memory_space<vmem>> -> memref<128xi32, #tpu.memory_space<vmem>>
      %dma_wait3A_246 = arith.constant 0 : i32
      %dma_wait3A_247 = arith.constant 0 : i32
      %dma_wait3A_248 = tpu.memref_slice %arg8[%dma_wait3A_246, %dma_wait3A_247] : memref<100000x16xf32, #tpu.memory_space<vmem_shared>> -> memref<100000x16xf32, #tpu.memory_space<vmem_shared>>
      tpu.wait_indirect_dma semaphore(%arg9 : memref<!tpu.dma_semaphore, #tpu.memory_space<semaphore_mem>>) src(%dma_wait3A_242 : memref<128x16xf32, #tpu.memory_space<vmem>>) dst(%dma_wait3A_248 : memref<100000x16xf32, #tpu.memory_space<vmem_shared>>)
      %dma_wait3A_249 = arith.constant 4 : i32
      %dma_wait3A_250 = arith.constant 4 : i32
      %dma_wait3A_251 = arith.constant 0 : i32
      %dma_wait3A_252 = arith.constant 0 : i32
      %dma_wait3A_253 = tpu.memref_slice %arg7[%dma_wait3A_249, %dma_wait3A_251, %dma_wait3A_252] : memref<12x128x16xf32, #tpu.memory_space<vmem>> -> memref<1x128x16xf32, #tpu.memory_space<vmem>>
      %dma_wait3A_254 = tpu.memref_squeeze %dma_wait3A_253 : memref<1x128x16xf32, #tpu.memory_space<vmem>> -> memref<128x16xf32, #tpu.memory_space<vmem>>
      %dma_wait3A_255 = arith.constant 0 : i32
      %dma_wait3A_256 = tpu.memref_slice %arg6[%dma_wait3A_250, %dma_wait3A_255] : memref<12x128xi32, #tpu.memory_space<vmem>> -> memref<1x128xi32, #tpu.memory_space<vmem>>
      %dma_wait3A_257 = tpu.memref_squeeze %dma_wait3A_256 : memref<1x128xi32, #tpu.memory_space<vmem>> -> memref<128xi32, #tpu.memory_space<vmem>>
      %dma_wait3A_258 = arith.constant 0 : i32
      %dma_wait3A_259 = arith.constant 0 : i32
      %dma_wait3A_260 = tpu.memref_slice %arg8[%dma_wait3A_258, %dma_wait3A_259] : memref<100000x16xf32, #tpu.memory_space<vmem_shared>> -> memref<100000x16xf32, #tpu.memory_space<vmem_shared>>
      tpu.wait_indirect_dma semaphore(%arg9 : memref<!tpu.dma_semaphore, #tpu.memory_space<semaphore_mem>>) src(%dma_wait3A_254 : memref<128x16xf32, #tpu.memory_space<vmem>>) dst(%dma_wait3A_260 : memref<100000x16xf32, #tpu.memory_space<vmem_shared>>)
      %dma_wait3A_261 = arith.constant 5 : i32
      %dma_wait3A_262 = arith.constant 5 : i32
      %dma_wait3A_263 = arith.constant 0 : i32
      %dma_wait3A_264 = arith.constant 0 : i32
      %dma_wait3A_265 = tpu.memref_slice %arg7[%dma_wait3A_261, %dma_wait3A_263, %dma_wait3A_264] : memref<12x128x16xf32, #tpu.memory_space<vmem>> -> memref<1x128x16xf32, #tpu.memory_space<vmem>>
      %dma_wait3A_266 = tpu.memref_squeeze %dma_wait3A_265 : memref<1x128x16xf32, #tpu.memory_space<vmem>> -> memref<128x16xf32, #tpu.memory_space<vmem>>
      %dma_wait3A_267 = arith.constant 0 : i32
      %dma_wait3A_268 = tpu.memref_slice %arg6[%dma_wait3A_262, %dma_wait3A_267] : memref<12x128xi32, #tpu.memory_space<vmem>> -> memref<1x128xi32, #tpu.memory_space<vmem>>
      %dma_wait3A_269 = tpu.memref_squeeze %dma_wait3A_268 : memref<1x128xi32, #tpu.memory_space<vmem>> -> memref<128xi32, #tpu.memory_space<vmem>>
      %dma_wait3A_270 = arith.constant 0 : i32
      %dma_wait3A_271 = arith.constant 0 : i32
      %dma_wait3A_272 = tpu.memref_slice %arg8[%dma_wait3A_270, %dma_wait3A_271] : memref<100000x16xf32, #tpu.memory_space<vmem_shared>> -> memref<100000x16xf32, #tpu.memory_space<vmem_shared>>
      tpu.wait_indirect_dma semaphore(%arg9 : memref<!tpu.dma_semaphore, #tpu.memory_space<semaphore_mem>>) src(%dma_wait3A_266 : memref<128x16xf32, #tpu.memory_space<vmem>>) dst(%dma_wait3A_272 : memref<100000x16xf32, #tpu.memory_space<vmem_shared>>)
      %dma_wait3A_273 = arith.constant 6 : i32
      %dma_wait3A_274 = arith.constant 6 : i32
      %dma_wait3A_275 = arith.constant 0 : i32
      %dma_wait3A_276 = arith.constant 0 : i32
      %dma_wait3A_277 = tpu.memref_slice %arg7[%dma_wait3A_273, %dma_wait3A_275, %dma_wait3A_276] : memref<12x128x16xf32, #tpu.memory_space<vmem>> -> memref<1x128x16xf32, #tpu.memory_space<vmem>>
      %dma_wait3A_278 = tpu.memref_squeeze %dma_wait3A_277 : memref<1x128x16xf32, #tpu.memory_space<vmem>> -> memref<128x16xf32, #tpu.memory_space<vmem>>
      %dma_wait3A_279 = arith.constant 0 : i32
      %dma_wait3A_280 = tpu.memref_slice %arg6[%dma_wait3A_274, %dma_wait3A_279] : memref<12x128xi32, #tpu.memory_space<vmem>> -> memref<1x128xi32, #tpu.memory_space<vmem>>
      %dma_wait3A_281 = tpu.memref_squeeze %dma_wait3A_280 : memref<1x128xi32, #tpu.memory_space<vmem>> -> memref<128xi32, #tpu.memory_space<vmem>>
      %dma_wait3A_282 = arith.constant 0 : i32
      %dma_wait3A_283 = arith.constant 0 : i32
      %dma_wait3A_284 = tpu.memref_slice %arg8[%dma_wait3A_282, %dma_wait3A_283] : memref<100000x16xf32, #tpu.memory_space<vmem_shared>> -> memref<100000x16xf32, #tpu.memory_space<vmem_shared>>
      tpu.wait_indirect_dma semaphore(%arg9 : memref<!tpu.dma_semaphore, #tpu.memory_space<semaphore_mem>>) src(%dma_wait3A_278 : memref<128x16xf32, #tpu.memory_space<vmem>>) dst(%dma_wait3A_284 : memref<100000x16xf32, #tpu.memory_space<vmem_shared>>)
      %dma_wait3A_285 = arith.constant 7 : i32
      %dma_wait3A_286 = arith.constant 7 : i32
      %dma_wait3A_287 = arith.constant 0 : i32
      %dma_wait3A_288 = arith.constant 0 : i32
      %dma_wait3A_289 = tpu.memref_slice %arg7[%dma_wait3A_285, %dma_wait3A_287, %dma_wait3A_288] : memref<12x128x16xf32, #tpu.memory_space<vmem>> -> memref<1x128x16xf32, #tpu.memory_space<vmem>>
      %dma_wait3A_290 = tpu.memref_squeeze %dma_wait3A_289 : memref<1x128x16xf32, #tpu.memory_space<vmem>> -> memref<128x16xf32, #tpu.memory_space<vmem>>
      %dma_wait3A_291 = arith.constant 0 : i32
      %dma_wait3A_292 = tpu.memref_slice %arg6[%dma_wait3A_286, %dma_wait3A_291] : memref<12x128xi32, #tpu.memory_space<vmem>> -> memref<1x128xi32, #tpu.memory_space<vmem>>
      %dma_wait3A_293 = tpu.memref_squeeze %dma_wait3A_292 : memref<1x128xi32, #tpu.memory_space<vmem>> -> memref<128xi32, #tpu.memory_space<vmem>>
      %dma_wait3A_294 = arith.constant 0 : i32
      %dma_wait3A_295 = arith.constant 0 : i32
      %dma_wait3A_296 = tpu.memref_slice %arg8[%dma_wait3A_294, %dma_wait3A_295] : memref<100000x16xf32, #tpu.memory_space<vmem_shared>> -> memref<100000x16xf32, #tpu.memory_space<vmem_shared>>
      tpu.wait_indirect_dma semaphore(%arg9 : memref<!tpu.dma_semaphore, #tpu.memory_space<semaphore_mem>>) src(%dma_wait3A_290 : memref<128x16xf32, #tpu.memory_space<vmem>>) dst(%dma_wait3A_296 : memref<100000x16xf32, #tpu.memory_space<vmem_shared>>)
      %dma_wait3A_297 = arith.constant 8 : i32
      %dma_wait3A_298 = arith.constant 8 : i32
      %dma_wait3A_299 = arith.constant 0 : i32
      %dma_wait3A_300 = arith.constant 0 : i32
      %dma_wait3A_301 = tpu.memref_slice %arg7[%dma_wait3A_297, %dma_wait3A_299, %dma_wait3A_300] : memref<12x128x16xf32, #tpu.memory_space<vmem>> -> memref<1x128x16xf32, #tpu.memory_space<vmem>>
      %dma_wait3A_302 = tpu.memref_squeeze %dma_wait3A_301 : memref<1x128x16xf32, #tpu.memory_space<vmem>> -> memref<128x16xf32, #tpu.memory_space<vmem>>
      %dma_wait3A_303 = arith.constant 0 : i32
      %dma_wait3A_304 = tpu.memref_slice %arg6[%dma_wait3A_298, %dma_wait3A_303] : memref<12x128xi32, #tpu.memory_space<vmem>> -> memref<1x128xi32, #tpu.memory_space<vmem>>
      %dma_wait3A_305 = tpu.memref_squeeze %dma_wait3A_304 : memref<1x128xi32, #tpu.memory_space<vmem>> -> memref<128xi32, #tpu.memory_space<vmem>>
      %dma_wait3A_306 = arith.constant 0 : i32
      %dma_wait3A_307 = arith.constant 0 : i32
      %dma_wait3A_308 = tpu.memref_slice %arg8[%dma_wait3A_306, %dma_wait3A_307] : memref<100000x16xf32, #tpu.memory_space<vmem_shared>> -> memref<100000x16xf32, #tpu.memory_space<vmem_shared>>
      tpu.wait_indirect_dma semaphore(%arg9 : memref<!tpu.dma_semaphore, #tpu.memory_space<semaphore_mem>>) src(%dma_wait3A_302 : memref<128x16xf32, #tpu.memory_space<vmem>>) dst(%dma_wait3A_308 : memref<100000x16xf32, #tpu.memory_space<vmem_shared>>)
      %dma_wait3A_309 = arith.constant 9 : i32
      %dma_wait3A_310 = arith.constant 9 : i32
      %dma_wait3A_311 = arith.constant 0 : i32
      %dma_wait3A_312 = arith.constant 0 : i32
      %dma_wait3A_313 = tpu.memref_slice %arg7[%dma_wait3A_309, %dma_wait3A_311, %dma_wait3A_312] : memref<12x128x16xf32, #tpu.memory_space<vmem>> -> memref<1x128x16xf32, #tpu.memory_space<vmem>>
      %dma_wait3A_314 = tpu.memref_squeeze %dma_wait3A_313 : memref<1x128x16xf32, #tpu.memory_space<vmem>> -> memref<128x16xf32, #tpu.memory_space<vmem>>
      %dma_wait3A_315 = arith.constant 0 : i32
      %dma_wait3A_316 = tpu.memref_slice %arg6[%dma_wait3A_310, %dma_wait3A_315] : memref<12x128xi32, #tpu.memory_space<vmem>> -> memref<1x128xi32, #tpu.memory_space<vmem>>
      %dma_wait3A_317 = tpu.memref_squeeze %dma_wait3A_316 : memref<1x128xi32, #tpu.memory_space<vmem>> -> memref<128xi32, #tpu.memory_space<vmem>>
      %dma_wait3A_318 = arith.constant 0 : i32
      %dma_wait3A_319 = arith.constant 0 : i32
      %dma_wait3A_320 = tpu.memref_slice %arg8[%dma_wait3A_318, %dma_wait3A_319] : memref<100000x16xf32, #tpu.memory_space<vmem_shared>> -> memref<100000x16xf32, #tpu.memory_space<vmem_shared>>
      tpu.wait_indirect_dma semaphore(%arg9 : memref<!tpu.dma_semaphore, #tpu.memory_space<semaphore_mem>>) src(%dma_wait3A_314 : memref<128x16xf32, #tpu.memory_space<vmem>>) dst(%dma_wait3A_320 : memref<100000x16xf32, #tpu.memory_space<vmem_shared>>)
      %dma_wait3A_321 = arith.constant 10 : i32
      %dma_wait3A_322 = arith.constant 10 : i32
      %dma_wait3A_323 = arith.constant 0 : i32
      %dma_wait3A_324 = arith.constant 0 : i32
      %dma_wait3A_325 = tpu.memref_slice %arg7[%dma_wait3A_321, %dma_wait3A_323, %dma_wait3A_324] : memref<12x128x16xf32, #tpu.memory_space<vmem>> -> memref<1x128x16xf32, #tpu.memory_space<vmem>>
      %dma_wait3A_326 = tpu.memref_squeeze %dma_wait3A_325 : memref<1x128x16xf32, #tpu.memory_space<vmem>> -> memref<128x16xf32, #tpu.memory_space<vmem>>
      %dma_wait3A_327 = arith.constant 0 : i32
      %dma_wait3A_328 = tpu.memref_slice %arg6[%dma_wait3A_322, %dma_wait3A_327] : memref<12x128xi32, #tpu.memory_space<vmem>> -> memref<1x128xi32, #tpu.memory_space<vmem>>
      %dma_wait3A_329 = tpu.memref_squeeze %dma_wait3A_328 : memref<1x128xi32, #tpu.memory_space<vmem>> -> memref<128xi32, #tpu.memory_space<vmem>>
      %dma_wait3A_330 = arith.constant 0 : i32
      %dma_wait3A_331 = arith.constant 0 : i32
      %dma_wait3A_332 = tpu.memref_slice %arg8[%dma_wait3A_330, %dma_wait3A_331] : memref<100000x16xf32, #tpu.memory_space<vmem_shared>> -> memref<100000x16xf32, #tpu.memory_space<vmem_shared>>
      tpu.wait_indirect_dma semaphore(%arg9 : memref<!tpu.dma_semaphore, #tpu.memory_space<semaphore_mem>>) src(%dma_wait3A_326 : memref<128x16xf32, #tpu.memory_space<vmem>>) dst(%dma_wait3A_332 : memref<100000x16xf32, #tpu.memory_space<vmem_shared>>)
      %dma_wait3A_333 = arith.constant 11 : i32
      %dma_wait3A_334 = arith.constant 11 : i32
      %dma_wait3A_335 = arith.constant 0 : i32
      %dma_wait3A_336 = arith.constant 0 : i32
      %dma_wait3A_337 = tpu.memref_slice %arg7[%dma_wait3A_333, %dma_wait3A_335, %dma_wait3A_336] : memref<12x128x16xf32, #tpu.memory_space<vmem>> -> memref<1x128x16xf32, #tpu.memory_space<vmem>>
      %dma_wait3A_338 = tpu.memref_squeeze %dma_wait3A_337 : memref<1x128x16xf32, #tpu.memory_space<vmem>> -> memref<128x16xf32, #tpu.memory_space<vmem>>
      %dma_wait3A_339 = arith.constant 0 : i32
      %dma_wait3A_340 = tpu.memref_slice %arg6[%dma_wait3A_334, %dma_wait3A_339] : memref<12x128xi32, #tpu.memory_space<vmem>> -> memref<1x128xi32, #tpu.memory_space<vmem>>
      %dma_wait3A_341 = tpu.memref_squeeze %dma_wait3A_340 : memref<1x128xi32, #tpu.memory_space<vmem>> -> memref<128xi32, #tpu.memory_space<vmem>>
      %dma_wait3A_342 = arith.constant 0 : i32
      %dma_wait3A_343 = arith.constant 0 : i32
      %dma_wait3A_344 = tpu.memref_slice %arg8[%dma_wait3A_342, %dma_wait3A_343] : memref<100000x16xf32, #tpu.memory_space<vmem_shared>> -> memref<100000x16xf32, #tpu.memory_space<vmem_shared>>
      tpu.wait_indirect_dma semaphore(%arg9 : memref<!tpu.dma_semaphore, #tpu.memory_space<semaphore_mem>>) src(%dma_wait3A_338 : memref<128x16xf32, #tpu.memory_space<vmem>>) dst(%dma_wait3A_344 : memref<100000x16xf32, #tpu.memory_space<vmem_shared>>)
    }
    %while3A_36 = arith.constant 1 : i32
    scf.for %while3A_55 = %while3A_34 to %while3A_30 step %while3A_36  : i32 {
      %mul3A_56 = arith.constant 12 : i32
      %mul3A_57 = arith.muli %while3A_55, %mul3A_56 : i32
      %add3A_58 = arith.addi %add3A_7, %mul3A_57 : i32
      "tpu.region"() ({
        %run_scoped3A = tpu.sem_alloc : memref<!tpu.dma_semaphore, #tpu.memory_space<semaphore_mem>>
        %dma_start3A_345 = arith.constant 0 : i32
        %dma_start3A_346 = tpu.memref_slice %arg3[%add3A_58, %dma_start3A_345] : memref<12500x128xi32, #tpu.memory_space<hbm>> -> memref<12x128xi32, #tpu.memory_space<hbm>>
        %dma_start3A_347 = arith.constant 0 : i32
        %dma_start3A_348 = tpu.memref_slice %arg3[%add3A_58, %dma_start3A_347] : memref<12500x128xi32, #tpu.memory_space<hbm>> -> memref<12x128xi32, #tpu.memory_space<hbm>>
        tpu.enqueue_dma source(%dma_start3A_348 : memref<12x128xi32, #tpu.memory_space<hbm>>) target(%arg6 : memref<12x128xi32, #tpu.memory_space<vmem>>) target_semaphore(%run_scoped3A : memref<!tpu.dma_semaphore, #tpu.memory_space<semaphore_mem>>)
        %dma_wait3A_349 = arith.constant 0 : i32
        %dma_wait3A_350 = tpu.memref_slice %arg3[%add3A_58, %dma_wait3A_349] : memref<12500x128xi32, #tpu.memory_space<hbm>> -> memref<12x128xi32, #tpu.memory_space<hbm>>
        %dma_wait3A_351 = arith.constant 0 : i32
        %dma_wait3A_352 = tpu.memref_slice %arg3[%add3A_58, %dma_wait3A_351] : memref<12500x128xi32, #tpu.memory_space<hbm>> -> memref<12x128xi32, #tpu.memory_space<hbm>>
        tpu.wait_dma2 semaphore(%run_scoped3A : memref<!tpu.dma_semaphore, #tpu.memory_space<semaphore_mem>>) src(%dma_wait3A_352 : memref<12x128xi32, #tpu.memory_space<hbm>>) dst(%arg6 : memref<12x128xi32, #tpu.memory_space<vmem>>)
        tpu.yield
      }) : () -> ()
      "tpu.region"() ({
        %run_scoped3A = tpu.sem_alloc : memref<!tpu.dma_semaphore, #tpu.memory_space<semaphore_mem>>
        %dma_start3A_345 = arith.constant 0 : i32
        %dma_start3A_346 = arith.constant 0 : i32
        %dma_start3A_347 = tpu.memref_slice %arg2[%add3A_58, %dma_start3A_345, %dma_start3A_346] : memref<12500x128x16xf32, #tpu.memory_space<hbm>> -> memref<12x128x16xf32, #tpu.memory_space<hbm>>
        %dma_start3A_348 = arith.constant 0 : i32
        %dma_start3A_349 = arith.constant 0 : i32
        %dma_start3A_350 = tpu.memref_slice %arg2[%add3A_58, %dma_start3A_348, %dma_start3A_349] : memref<12500x128x16xf32, #tpu.memory_space<hbm>> -> memref<12x128x16xf32, #tpu.memory_space<hbm>>
        tpu.enqueue_dma source(%dma_start3A_350 : memref<12x128x16xf32, #tpu.memory_space<hbm>>) target(%arg7 : memref<12x128x16xf32, #tpu.memory_space<vmem>>) target_semaphore(%run_scoped3A : memref<!tpu.dma_semaphore, #tpu.memory_space<semaphore_mem>>)
        %dma_wait3A_351 = arith.constant 0 : i32
        %dma_wait3A_352 = arith.constant 0 : i32
        %dma_wait3A_353 = tpu.memref_slice %arg2[%add3A_58, %dma_wait3A_351, %dma_wait3A_352] : memref<12500x128x16xf32, #tpu.memory_space<hbm>> -> memref<12x128x16xf32, #tpu.memory_space<hbm>>
        %dma_wait3A_354 = arith.constant 0 : i32
        %dma_wait3A_355 = arith.constant 0 : i32
        %dma_wait3A_356 = tpu.memref_slice %arg2[%add3A_58, %dma_wait3A_354, %dma_wait3A_355] : memref<12500x128x16xf32, #tpu.memory_space<hbm>> -> memref<12x128x16xf32, #tpu.memory_space<hbm>>
        tpu.wait_dma2 semaphore(%run_scoped3A : memref<!tpu.dma_semaphore, #tpu.memory_space<semaphore_mem>>) src(%dma_wait3A_356 : memref<12x128x16xf32, #tpu.memory_space<hbm>>) dst(%arg7 : memref<12x128x16xf32, #tpu.memory_space<vmem>>)
        tpu.yield
      }) : () -> ()
      %dma_start3A = arith.constant 0 : i32
      %dma_start3A_59 = arith.constant 0 : i32
      %dma_start3A_60 = arith.constant 0 : i32
      %dma_start3A_61 = arith.constant 0 : i32
      %dma_start3A_62 = tpu.memref_slice %arg7[%dma_start3A, %dma_start3A_60, %dma_start3A_61] : memref<12x128x16xf32, #tpu.memory_space<vmem>> -> memref<1x128x16xf32, #tpu.memory_space<vmem>>
      %dma_start3A_63 = tpu.memref_squeeze %dma_start3A_62 : memref<1x128x16xf32, #tpu.memory_space<vmem>> -> memref<128x16xf32, #tpu.memory_space<vmem>>
      %dma_start3A_64 = arith.constant 0 : i32
      %dma_start3A_65 = tpu.memref_slice %arg6[%dma_start3A_59, %dma_start3A_64] : memref<12x128xi32, #tpu.memory_space<vmem>> -> memref<1x128xi32, #tpu.memory_space<vmem>>
      %dma_start3A_66 = tpu.memref_squeeze %dma_start3A_65 : memref<1x128xi32, #tpu.memory_space<vmem>> -> memref<128xi32, #tpu.memory_space<vmem>>
      %dma_start3A_67 = arith.constant 0 : i32
      %dma_start3A_68 = arith.constant 0 : i32
      %dma_start3A_69 = tpu.memref_slice %arg8[%dma_start3A_67, %dma_start3A_68] : memref<100000x16xf32, #tpu.memory_space<vmem_shared>> -> memref<100000x16xf32, #tpu.memory_space<vmem_shared>>
      tpu.enqueue_indirect_dma source(%dma_start3A_63 : memref<128x16xf32, #tpu.memory_space<vmem>>) target(%dma_start3A_69 : memref<100000x16xf32, #tpu.memory_space<vmem_shared>>) offsets(%dma_start3A_66 : memref<128xi32, #tpu.memory_space<vmem>>) semaphore(%arg9 : memref<!tpu.dma_semaphore, #tpu.memory_space<semaphore_mem>>) {add = true}
      %dma_start3A_70 = arith.constant 1 : i32
      %dma_start3A_71 = arith.constant 1 : i32
      %dma_start3A_72 = arith.constant 0 : i32
      %dma_start3A_73 = arith.constant 0 : i32
      %dma_start3A_74 = tpu.memref_slice %arg7[%dma_start3A_70, %dma_start3A_72, %dma_start3A_73] : memref<12x128x16xf32, #tpu.memory_space<vmem>> -> memref<1x128x16xf32, #tpu.memory_space<vmem>>
      %dma_start3A_75 = tpu.memref_squeeze %dma_start3A_74 : memref<1x128x16xf32, #tpu.memory_space<vmem>> -> memref<128x16xf32, #tpu.memory_space<vmem>>
      %dma_start3A_76 = arith.constant 0 : i32
      %dma_start3A_77 = tpu.memref_slice %arg6[%dma_start3A_71, %dma_start3A_76] : memref<12x128xi32, #tpu.memory_space<vmem>> -> memref<1x128xi32, #tpu.memory_space<vmem>>
      %dma_start3A_78 = tpu.memref_squeeze %dma_start3A_77 : memref<1x128xi32, #tpu.memory_space<vmem>> -> memref<128xi32, #tpu.memory_space<vmem>>
      %dma_start3A_79 = arith.constant 0 : i32
      %dma_start3A_80 = arith.constant 0 : i32
      %dma_start3A_81 = tpu.memref_slice %arg8[%dma_start3A_79, %dma_start3A_80] : memref<100000x16xf32, #tpu.memory_space<vmem_shared>> -> memref<100000x16xf32, #tpu.memory_space<vmem_shared>>
      tpu.enqueue_indirect_dma source(%dma_start3A_75 : memref<128x16xf32, #tpu.memory_space<vmem>>) target(%dma_start3A_81 : memref<100000x16xf32, #tpu.memory_space<vmem_shared>>) offsets(%dma_start3A_78 : memref<128xi32, #tpu.memory_space<vmem>>) semaphore(%arg9 : memref<!tpu.dma_semaphore, #tpu.memory_space<semaphore_mem>>) {add = true}
      %dma_start3A_82 = arith.constant 2 : i32
      %dma_start3A_83 = arith.constant 2 : i32
      %dma_start3A_84 = arith.constant 0 : i32
      %dma_start3A_85 = arith.constant 0 : i32
      %dma_start3A_86 = tpu.memref_slice %arg7[%dma_start3A_82, %dma_start3A_84, %dma_start3A_85] : memref<12x128x16xf32, #tpu.memory_space<vmem>> -> memref<1x128x16xf32, #tpu.memory_space<vmem>>
      %dma_start3A_87 = tpu.memref_squeeze %dma_start3A_86 : memref<1x128x16xf32, #tpu.memory_space<vmem>> -> memref<128x16xf32, #tpu.memory_space<vmem>>
      %dma_start3A_88 = arith.constant 0 : i32
      %dma_start3A_89 = tpu.memref_slice %arg6[%dma_start3A_83, %dma_start3A_88] : memref<12x128xi32, #tpu.memory_space<vmem>> -> memref<1x128xi32, #tpu.memory_space<vmem>>
      %dma_start3A_90 = tpu.memref_squeeze %dma_start3A_89 : memref<1x128xi32, #tpu.memory_space<vmem>> -> memref<128xi32, #tpu.memory_space<vmem>>
      %dma_start3A_91 = arith.constant 0 : i32
      %dma_start3A_92 = arith.constant 0 : i32
      %dma_start3A_93 = tpu.memref_slice %arg8[%dma_start3A_91, %dma_start3A_92] : memref<100000x16xf32, #tpu.memory_space<vmem_shared>> -> memref<100000x16xf32, #tpu.memory_space<vmem_shared>>
      tpu.enqueue_indirect_dma source(%dma_start3A_87 : memref<128x16xf32, #tpu.memory_space<vmem>>) target(%dma_start3A_93 : memref<100000x16xf32, #tpu.memory_space<vmem_shared>>) offsets(%dma_start3A_90 : memref<128xi32, #tpu.memory_space<vmem>>) semaphore(%arg9 : memref<!tpu.dma_semaphore, #tpu.memory_space<semaphore_mem>>) {add = true}
      %dma_start3A_94 = arith.constant 3 : i32
      %dma_start3A_95 = arith.constant 3 : i32
      %dma_start3A_96 = arith.constant 0 : i32
      %dma_start3A_97 = arith.constant 0 : i32
      %dma_start3A_98 = tpu.memref_slice %arg7[%dma_start3A_94, %dma_start3A_96, %dma_start3A_97] : memref<12x128x16xf32, #tpu.memory_space<vmem>> -> memref<1x128x16xf32, #tpu.memory_space<vmem>>
      %dma_start3A_99 = tpu.memref_squeeze %dma_start3A_98 : memref<1x128x16xf32, #tpu.memory_space<vmem>> -> memref<128x16xf32, #tpu.memory_space<vmem>>
      %dma_start3A_100 = arith.constant 0 : i32
      %dma_start3A_101 = tpu.memref_slice %arg6[%dma_start3A_95, %dma_start3A_100] : memref<12x128xi32, #tpu.memory_space<vmem>> -> memref<1x128xi32, #tpu.memory_space<vmem>>
      %dma_start3A_102 = tpu.memref_squeeze %dma_start3A_101 : memref<1x128xi32, #tpu.memory_space<vmem>> -> memref<128xi32, #tpu.memory_space<vmem>>
      %dma_start3A_103 = arith.constant 0 : i32
      %dma_start3A_104 = arith.constant 0 : i32
      %dma_start3A_105 = tpu.memref_slice %arg8[%dma_start3A_103, %dma_start3A_104] : memref<100000x16xf32, #tpu.memory_space<vmem_shared>> -> memref<100000x16xf32, #tpu.memory_space<vmem_shared>>
      tpu.enqueue_indirect_dma source(%dma_start3A_99 : memref<128x16xf32, #tpu.memory_space<vmem>>) target(%dma_start3A_105 : memref<100000x16xf32, #tpu.memory_space<vmem_shared>>) offsets(%dma_start3A_102 : memref<128xi32, #tpu.memory_space<vmem>>) semaphore(%arg9 : memref<!tpu.dma_semaphore, #tpu.memory_space<semaphore_mem>>) {add = true}
      %dma_start3A_106 = arith.constant 4 : i32
      %dma_start3A_107 = arith.constant 4 : i32
      %dma_start3A_108 = arith.constant 0 : i32
      %dma_start3A_109 = arith.constant 0 : i32
      %dma_start3A_110 = tpu.memref_slice %arg7[%dma_start3A_106, %dma_start3A_108, %dma_start3A_109] : memref<12x128x16xf32, #tpu.memory_space<vmem>> -> memref<1x128x16xf32, #tpu.memory_space<vmem>>
      %dma_start3A_111 = tpu.memref_squeeze %dma_start3A_110 : memref<1x128x16xf32, #tpu.memory_space<vmem>> -> memref<128x16xf32, #tpu.memory_space<vmem>>
      %dma_start3A_112 = arith.constant 0 : i32
      %dma_start3A_113 = tpu.memref_slice %arg6[%dma_start3A_107, %dma_start3A_112] : memref<12x128xi32, #tpu.memory_space<vmem>> -> memref<1x128xi32, #tpu.memory_space<vmem>>
      %dma_start3A_114 = tpu.memref_squeeze %dma_start3A_113 : memref<1x128xi32, #tpu.memory_space<vmem>> -> memref<128xi32, #tpu.memory_space<vmem>>
      %dma_start3A_115 = arith.constant 0 : i32
      %dma_start3A_116 = arith.constant 0 : i32
      %dma_start3A_117 = tpu.memref_slice %arg8[%dma_start3A_115, %dma_start3A_116] : memref<100000x16xf32, #tpu.memory_space<vmem_shared>> -> memref<100000x16xf32, #tpu.memory_space<vmem_shared>>
      tpu.enqueue_indirect_dma source(%dma_start3A_111 : memref<128x16xf32, #tpu.memory_space<vmem>>) target(%dma_start3A_117 : memref<100000x16xf32, #tpu.memory_space<vmem_shared>>) offsets(%dma_start3A_114 : memref<128xi32, #tpu.memory_space<vmem>>) semaphore(%arg9 : memref<!tpu.dma_semaphore, #tpu.memory_space<semaphore_mem>>) {add = true}
      %dma_start3A_118 = arith.constant 5 : i32
      %dma_start3A_119 = arith.constant 5 : i32
      %dma_start3A_120 = arith.constant 0 : i32
      %dma_start3A_121 = arith.constant 0 : i32
      %dma_start3A_122 = tpu.memref_slice %arg7[%dma_start3A_118, %dma_start3A_120, %dma_start3A_121] : memref<12x128x16xf32, #tpu.memory_space<vmem>> -> memref<1x128x16xf32, #tpu.memory_space<vmem>>
      %dma_start3A_123 = tpu.memref_squeeze %dma_start3A_122 : memref<1x128x16xf32, #tpu.memory_space<vmem>> -> memref<128x16xf32, #tpu.memory_space<vmem>>
      %dma_start3A_124 = arith.constant 0 : i32
      %dma_start3A_125 = tpu.memref_slice %arg6[%dma_start3A_119, %dma_start3A_124] : memref<12x128xi32, #tpu.memory_space<vmem>> -> memref<1x128xi32, #tpu.memory_space<vmem>>
      %dma_start3A_126 = tpu.memref_squeeze %dma_start3A_125 : memref<1x128xi32, #tpu.memory_space<vmem>> -> memref<128xi32, #tpu.memory_space<vmem>>
      %dma_start3A_127 = arith.constant 0 : i32
      %dma_start3A_128 = arith.constant 0 : i32
      %dma_start3A_129 = tpu.memref_slice %arg8[%dma_start3A_127, %dma_start3A_128] : memref<100000x16xf32, #tpu.memory_space<vmem_shared>> -> memref<100000x16xf32, #tpu.memory_space<vmem_shared>>
      tpu.enqueue_indirect_dma source(%dma_start3A_123 : memref<128x16xf32, #tpu.memory_space<vmem>>) target(%dma_start3A_129 : memref<100000x16xf32, #tpu.memory_space<vmem_shared>>) offsets(%dma_start3A_126 : memref<128xi32, #tpu.memory_space<vmem>>) semaphore(%arg9 : memref<!tpu.dma_semaphore, #tpu.memory_space<semaphore_mem>>) {add = true}
      %dma_start3A_130 = arith.constant 6 : i32
      %dma_start3A_131 = arith.constant 6 : i32
      %dma_start3A_132 = arith.constant 0 : i32
      %dma_start3A_133 = arith.constant 0 : i32
      %dma_start3A_134 = tpu.memref_slice %arg7[%dma_start3A_130, %dma_start3A_132, %dma_start3A_133] : memref<12x128x16xf32, #tpu.memory_space<vmem>> -> memref<1x128x16xf32, #tpu.memory_space<vmem>>
      %dma_start3A_135 = tpu.memref_squeeze %dma_start3A_134 : memref<1x128x16xf32, #tpu.memory_space<vmem>> -> memref<128x16xf32, #tpu.memory_space<vmem>>
      %dma_start3A_136 = arith.constant 0 : i32
      %dma_start3A_137 = tpu.memref_slice %arg6[%dma_start3A_131, %dma_start3A_136] : memref<12x128xi32, #tpu.memory_space<vmem>> -> memref<1x128xi32, #tpu.memory_space<vmem>>
      %dma_start3A_138 = tpu.memref_squeeze %dma_start3A_137 : memref<1x128xi32, #tpu.memory_space<vmem>> -> memref<128xi32, #tpu.memory_space<vmem>>
      %dma_start3A_139 = arith.constant 0 : i32
      %dma_start3A_140 = arith.constant 0 : i32
      %dma_start3A_141 = tpu.memref_slice %arg8[%dma_start3A_139, %dma_start3A_140] : memref<100000x16xf32, #tpu.memory_space<vmem_shared>> -> memref<100000x16xf32, #tpu.memory_space<vmem_shared>>
      tpu.enqueue_indirect_dma source(%dma_start3A_135 : memref<128x16xf32, #tpu.memory_space<vmem>>) target(%dma_start3A_141 : memref<100000x16xf32, #tpu.memory_space<vmem_shared>>) offsets(%dma_start3A_138 : memref<128xi32, #tpu.memory_space<vmem>>) semaphore(%arg9 : memref<!tpu.dma_semaphore, #tpu.memory_space<semaphore_mem>>) {add = true}
      %dma_start3A_142 = arith.constant 7 : i32
      %dma_start3A_143 = arith.constant 7 : i32
      %dma_start3A_144 = arith.constant 0 : i32
      %dma_start3A_145 = arith.constant 0 : i32
      %dma_start3A_146 = tpu.memref_slice %arg7[%dma_start3A_142, %dma_start3A_144, %dma_start3A_145] : memref<12x128x16xf32, #tpu.memory_space<vmem>> -> memref<1x128x16xf32, #tpu.memory_space<vmem>>
      %dma_start3A_147 = tpu.memref_squeeze %dma_start3A_146 : memref<1x128x16xf32, #tpu.memory_space<vmem>> -> memref<128x16xf32, #tpu.memory_space<vmem>>
      %dma_start3A_148 = arith.constant 0 : i32
      %dma_start3A_149 = tpu.memref_slice %arg6[%dma_start3A_143, %dma_start3A_148] : memref<12x128xi32, #tpu.memory_space<vmem>> -> memref<1x128xi32, #tpu.memory_space<vmem>>
      %dma_start3A_150 = tpu.memref_squeeze %dma_start3A_149 : memref<1x128xi32, #tpu.memory_space<vmem>> -> memref<128xi32, #tpu.memory_space<vmem>>
      %dma_start3A_151 = arith.constant 0 : i32
      %dma_start3A_152 = arith.constant 0 : i32
      %dma_start3A_153 = tpu.memref_slice %arg8[%dma_start3A_151, %dma_start3A_152] : memref<100000x16xf32, #tpu.memory_space<vmem_shared>> -> memref<100000x16xf32, #tpu.memory_space<vmem_shared>>
      tpu.enqueue_indirect_dma source(%dma_start3A_147 : memref<128x16xf32, #tpu.memory_space<vmem>>) target(%dma_start3A_153 : memref<100000x16xf32, #tpu.memory_space<vmem_shared>>) offsets(%dma_start3A_150 : memref<128xi32, #tpu.memory_space<vmem>>) semaphore(%arg9 : memref<!tpu.dma_semaphore, #tpu.memory_space<semaphore_mem>>) {add = true}
      %dma_start3A_154 = arith.constant 8 : i32
      %dma_start3A_155 = arith.constant 8 : i32
      %dma_start3A_156 = arith.constant 0 : i32
      %dma_start3A_157 = arith.constant 0 : i32
      %dma_start3A_158 = tpu.memref_slice %arg7[%dma_start3A_154, %dma_start3A_156, %dma_start3A_157] : memref<12x128x16xf32, #tpu.memory_space<vmem>> -> memref<1x128x16xf32, #tpu.memory_space<vmem>>
      %dma_start3A_159 = tpu.memref_squeeze %dma_start3A_158 : memref<1x128x16xf32, #tpu.memory_space<vmem>> -> memref<128x16xf32, #tpu.memory_space<vmem>>
      %dma_start3A_160 = arith.constant 0 : i32
      %dma_start3A_161 = tpu.memref_slice %arg6[%dma_start3A_155, %dma_start3A_160] : memref<12x128xi32, #tpu.memory_space<vmem>> -> memref<1x128xi32, #tpu.memory_space<vmem>>
      %dma_start3A_162 = tpu.memref_squeeze %dma_start3A_161 : memref<1x128xi32, #tpu.memory_space<vmem>> -> memref<128xi32, #tpu.memory_space<vmem>>
      %dma_start3A_163 = arith.constant 0 : i32
      %dma_start3A_164 = arith.constant 0 : i32
      %dma_start3A_165 = tpu.memref_slice %arg8[%dma_start3A_163, %dma_start3A_164] : memref<100000x16xf32, #tpu.memory_space<vmem_shared>> -> memref<100000x16xf32, #tpu.memory_space<vmem_shared>>
      tpu.enqueue_indirect_dma source(%dma_start3A_159 : memref<128x16xf32, #tpu.memory_space<vmem>>) target(%dma_start3A_165 : memref<100000x16xf32, #tpu.memory_space<vmem_shared>>) offsets(%dma_start3A_162 : memref<128xi32, #tpu.memory_space<vmem>>) semaphore(%arg9 : memref<!tpu.dma_semaphore, #tpu.memory_space<semaphore_mem>>) {add = true}
      %dma_start3A_166 = arith.constant 9 : i32
      %dma_start3A_167 = arith.constant 9 : i32
      %dma_start3A_168 = arith.constant 0 : i32
      %dma_start3A_169 = arith.constant 0 : i32
      %dma_start3A_170 = tpu.memref_slice %arg7[%dma_start3A_166, %dma_start3A_168, %dma_start3A_169] : memref<12x128x16xf32, #tpu.memory_space<vmem>> -> memref<1x128x16xf32, #tpu.memory_space<vmem>>
      %dma_start3A_171 = tpu.memref_squeeze %dma_start3A_170 : memref<1x128x16xf32, #tpu.memory_space<vmem>> -> memref<128x16xf32, #tpu.memory_space<vmem>>
      %dma_start3A_172 = arith.constant 0 : i32
      %dma_start3A_173 = tpu.memref_slice %arg6[%dma_start3A_167, %dma_start3A_172] : memref<12x128xi32, #tpu.memory_space<vmem>> -> memref<1x128xi32, #tpu.memory_space<vmem>>
      %dma_start3A_174 = tpu.memref_squeeze %dma_start3A_173 : memref<1x128xi32, #tpu.memory_space<vmem>> -> memref<128xi32, #tpu.memory_space<vmem>>
      %dma_start3A_175 = arith.constant 0 : i32
      %dma_start3A_176 = arith.constant 0 : i32
      %dma_start3A_177 = tpu.memref_slice %arg8[%dma_start3A_175, %dma_start3A_176] : memref<100000x16xf32, #tpu.memory_space<vmem_shared>> -> memref<100000x16xf32, #tpu.memory_space<vmem_shared>>
      tpu.enqueue_indirect_dma source(%dma_start3A_171 : memref<128x16xf32, #tpu.memory_space<vmem>>) target(%dma_start3A_177 : memref<100000x16xf32, #tpu.memory_space<vmem_shared>>) offsets(%dma_start3A_174 : memref<128xi32, #tpu.memory_space<vmem>>) semaphore(%arg9 : memref<!tpu.dma_semaphore, #tpu.memory_space<semaphore_mem>>) {add = true}
      %dma_start3A_178 = arith.constant 10 : i32
      %dma_start3A_179 = arith.constant 10 : i32
      %dma_start3A_180 = arith.constant 0 : i32
      %dma_start3A_181 = arith.constant 0 : i32
      %dma_start3A_182 = tpu.memref_slice %arg7[%dma_start3A_178, %dma_start3A_180, %dma_start3A_181] : memref<12x128x16xf32, #tpu.memory_space<vmem>> -> memref<1x128x16xf32, #tpu.memory_space<vmem>>
      %dma_start3A_183 = tpu.memref_squeeze %dma_start3A_182 : memref<1x128x16xf32, #tpu.memory_space<vmem>> -> memref<128x16xf32, #tpu.memory_space<vmem>>
      %dma_start3A_184 = arith.constant 0 : i32
      %dma_start3A_185 = tpu.memref_slice %arg6[%dma_start3A_179, %dma_start3A_184] : memref<12x128xi32, #tpu.memory_space<vmem>> -> memref<1x128xi32, #tpu.memory_space<vmem>>
      %dma_start3A_186 = tpu.memref_squeeze %dma_start3A_185 : memref<1x128xi32, #tpu.memory_space<vmem>> -> memref<128xi32, #tpu.memory_space<vmem>>
      %dma_start3A_187 = arith.constant 0 : i32
      %dma_start3A_188 = arith.constant 0 : i32
      %dma_start3A_189 = tpu.memref_slice %arg8[%dma_start3A_187, %dma_start3A_188] : memref<100000x16xf32, #tpu.memory_space<vmem_shared>> -> memref<100000x16xf32, #tpu.memory_space<vmem_shared>>
      tpu.enqueue_indirect_dma source(%dma_start3A_183 : memref<128x16xf32, #tpu.memory_space<vmem>>) target(%dma_start3A_189 : memref<100000x16xf32, #tpu.memory_space<vmem_shared>>) offsets(%dma_start3A_186 : memref<128xi32, #tpu.memory_space<vmem>>) semaphore(%arg9 : memref<!tpu.dma_semaphore, #tpu.memory_space<semaphore_mem>>) {add = true}
      %dma_start3A_190 = arith.constant 11 : i32
      %dma_start3A_191 = arith.constant 11 : i32
      %dma_start3A_192 = arith.constant 0 : i32
      %dma_start3A_193 = arith.constant 0 : i32
      %dma_start3A_194 = tpu.memref_slice %arg7[%dma_start3A_190, %dma_start3A_192, %dma_start3A_193] : memref<12x128x16xf32, #tpu.memory_space<vmem>> -> memref<1x128x16xf32, #tpu.memory_space<vmem>>
      %dma_start3A_195 = tpu.memref_squeeze %dma_start3A_194 : memref<1x128x16xf32, #tpu.memory_space<vmem>> -> memref<128x16xf32, #tpu.memory_space<vmem>>
      %dma_start3A_196 = arith.constant 0 : i32
      %dma_start3A_197 = tpu.memref_slice %arg6[%dma_start3A_191, %dma_start3A_196] : memref<12x128xi32, #tpu.memory_space<vmem>> -> memref<1x128xi32, #tpu.memory_space<vmem>>
      %dma_start3A_198 = tpu.memref_squeeze %dma_start3A_197 : memref<1x128xi32, #tpu.memory_space<vmem>> -> memref<128xi32, #tpu.memory_space<vmem>>
      %dma_start3A_199 = arith.constant 0 : i32
      %dma_start3A_200 = arith.constant 0 : i32
      %dma_start3A_201 = tpu.memref_slice %arg8[%dma_start3A_199, %dma_start3A_200] : memref<100000x16xf32, #tpu.memory_space<vmem_shared>> -> memref<100000x16xf32, #tpu.memory_space<vmem_shared>>
      tpu.enqueue_indirect_dma source(%dma_start3A_195 : memref<128x16xf32, #tpu.memory_space<vmem>>) target(%dma_start3A_201 : memref<100000x16xf32, #tpu.memory_space<vmem_shared>>) offsets(%dma_start3A_198 : memref<128xi32, #tpu.memory_space<vmem>>) semaphore(%arg9 : memref<!tpu.dma_semaphore, #tpu.memory_space<semaphore_mem>>) {add = true}
      %dma_wait3A = arith.constant 0 : i32
      %dma_wait3A_202 = arith.constant 0 : i32
      %dma_wait3A_203 = arith.constant 0 : i32
      %dma_wait3A_204 = arith.constant 0 : i32
      %dma_wait3A_205 = tpu.memref_slice %arg7[%dma_wait3A, %dma_wait3A_203, %dma_wait3A_204] : memref<12x128x16xf32, #tpu.memory_space<vmem>> -> memref<1x128x16xf32, #tpu.memory_space<vmem>>
      %dma_wait3A_206 = tpu.memref_squeeze %dma_wait3A_205 : memref<1x128x16xf32, #tpu.memory_space<vmem>> -> memref<128x16xf32, #tpu.memory_space<vmem>>
      %dma_wait3A_207 = arith.constant 0 : i32
      %dma_wait3A_208 = tpu.memref_slice %arg6[%dma_wait3A_202, %dma_wait3A_207] : memref<12x128xi32, #tpu.memory_space<vmem>> -> memref<1x128xi32, #tpu.memory_space<vmem>>
      %dma_wait3A_209 = tpu.memref_squeeze %dma_wait3A_208 : memref<1x128xi32, #tpu.memory_space<vmem>> -> memref<128xi32, #tpu.memory_space<vmem>>
      %dma_wait3A_210 = arith.constant 0 : i32
      %dma_wait3A_211 = arith.constant 0 : i32
      %dma_wait3A_212 = tpu.memref_slice %arg8[%dma_wait3A_210, %dma_wait3A_211] : memref<100000x16xf32, #tpu.memory_space<vmem_shared>> -> memref<100000x16xf32, #tpu.memory_space<vmem_shared>>
      tpu.wait_indirect_dma semaphore(%arg9 : memref<!tpu.dma_semaphore, #tpu.memory_space<semaphore_mem>>) src(%dma_wait3A_206 : memref<128x16xf32, #tpu.memory_space<vmem>>) dst(%dma_wait3A_212 : memref<100000x16xf32, #tpu.memory_space<vmem_shared>>)
      %dma_wait3A_213 = arith.constant 1 : i32
      %dma_wait3A_214 = arith.constant 1 : i32
      %dma_wait3A_215 = arith.constant 0 : i32
      %dma_wait3A_216 = arith.constant 0 : i32
      %dma_wait3A_217 = tpu.memref_slice %arg7[%dma_wait3A_213, %dma_wait3A_215, %dma_wait3A_216] : memref<12x128x16xf32, #tpu.memory_space<vmem>> -> memref<1x128x16xf32, #tpu.memory_space<vmem>>
      %dma_wait3A_218 = tpu.memref_squeeze %dma_wait3A_217 : memref<1x128x16xf32, #tpu.memory_space<vmem>> -> memref<128x16xf32, #tpu.memory_space<vmem>>
      %dma_wait3A_219 = arith.constant 0 : i32
      %dma_wait3A_220 = tpu.memref_slice %arg6[%dma_wait3A_214, %dma_wait3A_219] : memref<12x128xi32, #tpu.memory_space<vmem>> -> memref<1x128xi32, #tpu.memory_space<vmem>>
      %dma_wait3A_221 = tpu.memref_squeeze %dma_wait3A_220 : memref<1x128xi32, #tpu.memory_space<vmem>> -> memref<128xi32, #tpu.memory_space<vmem>>
      %dma_wait3A_222 = arith.constant 0 : i32
      %dma_wait3A_223 = arith.constant 0 : i32
      %dma_wait3A_224 = tpu.memref_slice %arg8[%dma_wait3A_222, %dma_wait3A_223] : memref<100000x16xf32, #tpu.memory_space<vmem_shared>> -> memref<100000x16xf32, #tpu.memory_space<vmem_shared>>
      tpu.wait_indirect_dma semaphore(%arg9 : memref<!tpu.dma_semaphore, #tpu.memory_space<semaphore_mem>>) src(%dma_wait3A_218 : memref<128x16xf32, #tpu.memory_space<vmem>>) dst(%dma_wait3A_224 : memref<100000x16xf32, #tpu.memory_space<vmem_shared>>)
      %dma_wait3A_225 = arith.constant 2 : i32
      %dma_wait3A_226 = arith.constant 2 : i32
      %dma_wait3A_227 = arith.constant 0 : i32
      %dma_wait3A_228 = arith.constant 0 : i32
      %dma_wait3A_229 = tpu.memref_slice %arg7[%dma_wait3A_225, %dma_wait3A_227, %dma_wait3A_228] : memref<12x128x16xf32, #tpu.memory_space<vmem>> -> memref<1x128x16xf32, #tpu.memory_space<vmem>>
      %dma_wait3A_230 = tpu.memref_squeeze %dma_wait3A_229 : memref<1x128x16xf32, #tpu.memory_space<vmem>> -> memref<128x16xf32, #tpu.memory_space<vmem>>
      %dma_wait3A_231 = arith.constant 0 : i32
      %dma_wait3A_232 = tpu.memref_slice %arg6[%dma_wait3A_226, %dma_wait3A_231] : memref<12x128xi32, #tpu.memory_space<vmem>> -> memref<1x128xi32, #tpu.memory_space<vmem>>
      %dma_wait3A_233 = tpu.memref_squeeze %dma_wait3A_232 : memref<1x128xi32, #tpu.memory_space<vmem>> -> memref<128xi32, #tpu.memory_space<vmem>>
      %dma_wait3A_234 = arith.constant 0 : i32
      %dma_wait3A_235 = arith.constant 0 : i32
      %dma_wait3A_236 = tpu.memref_slice %arg8[%dma_wait3A_234, %dma_wait3A_235] : memref<100000x16xf32, #tpu.memory_space<vmem_shared>> -> memref<100000x16xf32, #tpu.memory_space<vmem_shared>>
      tpu.wait_indirect_dma semaphore(%arg9 : memref<!tpu.dma_semaphore, #tpu.memory_space<semaphore_mem>>) src(%dma_wait3A_230 : memref<128x16xf32, #tpu.memory_space<vmem>>) dst(%dma_wait3A_236 : memref<100000x16xf32, #tpu.memory_space<vmem_shared>>)
      %dma_wait3A_237 = arith.constant 3 : i32
      %dma_wait3A_238 = arith.constant 3 : i32
      %dma_wait3A_239 = arith.constant 0 : i32
      %dma_wait3A_240 = arith.constant 0 : i32
      %dma_wait3A_241 = tpu.memref_slice %arg7[%dma_wait3A_237, %dma_wait3A_239, %dma_wait3A_240] : memref<12x128x16xf32, #tpu.memory_space<vmem>> -> memref<1x128x16xf32, #tpu.memory_space<vmem>>
      %dma_wait3A_242 = tpu.memref_squeeze %dma_wait3A_241 : memref<1x128x16xf32, #tpu.memory_space<vmem>> -> memref<128x16xf32, #tpu.memory_space<vmem>>
      %dma_wait3A_243 = arith.constant 0 : i32
      %dma_wait3A_244 = tpu.memref_slice %arg6[%dma_wait3A_238, %dma_wait3A_243] : memref<12x128xi32, #tpu.memory_space<vmem>> -> memref<1x128xi32, #tpu.memory_space<vmem>>
      %dma_wait3A_245 = tpu.memref_squeeze %dma_wait3A_244 : memref<1x128xi32, #tpu.memory_space<vmem>> -> memref<128xi32, #tpu.memory_space<vmem>>
      %dma_wait3A_246 = arith.constant 0 : i32
      %dma_wait3A_247 = arith.constant 0 : i32
      %dma_wait3A_248 = tpu.memref_slice %arg8[%dma_wait3A_246, %dma_wait3A_247] : memref<100000x16xf32, #tpu.memory_space<vmem_shared>> -> memref<100000x16xf32, #tpu.memory_space<vmem_shared>>
      tpu.wait_indirect_dma semaphore(%arg9 : memref<!tpu.dma_semaphore, #tpu.memory_space<semaphore_mem>>) src(%dma_wait3A_242 : memref<128x16xf32, #tpu.memory_space<vmem>>) dst(%dma_wait3A_248 : memref<100000x16xf32, #tpu.memory_space<vmem_shared>>)
      %dma_wait3A_249 = arith.constant 4 : i32
      %dma_wait3A_250 = arith.constant 4 : i32
      %dma_wait3A_251 = arith.constant 0 : i32
      %dma_wait3A_252 = arith.constant 0 : i32
      %dma_wait3A_253 = tpu.memref_slice %arg7[%dma_wait3A_249, %dma_wait3A_251, %dma_wait3A_252] : memref<12x128x16xf32, #tpu.memory_space<vmem>> -> memref<1x128x16xf32, #tpu.memory_space<vmem>>
      %dma_wait3A_254 = tpu.memref_squeeze %dma_wait3A_253 : memref<1x128x16xf32, #tpu.memory_space<vmem>> -> memref<128x16xf32, #tpu.memory_space<vmem>>
      %dma_wait3A_255 = arith.constant 0 : i32
      %dma_wait3A_256 = tpu.memref_slice %arg6[%dma_wait3A_250, %dma_wait3A_255] : memref<12x128xi32, #tpu.memory_space<vmem>> -> memref<1x128xi32, #tpu.memory_space<vmem>>
      %dma_wait3A_257 = tpu.memref_squeeze %dma_wait3A_256 : memref<1x128xi32, #tpu.memory_space<vmem>> -> memref<128xi32, #tpu.memory_space<vmem>>
      %dma_wait3A_258 = arith.constant 0 : i32
      %dma_wait3A_259 = arith.constant 0 : i32
      %dma_wait3A_260 = tpu.memref_slice %arg8[%dma_wait3A_258, %dma_wait3A_259] : memref<100000x16xf32, #tpu.memory_space<vmem_shared>> -> memref<100000x16xf32, #tpu.memory_space<vmem_shared>>
      tpu.wait_indirect_dma semaphore(%arg9 : memref<!tpu.dma_semaphore, #tpu.memory_space<semaphore_mem>>) src(%dma_wait3A_254 : memref<128x16xf32, #tpu.memory_space<vmem>>) dst(%dma_wait3A_260 : memref<100000x16xf32, #tpu.memory_space<vmem_shared>>)
      %dma_wait3A_261 = arith.constant 5 : i32
      %dma_wait3A_262 = arith.constant 5 : i32
      %dma_wait3A_263 = arith.constant 0 : i32
      %dma_wait3A_264 = arith.constant 0 : i32
      %dma_wait3A_265 = tpu.memref_slice %arg7[%dma_wait3A_261, %dma_wait3A_263, %dma_wait3A_264] : memref<12x128x16xf32, #tpu.memory_space<vmem>> -> memref<1x128x16xf32, #tpu.memory_space<vmem>>
      %dma_wait3A_266 = tpu.memref_squeeze %dma_wait3A_265 : memref<1x128x16xf32, #tpu.memory_space<vmem>> -> memref<128x16xf32, #tpu.memory_space<vmem>>
      %dma_wait3A_267 = arith.constant 0 : i32
      %dma_wait3A_268 = tpu.memref_slice %arg6[%dma_wait3A_262, %dma_wait3A_267] : memref<12x128xi32, #tpu.memory_space<vmem>> -> memref<1x128xi32, #tpu.memory_space<vmem>>
      %dma_wait3A_269 = tpu.memref_squeeze %dma_wait3A_268 : memref<1x128xi32, #tpu.memory_space<vmem>> -> memref<128xi32, #tpu.memory_space<vmem>>
      %dma_wait3A_270 = arith.constant 0 : i32
      %dma_wait3A_271 = arith.constant 0 : i32
      %dma_wait3A_272 = tpu.memref_slice %arg8[%dma_wait3A_270, %dma_wait3A_271] : memref<100000x16xf32, #tpu.memory_space<vmem_shared>> -> memref<100000x16xf32, #tpu.memory_space<vmem_shared>>
      tpu.wait_indirect_dma semaphore(%arg9 : memref<!tpu.dma_semaphore, #tpu.memory_space<semaphore_mem>>) src(%dma_wait3A_266 : memref<128x16xf32, #tpu.memory_space<vmem>>) dst(%dma_wait3A_272 : memref<100000x16xf32, #tpu.memory_space<vmem_shared>>)
      %dma_wait3A_273 = arith.constant 6 : i32
      %dma_wait3A_274 = arith.constant 6 : i32
      %dma_wait3A_275 = arith.constant 0 : i32
      %dma_wait3A_276 = arith.constant 0 : i32
      %dma_wait3A_277 = tpu.memref_slice %arg7[%dma_wait3A_273, %dma_wait3A_275, %dma_wait3A_276] : memref<12x128x16xf32, #tpu.memory_space<vmem>> -> memref<1x128x16xf32, #tpu.memory_space<vmem>>
      %dma_wait3A_278 = tpu.memref_squeeze %dma_wait3A_277 : memref<1x128x16xf32, #tpu.memory_space<vmem>> -> memref<128x16xf32, #tpu.memory_space<vmem>>
      %dma_wait3A_279 = arith.constant 0 : i32
      %dma_wait3A_280 = tpu.memref_slice %arg6[%dma_wait3A_274, %dma_wait3A_279] : memref<12x128xi32, #tpu.memory_space<vmem>> -> memref<1x128xi32, #tpu.memory_space<vmem>>
      %dma_wait3A_281 = tpu.memref_squeeze %dma_wait3A_280 : memref<1x128xi32, #tpu.memory_space<vmem>> -> memref<128xi32, #tpu.memory_space<vmem>>
      %dma_wait3A_282 = arith.constant 0 : i32
      %dma_wait3A_283 = arith.constant 0 : i32
      %dma_wait3A_284 = tpu.memref_slice %arg8[%dma_wait3A_282, %dma_wait3A_283] : memref<100000x16xf32, #tpu.memory_space<vmem_shared>> -> memref<100000x16xf32, #tpu.memory_space<vmem_shared>>
      tpu.wait_indirect_dma semaphore(%arg9 : memref<!tpu.dma_semaphore, #tpu.memory_space<semaphore_mem>>) src(%dma_wait3A_278 : memref<128x16xf32, #tpu.memory_space<vmem>>) dst(%dma_wait3A_284 : memref<100000x16xf32, #tpu.memory_space<vmem_shared>>)
      %dma_wait3A_285 = arith.constant 7 : i32
      %dma_wait3A_286 = arith.constant 7 : i32
      %dma_wait3A_287 = arith.constant 0 : i32
      %dma_wait3A_288 = arith.constant 0 : i32
      %dma_wait3A_289 = tpu.memref_slice %arg7[%dma_wait3A_285, %dma_wait3A_287, %dma_wait3A_288] : memref<12x128x16xf32, #tpu.memory_space<vmem>> -> memref<1x128x16xf32, #tpu.memory_space<vmem>>
      %dma_wait3A_290 = tpu.memref_squeeze %dma_wait3A_289 : memref<1x128x16xf32, #tpu.memory_space<vmem>> -> memref<128x16xf32, #tpu.memory_space<vmem>>
      %dma_wait3A_291 = arith.constant 0 : i32
      %dma_wait3A_292 = tpu.memref_slice %arg6[%dma_wait3A_286, %dma_wait3A_291] : memref<12x128xi32, #tpu.memory_space<vmem>> -> memref<1x128xi32, #tpu.memory_space<vmem>>
      %dma_wait3A_293 = tpu.memref_squeeze %dma_wait3A_292 : memref<1x128xi32, #tpu.memory_space<vmem>> -> memref<128xi32, #tpu.memory_space<vmem>>
      %dma_wait3A_294 = arith.constant 0 : i32
      %dma_wait3A_295 = arith.constant 0 : i32
      %dma_wait3A_296 = tpu.memref_slice %arg8[%dma_wait3A_294, %dma_wait3A_295] : memref<100000x16xf32, #tpu.memory_space<vmem_shared>> -> memref<100000x16xf32, #tpu.memory_space<vmem_shared>>
      tpu.wait_indirect_dma semaphore(%arg9 : memref<!tpu.dma_semaphore, #tpu.memory_space<semaphore_mem>>) src(%dma_wait3A_290 : memref<128x16xf32, #tpu.memory_space<vmem>>) dst(%dma_wait3A_296 : memref<100000x16xf32, #tpu.memory_space<vmem_shared>>)
      %dma_wait3A_297 = arith.constant 8 : i32
      %dma_wait3A_298 = arith.constant 8 : i32
      %dma_wait3A_299 = arith.constant 0 : i32
      %dma_wait3A_300 = arith.constant 0 : i32
      %dma_wait3A_301 = tpu.memref_slice %arg7[%dma_wait3A_297, %dma_wait3A_299, %dma_wait3A_300] : memref<12x128x16xf32, #tpu.memory_space<vmem>> -> memref<1x128x16xf32, #tpu.memory_space<vmem>>
      %dma_wait3A_302 = tpu.memref_squeeze %dma_wait3A_301 : memref<1x128x16xf32, #tpu.memory_space<vmem>> -> memref<128x16xf32, #tpu.memory_space<vmem>>
      %dma_wait3A_303 = arith.constant 0 : i32
      %dma_wait3A_304 = tpu.memref_slice %arg6[%dma_wait3A_298, %dma_wait3A_303] : memref<12x128xi32, #tpu.memory_space<vmem>> -> memref<1x128xi32, #tpu.memory_space<vmem>>
      %dma_wait3A_305 = tpu.memref_squeeze %dma_wait3A_304 : memref<1x128xi32, #tpu.memory_space<vmem>> -> memref<128xi32, #tpu.memory_space<vmem>>
      %dma_wait3A_306 = arith.constant 0 : i32
      %dma_wait3A_307 = arith.constant 0 : i32
      %dma_wait3A_308 = tpu.memref_slice %arg8[%dma_wait3A_306, %dma_wait3A_307] : memref<100000x16xf32, #tpu.memory_space<vmem_shared>> -> memref<100000x16xf32, #tpu.memory_space<vmem_shared>>
      tpu.wait_indirect_dma semaphore(%arg9 : memref<!tpu.dma_semaphore, #tpu.memory_space<semaphore_mem>>) src(%dma_wait3A_302 : memref<128x16xf32, #tpu.memory_space<vmem>>) dst(%dma_wait3A_308 : memref<100000x16xf32, #tpu.memory_space<vmem_shared>>)
      %dma_wait3A_309 = arith.constant 9 : i32
      %dma_wait3A_310 = arith.constant 9 : i32
      %dma_wait3A_311 = arith.constant 0 : i32
      %dma_wait3A_312 = arith.constant 0 : i32
      %dma_wait3A_313 = tpu.memref_slice %arg7[%dma_wait3A_309, %dma_wait3A_311, %dma_wait3A_312] : memref<12x128x16xf32, #tpu.memory_space<vmem>> -> memref<1x128x16xf32, #tpu.memory_space<vmem>>
      %dma_wait3A_314 = tpu.memref_squeeze %dma_wait3A_313 : memref<1x128x16xf32, #tpu.memory_space<vmem>> -> memref<128x16xf32, #tpu.memory_space<vmem>>
      %dma_wait3A_315 = arith.constant 0 : i32
      %dma_wait3A_316 = tpu.memref_slice %arg6[%dma_wait3A_310, %dma_wait3A_315] : memref<12x128xi32, #tpu.memory_space<vmem>> -> memref<1x128xi32, #tpu.memory_space<vmem>>
      %dma_wait3A_317 = tpu.memref_squeeze %dma_wait3A_316 : memref<1x128xi32, #tpu.memory_space<vmem>> -> memref<128xi32, #tpu.memory_space<vmem>>
      %dma_wait3A_318 = arith.constant 0 : i32
      %dma_wait3A_319 = arith.constant 0 : i32
      %dma_wait3A_320 = tpu.memref_slice %arg8[%dma_wait3A_318, %dma_wait3A_319] : memref<100000x16xf32, #tpu.memory_space<vmem_shared>> -> memref<100000x16xf32, #tpu.memory_space<vmem_shared>>
      tpu.wait_indirect_dma semaphore(%arg9 : memref<!tpu.dma_semaphore, #tpu.memory_space<semaphore_mem>>) src(%dma_wait3A_314 : memref<128x16xf32, #tpu.memory_space<vmem>>) dst(%dma_wait3A_320 : memref<100000x16xf32, #tpu.memory_space<vmem_shared>>)
      %dma_wait3A_321 = arith.constant 10 : i32
      %dma_wait3A_322 = arith.constant 10 : i32
      %dma_wait3A_323 = arith.constant 0 : i32
      %dma_wait3A_324 = arith.constant 0 : i32
      %dma_wait3A_325 = tpu.memref_slice %arg7[%dma_wait3A_321, %dma_wait3A_323, %dma_wait3A_324] : memref<12x128x16xf32, #tpu.memory_space<vmem>> -> memref<1x128x16xf32, #tpu.memory_space<vmem>>
      %dma_wait3A_326 = tpu.memref_squeeze %dma_wait3A_325 : memref<1x128x16xf32, #tpu.memory_space<vmem>> -> memref<128x16xf32, #tpu.memory_space<vmem>>
      %dma_wait3A_327 = arith.constant 0 : i32
      %dma_wait3A_328 = tpu.memref_slice %arg6[%dma_wait3A_322, %dma_wait3A_327] : memref<12x128xi32, #tpu.memory_space<vmem>> -> memref<1x128xi32, #tpu.memory_space<vmem>>
      %dma_wait3A_329 = tpu.memref_squeeze %dma_wait3A_328 : memref<1x128xi32, #tpu.memory_space<vmem>> -> memref<128xi32, #tpu.memory_space<vmem>>
      %dma_wait3A_330 = arith.constant 0 : i32
      %dma_wait3A_331 = arith.constant 0 : i32
      %dma_wait3A_332 = tpu.memref_slice %arg8[%dma_wait3A_330, %dma_wait3A_331] : memref<100000x16xf32, #tpu.memory_space<vmem_shared>> -> memref<100000x16xf32, #tpu.memory_space<vmem_shared>>
      tpu.wait_indirect_dma semaphore(%arg9 : memref<!tpu.dma_semaphore, #tpu.memory_space<semaphore_mem>>) src(%dma_wait3A_326 : memref<128x16xf32, #tpu.memory_space<vmem>>) dst(%dma_wait3A_332 : memref<100000x16xf32, #tpu.memory_space<vmem_shared>>)
      %dma_wait3A_333 = arith.constant 11 : i32
      %dma_wait3A_334 = arith.constant 11 : i32
      %dma_wait3A_335 = arith.constant 0 : i32
      %dma_wait3A_336 = arith.constant 0 : i32
      %dma_wait3A_337 = tpu.memref_slice %arg7[%dma_wait3A_333, %dma_wait3A_335, %dma_wait3A_336] : memref<12x128x16xf32, #tpu.memory_space<vmem>> -> memref<1x128x16xf32, #tpu.memory_space<vmem>>
      %dma_wait3A_338 = tpu.memref_squeeze %dma_wait3A_337 : memref<1x128x16xf32, #tpu.memory_space<vmem>> -> memref<128x16xf32, #tpu.memory_space<vmem>>
      %dma_wait3A_339 = arith.constant 0 : i32
      %dma_wait3A_340 = tpu.memref_slice %arg6[%dma_wait3A_334, %dma_wait3A_339] : memref<12x128xi32, #tpu.memory_space<vmem>> -> memref<1x128xi32, #tpu.memory_space<vmem>>
      %dma_wait3A_341 = tpu.memref_squeeze %dma_wait3A_340 : memref<1x128xi32, #tpu.memory_space<vmem>> -> memref<128xi32, #tpu.memory_space<vmem>>
      %dma_wait3A_342 = arith.constant 0 : i32
      %dma_wait3A_343 = arith.constant 0 : i32
      %dma_wait3A_344 = tpu.memref_slice %arg8[%dma_wait3A_342, %dma_wait3A_343] : memref<100000x16xf32, #tpu.memory_space<vmem_shared>> -> memref<100000x16xf32, #tpu.memory_space<vmem_shared>>
      tpu.wait_indirect_dma semaphore(%arg9 : memref<!tpu.dma_semaphore, #tpu.memory_space<semaphore_mem>>) src(%dma_wait3A_338 : memref<128x16xf32, #tpu.memory_space<vmem>>) dst(%dma_wait3A_344 : memref<100000x16xf32, #tpu.memory_space<vmem_shared>>)
    }
    %mul3A_37 = arith.constant 12 : i32
    %mul3A_38 = arith.muli %select_n3A, %mul3A_37 : i32
    %sub3A_39 = arith.subi %add3A_3, %mul3A_38 : i32
    %while3A_40 = arith.constant 0 : i32
    %while3A_41 = arith.constant 0 : i32
    %while3A_42 = arith.subi %sub3A_39, %while3A_41 : i32
    %while3A_43 = arith.addi %while3A_41, %while3A_42 : i32
    %while3A_44 = arith.constant 1 : i32
    %while3A_45 = arith.divsi %while3A_42, %while3A_44 : i32
    %while3A_46 = arith.muli %while3A_45, %while3A_44 : i32
    %while3A_47 = arith.addi %while3A_41, %while3A_46 : i32
    %while3A_48 = arith.constant 1 : i32
    scf.for %while3A_55 = %while3A_41 to %while3A_47 step %while3A_48  : i32 {
      %mul3A_56 = arith.constant 12 : i32
      %mul3A_57 = arith.muli %select_n3A, %mul3A_56 : i32
      %add3A_58 = arith.addi %add3A_7, %mul3A_57 : i32
      %add3A_59 = arith.addi %add3A_58, %while3A_55 : i32
      "tpu.region"() ({
        %run_scoped3A = tpu.sem_alloc : memref<!tpu.dma_semaphore, #tpu.memory_space<semaphore_mem>>
        %dma_start3A_82 = arith.constant 0 : i32
        %dma_start3A_83 = arith.constant 0 : i32
        %dma_start3A_84 = tpu.memref_slice %arg6[%dma_start3A_82, %dma_start3A_83] : memref<12x128xi32, #tpu.memory_space<vmem>> -> memref<1x128xi32, #tpu.memory_space<vmem>>
        %dma_start3A_85 = arith.constant 0 : i32
        %dma_start3A_86 = tpu.memref_slice %arg3[%add3A_59, %dma_start3A_85] : memref<12500x128xi32, #tpu.memory_space<hbm>> -> memref<1x128xi32, #tpu.memory_space<hbm>>
        %dma_start3A_87 = arith.constant 0 : i32
        %dma_start3A_88 = arith.constant 0 : i32
        %dma_start3A_89 = tpu.memref_slice %arg6[%dma_start3A_87, %dma_start3A_88] : memref<12x128xi32, #tpu.memory_space<vmem>> -> memref<1x128xi32, #tpu.memory_space<vmem>>
        %dma_start3A_90 = arith.constant 0 : i32
        %dma_start3A_91 = tpu.memref_slice %arg3[%add3A_59, %dma_start3A_90] : memref<12500x128xi32, #tpu.memory_space<hbm>> -> memref<1x128xi32, #tpu.memory_space<hbm>>
        tpu.enqueue_dma source(%dma_start3A_91 : memref<1x128xi32, #tpu.memory_space<hbm>>) target(%dma_start3A_89 : memref<1x128xi32, #tpu.memory_space<vmem>>) target_semaphore(%run_scoped3A : memref<!tpu.dma_semaphore, #tpu.memory_space<semaphore_mem>>)
        %dma_wait3A_92 = arith.constant 0 : i32
        %dma_wait3A_93 = arith.constant 0 : i32
        %dma_wait3A_94 = tpu.memref_slice %arg6[%dma_wait3A_92, %dma_wait3A_93] : memref<12x128xi32, #tpu.memory_space<vmem>> -> memref<1x128xi32, #tpu.memory_space<vmem>>
        %dma_wait3A_95 = arith.constant 0 : i32
        %dma_wait3A_96 = tpu.memref_slice %arg3[%add3A_59, %dma_wait3A_95] : memref<12500x128xi32, #tpu.memory_space<hbm>> -> memref<1x128xi32, #tpu.memory_space<hbm>>
        %dma_wait3A_97 = arith.constant 0 : i32
        %dma_wait3A_98 = arith.constant 0 : i32
        %dma_wait3A_99 = tpu.memref_slice %arg6[%dma_wait3A_97, %dma_wait3A_98] : memref<12x128xi32, #tpu.memory_space<vmem>> -> memref<1x128xi32, #tpu.memory_space<vmem>>
        %dma_wait3A_100 = arith.constant 0 : i32
        %dma_wait3A_101 = tpu.memref_slice %arg3[%add3A_59, %dma_wait3A_100] : memref<12500x128xi32, #tpu.memory_space<hbm>> -> memref<1x128xi32, #tpu.memory_space<hbm>>
        tpu.wait_dma2 semaphore(%run_scoped3A : memref<!tpu.dma_semaphore, #tpu.memory_space<semaphore_mem>>) src(%dma_wait3A_101 : memref<1x128xi32, #tpu.memory_space<hbm>>) dst(%dma_wait3A_99 : memref<1x128xi32, #tpu.memory_space<vmem>>)
        tpu.yield
      }) : () -> ()
      "tpu.region"() ({
        %run_scoped3A = tpu.sem_alloc : memref<!tpu.dma_semaphore, #tpu.memory_space<semaphore_mem>>
        %dma_start3A_82 = arith.constant 0 : i32
        %dma_start3A_83 = arith.constant 0 : i32
        %dma_start3A_84 = arith.constant 0 : i32
        %dma_start3A_85 = tpu.memref_slice %arg7[%dma_start3A_82, %dma_start3A_83, %dma_start3A_84] : memref<12x128x16xf32, #tpu.memory_space<vmem>> -> memref<1x128x16xf32, #tpu.memory_space<vmem>>
        %dma_start3A_86 = arith.constant 0 : i32
        %dma_start3A_87 = arith.constant 0 : i32
        %dma_start3A_88 = tpu.memref_slice %arg2[%add3A_59, %dma_start3A_86, %dma_start3A_87] : memref<12500x128x16xf32, #tpu.memory_space<hbm>> -> memref<1x128x16xf32, #tpu.memory_space<hbm>>
        %dma_start3A_89 = arith.constant 0 : i32
        %dma_start3A_90 = arith.constant 0 : i32
        %dma_start3A_91 = arith.constant 0 : i32
        %dma_start3A_92 = tpu.memref_slice %arg7[%dma_start3A_89, %dma_start3A_90, %dma_start3A_91] : memref<12x128x16xf32, #tpu.memory_space<vmem>> -> memref<1x128x16xf32, #tpu.memory_space<vmem>>
        %dma_start3A_93 = arith.constant 0 : i32
        %dma_start3A_94 = arith.constant 0 : i32
        %dma_start3A_95 = tpu.memref_slice %arg2[%add3A_59, %dma_start3A_93, %dma_start3A_94] : memref<12500x128x16xf32, #tpu.memory_space<hbm>> -> memref<1x128x16xf32, #tpu.memory_space<hbm>>
        tpu.enqueue_dma source(%dma_start3A_95 : memref<1x128x16xf32, #tpu.memory_space<hbm>>) target(%dma_start3A_92 : memref<1x128x16xf32, #tpu.memory_space<vmem>>) target_semaphore(%run_scoped3A : memref<!tpu.dma_semaphore, #tpu.memory_space<semaphore_mem>>)
        %dma_wait3A_96 = arith.constant 0 : i32
        %dma_wait3A_97 = arith.constant 0 : i32
        %dma_wait3A_98 = arith.constant 0 : i32
        %dma_wait3A_99 = tpu.memref_slice %arg7[%dma_wait3A_96, %dma_wait3A_97, %dma_wait3A_98] : memref<12x128x16xf32, #tpu.memory_space<vmem>> -> memref<1x128x16xf32, #tpu.memory_space<vmem>>
        %dma_wait3A_100 = arith.constant 0 : i32
        %dma_wait3A_101 = arith.constant 0 : i32
        %dma_wait3A_102 = tpu.memref_slice %arg2[%add3A_59, %dma_wait3A_100, %dma_wait3A_101] : memref<12500x128x16xf32, #tpu.memory_space<hbm>> -> memref<1x128x16xf32, #tpu.memory_space<hbm>>
        %dma_wait3A_103 = arith.constant 0 : i32
        %dma_wait3A_104 = arith.constant 0 : i32
        %dma_wait3A_105 = arith.constant 0 : i32
        %dma_wait3A_106 = tpu.memref_slice %arg7[%dma_wait3A_103, %dma_wait3A_104, %dma_wait3A_105] : memref<12x128x16xf32, #tpu.memory_space<vmem>> -> memref<1x128x16xf32, #tpu.memory_space<vmem>>
        %dma_wait3A_107 = arith.constant 0 : i32
        %dma_wait3A_108 = arith.constant 0 : i32
        %dma_wait3A_109 = tpu.memref_slice %arg2[%add3A_59, %dma_wait3A_107, %dma_wait3A_108] : memref<12500x128x16xf32, #tpu.memory_space<hbm>> -> memref<1x128x16xf32, #tpu.memory_space<hbm>>
        tpu.wait_dma2 semaphore(%run_scoped3A : memref<!tpu.dma_semaphore, #tpu.memory_space<semaphore_mem>>) src(%dma_wait3A_109 : memref<1x128x16xf32, #tpu.memory_space<hbm>>) dst(%dma_wait3A_106 : memref<1x128x16xf32, #tpu.memory_space<vmem>>)
        tpu.yield
      }) : () -> ()
      %dma_start3A = arith.constant 0 : i32
      %dma_start3A_60 = arith.constant 0 : i32
      %dma_start3A_61 = arith.constant 0 : i32
      %dma_start3A_62 = arith.constant 0 : i32
      %dma_start3A_63 = tpu.memref_slice %arg7[%dma_start3A, %dma_start3A_61, %dma_start3A_62] : memref<12x128x16xf32, #tpu.memory_space<vmem>> -> memref<1x128x16xf32, #tpu.memory_space<vmem>>
      %dma_start3A_64 = tpu.memref_squeeze %dma_start3A_63 : memref<1x128x16xf32, #tpu.memory_space<vmem>> -> memref<128x16xf32, #tpu.memory_space<vmem>>
      %dma_start3A_65 = arith.constant 0 : i32
      %dma_start3A_66 = tpu.memref_slice %arg6[%dma_start3A_60, %dma_start3A_65] : memref<12x128xi32, #tpu.memory_space<vmem>> -> memref<1x128xi32, #tpu.memory_space<vmem>>
      %dma_start3A_67 = tpu.memref_squeeze %dma_start3A_66 : memref<1x128xi32, #tpu.memory_space<vmem>> -> memref<128xi32, #tpu.memory_space<vmem>>
      %dma_start3A_68 = arith.constant 0 : i32
      %dma_start3A_69 = arith.constant 0 : i32
      %dma_start3A_70 = tpu.memref_slice %arg8[%dma_start3A_68, %dma_start3A_69] : memref<100000x16xf32, #tpu.memory_space<vmem_shared>> -> memref<100000x16xf32, #tpu.memory_space<vmem_shared>>
      tpu.enqueue_indirect_dma source(%dma_start3A_64 : memref<128x16xf32, #tpu.memory_space<vmem>>) target(%dma_start3A_70 : memref<100000x16xf32, #tpu.memory_space<vmem_shared>>) offsets(%dma_start3A_67 : memref<128xi32, #tpu.memory_space<vmem>>) semaphore(%arg9 : memref<!tpu.dma_semaphore, #tpu.memory_space<semaphore_mem>>) {add = true}
      %dma_wait3A = arith.constant 0 : i32
      %dma_wait3A_71 = arith.constant 0 : i32
      %dma_wait3A_72 = arith.constant 0 : i32
      %dma_wait3A_73 = arith.constant 0 : i32
      %dma_wait3A_74 = tpu.memref_slice %arg7[%dma_wait3A, %dma_wait3A_72, %dma_wait3A_73] : memref<12x128x16xf32, #tpu.memory_space<vmem>> -> memref<1x128x16xf32, #tpu.memory_space<vmem>>
      %dma_wait3A_75 = tpu.memref_squeeze %dma_wait3A_74 : memref<1x128x16xf32, #tpu.memory_space<vmem>> -> memref<128x16xf32, #tpu.memory_space<vmem>>
      %dma_wait3A_76 = arith.constant 0 : i32
      %dma_wait3A_77 = tpu.memref_slice %arg6[%dma_wait3A_71, %dma_wait3A_76] : memref<12x128xi32, #tpu.memory_space<vmem>> -> memref<1x128xi32, #tpu.memory_space<vmem>>
      %dma_wait3A_78 = tpu.memref_squeeze %dma_wait3A_77 : memref<1x128xi32, #tpu.memory_space<vmem>> -> memref<128xi32, #tpu.memory_space<vmem>>
      %dma_wait3A_79 = arith.constant 0 : i32
      %dma_wait3A_80 = arith.constant 0 : i32
      %dma_wait3A_81 = tpu.memref_slice %arg8[%dma_wait3A_79, %dma_wait3A_80] : memref<100000x16xf32, #tpu.memory_space<vmem_shared>> -> memref<100000x16xf32, #tpu.memory_space<vmem_shared>>
      tpu.wait_indirect_dma semaphore(%arg9 : memref<!tpu.dma_semaphore, #tpu.memory_space<semaphore_mem>>) src(%dma_wait3A_75 : memref<128x16xf32, #tpu.memory_space<vmem>>) dst(%dma_wait3A_81 : memref<100000x16xf32, #tpu.memory_space<vmem_shared>>)
    }
    %while3A_49 = arith.constant 1 : i32
    scf.for %while3A_55 = %while3A_47 to %while3A_43 step %while3A_49  : i32 {
      %mul3A_56 = arith.constant 12 : i32
      %mul3A_57 = arith.muli %select_n3A, %mul3A_56 : i32
      %add3A_58 = arith.addi %add3A_7, %mul3A_57 : i32
      %add3A_59 = arith.addi %add3A_58, %while3A_55 : i32
      "tpu.region"() ({
        %run_scoped3A = tpu.sem_alloc : memref<!tpu.dma_semaphore, #tpu.memory_space<semaphore_mem>>
        %dma_start3A_82 = arith.constant 0 : i32
        %dma_start3A_83 = arith.constant 0 : i32
        %dma_start3A_84 = tpu.memref_slice %arg6[%dma_start3A_82, %dma_start3A_83] : memref<12x128xi32, #tpu.memory_space<vmem>> -> memref<1x128xi32, #tpu.memory_space<vmem>>
        %dma_start3A_85 = arith.constant 0 : i32
        %dma_start3A_86 = tpu.memref_slice %arg3[%add3A_59, %dma_start3A_85] : memref<12500x128xi32, #tpu.memory_space<hbm>> -> memref<1x128xi32, #tpu.memory_space<hbm>>
        %dma_start3A_87 = arith.constant 0 : i32
        %dma_start3A_88 = arith.constant 0 : i32
        %dma_start3A_89 = tpu.memref_slice %arg6[%dma_start3A_87, %dma_start3A_88] : memref<12x128xi32, #tpu.memory_space<vmem>> -> memref<1x128xi32, #tpu.memory_space<vmem>>
        %dma_start3A_90 = arith.constant 0 : i32
        %dma_start3A_91 = tpu.memref_slice %arg3[%add3A_59, %dma_start3A_90] : memref<12500x128xi32, #tpu.memory_space<hbm>> -> memref<1x128xi32, #tpu.memory_space<hbm>>
        tpu.enqueue_dma source(%dma_start3A_91 : memref<1x128xi32, #tpu.memory_space<hbm>>) target(%dma_start3A_89 : memref<1x128xi32, #tpu.memory_space<vmem>>) target_semaphore(%run_scoped3A : memref<!tpu.dma_semaphore, #tpu.memory_space<semaphore_mem>>)
        %dma_wait3A_92 = arith.constant 0 : i32
        %dma_wait3A_93 = arith.constant 0 : i32
        %dma_wait3A_94 = tpu.memref_slice %arg6[%dma_wait3A_92, %dma_wait3A_93] : memref<12x128xi32, #tpu.memory_space<vmem>> -> memref<1x128xi32, #tpu.memory_space<vmem>>
        %dma_wait3A_95 = arith.constant 0 : i32
        %dma_wait3A_96 = tpu.memref_slice %arg3[%add3A_59, %dma_wait3A_95] : memref<12500x128xi32, #tpu.memory_space<hbm>> -> memref<1x128xi32, #tpu.memory_space<hbm>>
        %dma_wait3A_97 = arith.constant 0 : i32
        %dma_wait3A_98 = arith.constant 0 : i32
        %dma_wait3A_99 = tpu.memref_slice %arg6[%dma_wait3A_97, %dma_wait3A_98] : memref<12x128xi32, #tpu.memory_space<vmem>> -> memref<1x128xi32, #tpu.memory_space<vmem>>
        %dma_wait3A_100 = arith.constant 0 : i32
        %dma_wait3A_101 = tpu.memref_slice %arg3[%add3A_59, %dma_wait3A_100] : memref<12500x128xi32, #tpu.memory_space<hbm>> -> memref<1x128xi32, #tpu.memory_space<hbm>>
        tpu.wait_dma2 semaphore(%run_scoped3A : memref<!tpu.dma_semaphore, #tpu.memory_space<semaphore_mem>>) src(%dma_wait3A_101 : memref<1x128xi32, #tpu.memory_space<hbm>>) dst(%dma_wait3A_99 : memref<1x128xi32, #tpu.memory_space<vmem>>)
        tpu.yield
      }) : () -> ()
      "tpu.region"() ({
        %run_scoped3A = tpu.sem_alloc : memref<!tpu.dma_semaphore, #tpu.memory_space<semaphore_mem>>
        %dma_start3A_82 = arith.constant 0 : i32
        %dma_start3A_83 = arith.constant 0 : i32
        %dma_start3A_84 = arith.constant 0 : i32
        %dma_start3A_85 = tpu.memref_slice %arg7[%dma_start3A_82, %dma_start3A_83, %dma_start3A_84] : memref<12x128x16xf32, #tpu.memory_space<vmem>> -> memref<1x128x16xf32, #tpu.memory_space<vmem>>
        %dma_start3A_86 = arith.constant 0 : i32
        %dma_start3A_87 = arith.constant 0 : i32
        %dma_start3A_88 = tpu.memref_slice %arg2[%add3A_59, %dma_start3A_86, %dma_start3A_87] : memref<12500x128x16xf32, #tpu.memory_space<hbm>> -> memref<1x128x16xf32, #tpu.memory_space<hbm>>
        %dma_start3A_89 = arith.constant 0 : i32
        %dma_start3A_90 = arith.constant 0 : i32
        %dma_start3A_91 = arith.constant 0 : i32
        %dma_start3A_92 = tpu.memref_slice %arg7[%dma_start3A_89, %dma_start3A_90, %dma_start3A_91] : memref<12x128x16xf32, #tpu.memory_space<vmem>> -> memref<1x128x16xf32, #tpu.memory_space<vmem>>
        %dma_start3A_93 = arith.constant 0 : i32
        %dma_start3A_94 = arith.constant 0 : i32
        %dma_start3A_95 = tpu.memref_slice %arg2[%add3A_59, %dma_start3A_93, %dma_start3A_94] : memref<12500x128x16xf32, #tpu.memory_space<hbm>> -> memref<1x128x16xf32, #tpu.memory_space<hbm>>
        tpu.enqueue_dma source(%dma_start3A_95 : memref<1x128x16xf32, #tpu.memory_space<hbm>>) target(%dma_start3A_92 : memref<1x128x16xf32, #tpu.memory_space<vmem>>) target_semaphore(%run_scoped3A : memref<!tpu.dma_semaphore, #tpu.memory_space<semaphore_mem>>)
        %dma_wait3A_96 = arith.constant 0 : i32
        %dma_wait3A_97 = arith.constant 0 : i32
        %dma_wait3A_98 = arith.constant 0 : i32
        %dma_wait3A_99 = tpu.memref_slice %arg7[%dma_wait3A_96, %dma_wait3A_97, %dma_wait3A_98] : memref<12x128x16xf32, #tpu.memory_space<vmem>> -> memref<1x128x16xf32, #tpu.memory_space<vmem>>
        %dma_wait3A_100 = arith.constant 0 : i32
        %dma_wait3A_101 = arith.constant 0 : i32
        %dma_wait3A_102 = tpu.memref_slice %arg2[%add3A_59, %dma_wait3A_100, %dma_wait3A_101] : memref<12500x128x16xf32, #tpu.memory_space<hbm>> -> memref<1x128x16xf32, #tpu.memory_space<hbm>>
        %dma_wait3A_103 = arith.constant 0 : i32
        %dma_wait3A_104 = arith.constant 0 : i32
        %dma_wait3A_105 = arith.constant 0 : i32
        %dma_wait3A_106 = tpu.memref_slice %arg7[%dma_wait3A_103, %dma_wait3A_104, %dma_wait3A_105] : memref<12x128x16xf32, #tpu.memory_space<vmem>> -> memref<1x128x16xf32, #tpu.memory_space<vmem>>
        %dma_wait3A_107 = arith.constant 0 : i32
        %dma_wait3A_108 = arith.constant 0 : i32
        %dma_wait3A_109 = tpu.memref_slice %arg2[%add3A_59, %dma_wait3A_107, %dma_wait3A_108] : memref<12500x128x16xf32, #tpu.memory_space<hbm>> -> memref<1x128x16xf32, #tpu.memory_space<hbm>>
        tpu.wait_dma2 semaphore(%run_scoped3A : memref<!tpu.dma_semaphore, #tpu.memory_space<semaphore_mem>>) src(%dma_wait3A_109 : memref<1x128x16xf32, #tpu.memory_space<hbm>>) dst(%dma_wait3A_106 : memref<1x128x16xf32, #tpu.memory_space<vmem>>)
        tpu.yield
      }) : () -> ()
      %dma_start3A = arith.constant 0 : i32
      %dma_start3A_60 = arith.constant 0 : i32
      %dma_start3A_61 = arith.constant 0 : i32
      %dma_start3A_62 = arith.constant 0 : i32
      %dma_start3A_63 = tpu.memref_slice %arg7[%dma_start3A, %dma_start3A_61, %dma_start3A_62] : memref<12x128x16xf32, #tpu.memory_space<vmem>> -> memref<1x128x16xf32, #tpu.memory_space<vmem>>
      %dma_start3A_64 = tpu.memref_squeeze %dma_start3A_63 : memref<1x128x16xf32, #tpu.memory_space<vmem>> -> memref<128x16xf32, #tpu.memory_space<vmem>>
      %dma_start3A_65 = arith.constant 0 : i32
      %dma_start3A_66 = tpu.memref_slice %arg6[%dma_start3A_60, %dma_start3A_65] : memref<12x128xi32, #tpu.memory_space<vmem>> -> memref<1x128xi32, #tpu.memory_space<vmem>>
      %dma_start3A_67 = tpu.memref_squeeze %dma_start3A_66 : memref<1x128xi32, #tpu.memory_space<vmem>> -> memref<128xi32, #tpu.memory_space<vmem>>
      %dma_start3A_68 = arith.constant 0 : i32
      %dma_start3A_69 = arith.constant 0 : i32
      %dma_start3A_70 = tpu.memref_slice %arg8[%dma_start3A_68, %dma_start3A_69] : memref<100000x16xf32, #tpu.memory_space<vmem_shared>> -> memref<100000x16xf32, #tpu.memory_space<vmem_shared>>
      tpu.enqueue_indirect_dma source(%dma_start3A_64 : memref<128x16xf32, #tpu.memory_space<vmem>>) target(%dma_start3A_70 : memref<100000x16xf32, #tpu.memory_space<vmem_shared>>) offsets(%dma_start3A_67 : memref<128xi32, #tpu.memory_space<vmem>>) semaphore(%arg9 : memref<!tpu.dma_semaphore, #tpu.memory_space<semaphore_mem>>) {add = true}
      %dma_wait3A = arith.constant 0 : i32
      %dma_wait3A_71 = arith.constant 0 : i32
      %dma_wait3A_72 = arith.constant 0 : i32
      %dma_wait3A_73 = arith.constant 0 : i32
      %dma_wait3A_74 = tpu.memref_slice %arg7[%dma_wait3A, %dma_wait3A_72, %dma_wait3A_73] : memref<12x128x16xf32, #tpu.memory_space<vmem>> -> memref<1x128x16xf32, #tpu.memory_space<vmem>>
      %dma_wait3A_75 = tpu.memref_squeeze %dma_wait3A_74 : memref<1x128x16xf32, #tpu.memory_space<vmem>> -> memref<128x16xf32, #tpu.memory_space<vmem>>
      %dma_wait3A_76 = arith.constant 0 : i32
      %dma_wait3A_77 = tpu.memref_slice %arg6[%dma_wait3A_71, %dma_wait3A_76] : memref<12x128xi32, #tpu.memory_space<vmem>> -> memref<1x128xi32, #tpu.memory_space<vmem>>
      %dma_wait3A_78 = tpu.memref_squeeze %dma_wait3A_77 : memref<1x128xi32, #tpu.memory_space<vmem>> -> memref<128xi32, #tpu.memory_space<vmem>>
      %dma_wait3A_79 = arith.constant 0 : i32
      %dma_wait3A_80 = arith.constant 0 : i32
      %dma_wait3A_81 = tpu.memref_slice %arg8[%dma_wait3A_79, %dma_wait3A_80] : memref<100000x16xf32, #tpu.memory_space<vmem_shared>> -> memref<100000x16xf32, #tpu.memory_space<vmem_shared>>
      tpu.wait_indirect_dma semaphore(%arg9 : memref<!tpu.dma_semaphore, #tpu.memory_space<semaphore_mem>>) src(%dma_wait3A_75 : memref<128x16xf32, #tpu.memory_space<vmem>>) dst(%dma_wait3A_81 : memref<100000x16xf32, #tpu.memory_space<vmem_shared>>)
    }
    %barrier3A_50 = arith.constant 0 : index
    tpu.barrier barrier_id(%barrier3A_50)
    %mul3A_51 = arith.constant 6250 : i32
    %mul3A_52 = arith.muli %arg1, %mul3A_51 : i32
    %mul3A_53 = arith.constant 6250 : i32
    %mul3A_54 = arith.muli %arg1, %mul3A_53 : i32
    "tpu.region"() ({
      %run_scoped3A = tpu.sem_alloc : memref<!tpu.dma_semaphore, #tpu.memory_space<semaphore_mem>>
      %dma_start3A = arith.constant 0 : i32
      %dma_start3A_55 = tpu.memref_slice %arg5[%arg0, %mul3A_54, %dma_start3A] : memref<2x100000x16xf32, #tpu.memory_space<hbm>> -> memref<1x6250x16xf32, #tpu.memory_space<hbm>>
      %dma_start3A_56 = tpu.memref_squeeze %dma_start3A_55 : memref<1x6250x16xf32, #tpu.memory_space<hbm>> -> memref<6250x16xf32, #tpu.memory_space<hbm>>
      %dma_start3A_57 = arith.constant 0 : i32
      %dma_start3A_58 = tpu.memref_slice %arg8[%mul3A_52, %dma_start3A_57] : memref<100000x16xf32, #tpu.memory_space<vmem_shared>> -> memref<6250x16xf32, #tpu.memory_space<vmem_shared>>
      tpu.enqueue_dma source(%dma_start3A_58 : memref<6250x16xf32, #tpu.memory_space<vmem_shared>>) target(%dma_start3A_56 : memref<6250x16xf32, #tpu.memory_space<hbm>>) target_semaphore(%run_scoped3A : memref<!tpu.dma_semaphore, #tpu.memory_space<semaphore_mem>>)
      %dma_wait3A = arith.constant 0 : i32
      %dma_wait3A_59 = tpu.memref_slice %arg5[%arg0, %mul3A_54, %dma_wait3A] : memref<2x100000x16xf32, #tpu.memory_space<hbm>> -> memref<1x6250x16xf32, #tpu.memory_space<hbm>>
      %dma_wait3A_60 = tpu.memref_squeeze %dma_wait3A_59 : memref<1x6250x16xf32, #tpu.memory_space<hbm>> -> memref<6250x16xf32, #tpu.memory_space<hbm>>
      %dma_wait3A_61 = arith.constant 0 : i32
      %dma_wait3A_62 = tpu.memref_slice %arg8[%mul3A_52, %dma_wait3A_61] : memref<100000x16xf32, #tpu.memory_space<vmem_shared>> -> memref<6250x16xf32, #tpu.memory_space<vmem_shared>>
      tpu.wait_dma2 semaphore(%run_scoped3A : memref<!tpu.dma_semaphore, #tpu.memory_space<semaphore_mem>>) src(%dma_wait3A_62 : memref<6250x16xf32, #tpu.memory_space<vmem_shared>>) dst(%dma_wait3A_60 : memref<6250x16xf32, #tpu.memory_space<hbm>>)
      tpu.yield
    }) : () -> ()
    return
  }
}

#map = affine_map<(d0, d1) -> (0, 0, 0)>
#map1 = affine_map<(d0, d1) -> (0, 0)>
module attributes {stable_mosaic.version = 14 : i64} {
  func.func @sk(%arg0: i32, %arg1: i32, %arg2: memref<12500x128x16xf32, #tpu.memory_space<hbm>>, %arg3: memref<12500x128xi32, #tpu.memory_space<hbm>>, %arg4: memref<50000x16xf32, #tpu.memory_space<hbm>>, %arg5: memref<2x50000x16xf32, #tpu.memory_space<hbm>>, %arg6: memref<24x128xi32, #tpu.memory_space<vmem>>, %arg7: memref<24x128x16xf32, #tpu.memory_space<vmem>>, %arg8: memref<50000x16xf32, #tpu.memory_space<vmem_shared>>, %arg9: memref<!tpu.dma_semaphore, #tpu.memory_space<semaphore_mem>>) attributes {dimension_semantics = [#tpu.dimension_semantics<core_parallel>, #tpu.dimension_semantics<subcore_parallel>], iteration_bounds = array<i64: 2, 16>, scalar_prefetch = 0 : i64, scratch_operands = 4 : i64, tpu.core_type = #tpu.core_type<sc_vector_subcore>, window_params = [{transform_indices = #map}, {transform_indices = #map1}, {transform_indices = #map1}, {transform_indices = #map}]} {
    %mul3A = arith.constant 2 : i32
    %mul3A_0 = arith.muli %arg1, %mul3A : i32
    %add3A = arith.addi %mul3A_0, %arg0 : i32
    %lt3A = arith.constant 20 : i32
    %lt3A_1 = arith.cmpi slt, %add3A, %lt3A : i32
    %convert_element_type3A = arith.extui %lt3A_1 : i1 to i32
    %add3A_2 = arith.constant 390 : i32
    %add3A_3 = arith.addi %add3A_2, %convert_element_type3A : i32
    %mul3A_4 = arith.constant 390 : i32
    %mul3A_5 = arith.muli %add3A, %mul3A_4 : i32
    %min3A = arith.constant 20 : i32
    %min3A_6 = arith.minsi %add3A, %min3A : i32
    %add3A_7 = arith.addi %mul3A_5, %min3A_6 : i32
    %jit3A = arith.constant 24 : i32
    %div3A = arith.divsi %add3A_3, %jit3A : i32
    %sign3A = arith.constant 0 : i32
    %sign3A_8 = arith.cmpi sgt, %add3A_3, %sign3A : i32
    %sign3A_9 = arith.extui %sign3A_8 : i1 to i32
    %sign3A_10 = arith.constant 0 : i32
    %sign3A_11 = arith.cmpi slt, %add3A_3, %sign3A_10 : i32
    %sign3A_12 = arith.extui %sign3A_11 : i1 to i32
    %sign3A_13 = arith.subi %sign3A_9, %sign3A_12 : i32
    %sign3A_14 = arith.constant 0 : i32
    %sign3A_15 = arith.cmpi sgt, %jit3A, %sign3A_14 : i32
    %sign3A_16 = arith.extui %sign3A_15 : i1 to i32
    %sign3A_17 = arith.constant 0 : i32
    %sign3A_18 = arith.cmpi slt, %jit3A, %sign3A_17 : i32
    %sign3A_19 = arith.extui %sign3A_18 : i1 to i32
    %sign3A_20 = arith.subi %sign3A_16, %sign3A_19 : i32
    %ne3A = arith.cmpi ne, %sign3A_13, %sign3A_20 : i32
    %rem3A = arith.remsi %add3A_3, %jit3A : i32
    %ne3A_21 = arith.constant 0 : i32
    %ne3A_22 = arith.cmpi ne, %rem3A, %ne3A_21 : i32
    %and3A = arith.andi %ne3A, %ne3A_22 : i1
    %sub3A = arith.constant 1 : i32
    %sub3A_23 = arith.subi %div3A, %sub3A : i32
    %select_n3A = arith.select %and3A, %sub3A_23, %div3A : i32
    %mul3A_24 = arith.constant 3125 : i32
    %mul3A_25 = arith.muli %arg1, %mul3A_24 : i32
    %mul3A_26 = arith.constant 3125 : i32
    %mul3A_27 = arith.muli %arg1, %mul3A_26 : i32
    "tpu.region"() ({
      %run_scoped3A = tpu.sem_alloc : memref<!tpu.dma_semaphore, #tpu.memory_space<semaphore_mem>>
      %dma_start3A = arith.constant 0 : i32
      %dma_start3A_55 = tpu.memref_slice %arg8[%mul3A_27, %dma_start3A] : memref<50000x16xf32, #tpu.memory_space<vmem_shared>> -> memref<3125x16xf32, #tpu.memory_space<vmem_shared>>
      %dma_start3A_56 = arith.constant 0 : i32
      %dma_start3A_57 = tpu.memref_slice %arg4[%mul3A_25, %dma_start3A_56] : memref<50000x16xf32, #tpu.memory_space<hbm>> -> memref<3125x16xf32, #tpu.memory_space<hbm>>
      tpu.enqueue_dma source(%dma_start3A_57 : memref<3125x16xf32, #tpu.memory_space<hbm>>) target(%dma_start3A_55 : memref<3125x16xf32, #tpu.memory_space<vmem_shared>>) target_semaphore(%run_scoped3A : memref<!tpu.dma_semaphore, #tpu.memory_space<semaphore_mem>>)
      %dma_wait3A = arith.constant 0 : i32
      %dma_wait3A_58 = tpu.memref_slice %arg8[%mul3A_27, %dma_wait3A] : memref<50000x16xf32, #tpu.memory_space<vmem_shared>> -> memref<3125x16xf32, #tpu.memory_space<vmem_shared>>
      %dma_wait3A_59 = arith.constant 0 : i32
      %dma_wait3A_60 = tpu.memref_slice %arg4[%mul3A_25, %dma_wait3A_59] : memref<50000x16xf32, #tpu.memory_space<hbm>> -> memref<3125x16xf32, #tpu.memory_space<hbm>>
      tpu.wait_dma2 semaphore(%run_scoped3A : memref<!tpu.dma_semaphore, #tpu.memory_space<semaphore_mem>>) src(%dma_wait3A_60 : memref<3125x16xf32, #tpu.memory_space<hbm>>) dst(%dma_wait3A_58 : memref<3125x16xf32, #tpu.memory_space<vmem_shared>>)
      tpu.yield
    }) : () -> ()
    %barrier3A = arith.constant 0 : index
    tpu.barrier barrier_id(%barrier3A)
    %while3A = arith.constant 0 : i32
    %while3A_28 = arith.constant 0 : i32
    %while3A_29 = arith.subi %select_n3A, %while3A_28 : i32
    %while3A_30 = arith.addi %while3A_28, %while3A_29 : i32
    %while3A_31 = arith.constant 1 : i32
    %while3A_32 = arith.divsi %while3A_29, %while3A_31 : i32
    %while3A_33 = arith.muli %while3A_32, %while3A_31 : i32
    %while3A_34 = arith.addi %while3A_28, %while3A_33 : i32
    %while3A_35 = arith.constant 1 : i32
    scf.for %while3A_55 = %while3A_28 to %while3A_34 step %while3A_35  : i32 {
      %mul3A_56 = arith.constant 24 : i32
      %mul3A_57 = arith.muli %while3A_55, %mul3A_56 : i32
      %add3A_58 = arith.addi %add3A_7, %mul3A_57 : i32
      "tpu.region"() ({
        %run_scoped3A = tpu.sem_alloc : memref<!tpu.dma_semaphore, #tpu.memory_space<semaphore_mem>>
        %dma_start3A_633 = arith.constant 0 : i32
        %dma_start3A_634 = tpu.memref_slice %arg3[%add3A_58, %dma_start3A_633] : memref<12500x128xi32, #tpu.memory_space<hbm>> -> memref<24x128xi32, #tpu.memory_space<hbm>>
        %dma_start3A_635 = arith.constant 0 : i32
        %dma_start3A_636 = tpu.memref_slice %arg3[%add3A_58, %dma_start3A_635] : memref<12500x128xi32, #tpu.memory_space<hbm>> -> memref<24x128xi32, #tpu.memory_space<hbm>>
        tpu.enqueue_dma source(%dma_start3A_636 : memref<24x128xi32, #tpu.memory_space<hbm>>) target(%arg6 : memref<24x128xi32, #tpu.memory_space<vmem>>) target_semaphore(%run_scoped3A : memref<!tpu.dma_semaphore, #tpu.memory_space<semaphore_mem>>)
        %dma_wait3A_637 = arith.constant 0 : i32
        %dma_wait3A_638 = tpu.memref_slice %arg3[%add3A_58, %dma_wait3A_637] : memref<12500x128xi32, #tpu.memory_space<hbm>> -> memref<24x128xi32, #tpu.memory_space<hbm>>
        %dma_wait3A_639 = arith.constant 0 : i32
        %dma_wait3A_640 = tpu.memref_slice %arg3[%add3A_58, %dma_wait3A_639] : memref<12500x128xi32, #tpu.memory_space<hbm>> -> memref<24x128xi32, #tpu.memory_space<hbm>>
        tpu.wait_dma2 semaphore(%run_scoped3A : memref<!tpu.dma_semaphore, #tpu.memory_space<semaphore_mem>>) src(%dma_wait3A_640 : memref<24x128xi32, #tpu.memory_space<hbm>>) dst(%arg6 : memref<24x128xi32, #tpu.memory_space<vmem>>)
        tpu.yield
      }) : () -> ()
      "tpu.region"() ({
        %run_scoped3A = tpu.sem_alloc : memref<!tpu.dma_semaphore, #tpu.memory_space<semaphore_mem>>
        %dma_start3A_633 = arith.constant 0 : i32
        %dma_start3A_634 = arith.constant 0 : i32
        %dma_start3A_635 = tpu.memref_slice %arg2[%add3A_58, %dma_start3A_633, %dma_start3A_634] : memref<12500x128x16xf32, #tpu.memory_space<hbm>> -> memref<24x128x16xf32, #tpu.memory_space<hbm>>
        %dma_start3A_636 = arith.constant 0 : i32
        %dma_start3A_637 = arith.constant 0 : i32
        %dma_start3A_638 = tpu.memref_slice %arg2[%add3A_58, %dma_start3A_636, %dma_start3A_637] : memref<12500x128x16xf32, #tpu.memory_space<hbm>> -> memref<24x128x16xf32, #tpu.memory_space<hbm>>
        tpu.enqueue_dma source(%dma_start3A_638 : memref<24x128x16xf32, #tpu.memory_space<hbm>>) target(%arg7 : memref<24x128x16xf32, #tpu.memory_space<vmem>>) target_semaphore(%run_scoped3A : memref<!tpu.dma_semaphore, #tpu.memory_space<semaphore_mem>>)
        %dma_wait3A_639 = arith.constant 0 : i32
        %dma_wait3A_640 = arith.constant 0 : i32
        %dma_wait3A_641 = tpu.memref_slice %arg2[%add3A_58, %dma_wait3A_639, %dma_wait3A_640] : memref<12500x128x16xf32, #tpu.memory_space<hbm>> -> memref<24x128x16xf32, #tpu.memory_space<hbm>>
        %dma_wait3A_642 = arith.constant 0 : i32
        %dma_wait3A_643 = arith.constant 0 : i32
        %dma_wait3A_644 = tpu.memref_slice %arg2[%add3A_58, %dma_wait3A_642, %dma_wait3A_643] : memref<12500x128x16xf32, #tpu.memory_space<hbm>> -> memref<24x128x16xf32, #tpu.memory_space<hbm>>
        tpu.wait_dma2 semaphore(%run_scoped3A : memref<!tpu.dma_semaphore, #tpu.memory_space<semaphore_mem>>) src(%dma_wait3A_644 : memref<24x128x16xf32, #tpu.memory_space<hbm>>) dst(%arg7 : memref<24x128x16xf32, #tpu.memory_space<vmem>>)
        tpu.yield
      }) : () -> ()
      %dma_start3A = arith.constant 0 : i32
      %dma_start3A_59 = arith.constant 0 : i32
      %dma_start3A_60 = arith.constant 0 : i32
      %dma_start3A_61 = arith.constant 0 : i32
      %dma_start3A_62 = tpu.memref_slice %arg7[%dma_start3A, %dma_start3A_60, %dma_start3A_61] : memref<24x128x16xf32, #tpu.memory_space<vmem>> -> memref<1x128x16xf32, #tpu.memory_space<vmem>>
      %dma_start3A_63 = tpu.memref_squeeze %dma_start3A_62 : memref<1x128x16xf32, #tpu.memory_space<vmem>> -> memref<128x16xf32, #tpu.memory_space<vmem>>
      %dma_start3A_64 = arith.constant 0 : i32
      %dma_start3A_65 = tpu.memref_slice %arg6[%dma_start3A_59, %dma_start3A_64] : memref<24x128xi32, #tpu.memory_space<vmem>> -> memref<1x128xi32, #tpu.memory_space<vmem>>
      %dma_start3A_66 = tpu.memref_squeeze %dma_start3A_65 : memref<1x128xi32, #tpu.memory_space<vmem>> -> memref<128xi32, #tpu.memory_space<vmem>>
      %dma_start3A_67 = arith.constant 0 : i32
      %dma_start3A_68 = arith.constant 0 : i32
      %dma_start3A_69 = tpu.memref_slice %arg8[%dma_start3A_67, %dma_start3A_68] : memref<50000x16xf32, #tpu.memory_space<vmem_shared>> -> memref<50000x16xf32, #tpu.memory_space<vmem_shared>>
      tpu.enqueue_indirect_dma source(%dma_start3A_63 : memref<128x16xf32, #tpu.memory_space<vmem>>) target(%dma_start3A_69 : memref<50000x16xf32, #tpu.memory_space<vmem_shared>>) offsets(%dma_start3A_66 : memref<128xi32, #tpu.memory_space<vmem>>) semaphore(%arg9 : memref<!tpu.dma_semaphore, #tpu.memory_space<semaphore_mem>>) {add = true}
      %dma_start3A_70 = arith.constant 1 : i32
      %dma_start3A_71 = arith.constant 1 : i32
      %dma_start3A_72 = arith.constant 0 : i32
      %dma_start3A_73 = arith.constant 0 : i32
      %dma_start3A_74 = tpu.memref_slice %arg7[%dma_start3A_70, %dma_start3A_72, %dma_start3A_73] : memref<24x128x16xf32, #tpu.memory_space<vmem>> -> memref<1x128x16xf32, #tpu.memory_space<vmem>>
      %dma_start3A_75 = tpu.memref_squeeze %dma_start3A_74 : memref<1x128x16xf32, #tpu.memory_space<vmem>> -> memref<128x16xf32, #tpu.memory_space<vmem>>
      %dma_start3A_76 = arith.constant 0 : i32
      %dma_start3A_77 = tpu.memref_slice %arg6[%dma_start3A_71, %dma_start3A_76] : memref<24x128xi32, #tpu.memory_space<vmem>> -> memref<1x128xi32, #tpu.memory_space<vmem>>
      %dma_start3A_78 = tpu.memref_squeeze %dma_start3A_77 : memref<1x128xi32, #tpu.memory_space<vmem>> -> memref<128xi32, #tpu.memory_space<vmem>>
      %dma_start3A_79 = arith.constant 0 : i32
      %dma_start3A_80 = arith.constant 0 : i32
      %dma_start3A_81 = tpu.memref_slice %arg8[%dma_start3A_79, %dma_start3A_80] : memref<50000x16xf32, #tpu.memory_space<vmem_shared>> -> memref<50000x16xf32, #tpu.memory_space<vmem_shared>>
      tpu.enqueue_indirect_dma source(%dma_start3A_75 : memref<128x16xf32, #tpu.memory_space<vmem>>) target(%dma_start3A_81 : memref<50000x16xf32, #tpu.memory_space<vmem_shared>>) offsets(%dma_start3A_78 : memref<128xi32, #tpu.memory_space<vmem>>) semaphore(%arg9 : memref<!tpu.dma_semaphore, #tpu.memory_space<semaphore_mem>>) {add = true}
      %dma_start3A_82 = arith.constant 2 : i32
      %dma_start3A_83 = arith.constant 2 : i32
      %dma_start3A_84 = arith.constant 0 : i32
      %dma_start3A_85 = arith.constant 0 : i32
      %dma_start3A_86 = tpu.memref_slice %arg7[%dma_start3A_82, %dma_start3A_84, %dma_start3A_85] : memref<24x128x16xf32, #tpu.memory_space<vmem>> -> memref<1x128x16xf32, #tpu.memory_space<vmem>>
      %dma_start3A_87 = tpu.memref_squeeze %dma_start3A_86 : memref<1x128x16xf32, #tpu.memory_space<vmem>> -> memref<128x16xf32, #tpu.memory_space<vmem>>
      %dma_start3A_88 = arith.constant 0 : i32
      %dma_start3A_89 = tpu.memref_slice %arg6[%dma_start3A_83, %dma_start3A_88] : memref<24x128xi32, #tpu.memory_space<vmem>> -> memref<1x128xi32, #tpu.memory_space<vmem>>
      %dma_start3A_90 = tpu.memref_squeeze %dma_start3A_89 : memref<1x128xi32, #tpu.memory_space<vmem>> -> memref<128xi32, #tpu.memory_space<vmem>>
      %dma_start3A_91 = arith.constant 0 : i32
      %dma_start3A_92 = arith.constant 0 : i32
      %dma_start3A_93 = tpu.memref_slice %arg8[%dma_start3A_91, %dma_start3A_92] : memref<50000x16xf32, #tpu.memory_space<vmem_shared>> -> memref<50000x16xf32, #tpu.memory_space<vmem_shared>>
      tpu.enqueue_indirect_dma source(%dma_start3A_87 : memref<128x16xf32, #tpu.memory_space<vmem>>) target(%dma_start3A_93 : memref<50000x16xf32, #tpu.memory_space<vmem_shared>>) offsets(%dma_start3A_90 : memref<128xi32, #tpu.memory_space<vmem>>) semaphore(%arg9 : memref<!tpu.dma_semaphore, #tpu.memory_space<semaphore_mem>>) {add = true}
      %dma_start3A_94 = arith.constant 3 : i32
      %dma_start3A_95 = arith.constant 3 : i32
      %dma_start3A_96 = arith.constant 0 : i32
      %dma_start3A_97 = arith.constant 0 : i32
      %dma_start3A_98 = tpu.memref_slice %arg7[%dma_start3A_94, %dma_start3A_96, %dma_start3A_97] : memref<24x128x16xf32, #tpu.memory_space<vmem>> -> memref<1x128x16xf32, #tpu.memory_space<vmem>>
      %dma_start3A_99 = tpu.memref_squeeze %dma_start3A_98 : memref<1x128x16xf32, #tpu.memory_space<vmem>> -> memref<128x16xf32, #tpu.memory_space<vmem>>
      %dma_start3A_100 = arith.constant 0 : i32
      %dma_start3A_101 = tpu.memref_slice %arg6[%dma_start3A_95, %dma_start3A_100] : memref<24x128xi32, #tpu.memory_space<vmem>> -> memref<1x128xi32, #tpu.memory_space<vmem>>
      %dma_start3A_102 = tpu.memref_squeeze %dma_start3A_101 : memref<1x128xi32, #tpu.memory_space<vmem>> -> memref<128xi32, #tpu.memory_space<vmem>>
      %dma_start3A_103 = arith.constant 0 : i32
      %dma_start3A_104 = arith.constant 0 : i32
      %dma_start3A_105 = tpu.memref_slice %arg8[%dma_start3A_103, %dma_start3A_104] : memref<50000x16xf32, #tpu.memory_space<vmem_shared>> -> memref<50000x16xf32, #tpu.memory_space<vmem_shared>>
      tpu.enqueue_indirect_dma source(%dma_start3A_99 : memref<128x16xf32, #tpu.memory_space<vmem>>) target(%dma_start3A_105 : memref<50000x16xf32, #tpu.memory_space<vmem_shared>>) offsets(%dma_start3A_102 : memref<128xi32, #tpu.memory_space<vmem>>) semaphore(%arg9 : memref<!tpu.dma_semaphore, #tpu.memory_space<semaphore_mem>>) {add = true}
      %dma_start3A_106 = arith.constant 4 : i32
      %dma_start3A_107 = arith.constant 4 : i32
      %dma_start3A_108 = arith.constant 0 : i32
      %dma_start3A_109 = arith.constant 0 : i32
      %dma_start3A_110 = tpu.memref_slice %arg7[%dma_start3A_106, %dma_start3A_108, %dma_start3A_109] : memref<24x128x16xf32, #tpu.memory_space<vmem>> -> memref<1x128x16xf32, #tpu.memory_space<vmem>>
      %dma_start3A_111 = tpu.memref_squeeze %dma_start3A_110 : memref<1x128x16xf32, #tpu.memory_space<vmem>> -> memref<128x16xf32, #tpu.memory_space<vmem>>
      %dma_start3A_112 = arith.constant 0 : i32
      %dma_start3A_113 = tpu.memref_slice %arg6[%dma_start3A_107, %dma_start3A_112] : memref<24x128xi32, #tpu.memory_space<vmem>> -> memref<1x128xi32, #tpu.memory_space<vmem>>
      %dma_start3A_114 = tpu.memref_squeeze %dma_start3A_113 : memref<1x128xi32, #tpu.memory_space<vmem>> -> memref<128xi32, #tpu.memory_space<vmem>>
      %dma_start3A_115 = arith.constant 0 : i32
      %dma_start3A_116 = arith.constant 0 : i32
      %dma_start3A_117 = tpu.memref_slice %arg8[%dma_start3A_115, %dma_start3A_116] : memref<50000x16xf32, #tpu.memory_space<vmem_shared>> -> memref<50000x16xf32, #tpu.memory_space<vmem_shared>>
      tpu.enqueue_indirect_dma source(%dma_start3A_111 : memref<128x16xf32, #tpu.memory_space<vmem>>) target(%dma_start3A_117 : memref<50000x16xf32, #tpu.memory_space<vmem_shared>>) offsets(%dma_start3A_114 : memref<128xi32, #tpu.memory_space<vmem>>) semaphore(%arg9 : memref<!tpu.dma_semaphore, #tpu.memory_space<semaphore_mem>>) {add = true}
      %dma_start3A_118 = arith.constant 5 : i32
      %dma_start3A_119 = arith.constant 5 : i32
      %dma_start3A_120 = arith.constant 0 : i32
      %dma_start3A_121 = arith.constant 0 : i32
      %dma_start3A_122 = tpu.memref_slice %arg7[%dma_start3A_118, %dma_start3A_120, %dma_start3A_121] : memref<24x128x16xf32, #tpu.memory_space<vmem>> -> memref<1x128x16xf32, #tpu.memory_space<vmem>>
      %dma_start3A_123 = tpu.memref_squeeze %dma_start3A_122 : memref<1x128x16xf32, #tpu.memory_space<vmem>> -> memref<128x16xf32, #tpu.memory_space<vmem>>
      %dma_start3A_124 = arith.constant 0 : i32
      %dma_start3A_125 = tpu.memref_slice %arg6[%dma_start3A_119, %dma_start3A_124] : memref<24x128xi32, #tpu.memory_space<vmem>> -> memref<1x128xi32, #tpu.memory_space<vmem>>
      %dma_start3A_126 = tpu.memref_squeeze %dma_start3A_125 : memref<1x128xi32, #tpu.memory_space<vmem>> -> memref<128xi32, #tpu.memory_space<vmem>>
      %dma_start3A_127 = arith.constant 0 : i32
      %dma_start3A_128 = arith.constant 0 : i32
      %dma_start3A_129 = tpu.memref_slice %arg8[%dma_start3A_127, %dma_start3A_128] : memref<50000x16xf32, #tpu.memory_space<vmem_shared>> -> memref<50000x16xf32, #tpu.memory_space<vmem_shared>>
      tpu.enqueue_indirect_dma source(%dma_start3A_123 : memref<128x16xf32, #tpu.memory_space<vmem>>) target(%dma_start3A_129 : memref<50000x16xf32, #tpu.memory_space<vmem_shared>>) offsets(%dma_start3A_126 : memref<128xi32, #tpu.memory_space<vmem>>) semaphore(%arg9 : memref<!tpu.dma_semaphore, #tpu.memory_space<semaphore_mem>>) {add = true}
      %dma_start3A_130 = arith.constant 6 : i32
      %dma_start3A_131 = arith.constant 6 : i32
      %dma_start3A_132 = arith.constant 0 : i32
      %dma_start3A_133 = arith.constant 0 : i32
      %dma_start3A_134 = tpu.memref_slice %arg7[%dma_start3A_130, %dma_start3A_132, %dma_start3A_133] : memref<24x128x16xf32, #tpu.memory_space<vmem>> -> memref<1x128x16xf32, #tpu.memory_space<vmem>>
      %dma_start3A_135 = tpu.memref_squeeze %dma_start3A_134 : memref<1x128x16xf32, #tpu.memory_space<vmem>> -> memref<128x16xf32, #tpu.memory_space<vmem>>
      %dma_start3A_136 = arith.constant 0 : i32
      %dma_start3A_137 = tpu.memref_slice %arg6[%dma_start3A_131, %dma_start3A_136] : memref<24x128xi32, #tpu.memory_space<vmem>> -> memref<1x128xi32, #tpu.memory_space<vmem>>
      %dma_start3A_138 = tpu.memref_squeeze %dma_start3A_137 : memref<1x128xi32, #tpu.memory_space<vmem>> -> memref<128xi32, #tpu.memory_space<vmem>>
      %dma_start3A_139 = arith.constant 0 : i32
      %dma_start3A_140 = arith.constant 0 : i32
      %dma_start3A_141 = tpu.memref_slice %arg8[%dma_start3A_139, %dma_start3A_140] : memref<50000x16xf32, #tpu.memory_space<vmem_shared>> -> memref<50000x16xf32, #tpu.memory_space<vmem_shared>>
      tpu.enqueue_indirect_dma source(%dma_start3A_135 : memref<128x16xf32, #tpu.memory_space<vmem>>) target(%dma_start3A_141 : memref<50000x16xf32, #tpu.memory_space<vmem_shared>>) offsets(%dma_start3A_138 : memref<128xi32, #tpu.memory_space<vmem>>) semaphore(%arg9 : memref<!tpu.dma_semaphore, #tpu.memory_space<semaphore_mem>>) {add = true}
      %dma_start3A_142 = arith.constant 7 : i32
      %dma_start3A_143 = arith.constant 7 : i32
      %dma_start3A_144 = arith.constant 0 : i32
      %dma_start3A_145 = arith.constant 0 : i32
      %dma_start3A_146 = tpu.memref_slice %arg7[%dma_start3A_142, %dma_start3A_144, %dma_start3A_145] : memref<24x128x16xf32, #tpu.memory_space<vmem>> -> memref<1x128x16xf32, #tpu.memory_space<vmem>>
      %dma_start3A_147 = tpu.memref_squeeze %dma_start3A_146 : memref<1x128x16xf32, #tpu.memory_space<vmem>> -> memref<128x16xf32, #tpu.memory_space<vmem>>
      %dma_start3A_148 = arith.constant 0 : i32
      %dma_start3A_149 = tpu.memref_slice %arg6[%dma_start3A_143, %dma_start3A_148] : memref<24x128xi32, #tpu.memory_space<vmem>> -> memref<1x128xi32, #tpu.memory_space<vmem>>
      %dma_start3A_150 = tpu.memref_squeeze %dma_start3A_149 : memref<1x128xi32, #tpu.memory_space<vmem>> -> memref<128xi32, #tpu.memory_space<vmem>>
      %dma_start3A_151 = arith.constant 0 : i32
      %dma_start3A_152 = arith.constant 0 : i32
      %dma_start3A_153 = tpu.memref_slice %arg8[%dma_start3A_151, %dma_start3A_152] : memref<50000x16xf32, #tpu.memory_space<vmem_shared>> -> memref<50000x16xf32, #tpu.memory_space<vmem_shared>>
      tpu.enqueue_indirect_dma source(%dma_start3A_147 : memref<128x16xf32, #tpu.memory_space<vmem>>) target(%dma_start3A_153 : memref<50000x16xf32, #tpu.memory_space<vmem_shared>>) offsets(%dma_start3A_150 : memref<128xi32, #tpu.memory_space<vmem>>) semaphore(%arg9 : memref<!tpu.dma_semaphore, #tpu.memory_space<semaphore_mem>>) {add = true}
      %dma_start3A_154 = arith.constant 8 : i32
      %dma_start3A_155 = arith.constant 8 : i32
      %dma_start3A_156 = arith.constant 0 : i32
      %dma_start3A_157 = arith.constant 0 : i32
      %dma_start3A_158 = tpu.memref_slice %arg7[%dma_start3A_154, %dma_start3A_156, %dma_start3A_157] : memref<24x128x16xf32, #tpu.memory_space<vmem>> -> memref<1x128x16xf32, #tpu.memory_space<vmem>>
      %dma_start3A_159 = tpu.memref_squeeze %dma_start3A_158 : memref<1x128x16xf32, #tpu.memory_space<vmem>> -> memref<128x16xf32, #tpu.memory_space<vmem>>
      %dma_start3A_160 = arith.constant 0 : i32
      %dma_start3A_161 = tpu.memref_slice %arg6[%dma_start3A_155, %dma_start3A_160] : memref<24x128xi32, #tpu.memory_space<vmem>> -> memref<1x128xi32, #tpu.memory_space<vmem>>
      %dma_start3A_162 = tpu.memref_squeeze %dma_start3A_161 : memref<1x128xi32, #tpu.memory_space<vmem>> -> memref<128xi32, #tpu.memory_space<vmem>>
      %dma_start3A_163 = arith.constant 0 : i32
      %dma_start3A_164 = arith.constant 0 : i32
      %dma_start3A_165 = tpu.memref_slice %arg8[%dma_start3A_163, %dma_start3A_164] : memref<50000x16xf32, #tpu.memory_space<vmem_shared>> -> memref<50000x16xf32, #tpu.memory_space<vmem_shared>>
      tpu.enqueue_indirect_dma source(%dma_start3A_159 : memref<128x16xf32, #tpu.memory_space<vmem>>) target(%dma_start3A_165 : memref<50000x16xf32, #tpu.memory_space<vmem_shared>>) offsets(%dma_start3A_162 : memref<128xi32, #tpu.memory_space<vmem>>) semaphore(%arg9 : memref<!tpu.dma_semaphore, #tpu.memory_space<semaphore_mem>>) {add = true}
      %dma_start3A_166 = arith.constant 9 : i32
      %dma_start3A_167 = arith.constant 9 : i32
      %dma_start3A_168 = arith.constant 0 : i32
      %dma_start3A_169 = arith.constant 0 : i32
      %dma_start3A_170 = tpu.memref_slice %arg7[%dma_start3A_166, %dma_start3A_168, %dma_start3A_169] : memref<24x128x16xf32, #tpu.memory_space<vmem>> -> memref<1x128x16xf32, #tpu.memory_space<vmem>>
      %dma_start3A_171 = tpu.memref_squeeze %dma_start3A_170 : memref<1x128x16xf32, #tpu.memory_space<vmem>> -> memref<128x16xf32, #tpu.memory_space<vmem>>
      %dma_start3A_172 = arith.constant 0 : i32
      %dma_start3A_173 = tpu.memref_slice %arg6[%dma_start3A_167, %dma_start3A_172] : memref<24x128xi32, #tpu.memory_space<vmem>> -> memref<1x128xi32, #tpu.memory_space<vmem>>
      %dma_start3A_174 = tpu.memref_squeeze %dma_start3A_173 : memref<1x128xi32, #tpu.memory_space<vmem>> -> memref<128xi32, #tpu.memory_space<vmem>>
      %dma_start3A_175 = arith.constant 0 : i32
      %dma_start3A_176 = arith.constant 0 : i32
      %dma_start3A_177 = tpu.memref_slice %arg8[%dma_start3A_175, %dma_start3A_176] : memref<50000x16xf32, #tpu.memory_space<vmem_shared>> -> memref<50000x16xf32, #tpu.memory_space<vmem_shared>>
      tpu.enqueue_indirect_dma source(%dma_start3A_171 : memref<128x16xf32, #tpu.memory_space<vmem>>) target(%dma_start3A_177 : memref<50000x16xf32, #tpu.memory_space<vmem_shared>>) offsets(%dma_start3A_174 : memref<128xi32, #tpu.memory_space<vmem>>) semaphore(%arg9 : memref<!tpu.dma_semaphore, #tpu.memory_space<semaphore_mem>>) {add = true}
      %dma_start3A_178 = arith.constant 10 : i32
      %dma_start3A_179 = arith.constant 10 : i32
      %dma_start3A_180 = arith.constant 0 : i32
      %dma_start3A_181 = arith.constant 0 : i32
      %dma_start3A_182 = tpu.memref_slice %arg7[%dma_start3A_178, %dma_start3A_180, %dma_start3A_181] : memref<24x128x16xf32, #tpu.memory_space<vmem>> -> memref<1x128x16xf32, #tpu.memory_space<vmem>>
      %dma_start3A_183 = tpu.memref_squeeze %dma_start3A_182 : memref<1x128x16xf32, #tpu.memory_space<vmem>> -> memref<128x16xf32, #tpu.memory_space<vmem>>
      %dma_start3A_184 = arith.constant 0 : i32
      %dma_start3A_185 = tpu.memref_slice %arg6[%dma_start3A_179, %dma_start3A_184] : memref<24x128xi32, #tpu.memory_space<vmem>> -> memref<1x128xi32, #tpu.memory_space<vmem>>
      %dma_start3A_186 = tpu.memref_squeeze %dma_start3A_185 : memref<1x128xi32, #tpu.memory_space<vmem>> -> memref<128xi32, #tpu.memory_space<vmem>>
      %dma_start3A_187 = arith.constant 0 : i32
      %dma_start3A_188 = arith.constant 0 : i32
      %dma_start3A_189 = tpu.memref_slice %arg8[%dma_start3A_187, %dma_start3A_188] : memref<50000x16xf32, #tpu.memory_space<vmem_shared>> -> memref<50000x16xf32, #tpu.memory_space<vmem_shared>>
      tpu.enqueue_indirect_dma source(%dma_start3A_183 : memref<128x16xf32, #tpu.memory_space<vmem>>) target(%dma_start3A_189 : memref<50000x16xf32, #tpu.memory_space<vmem_shared>>) offsets(%dma_start3A_186 : memref<128xi32, #tpu.memory_space<vmem>>) semaphore(%arg9 : memref<!tpu.dma_semaphore, #tpu.memory_space<semaphore_mem>>) {add = true}
      %dma_start3A_190 = arith.constant 11 : i32
      %dma_start3A_191 = arith.constant 11 : i32
      %dma_start3A_192 = arith.constant 0 : i32
      %dma_start3A_193 = arith.constant 0 : i32
      %dma_start3A_194 = tpu.memref_slice %arg7[%dma_start3A_190, %dma_start3A_192, %dma_start3A_193] : memref<24x128x16xf32, #tpu.memory_space<vmem>> -> memref<1x128x16xf32, #tpu.memory_space<vmem>>
      %dma_start3A_195 = tpu.memref_squeeze %dma_start3A_194 : memref<1x128x16xf32, #tpu.memory_space<vmem>> -> memref<128x16xf32, #tpu.memory_space<vmem>>
      %dma_start3A_196 = arith.constant 0 : i32
      %dma_start3A_197 = tpu.memref_slice %arg6[%dma_start3A_191, %dma_start3A_196] : memref<24x128xi32, #tpu.memory_space<vmem>> -> memref<1x128xi32, #tpu.memory_space<vmem>>
      %dma_start3A_198 = tpu.memref_squeeze %dma_start3A_197 : memref<1x128xi32, #tpu.memory_space<vmem>> -> memref<128xi32, #tpu.memory_space<vmem>>
      %dma_start3A_199 = arith.constant 0 : i32
      %dma_start3A_200 = arith.constant 0 : i32
      %dma_start3A_201 = tpu.memref_slice %arg8[%dma_start3A_199, %dma_start3A_200] : memref<50000x16xf32, #tpu.memory_space<vmem_shared>> -> memref<50000x16xf32, #tpu.memory_space<vmem_shared>>
      tpu.enqueue_indirect_dma source(%dma_start3A_195 : memref<128x16xf32, #tpu.memory_space<vmem>>) target(%dma_start3A_201 : memref<50000x16xf32, #tpu.memory_space<vmem_shared>>) offsets(%dma_start3A_198 : memref<128xi32, #tpu.memory_space<vmem>>) semaphore(%arg9 : memref<!tpu.dma_semaphore, #tpu.memory_space<semaphore_mem>>) {add = true}
      %dma_start3A_202 = arith.constant 12 : i32
      %dma_start3A_203 = arith.constant 12 : i32
      %dma_start3A_204 = arith.constant 0 : i32
      %dma_start3A_205 = arith.constant 0 : i32
      %dma_start3A_206 = tpu.memref_slice %arg7[%dma_start3A_202, %dma_start3A_204, %dma_start3A_205] : memref<24x128x16xf32, #tpu.memory_space<vmem>> -> memref<1x128x16xf32, #tpu.memory_space<vmem>>
      %dma_start3A_207 = tpu.memref_squeeze %dma_start3A_206 : memref<1x128x16xf32, #tpu.memory_space<vmem>> -> memref<128x16xf32, #tpu.memory_space<vmem>>
      %dma_start3A_208 = arith.constant 0 : i32
      %dma_start3A_209 = tpu.memref_slice %arg6[%dma_start3A_203, %dma_start3A_208] : memref<24x128xi32, #tpu.memory_space<vmem>> -> memref<1x128xi32, #tpu.memory_space<vmem>>
      %dma_start3A_210 = tpu.memref_squeeze %dma_start3A_209 : memref<1x128xi32, #tpu.memory_space<vmem>> -> memref<128xi32, #tpu.memory_space<vmem>>
      %dma_start3A_211 = arith.constant 0 : i32
      %dma_start3A_212 = arith.constant 0 : i32
      %dma_start3A_213 = tpu.memref_slice %arg8[%dma_start3A_211, %dma_start3A_212] : memref<50000x16xf32, #tpu.memory_space<vmem_shared>> -> memref<50000x16xf32, #tpu.memory_space<vmem_shared>>
      tpu.enqueue_indirect_dma source(%dma_start3A_207 : memref<128x16xf32, #tpu.memory_space<vmem>>) target(%dma_start3A_213 : memref<50000x16xf32, #tpu.memory_space<vmem_shared>>) offsets(%dma_start3A_210 : memref<128xi32, #tpu.memory_space<vmem>>) semaphore(%arg9 : memref<!tpu.dma_semaphore, #tpu.memory_space<semaphore_mem>>) {add = true}
      %dma_start3A_214 = arith.constant 13 : i32
      %dma_start3A_215 = arith.constant 13 : i32
      %dma_start3A_216 = arith.constant 0 : i32
      %dma_start3A_217 = arith.constant 0 : i32
      %dma_start3A_218 = tpu.memref_slice %arg7[%dma_start3A_214, %dma_start3A_216, %dma_start3A_217] : memref<24x128x16xf32, #tpu.memory_space<vmem>> -> memref<1x128x16xf32, #tpu.memory_space<vmem>>
      %dma_start3A_219 = tpu.memref_squeeze %dma_start3A_218 : memref<1x128x16xf32, #tpu.memory_space<vmem>> -> memref<128x16xf32, #tpu.memory_space<vmem>>
      %dma_start3A_220 = arith.constant 0 : i32
      %dma_start3A_221 = tpu.memref_slice %arg6[%dma_start3A_215, %dma_start3A_220] : memref<24x128xi32, #tpu.memory_space<vmem>> -> memref<1x128xi32, #tpu.memory_space<vmem>>
      %dma_start3A_222 = tpu.memref_squeeze %dma_start3A_221 : memref<1x128xi32, #tpu.memory_space<vmem>> -> memref<128xi32, #tpu.memory_space<vmem>>
      %dma_start3A_223 = arith.constant 0 : i32
      %dma_start3A_224 = arith.constant 0 : i32
      %dma_start3A_225 = tpu.memref_slice %arg8[%dma_start3A_223, %dma_start3A_224] : memref<50000x16xf32, #tpu.memory_space<vmem_shared>> -> memref<50000x16xf32, #tpu.memory_space<vmem_shared>>
      tpu.enqueue_indirect_dma source(%dma_start3A_219 : memref<128x16xf32, #tpu.memory_space<vmem>>) target(%dma_start3A_225 : memref<50000x16xf32, #tpu.memory_space<vmem_shared>>) offsets(%dma_start3A_222 : memref<128xi32, #tpu.memory_space<vmem>>) semaphore(%arg9 : memref<!tpu.dma_semaphore, #tpu.memory_space<semaphore_mem>>) {add = true}
      %dma_start3A_226 = arith.constant 14 : i32
      %dma_start3A_227 = arith.constant 14 : i32
      %dma_start3A_228 = arith.constant 0 : i32
      %dma_start3A_229 = arith.constant 0 : i32
      %dma_start3A_230 = tpu.memref_slice %arg7[%dma_start3A_226, %dma_start3A_228, %dma_start3A_229] : memref<24x128x16xf32, #tpu.memory_space<vmem>> -> memref<1x128x16xf32, #tpu.memory_space<vmem>>
      %dma_start3A_231 = tpu.memref_squeeze %dma_start3A_230 : memref<1x128x16xf32, #tpu.memory_space<vmem>> -> memref<128x16xf32, #tpu.memory_space<vmem>>
      %dma_start3A_232 = arith.constant 0 : i32
      %dma_start3A_233 = tpu.memref_slice %arg6[%dma_start3A_227, %dma_start3A_232] : memref<24x128xi32, #tpu.memory_space<vmem>> -> memref<1x128xi32, #tpu.memory_space<vmem>>
      %dma_start3A_234 = tpu.memref_squeeze %dma_start3A_233 : memref<1x128xi32, #tpu.memory_space<vmem>> -> memref<128xi32, #tpu.memory_space<vmem>>
      %dma_start3A_235 = arith.constant 0 : i32
      %dma_start3A_236 = arith.constant 0 : i32
      %dma_start3A_237 = tpu.memref_slice %arg8[%dma_start3A_235, %dma_start3A_236] : memref<50000x16xf32, #tpu.memory_space<vmem_shared>> -> memref<50000x16xf32, #tpu.memory_space<vmem_shared>>
      tpu.enqueue_indirect_dma source(%dma_start3A_231 : memref<128x16xf32, #tpu.memory_space<vmem>>) target(%dma_start3A_237 : memref<50000x16xf32, #tpu.memory_space<vmem_shared>>) offsets(%dma_start3A_234 : memref<128xi32, #tpu.memory_space<vmem>>) semaphore(%arg9 : memref<!tpu.dma_semaphore, #tpu.memory_space<semaphore_mem>>) {add = true}
      %dma_start3A_238 = arith.constant 15 : i32
      %dma_start3A_239 = arith.constant 15 : i32
      %dma_start3A_240 = arith.constant 0 : i32
      %dma_start3A_241 = arith.constant 0 : i32
      %dma_start3A_242 = tpu.memref_slice %arg7[%dma_start3A_238, %dma_start3A_240, %dma_start3A_241] : memref<24x128x16xf32, #tpu.memory_space<vmem>> -> memref<1x128x16xf32, #tpu.memory_space<vmem>>
      %dma_start3A_243 = tpu.memref_squeeze %dma_start3A_242 : memref<1x128x16xf32, #tpu.memory_space<vmem>> -> memref<128x16xf32, #tpu.memory_space<vmem>>
      %dma_start3A_244 = arith.constant 0 : i32
      %dma_start3A_245 = tpu.memref_slice %arg6[%dma_start3A_239, %dma_start3A_244] : memref<24x128xi32, #tpu.memory_space<vmem>> -> memref<1x128xi32, #tpu.memory_space<vmem>>
      %dma_start3A_246 = tpu.memref_squeeze %dma_start3A_245 : memref<1x128xi32, #tpu.memory_space<vmem>> -> memref<128xi32, #tpu.memory_space<vmem>>
      %dma_start3A_247 = arith.constant 0 : i32
      %dma_start3A_248 = arith.constant 0 : i32
      %dma_start3A_249 = tpu.memref_slice %arg8[%dma_start3A_247, %dma_start3A_248] : memref<50000x16xf32, #tpu.memory_space<vmem_shared>> -> memref<50000x16xf32, #tpu.memory_space<vmem_shared>>
      tpu.enqueue_indirect_dma source(%dma_start3A_243 : memref<128x16xf32, #tpu.memory_space<vmem>>) target(%dma_start3A_249 : memref<50000x16xf32, #tpu.memory_space<vmem_shared>>) offsets(%dma_start3A_246 : memref<128xi32, #tpu.memory_space<vmem>>) semaphore(%arg9 : memref<!tpu.dma_semaphore, #tpu.memory_space<semaphore_mem>>) {add = true}
      %dma_start3A_250 = arith.constant 16 : i32
      %dma_start3A_251 = arith.constant 16 : i32
      %dma_start3A_252 = arith.constant 0 : i32
      %dma_start3A_253 = arith.constant 0 : i32
      %dma_start3A_254 = tpu.memref_slice %arg7[%dma_start3A_250, %dma_start3A_252, %dma_start3A_253] : memref<24x128x16xf32, #tpu.memory_space<vmem>> -> memref<1x128x16xf32, #tpu.memory_space<vmem>>
      %dma_start3A_255 = tpu.memref_squeeze %dma_start3A_254 : memref<1x128x16xf32, #tpu.memory_space<vmem>> -> memref<128x16xf32, #tpu.memory_space<vmem>>
      %dma_start3A_256 = arith.constant 0 : i32
      %dma_start3A_257 = tpu.memref_slice %arg6[%dma_start3A_251, %dma_start3A_256] : memref<24x128xi32, #tpu.memory_space<vmem>> -> memref<1x128xi32, #tpu.memory_space<vmem>>
      %dma_start3A_258 = tpu.memref_squeeze %dma_start3A_257 : memref<1x128xi32, #tpu.memory_space<vmem>> -> memref<128xi32, #tpu.memory_space<vmem>>
      %dma_start3A_259 = arith.constant 0 : i32
      %dma_start3A_260 = arith.constant 0 : i32
      %dma_start3A_261 = tpu.memref_slice %arg8[%dma_start3A_259, %dma_start3A_260] : memref<50000x16xf32, #tpu.memory_space<vmem_shared>> -> memref<50000x16xf32, #tpu.memory_space<vmem_shared>>
      tpu.enqueue_indirect_dma source(%dma_start3A_255 : memref<128x16xf32, #tpu.memory_space<vmem>>) target(%dma_start3A_261 : memref<50000x16xf32, #tpu.memory_space<vmem_shared>>) offsets(%dma_start3A_258 : memref<128xi32, #tpu.memory_space<vmem>>) semaphore(%arg9 : memref<!tpu.dma_semaphore, #tpu.memory_space<semaphore_mem>>) {add = true}
      %dma_start3A_262 = arith.constant 17 : i32
      %dma_start3A_263 = arith.constant 17 : i32
      %dma_start3A_264 = arith.constant 0 : i32
      %dma_start3A_265 = arith.constant 0 : i32
      %dma_start3A_266 = tpu.memref_slice %arg7[%dma_start3A_262, %dma_start3A_264, %dma_start3A_265] : memref<24x128x16xf32, #tpu.memory_space<vmem>> -> memref<1x128x16xf32, #tpu.memory_space<vmem>>
      %dma_start3A_267 = tpu.memref_squeeze %dma_start3A_266 : memref<1x128x16xf32, #tpu.memory_space<vmem>> -> memref<128x16xf32, #tpu.memory_space<vmem>>
      %dma_start3A_268 = arith.constant 0 : i32
      %dma_start3A_269 = tpu.memref_slice %arg6[%dma_start3A_263, %dma_start3A_268] : memref<24x128xi32, #tpu.memory_space<vmem>> -> memref<1x128xi32, #tpu.memory_space<vmem>>
      %dma_start3A_270 = tpu.memref_squeeze %dma_start3A_269 : memref<1x128xi32, #tpu.memory_space<vmem>> -> memref<128xi32, #tpu.memory_space<vmem>>
      %dma_start3A_271 = arith.constant 0 : i32
      %dma_start3A_272 = arith.constant 0 : i32
      %dma_start3A_273 = tpu.memref_slice %arg8[%dma_start3A_271, %dma_start3A_272] : memref<50000x16xf32, #tpu.memory_space<vmem_shared>> -> memref<50000x16xf32, #tpu.memory_space<vmem_shared>>
      tpu.enqueue_indirect_dma source(%dma_start3A_267 : memref<128x16xf32, #tpu.memory_space<vmem>>) target(%dma_start3A_273 : memref<50000x16xf32, #tpu.memory_space<vmem_shared>>) offsets(%dma_start3A_270 : memref<128xi32, #tpu.memory_space<vmem>>) semaphore(%arg9 : memref<!tpu.dma_semaphore, #tpu.memory_space<semaphore_mem>>) {add = true}
      %dma_start3A_274 = arith.constant 18 : i32
      %dma_start3A_275 = arith.constant 18 : i32
      %dma_start3A_276 = arith.constant 0 : i32
      %dma_start3A_277 = arith.constant 0 : i32
      %dma_start3A_278 = tpu.memref_slice %arg7[%dma_start3A_274, %dma_start3A_276, %dma_start3A_277] : memref<24x128x16xf32, #tpu.memory_space<vmem>> -> memref<1x128x16xf32, #tpu.memory_space<vmem>>
      %dma_start3A_279 = tpu.memref_squeeze %dma_start3A_278 : memref<1x128x16xf32, #tpu.memory_space<vmem>> -> memref<128x16xf32, #tpu.memory_space<vmem>>
      %dma_start3A_280 = arith.constant 0 : i32
      %dma_start3A_281 = tpu.memref_slice %arg6[%dma_start3A_275, %dma_start3A_280] : memref<24x128xi32, #tpu.memory_space<vmem>> -> memref<1x128xi32, #tpu.memory_space<vmem>>
      %dma_start3A_282 = tpu.memref_squeeze %dma_start3A_281 : memref<1x128xi32, #tpu.memory_space<vmem>> -> memref<128xi32, #tpu.memory_space<vmem>>
      %dma_start3A_283 = arith.constant 0 : i32
      %dma_start3A_284 = arith.constant 0 : i32
      %dma_start3A_285 = tpu.memref_slice %arg8[%dma_start3A_283, %dma_start3A_284] : memref<50000x16xf32, #tpu.memory_space<vmem_shared>> -> memref<50000x16xf32, #tpu.memory_space<vmem_shared>>
      tpu.enqueue_indirect_dma source(%dma_start3A_279 : memref<128x16xf32, #tpu.memory_space<vmem>>) target(%dma_start3A_285 : memref<50000x16xf32, #tpu.memory_space<vmem_shared>>) offsets(%dma_start3A_282 : memref<128xi32, #tpu.memory_space<vmem>>) semaphore(%arg9 : memref<!tpu.dma_semaphore, #tpu.memory_space<semaphore_mem>>) {add = true}
      %dma_start3A_286 = arith.constant 19 : i32
      %dma_start3A_287 = arith.constant 19 : i32
      %dma_start3A_288 = arith.constant 0 : i32
      %dma_start3A_289 = arith.constant 0 : i32
      %dma_start3A_290 = tpu.memref_slice %arg7[%dma_start3A_286, %dma_start3A_288, %dma_start3A_289] : memref<24x128x16xf32, #tpu.memory_space<vmem>> -> memref<1x128x16xf32, #tpu.memory_space<vmem>>
      %dma_start3A_291 = tpu.memref_squeeze %dma_start3A_290 : memref<1x128x16xf32, #tpu.memory_space<vmem>> -> memref<128x16xf32, #tpu.memory_space<vmem>>
      %dma_start3A_292 = arith.constant 0 : i32
      %dma_start3A_293 = tpu.memref_slice %arg6[%dma_start3A_287, %dma_start3A_292] : memref<24x128xi32, #tpu.memory_space<vmem>> -> memref<1x128xi32, #tpu.memory_space<vmem>>
      %dma_start3A_294 = tpu.memref_squeeze %dma_start3A_293 : memref<1x128xi32, #tpu.memory_space<vmem>> -> memref<128xi32, #tpu.memory_space<vmem>>
      %dma_start3A_295 = arith.constant 0 : i32
      %dma_start3A_296 = arith.constant 0 : i32
      %dma_start3A_297 = tpu.memref_slice %arg8[%dma_start3A_295, %dma_start3A_296] : memref<50000x16xf32, #tpu.memory_space<vmem_shared>> -> memref<50000x16xf32, #tpu.memory_space<vmem_shared>>
      tpu.enqueue_indirect_dma source(%dma_start3A_291 : memref<128x16xf32, #tpu.memory_space<vmem>>) target(%dma_start3A_297 : memref<50000x16xf32, #tpu.memory_space<vmem_shared>>) offsets(%dma_start3A_294 : memref<128xi32, #tpu.memory_space<vmem>>) semaphore(%arg9 : memref<!tpu.dma_semaphore, #tpu.memory_space<semaphore_mem>>) {add = true}
      %dma_start3A_298 = arith.constant 20 : i32
      %dma_start3A_299 = arith.constant 20 : i32
      %dma_start3A_300 = arith.constant 0 : i32
      %dma_start3A_301 = arith.constant 0 : i32
      %dma_start3A_302 = tpu.memref_slice %arg7[%dma_start3A_298, %dma_start3A_300, %dma_start3A_301] : memref<24x128x16xf32, #tpu.memory_space<vmem>> -> memref<1x128x16xf32, #tpu.memory_space<vmem>>
      %dma_start3A_303 = tpu.memref_squeeze %dma_start3A_302 : memref<1x128x16xf32, #tpu.memory_space<vmem>> -> memref<128x16xf32, #tpu.memory_space<vmem>>
      %dma_start3A_304 = arith.constant 0 : i32
      %dma_start3A_305 = tpu.memref_slice %arg6[%dma_start3A_299, %dma_start3A_304] : memref<24x128xi32, #tpu.memory_space<vmem>> -> memref<1x128xi32, #tpu.memory_space<vmem>>
      %dma_start3A_306 = tpu.memref_squeeze %dma_start3A_305 : memref<1x128xi32, #tpu.memory_space<vmem>> -> memref<128xi32, #tpu.memory_space<vmem>>
      %dma_start3A_307 = arith.constant 0 : i32
      %dma_start3A_308 = arith.constant 0 : i32
      %dma_start3A_309 = tpu.memref_slice %arg8[%dma_start3A_307, %dma_start3A_308] : memref<50000x16xf32, #tpu.memory_space<vmem_shared>> -> memref<50000x16xf32, #tpu.memory_space<vmem_shared>>
      tpu.enqueue_indirect_dma source(%dma_start3A_303 : memref<128x16xf32, #tpu.memory_space<vmem>>) target(%dma_start3A_309 : memref<50000x16xf32, #tpu.memory_space<vmem_shared>>) offsets(%dma_start3A_306 : memref<128xi32, #tpu.memory_space<vmem>>) semaphore(%arg9 : memref<!tpu.dma_semaphore, #tpu.memory_space<semaphore_mem>>) {add = true}
      %dma_start3A_310 = arith.constant 21 : i32
      %dma_start3A_311 = arith.constant 21 : i32
      %dma_start3A_312 = arith.constant 0 : i32
      %dma_start3A_313 = arith.constant 0 : i32
      %dma_start3A_314 = tpu.memref_slice %arg7[%dma_start3A_310, %dma_start3A_312, %dma_start3A_313] : memref<24x128x16xf32, #tpu.memory_space<vmem>> -> memref<1x128x16xf32, #tpu.memory_space<vmem>>
      %dma_start3A_315 = tpu.memref_squeeze %dma_start3A_314 : memref<1x128x16xf32, #tpu.memory_space<vmem>> -> memref<128x16xf32, #tpu.memory_space<vmem>>
      %dma_start3A_316 = arith.constant 0 : i32
      %dma_start3A_317 = tpu.memref_slice %arg6[%dma_start3A_311, %dma_start3A_316] : memref<24x128xi32, #tpu.memory_space<vmem>> -> memref<1x128xi32, #tpu.memory_space<vmem>>
      %dma_start3A_318 = tpu.memref_squeeze %dma_start3A_317 : memref<1x128xi32, #tpu.memory_space<vmem>> -> memref<128xi32, #tpu.memory_space<vmem>>
      %dma_start3A_319 = arith.constant 0 : i32
      %dma_start3A_320 = arith.constant 0 : i32
      %dma_start3A_321 = tpu.memref_slice %arg8[%dma_start3A_319, %dma_start3A_320] : memref<50000x16xf32, #tpu.memory_space<vmem_shared>> -> memref<50000x16xf32, #tpu.memory_space<vmem_shared>>
      tpu.enqueue_indirect_dma source(%dma_start3A_315 : memref<128x16xf32, #tpu.memory_space<vmem>>) target(%dma_start3A_321 : memref<50000x16xf32, #tpu.memory_space<vmem_shared>>) offsets(%dma_start3A_318 : memref<128xi32, #tpu.memory_space<vmem>>) semaphore(%arg9 : memref<!tpu.dma_semaphore, #tpu.memory_space<semaphore_mem>>) {add = true}
      %dma_start3A_322 = arith.constant 22 : i32
      %dma_start3A_323 = arith.constant 22 : i32
      %dma_start3A_324 = arith.constant 0 : i32
      %dma_start3A_325 = arith.constant 0 : i32
      %dma_start3A_326 = tpu.memref_slice %arg7[%dma_start3A_322, %dma_start3A_324, %dma_start3A_325] : memref<24x128x16xf32, #tpu.memory_space<vmem>> -> memref<1x128x16xf32, #tpu.memory_space<vmem>>
      %dma_start3A_327 = tpu.memref_squeeze %dma_start3A_326 : memref<1x128x16xf32, #tpu.memory_space<vmem>> -> memref<128x16xf32, #tpu.memory_space<vmem>>
      %dma_start3A_328 = arith.constant 0 : i32
      %dma_start3A_329 = tpu.memref_slice %arg6[%dma_start3A_323, %dma_start3A_328] : memref<24x128xi32, #tpu.memory_space<vmem>> -> memref<1x128xi32, #tpu.memory_space<vmem>>
      %dma_start3A_330 = tpu.memref_squeeze %dma_start3A_329 : memref<1x128xi32, #tpu.memory_space<vmem>> -> memref<128xi32, #tpu.memory_space<vmem>>
      %dma_start3A_331 = arith.constant 0 : i32
      %dma_start3A_332 = arith.constant 0 : i32
      %dma_start3A_333 = tpu.memref_slice %arg8[%dma_start3A_331, %dma_start3A_332] : memref<50000x16xf32, #tpu.memory_space<vmem_shared>> -> memref<50000x16xf32, #tpu.memory_space<vmem_shared>>
      tpu.enqueue_indirect_dma source(%dma_start3A_327 : memref<128x16xf32, #tpu.memory_space<vmem>>) target(%dma_start3A_333 : memref<50000x16xf32, #tpu.memory_space<vmem_shared>>) offsets(%dma_start3A_330 : memref<128xi32, #tpu.memory_space<vmem>>) semaphore(%arg9 : memref<!tpu.dma_semaphore, #tpu.memory_space<semaphore_mem>>) {add = true}
      %dma_start3A_334 = arith.constant 23 : i32
      %dma_start3A_335 = arith.constant 23 : i32
      %dma_start3A_336 = arith.constant 0 : i32
      %dma_start3A_337 = arith.constant 0 : i32
      %dma_start3A_338 = tpu.memref_slice %arg7[%dma_start3A_334, %dma_start3A_336, %dma_start3A_337] : memref<24x128x16xf32, #tpu.memory_space<vmem>> -> memref<1x128x16xf32, #tpu.memory_space<vmem>>
      %dma_start3A_339 = tpu.memref_squeeze %dma_start3A_338 : memref<1x128x16xf32, #tpu.memory_space<vmem>> -> memref<128x16xf32, #tpu.memory_space<vmem>>
      %dma_start3A_340 = arith.constant 0 : i32
      %dma_start3A_341 = tpu.memref_slice %arg6[%dma_start3A_335, %dma_start3A_340] : memref<24x128xi32, #tpu.memory_space<vmem>> -> memref<1x128xi32, #tpu.memory_space<vmem>>
      %dma_start3A_342 = tpu.memref_squeeze %dma_start3A_341 : memref<1x128xi32, #tpu.memory_space<vmem>> -> memref<128xi32, #tpu.memory_space<vmem>>
      %dma_start3A_343 = arith.constant 0 : i32
      %dma_start3A_344 = arith.constant 0 : i32
      %dma_start3A_345 = tpu.memref_slice %arg8[%dma_start3A_343, %dma_start3A_344] : memref<50000x16xf32, #tpu.memory_space<vmem_shared>> -> memref<50000x16xf32, #tpu.memory_space<vmem_shared>>
      tpu.enqueue_indirect_dma source(%dma_start3A_339 : memref<128x16xf32, #tpu.memory_space<vmem>>) target(%dma_start3A_345 : memref<50000x16xf32, #tpu.memory_space<vmem_shared>>) offsets(%dma_start3A_342 : memref<128xi32, #tpu.memory_space<vmem>>) semaphore(%arg9 : memref<!tpu.dma_semaphore, #tpu.memory_space<semaphore_mem>>) {add = true}
      %dma_wait3A = arith.constant 0 : i32
      %dma_wait3A_346 = arith.constant 0 : i32
      %dma_wait3A_347 = arith.constant 0 : i32
      %dma_wait3A_348 = arith.constant 0 : i32
      %dma_wait3A_349 = tpu.memref_slice %arg7[%dma_wait3A, %dma_wait3A_347, %dma_wait3A_348] : memref<24x128x16xf32, #tpu.memory_space<vmem>> -> memref<1x128x16xf32, #tpu.memory_space<vmem>>
      %dma_wait3A_350 = tpu.memref_squeeze %dma_wait3A_349 : memref<1x128x16xf32, #tpu.memory_space<vmem>> -> memref<128x16xf32, #tpu.memory_space<vmem>>
      %dma_wait3A_351 = arith.constant 0 : i32
      %dma_wait3A_352 = tpu.memref_slice %arg6[%dma_wait3A_346, %dma_wait3A_351] : memref<24x128xi32, #tpu.memory_space<vmem>> -> memref<1x128xi32, #tpu.memory_space<vmem>>
      %dma_wait3A_353 = tpu.memref_squeeze %dma_wait3A_352 : memref<1x128xi32, #tpu.memory_space<vmem>> -> memref<128xi32, #tpu.memory_space<vmem>>
      %dma_wait3A_354 = arith.constant 0 : i32
      %dma_wait3A_355 = arith.constant 0 : i32
      %dma_wait3A_356 = tpu.memref_slice %arg8[%dma_wait3A_354, %dma_wait3A_355] : memref<50000x16xf32, #tpu.memory_space<vmem_shared>> -> memref<50000x16xf32, #tpu.memory_space<vmem_shared>>
      tpu.wait_indirect_dma semaphore(%arg9 : memref<!tpu.dma_semaphore, #tpu.memory_space<semaphore_mem>>) src(%dma_wait3A_350 : memref<128x16xf32, #tpu.memory_space<vmem>>) dst(%dma_wait3A_356 : memref<50000x16xf32, #tpu.memory_space<vmem_shared>>)
      %dma_wait3A_357 = arith.constant 1 : i32
      %dma_wait3A_358 = arith.constant 1 : i32
      %dma_wait3A_359 = arith.constant 0 : i32
      %dma_wait3A_360 = arith.constant 0 : i32
      %dma_wait3A_361 = tpu.memref_slice %arg7[%dma_wait3A_357, %dma_wait3A_359, %dma_wait3A_360] : memref<24x128x16xf32, #tpu.memory_space<vmem>> -> memref<1x128x16xf32, #tpu.memory_space<vmem>>
      %dma_wait3A_362 = tpu.memref_squeeze %dma_wait3A_361 : memref<1x128x16xf32, #tpu.memory_space<vmem>> -> memref<128x16xf32, #tpu.memory_space<vmem>>
      %dma_wait3A_363 = arith.constant 0 : i32
      %dma_wait3A_364 = tpu.memref_slice %arg6[%dma_wait3A_358, %dma_wait3A_363] : memref<24x128xi32, #tpu.memory_space<vmem>> -> memref<1x128xi32, #tpu.memory_space<vmem>>
      %dma_wait3A_365 = tpu.memref_squeeze %dma_wait3A_364 : memref<1x128xi32, #tpu.memory_space<vmem>> -> memref<128xi32, #tpu.memory_space<vmem>>
      %dma_wait3A_366 = arith.constant 0 : i32
      %dma_wait3A_367 = arith.constant 0 : i32
      %dma_wait3A_368 = tpu.memref_slice %arg8[%dma_wait3A_366, %dma_wait3A_367] : memref<50000x16xf32, #tpu.memory_space<vmem_shared>> -> memref<50000x16xf32, #tpu.memory_space<vmem_shared>>
      tpu.wait_indirect_dma semaphore(%arg9 : memref<!tpu.dma_semaphore, #tpu.memory_space<semaphore_mem>>) src(%dma_wait3A_362 : memref<128x16xf32, #tpu.memory_space<vmem>>) dst(%dma_wait3A_368 : memref<50000x16xf32, #tpu.memory_space<vmem_shared>>)
      %dma_wait3A_369 = arith.constant 2 : i32
      %dma_wait3A_370 = arith.constant 2 : i32
      %dma_wait3A_371 = arith.constant 0 : i32
      %dma_wait3A_372 = arith.constant 0 : i32
      %dma_wait3A_373 = tpu.memref_slice %arg7[%dma_wait3A_369, %dma_wait3A_371, %dma_wait3A_372] : memref<24x128x16xf32, #tpu.memory_space<vmem>> -> memref<1x128x16xf32, #tpu.memory_space<vmem>>
      %dma_wait3A_374 = tpu.memref_squeeze %dma_wait3A_373 : memref<1x128x16xf32, #tpu.memory_space<vmem>> -> memref<128x16xf32, #tpu.memory_space<vmem>>
      %dma_wait3A_375 = arith.constant 0 : i32
      %dma_wait3A_376 = tpu.memref_slice %arg6[%dma_wait3A_370, %dma_wait3A_375] : memref<24x128xi32, #tpu.memory_space<vmem>> -> memref<1x128xi32, #tpu.memory_space<vmem>>
      %dma_wait3A_377 = tpu.memref_squeeze %dma_wait3A_376 : memref<1x128xi32, #tpu.memory_space<vmem>> -> memref<128xi32, #tpu.memory_space<vmem>>
      %dma_wait3A_378 = arith.constant 0 : i32
      %dma_wait3A_379 = arith.constant 0 : i32
      %dma_wait3A_380 = tpu.memref_slice %arg8[%dma_wait3A_378, %dma_wait3A_379] : memref<50000x16xf32, #tpu.memory_space<vmem_shared>> -> memref<50000x16xf32, #tpu.memory_space<vmem_shared>>
      tpu.wait_indirect_dma semaphore(%arg9 : memref<!tpu.dma_semaphore, #tpu.memory_space<semaphore_mem>>) src(%dma_wait3A_374 : memref<128x16xf32, #tpu.memory_space<vmem>>) dst(%dma_wait3A_380 : memref<50000x16xf32, #tpu.memory_space<vmem_shared>>)
      %dma_wait3A_381 = arith.constant 3 : i32
      %dma_wait3A_382 = arith.constant 3 : i32
      %dma_wait3A_383 = arith.constant 0 : i32
      %dma_wait3A_384 = arith.constant 0 : i32
      %dma_wait3A_385 = tpu.memref_slice %arg7[%dma_wait3A_381, %dma_wait3A_383, %dma_wait3A_384] : memref<24x128x16xf32, #tpu.memory_space<vmem>> -> memref<1x128x16xf32, #tpu.memory_space<vmem>>
      %dma_wait3A_386 = tpu.memref_squeeze %dma_wait3A_385 : memref<1x128x16xf32, #tpu.memory_space<vmem>> -> memref<128x16xf32, #tpu.memory_space<vmem>>
      %dma_wait3A_387 = arith.constant 0 : i32
      %dma_wait3A_388 = tpu.memref_slice %arg6[%dma_wait3A_382, %dma_wait3A_387] : memref<24x128xi32, #tpu.memory_space<vmem>> -> memref<1x128xi32, #tpu.memory_space<vmem>>
      %dma_wait3A_389 = tpu.memref_squeeze %dma_wait3A_388 : memref<1x128xi32, #tpu.memory_space<vmem>> -> memref<128xi32, #tpu.memory_space<vmem>>
      %dma_wait3A_390 = arith.constant 0 : i32
      %dma_wait3A_391 = arith.constant 0 : i32
      %dma_wait3A_392 = tpu.memref_slice %arg8[%dma_wait3A_390, %dma_wait3A_391] : memref<50000x16xf32, #tpu.memory_space<vmem_shared>> -> memref<50000x16xf32, #tpu.memory_space<vmem_shared>>
      tpu.wait_indirect_dma semaphore(%arg9 : memref<!tpu.dma_semaphore, #tpu.memory_space<semaphore_mem>>) src(%dma_wait3A_386 : memref<128x16xf32, #tpu.memory_space<vmem>>) dst(%dma_wait3A_392 : memref<50000x16xf32, #tpu.memory_space<vmem_shared>>)
      %dma_wait3A_393 = arith.constant 4 : i32
      %dma_wait3A_394 = arith.constant 4 : i32
      %dma_wait3A_395 = arith.constant 0 : i32
      %dma_wait3A_396 = arith.constant 0 : i32
      %dma_wait3A_397 = tpu.memref_slice %arg7[%dma_wait3A_393, %dma_wait3A_395, %dma_wait3A_396] : memref<24x128x16xf32, #tpu.memory_space<vmem>> -> memref<1x128x16xf32, #tpu.memory_space<vmem>>
      %dma_wait3A_398 = tpu.memref_squeeze %dma_wait3A_397 : memref<1x128x16xf32, #tpu.memory_space<vmem>> -> memref<128x16xf32, #tpu.memory_space<vmem>>
      %dma_wait3A_399 = arith.constant 0 : i32
      %dma_wait3A_400 = tpu.memref_slice %arg6[%dma_wait3A_394, %dma_wait3A_399] : memref<24x128xi32, #tpu.memory_space<vmem>> -> memref<1x128xi32, #tpu.memory_space<vmem>>
      %dma_wait3A_401 = tpu.memref_squeeze %dma_wait3A_400 : memref<1x128xi32, #tpu.memory_space<vmem>> -> memref<128xi32, #tpu.memory_space<vmem>>
      %dma_wait3A_402 = arith.constant 0 : i32
      %dma_wait3A_403 = arith.constant 0 : i32
      %dma_wait3A_404 = tpu.memref_slice %arg8[%dma_wait3A_402, %dma_wait3A_403] : memref<50000x16xf32, #tpu.memory_space<vmem_shared>> -> memref<50000x16xf32, #tpu.memory_space<vmem_shared>>
      tpu.wait_indirect_dma semaphore(%arg9 : memref<!tpu.dma_semaphore, #tpu.memory_space<semaphore_mem>>) src(%dma_wait3A_398 : memref<128x16xf32, #tpu.memory_space<vmem>>) dst(%dma_wait3A_404 : memref<50000x16xf32, #tpu.memory_space<vmem_shared>>)
      %dma_wait3A_405 = arith.constant 5 : i32
      %dma_wait3A_406 = arith.constant 5 : i32
      %dma_wait3A_407 = arith.constant 0 : i32
      %dma_wait3A_408 = arith.constant 0 : i32
      %dma_wait3A_409 = tpu.memref_slice %arg7[%dma_wait3A_405, %dma_wait3A_407, %dma_wait3A_408] : memref<24x128x16xf32, #tpu.memory_space<vmem>> -> memref<1x128x16xf32, #tpu.memory_space<vmem>>
      %dma_wait3A_410 = tpu.memref_squeeze %dma_wait3A_409 : memref<1x128x16xf32, #tpu.memory_space<vmem>> -> memref<128x16xf32, #tpu.memory_space<vmem>>
      %dma_wait3A_411 = arith.constant 0 : i32
      %dma_wait3A_412 = tpu.memref_slice %arg6[%dma_wait3A_406, %dma_wait3A_411] : memref<24x128xi32, #tpu.memory_space<vmem>> -> memref<1x128xi32, #tpu.memory_space<vmem>>
      %dma_wait3A_413 = tpu.memref_squeeze %dma_wait3A_412 : memref<1x128xi32, #tpu.memory_space<vmem>> -> memref<128xi32, #tpu.memory_space<vmem>>
      %dma_wait3A_414 = arith.constant 0 : i32
      %dma_wait3A_415 = arith.constant 0 : i32
      %dma_wait3A_416 = tpu.memref_slice %arg8[%dma_wait3A_414, %dma_wait3A_415] : memref<50000x16xf32, #tpu.memory_space<vmem_shared>> -> memref<50000x16xf32, #tpu.memory_space<vmem_shared>>
      tpu.wait_indirect_dma semaphore(%arg9 : memref<!tpu.dma_semaphore, #tpu.memory_space<semaphore_mem>>) src(%dma_wait3A_410 : memref<128x16xf32, #tpu.memory_space<vmem>>) dst(%dma_wait3A_416 : memref<50000x16xf32, #tpu.memory_space<vmem_shared>>)
      %dma_wait3A_417 = arith.constant 6 : i32
      %dma_wait3A_418 = arith.constant 6 : i32
      %dma_wait3A_419 = arith.constant 0 : i32
      %dma_wait3A_420 = arith.constant 0 : i32
      %dma_wait3A_421 = tpu.memref_slice %arg7[%dma_wait3A_417, %dma_wait3A_419, %dma_wait3A_420] : memref<24x128x16xf32, #tpu.memory_space<vmem>> -> memref<1x128x16xf32, #tpu.memory_space<vmem>>
      %dma_wait3A_422 = tpu.memref_squeeze %dma_wait3A_421 : memref<1x128x16xf32, #tpu.memory_space<vmem>> -> memref<128x16xf32, #tpu.memory_space<vmem>>
      %dma_wait3A_423 = arith.constant 0 : i32
      %dma_wait3A_424 = tpu.memref_slice %arg6[%dma_wait3A_418, %dma_wait3A_423] : memref<24x128xi32, #tpu.memory_space<vmem>> -> memref<1x128xi32, #tpu.memory_space<vmem>>
      %dma_wait3A_425 = tpu.memref_squeeze %dma_wait3A_424 : memref<1x128xi32, #tpu.memory_space<vmem>> -> memref<128xi32, #tpu.memory_space<vmem>>
      %dma_wait3A_426 = arith.constant 0 : i32
      %dma_wait3A_427 = arith.constant 0 : i32
      %dma_wait3A_428 = tpu.memref_slice %arg8[%dma_wait3A_426, %dma_wait3A_427] : memref<50000x16xf32, #tpu.memory_space<vmem_shared>> -> memref<50000x16xf32, #tpu.memory_space<vmem_shared>>
      tpu.wait_indirect_dma semaphore(%arg9 : memref<!tpu.dma_semaphore, #tpu.memory_space<semaphore_mem>>) src(%dma_wait3A_422 : memref<128x16xf32, #tpu.memory_space<vmem>>) dst(%dma_wait3A_428 : memref<50000x16xf32, #tpu.memory_space<vmem_shared>>)
      %dma_wait3A_429 = arith.constant 7 : i32
      %dma_wait3A_430 = arith.constant 7 : i32
      %dma_wait3A_431 = arith.constant 0 : i32
      %dma_wait3A_432 = arith.constant 0 : i32
      %dma_wait3A_433 = tpu.memref_slice %arg7[%dma_wait3A_429, %dma_wait3A_431, %dma_wait3A_432] : memref<24x128x16xf32, #tpu.memory_space<vmem>> -> memref<1x128x16xf32, #tpu.memory_space<vmem>>
      %dma_wait3A_434 = tpu.memref_squeeze %dma_wait3A_433 : memref<1x128x16xf32, #tpu.memory_space<vmem>> -> memref<128x16xf32, #tpu.memory_space<vmem>>
      %dma_wait3A_435 = arith.constant 0 : i32
      %dma_wait3A_436 = tpu.memref_slice %arg6[%dma_wait3A_430, %dma_wait3A_435] : memref<24x128xi32, #tpu.memory_space<vmem>> -> memref<1x128xi32, #tpu.memory_space<vmem>>
      %dma_wait3A_437 = tpu.memref_squeeze %dma_wait3A_436 : memref<1x128xi32, #tpu.memory_space<vmem>> -> memref<128xi32, #tpu.memory_space<vmem>>
      %dma_wait3A_438 = arith.constant 0 : i32
      %dma_wait3A_439 = arith.constant 0 : i32
      %dma_wait3A_440 = tpu.memref_slice %arg8[%dma_wait3A_438, %dma_wait3A_439] : memref<50000x16xf32, #tpu.memory_space<vmem_shared>> -> memref<50000x16xf32, #tpu.memory_space<vmem_shared>>
      tpu.wait_indirect_dma semaphore(%arg9 : memref<!tpu.dma_semaphore, #tpu.memory_space<semaphore_mem>>) src(%dma_wait3A_434 : memref<128x16xf32, #tpu.memory_space<vmem>>) dst(%dma_wait3A_440 : memref<50000x16xf32, #tpu.memory_space<vmem_shared>>)
      %dma_wait3A_441 = arith.constant 8 : i32
      %dma_wait3A_442 = arith.constant 8 : i32
      %dma_wait3A_443 = arith.constant 0 : i32
      %dma_wait3A_444 = arith.constant 0 : i32
      %dma_wait3A_445 = tpu.memref_slice %arg7[%dma_wait3A_441, %dma_wait3A_443, %dma_wait3A_444] : memref<24x128x16xf32, #tpu.memory_space<vmem>> -> memref<1x128x16xf32, #tpu.memory_space<vmem>>
      %dma_wait3A_446 = tpu.memref_squeeze %dma_wait3A_445 : memref<1x128x16xf32, #tpu.memory_space<vmem>> -> memref<128x16xf32, #tpu.memory_space<vmem>>
      %dma_wait3A_447 = arith.constant 0 : i32
      %dma_wait3A_448 = tpu.memref_slice %arg6[%dma_wait3A_442, %dma_wait3A_447] : memref<24x128xi32, #tpu.memory_space<vmem>> -> memref<1x128xi32, #tpu.memory_space<vmem>>
      %dma_wait3A_449 = tpu.memref_squeeze %dma_wait3A_448 : memref<1x128xi32, #tpu.memory_space<vmem>> -> memref<128xi32, #tpu.memory_space<vmem>>
      %dma_wait3A_450 = arith.constant 0 : i32
      %dma_wait3A_451 = arith.constant 0 : i32
      %dma_wait3A_452 = tpu.memref_slice %arg8[%dma_wait3A_450, %dma_wait3A_451] : memref<50000x16xf32, #tpu.memory_space<vmem_shared>> -> memref<50000x16xf32, #tpu.memory_space<vmem_shared>>
      tpu.wait_indirect_dma semaphore(%arg9 : memref<!tpu.dma_semaphore, #tpu.memory_space<semaphore_mem>>) src(%dma_wait3A_446 : memref<128x16xf32, #tpu.memory_space<vmem>>) dst(%dma_wait3A_452 : memref<50000x16xf32, #tpu.memory_space<vmem_shared>>)
      %dma_wait3A_453 = arith.constant 9 : i32
      %dma_wait3A_454 = arith.constant 9 : i32
      %dma_wait3A_455 = arith.constant 0 : i32
      %dma_wait3A_456 = arith.constant 0 : i32
      %dma_wait3A_457 = tpu.memref_slice %arg7[%dma_wait3A_453, %dma_wait3A_455, %dma_wait3A_456] : memref<24x128x16xf32, #tpu.memory_space<vmem>> -> memref<1x128x16xf32, #tpu.memory_space<vmem>>
      %dma_wait3A_458 = tpu.memref_squeeze %dma_wait3A_457 : memref<1x128x16xf32, #tpu.memory_space<vmem>> -> memref<128x16xf32, #tpu.memory_space<vmem>>
      %dma_wait3A_459 = arith.constant 0 : i32
      %dma_wait3A_460 = tpu.memref_slice %arg6[%dma_wait3A_454, %dma_wait3A_459] : memref<24x128xi32, #tpu.memory_space<vmem>> -> memref<1x128xi32, #tpu.memory_space<vmem>>
      %dma_wait3A_461 = tpu.memref_squeeze %dma_wait3A_460 : memref<1x128xi32, #tpu.memory_space<vmem>> -> memref<128xi32, #tpu.memory_space<vmem>>
      %dma_wait3A_462 = arith.constant 0 : i32
      %dma_wait3A_463 = arith.constant 0 : i32
      %dma_wait3A_464 = tpu.memref_slice %arg8[%dma_wait3A_462, %dma_wait3A_463] : memref<50000x16xf32, #tpu.memory_space<vmem_shared>> -> memref<50000x16xf32, #tpu.memory_space<vmem_shared>>
      tpu.wait_indirect_dma semaphore(%arg9 : memref<!tpu.dma_semaphore, #tpu.memory_space<semaphore_mem>>) src(%dma_wait3A_458 : memref<128x16xf32, #tpu.memory_space<vmem>>) dst(%dma_wait3A_464 : memref<50000x16xf32, #tpu.memory_space<vmem_shared>>)
      %dma_wait3A_465 = arith.constant 10 : i32
      %dma_wait3A_466 = arith.constant 10 : i32
      %dma_wait3A_467 = arith.constant 0 : i32
      %dma_wait3A_468 = arith.constant 0 : i32
      %dma_wait3A_469 = tpu.memref_slice %arg7[%dma_wait3A_465, %dma_wait3A_467, %dma_wait3A_468] : memref<24x128x16xf32, #tpu.memory_space<vmem>> -> memref<1x128x16xf32, #tpu.memory_space<vmem>>
      %dma_wait3A_470 = tpu.memref_squeeze %dma_wait3A_469 : memref<1x128x16xf32, #tpu.memory_space<vmem>> -> memref<128x16xf32, #tpu.memory_space<vmem>>
      %dma_wait3A_471 = arith.constant 0 : i32
      %dma_wait3A_472 = tpu.memref_slice %arg6[%dma_wait3A_466, %dma_wait3A_471] : memref<24x128xi32, #tpu.memory_space<vmem>> -> memref<1x128xi32, #tpu.memory_space<vmem>>
      %dma_wait3A_473 = tpu.memref_squeeze %dma_wait3A_472 : memref<1x128xi32, #tpu.memory_space<vmem>> -> memref<128xi32, #tpu.memory_space<vmem>>
      %dma_wait3A_474 = arith.constant 0 : i32
      %dma_wait3A_475 = arith.constant 0 : i32
      %dma_wait3A_476 = tpu.memref_slice %arg8[%dma_wait3A_474, %dma_wait3A_475] : memref<50000x16xf32, #tpu.memory_space<vmem_shared>> -> memref<50000x16xf32, #tpu.memory_space<vmem_shared>>
      tpu.wait_indirect_dma semaphore(%arg9 : memref<!tpu.dma_semaphore, #tpu.memory_space<semaphore_mem>>) src(%dma_wait3A_470 : memref<128x16xf32, #tpu.memory_space<vmem>>) dst(%dma_wait3A_476 : memref<50000x16xf32, #tpu.memory_space<vmem_shared>>)
      %dma_wait3A_477 = arith.constant 11 : i32
      %dma_wait3A_478 = arith.constant 11 : i32
      %dma_wait3A_479 = arith.constant 0 : i32
      %dma_wait3A_480 = arith.constant 0 : i32
      %dma_wait3A_481 = tpu.memref_slice %arg7[%dma_wait3A_477, %dma_wait3A_479, %dma_wait3A_480] : memref<24x128x16xf32, #tpu.memory_space<vmem>> -> memref<1x128x16xf32, #tpu.memory_space<vmem>>
      %dma_wait3A_482 = tpu.memref_squeeze %dma_wait3A_481 : memref<1x128x16xf32, #tpu.memory_space<vmem>> -> memref<128x16xf32, #tpu.memory_space<vmem>>
      %dma_wait3A_483 = arith.constant 0 : i32
      %dma_wait3A_484 = tpu.memref_slice %arg6[%dma_wait3A_478, %dma_wait3A_483] : memref<24x128xi32, #tpu.memory_space<vmem>> -> memref<1x128xi32, #tpu.memory_space<vmem>>
      %dma_wait3A_485 = tpu.memref_squeeze %dma_wait3A_484 : memref<1x128xi32, #tpu.memory_space<vmem>> -> memref<128xi32, #tpu.memory_space<vmem>>
      %dma_wait3A_486 = arith.constant 0 : i32
      %dma_wait3A_487 = arith.constant 0 : i32
      %dma_wait3A_488 = tpu.memref_slice %arg8[%dma_wait3A_486, %dma_wait3A_487] : memref<50000x16xf32, #tpu.memory_space<vmem_shared>> -> memref<50000x16xf32, #tpu.memory_space<vmem_shared>>
      tpu.wait_indirect_dma semaphore(%arg9 : memref<!tpu.dma_semaphore, #tpu.memory_space<semaphore_mem>>) src(%dma_wait3A_482 : memref<128x16xf32, #tpu.memory_space<vmem>>) dst(%dma_wait3A_488 : memref<50000x16xf32, #tpu.memory_space<vmem_shared>>)
      %dma_wait3A_489 = arith.constant 12 : i32
      %dma_wait3A_490 = arith.constant 12 : i32
      %dma_wait3A_491 = arith.constant 0 : i32
      %dma_wait3A_492 = arith.constant 0 : i32
      %dma_wait3A_493 = tpu.memref_slice %arg7[%dma_wait3A_489, %dma_wait3A_491, %dma_wait3A_492] : memref<24x128x16xf32, #tpu.memory_space<vmem>> -> memref<1x128x16xf32, #tpu.memory_space<vmem>>
      %dma_wait3A_494 = tpu.memref_squeeze %dma_wait3A_493 : memref<1x128x16xf32, #tpu.memory_space<vmem>> -> memref<128x16xf32, #tpu.memory_space<vmem>>
      %dma_wait3A_495 = arith.constant 0 : i32
      %dma_wait3A_496 = tpu.memref_slice %arg6[%dma_wait3A_490, %dma_wait3A_495] : memref<24x128xi32, #tpu.memory_space<vmem>> -> memref<1x128xi32, #tpu.memory_space<vmem>>
      %dma_wait3A_497 = tpu.memref_squeeze %dma_wait3A_496 : memref<1x128xi32, #tpu.memory_space<vmem>> -> memref<128xi32, #tpu.memory_space<vmem>>
      %dma_wait3A_498 = arith.constant 0 : i32
      %dma_wait3A_499 = arith.constant 0 : i32
      %dma_wait3A_500 = tpu.memref_slice %arg8[%dma_wait3A_498, %dma_wait3A_499] : memref<50000x16xf32, #tpu.memory_space<vmem_shared>> -> memref<50000x16xf32, #tpu.memory_space<vmem_shared>>
      tpu.wait_indirect_dma semaphore(%arg9 : memref<!tpu.dma_semaphore, #tpu.memory_space<semaphore_mem>>) src(%dma_wait3A_494 : memref<128x16xf32, #tpu.memory_space<vmem>>) dst(%dma_wait3A_500 : memref<50000x16xf32, #tpu.memory_space<vmem_shared>>)
      %dma_wait3A_501 = arith.constant 13 : i32
      %dma_wait3A_502 = arith.constant 13 : i32
      %dma_wait3A_503 = arith.constant 0 : i32
      %dma_wait3A_504 = arith.constant 0 : i32
      %dma_wait3A_505 = tpu.memref_slice %arg7[%dma_wait3A_501, %dma_wait3A_503, %dma_wait3A_504] : memref<24x128x16xf32, #tpu.memory_space<vmem>> -> memref<1x128x16xf32, #tpu.memory_space<vmem>>
      %dma_wait3A_506 = tpu.memref_squeeze %dma_wait3A_505 : memref<1x128x16xf32, #tpu.memory_space<vmem>> -> memref<128x16xf32, #tpu.memory_space<vmem>>
      %dma_wait3A_507 = arith.constant 0 : i32
      %dma_wait3A_508 = tpu.memref_slice %arg6[%dma_wait3A_502, %dma_wait3A_507] : memref<24x128xi32, #tpu.memory_space<vmem>> -> memref<1x128xi32, #tpu.memory_space<vmem>>
      %dma_wait3A_509 = tpu.memref_squeeze %dma_wait3A_508 : memref<1x128xi32, #tpu.memory_space<vmem>> -> memref<128xi32, #tpu.memory_space<vmem>>
      %dma_wait3A_510 = arith.constant 0 : i32
      %dma_wait3A_511 = arith.constant 0 : i32
      %dma_wait3A_512 = tpu.memref_slice %arg8[%dma_wait3A_510, %dma_wait3A_511] : memref<50000x16xf32, #tpu.memory_space<vmem_shared>> -> memref<50000x16xf32, #tpu.memory_space<vmem_shared>>
      tpu.wait_indirect_dma semaphore(%arg9 : memref<!tpu.dma_semaphore, #tpu.memory_space<semaphore_mem>>) src(%dma_wait3A_506 : memref<128x16xf32, #tpu.memory_space<vmem>>) dst(%dma_wait3A_512 : memref<50000x16xf32, #tpu.memory_space<vmem_shared>>)
      %dma_wait3A_513 = arith.constant 14 : i32
      %dma_wait3A_514 = arith.constant 14 : i32
      %dma_wait3A_515 = arith.constant 0 : i32
      %dma_wait3A_516 = arith.constant 0 : i32
      %dma_wait3A_517 = tpu.memref_slice %arg7[%dma_wait3A_513, %dma_wait3A_515, %dma_wait3A_516] : memref<24x128x16xf32, #tpu.memory_space<vmem>> -> memref<1x128x16xf32, #tpu.memory_space<vmem>>
      %dma_wait3A_518 = tpu.memref_squeeze %dma_wait3A_517 : memref<1x128x16xf32, #tpu.memory_space<vmem>> -> memref<128x16xf32, #tpu.memory_space<vmem>>
      %dma_wait3A_519 = arith.constant 0 : i32
      %dma_wait3A_520 = tpu.memref_slice %arg6[%dma_wait3A_514, %dma_wait3A_519] : memref<24x128xi32, #tpu.memory_space<vmem>> -> memref<1x128xi32, #tpu.memory_space<vmem>>
      %dma_wait3A_521 = tpu.memref_squeeze %dma_wait3A_520 : memref<1x128xi32, #tpu.memory_space<vmem>> -> memref<128xi32, #tpu.memory_space<vmem>>
      %dma_wait3A_522 = arith.constant 0 : i32
      %dma_wait3A_523 = arith.constant 0 : i32
      %dma_wait3A_524 = tpu.memref_slice %arg8[%dma_wait3A_522, %dma_wait3A_523] : memref<50000x16xf32, #tpu.memory_space<vmem_shared>> -> memref<50000x16xf32, #tpu.memory_space<vmem_shared>>
      tpu.wait_indirect_dma semaphore(%arg9 : memref<!tpu.dma_semaphore, #tpu.memory_space<semaphore_mem>>) src(%dma_wait3A_518 : memref<128x16xf32, #tpu.memory_space<vmem>>) dst(%dma_wait3A_524 : memref<50000x16xf32, #tpu.memory_space<vmem_shared>>)
      %dma_wait3A_525 = arith.constant 15 : i32
      %dma_wait3A_526 = arith.constant 15 : i32
      %dma_wait3A_527 = arith.constant 0 : i32
      %dma_wait3A_528 = arith.constant 0 : i32
      %dma_wait3A_529 = tpu.memref_slice %arg7[%dma_wait3A_525, %dma_wait3A_527, %dma_wait3A_528] : memref<24x128x16xf32, #tpu.memory_space<vmem>> -> memref<1x128x16xf32, #tpu.memory_space<vmem>>
      %dma_wait3A_530 = tpu.memref_squeeze %dma_wait3A_529 : memref<1x128x16xf32, #tpu.memory_space<vmem>> -> memref<128x16xf32, #tpu.memory_space<vmem>>
      %dma_wait3A_531 = arith.constant 0 : i32
      %dma_wait3A_532 = tpu.memref_slice %arg6[%dma_wait3A_526, %dma_wait3A_531] : memref<24x128xi32, #tpu.memory_space<vmem>> -> memref<1x128xi32, #tpu.memory_space<vmem>>
      %dma_wait3A_533 = tpu.memref_squeeze %dma_wait3A_532 : memref<1x128xi32, #tpu.memory_space<vmem>> -> memref<128xi32, #tpu.memory_space<vmem>>
      %dma_wait3A_534 = arith.constant 0 : i32
      %dma_wait3A_535 = arith.constant 0 : i32
      %dma_wait3A_536 = tpu.memref_slice %arg8[%dma_wait3A_534, %dma_wait3A_535] : memref<50000x16xf32, #tpu.memory_space<vmem_shared>> -> memref<50000x16xf32, #tpu.memory_space<vmem_shared>>
      tpu.wait_indirect_dma semaphore(%arg9 : memref<!tpu.dma_semaphore, #tpu.memory_space<semaphore_mem>>) src(%dma_wait3A_530 : memref<128x16xf32, #tpu.memory_space<vmem>>) dst(%dma_wait3A_536 : memref<50000x16xf32, #tpu.memory_space<vmem_shared>>)
      %dma_wait3A_537 = arith.constant 16 : i32
      %dma_wait3A_538 = arith.constant 16 : i32
      %dma_wait3A_539 = arith.constant 0 : i32
      %dma_wait3A_540 = arith.constant 0 : i32
      %dma_wait3A_541 = tpu.memref_slice %arg7[%dma_wait3A_537, %dma_wait3A_539, %dma_wait3A_540] : memref<24x128x16xf32, #tpu.memory_space<vmem>> -> memref<1x128x16xf32, #tpu.memory_space<vmem>>
      %dma_wait3A_542 = tpu.memref_squeeze %dma_wait3A_541 : memref<1x128x16xf32, #tpu.memory_space<vmem>> -> memref<128x16xf32, #tpu.memory_space<vmem>>
      %dma_wait3A_543 = arith.constant 0 : i32
      %dma_wait3A_544 = tpu.memref_slice %arg6[%dma_wait3A_538, %dma_wait3A_543] : memref<24x128xi32, #tpu.memory_space<vmem>> -> memref<1x128xi32, #tpu.memory_space<vmem>>
      %dma_wait3A_545 = tpu.memref_squeeze %dma_wait3A_544 : memref<1x128xi32, #tpu.memory_space<vmem>> -> memref<128xi32, #tpu.memory_space<vmem>>
      %dma_wait3A_546 = arith.constant 0 : i32
      %dma_wait3A_547 = arith.constant 0 : i32
      %dma_wait3A_548 = tpu.memref_slice %arg8[%dma_wait3A_546, %dma_wait3A_547] : memref<50000x16xf32, #tpu.memory_space<vmem_shared>> -> memref<50000x16xf32, #tpu.memory_space<vmem_shared>>
      tpu.wait_indirect_dma semaphore(%arg9 : memref<!tpu.dma_semaphore, #tpu.memory_space<semaphore_mem>>) src(%dma_wait3A_542 : memref<128x16xf32, #tpu.memory_space<vmem>>) dst(%dma_wait3A_548 : memref<50000x16xf32, #tpu.memory_space<vmem_shared>>)
      %dma_wait3A_549 = arith.constant 17 : i32
      %dma_wait3A_550 = arith.constant 17 : i32
      %dma_wait3A_551 = arith.constant 0 : i32
      %dma_wait3A_552 = arith.constant 0 : i32
      %dma_wait3A_553 = tpu.memref_slice %arg7[%dma_wait3A_549, %dma_wait3A_551, %dma_wait3A_552] : memref<24x128x16xf32, #tpu.memory_space<vmem>> -> memref<1x128x16xf32, #tpu.memory_space<vmem>>
      %dma_wait3A_554 = tpu.memref_squeeze %dma_wait3A_553 : memref<1x128x16xf32, #tpu.memory_space<vmem>> -> memref<128x16xf32, #tpu.memory_space<vmem>>
      %dma_wait3A_555 = arith.constant 0 : i32
      %dma_wait3A_556 = tpu.memref_slice %arg6[%dma_wait3A_550, %dma_wait3A_555] : memref<24x128xi32, #tpu.memory_space<vmem>> -> memref<1x128xi32, #tpu.memory_space<vmem>>
      %dma_wait3A_557 = tpu.memref_squeeze %dma_wait3A_556 : memref<1x128xi32, #tpu.memory_space<vmem>> -> memref<128xi32, #tpu.memory_space<vmem>>
      %dma_wait3A_558 = arith.constant 0 : i32
      %dma_wait3A_559 = arith.constant 0 : i32
      %dma_wait3A_560 = tpu.memref_slice %arg8[%dma_wait3A_558, %dma_wait3A_559] : memref<50000x16xf32, #tpu.memory_space<vmem_shared>> -> memref<50000x16xf32, #tpu.memory_space<vmem_shared>>
      tpu.wait_indirect_dma semaphore(%arg9 : memref<!tpu.dma_semaphore, #tpu.memory_space<semaphore_mem>>) src(%dma_wait3A_554 : memref<128x16xf32, #tpu.memory_space<vmem>>) dst(%dma_wait3A_560 : memref<50000x16xf32, #tpu.memory_space<vmem_shared>>)
      %dma_wait3A_561 = arith.constant 18 : i32
      %dma_wait3A_562 = arith.constant 18 : i32
      %dma_wait3A_563 = arith.constant 0 : i32
      %dma_wait3A_564 = arith.constant 0 : i32
      %dma_wait3A_565 = tpu.memref_slice %arg7[%dma_wait3A_561, %dma_wait3A_563, %dma_wait3A_564] : memref<24x128x16xf32, #tpu.memory_space<vmem>> -> memref<1x128x16xf32, #tpu.memory_space<vmem>>
      %dma_wait3A_566 = tpu.memref_squeeze %dma_wait3A_565 : memref<1x128x16xf32, #tpu.memory_space<vmem>> -> memref<128x16xf32, #tpu.memory_space<vmem>>
      %dma_wait3A_567 = arith.constant 0 : i32
      %dma_wait3A_568 = tpu.memref_slice %arg6[%dma_wait3A_562, %dma_wait3A_567] : memref<24x128xi32, #tpu.memory_space<vmem>> -> memref<1x128xi32, #tpu.memory_space<vmem>>
      %dma_wait3A_569 = tpu.memref_squeeze %dma_wait3A_568 : memref<1x128xi32, #tpu.memory_space<vmem>> -> memref<128xi32, #tpu.memory_space<vmem>>
      %dma_wait3A_570 = arith.constant 0 : i32
      %dma_wait3A_571 = arith.constant 0 : i32
      %dma_wait3A_572 = tpu.memref_slice %arg8[%dma_wait3A_570, %dma_wait3A_571] : memref<50000x16xf32, #tpu.memory_space<vmem_shared>> -> memref<50000x16xf32, #tpu.memory_space<vmem_shared>>
      tpu.wait_indirect_dma semaphore(%arg9 : memref<!tpu.dma_semaphore, #tpu.memory_space<semaphore_mem>>) src(%dma_wait3A_566 : memref<128x16xf32, #tpu.memory_space<vmem>>) dst(%dma_wait3A_572 : memref<50000x16xf32, #tpu.memory_space<vmem_shared>>)
      %dma_wait3A_573 = arith.constant 19 : i32
      %dma_wait3A_574 = arith.constant 19 : i32
      %dma_wait3A_575 = arith.constant 0 : i32
      %dma_wait3A_576 = arith.constant 0 : i32
      %dma_wait3A_577 = tpu.memref_slice %arg7[%dma_wait3A_573, %dma_wait3A_575, %dma_wait3A_576] : memref<24x128x16xf32, #tpu.memory_space<vmem>> -> memref<1x128x16xf32, #tpu.memory_space<vmem>>
      %dma_wait3A_578 = tpu.memref_squeeze %dma_wait3A_577 : memref<1x128x16xf32, #tpu.memory_space<vmem>> -> memref<128x16xf32, #tpu.memory_space<vmem>>
      %dma_wait3A_579 = arith.constant 0 : i32
      %dma_wait3A_580 = tpu.memref_slice %arg6[%dma_wait3A_574, %dma_wait3A_579] : memref<24x128xi32, #tpu.memory_space<vmem>> -> memref<1x128xi32, #tpu.memory_space<vmem>>
      %dma_wait3A_581 = tpu.memref_squeeze %dma_wait3A_580 : memref<1x128xi32, #tpu.memory_space<vmem>> -> memref<128xi32, #tpu.memory_space<vmem>>
      %dma_wait3A_582 = arith.constant 0 : i32
      %dma_wait3A_583 = arith.constant 0 : i32
      %dma_wait3A_584 = tpu.memref_slice %arg8[%dma_wait3A_582, %dma_wait3A_583] : memref<50000x16xf32, #tpu.memory_space<vmem_shared>> -> memref<50000x16xf32, #tpu.memory_space<vmem_shared>>
      tpu.wait_indirect_dma semaphore(%arg9 : memref<!tpu.dma_semaphore, #tpu.memory_space<semaphore_mem>>) src(%dma_wait3A_578 : memref<128x16xf32, #tpu.memory_space<vmem>>) dst(%dma_wait3A_584 : memref<50000x16xf32, #tpu.memory_space<vmem_shared>>)
      %dma_wait3A_585 = arith.constant 20 : i32
      %dma_wait3A_586 = arith.constant 20 : i32
      %dma_wait3A_587 = arith.constant 0 : i32
      %dma_wait3A_588 = arith.constant 0 : i32
      %dma_wait3A_589 = tpu.memref_slice %arg7[%dma_wait3A_585, %dma_wait3A_587, %dma_wait3A_588] : memref<24x128x16xf32, #tpu.memory_space<vmem>> -> memref<1x128x16xf32, #tpu.memory_space<vmem>>
      %dma_wait3A_590 = tpu.memref_squeeze %dma_wait3A_589 : memref<1x128x16xf32, #tpu.memory_space<vmem>> -> memref<128x16xf32, #tpu.memory_space<vmem>>
      %dma_wait3A_591 = arith.constant 0 : i32
      %dma_wait3A_592 = tpu.memref_slice %arg6[%dma_wait3A_586, %dma_wait3A_591] : memref<24x128xi32, #tpu.memory_space<vmem>> -> memref<1x128xi32, #tpu.memory_space<vmem>>
      %dma_wait3A_593 = tpu.memref_squeeze %dma_wait3A_592 : memref<1x128xi32, #tpu.memory_space<vmem>> -> memref<128xi32, #tpu.memory_space<vmem>>
      %dma_wait3A_594 = arith.constant 0 : i32
      %dma_wait3A_595 = arith.constant 0 : i32
      %dma_wait3A_596 = tpu.memref_slice %arg8[%dma_wait3A_594, %dma_wait3A_595] : memref<50000x16xf32, #tpu.memory_space<vmem_shared>> -> memref<50000x16xf32, #tpu.memory_space<vmem_shared>>
      tpu.wait_indirect_dma semaphore(%arg9 : memref<!tpu.dma_semaphore, #tpu.memory_space<semaphore_mem>>) src(%dma_wait3A_590 : memref<128x16xf32, #tpu.memory_space<vmem>>) dst(%dma_wait3A_596 : memref<50000x16xf32, #tpu.memory_space<vmem_shared>>)
      %dma_wait3A_597 = arith.constant 21 : i32
      %dma_wait3A_598 = arith.constant 21 : i32
      %dma_wait3A_599 = arith.constant 0 : i32
      %dma_wait3A_600 = arith.constant 0 : i32
      %dma_wait3A_601 = tpu.memref_slice %arg7[%dma_wait3A_597, %dma_wait3A_599, %dma_wait3A_600] : memref<24x128x16xf32, #tpu.memory_space<vmem>> -> memref<1x128x16xf32, #tpu.memory_space<vmem>>
      %dma_wait3A_602 = tpu.memref_squeeze %dma_wait3A_601 : memref<1x128x16xf32, #tpu.memory_space<vmem>> -> memref<128x16xf32, #tpu.memory_space<vmem>>
      %dma_wait3A_603 = arith.constant 0 : i32
      %dma_wait3A_604 = tpu.memref_slice %arg6[%dma_wait3A_598, %dma_wait3A_603] : memref<24x128xi32, #tpu.memory_space<vmem>> -> memref<1x128xi32, #tpu.memory_space<vmem>>
      %dma_wait3A_605 = tpu.memref_squeeze %dma_wait3A_604 : memref<1x128xi32, #tpu.memory_space<vmem>> -> memref<128xi32, #tpu.memory_space<vmem>>
      %dma_wait3A_606 = arith.constant 0 : i32
      %dma_wait3A_607 = arith.constant 0 : i32
      %dma_wait3A_608 = tpu.memref_slice %arg8[%dma_wait3A_606, %dma_wait3A_607] : memref<50000x16xf32, #tpu.memory_space<vmem_shared>> -> memref<50000x16xf32, #tpu.memory_space<vmem_shared>>
      tpu.wait_indirect_dma semaphore(%arg9 : memref<!tpu.dma_semaphore, #tpu.memory_space<semaphore_mem>>) src(%dma_wait3A_602 : memref<128x16xf32, #tpu.memory_space<vmem>>) dst(%dma_wait3A_608 : memref<50000x16xf32, #tpu.memory_space<vmem_shared>>)
      %dma_wait3A_609 = arith.constant 22 : i32
      %dma_wait3A_610 = arith.constant 22 : i32
      %dma_wait3A_611 = arith.constant 0 : i32
      %dma_wait3A_612 = arith.constant 0 : i32
      %dma_wait3A_613 = tpu.memref_slice %arg7[%dma_wait3A_609, %dma_wait3A_611, %dma_wait3A_612] : memref<24x128x16xf32, #tpu.memory_space<vmem>> -> memref<1x128x16xf32, #tpu.memory_space<vmem>>
      %dma_wait3A_614 = tpu.memref_squeeze %dma_wait3A_613 : memref<1x128x16xf32, #tpu.memory_space<vmem>> -> memref<128x16xf32, #tpu.memory_space<vmem>>
      %dma_wait3A_615 = arith.constant 0 : i32
      %dma_wait3A_616 = tpu.memref_slice %arg6[%dma_wait3A_610, %dma_wait3A_615] : memref<24x128xi32, #tpu.memory_space<vmem>> -> memref<1x128xi32, #tpu.memory_space<vmem>>
      %dma_wait3A_617 = tpu.memref_squeeze %dma_wait3A_616 : memref<1x128xi32, #tpu.memory_space<vmem>> -> memref<128xi32, #tpu.memory_space<vmem>>
      %dma_wait3A_618 = arith.constant 0 : i32
      %dma_wait3A_619 = arith.constant 0 : i32
      %dma_wait3A_620 = tpu.memref_slice %arg8[%dma_wait3A_618, %dma_wait3A_619] : memref<50000x16xf32, #tpu.memory_space<vmem_shared>> -> memref<50000x16xf32, #tpu.memory_space<vmem_shared>>
      tpu.wait_indirect_dma semaphore(%arg9 : memref<!tpu.dma_semaphore, #tpu.memory_space<semaphore_mem>>) src(%dma_wait3A_614 : memref<128x16xf32, #tpu.memory_space<vmem>>) dst(%dma_wait3A_620 : memref<50000x16xf32, #tpu.memory_space<vmem_shared>>)
      %dma_wait3A_621 = arith.constant 23 : i32
      %dma_wait3A_622 = arith.constant 23 : i32
      %dma_wait3A_623 = arith.constant 0 : i32
      %dma_wait3A_624 = arith.constant 0 : i32
      %dma_wait3A_625 = tpu.memref_slice %arg7[%dma_wait3A_621, %dma_wait3A_623, %dma_wait3A_624] : memref<24x128x16xf32, #tpu.memory_space<vmem>> -> memref<1x128x16xf32, #tpu.memory_space<vmem>>
      %dma_wait3A_626 = tpu.memref_squeeze %dma_wait3A_625 : memref<1x128x16xf32, #tpu.memory_space<vmem>> -> memref<128x16xf32, #tpu.memory_space<vmem>>
      %dma_wait3A_627 = arith.constant 0 : i32
      %dma_wait3A_628 = tpu.memref_slice %arg6[%dma_wait3A_622, %dma_wait3A_627] : memref<24x128xi32, #tpu.memory_space<vmem>> -> memref<1x128xi32, #tpu.memory_space<vmem>>
      %dma_wait3A_629 = tpu.memref_squeeze %dma_wait3A_628 : memref<1x128xi32, #tpu.memory_space<vmem>> -> memref<128xi32, #tpu.memory_space<vmem>>
      %dma_wait3A_630 = arith.constant 0 : i32
      %dma_wait3A_631 = arith.constant 0 : i32
      %dma_wait3A_632 = tpu.memref_slice %arg8[%dma_wait3A_630, %dma_wait3A_631] : memref<50000x16xf32, #tpu.memory_space<vmem_shared>> -> memref<50000x16xf32, #tpu.memory_space<vmem_shared>>
      tpu.wait_indirect_dma semaphore(%arg9 : memref<!tpu.dma_semaphore, #tpu.memory_space<semaphore_mem>>) src(%dma_wait3A_626 : memref<128x16xf32, #tpu.memory_space<vmem>>) dst(%dma_wait3A_632 : memref<50000x16xf32, #tpu.memory_space<vmem_shared>>)
    }
    %while3A_36 = arith.constant 1 : i32
    scf.for %while3A_55 = %while3A_34 to %while3A_30 step %while3A_36  : i32 {
      %mul3A_56 = arith.constant 24 : i32
      %mul3A_57 = arith.muli %while3A_55, %mul3A_56 : i32
      %add3A_58 = arith.addi %add3A_7, %mul3A_57 : i32
      "tpu.region"() ({
        %run_scoped3A = tpu.sem_alloc : memref<!tpu.dma_semaphore, #tpu.memory_space<semaphore_mem>>
        %dma_start3A_633 = arith.constant 0 : i32
        %dma_start3A_634 = tpu.memref_slice %arg3[%add3A_58, %dma_start3A_633] : memref<12500x128xi32, #tpu.memory_space<hbm>> -> memref<24x128xi32, #tpu.memory_space<hbm>>
        %dma_start3A_635 = arith.constant 0 : i32
        %dma_start3A_636 = tpu.memref_slice %arg3[%add3A_58, %dma_start3A_635] : memref<12500x128xi32, #tpu.memory_space<hbm>> -> memref<24x128xi32, #tpu.memory_space<hbm>>
        tpu.enqueue_dma source(%dma_start3A_636 : memref<24x128xi32, #tpu.memory_space<hbm>>) target(%arg6 : memref<24x128xi32, #tpu.memory_space<vmem>>) target_semaphore(%run_scoped3A : memref<!tpu.dma_semaphore, #tpu.memory_space<semaphore_mem>>)
        %dma_wait3A_637 = arith.constant 0 : i32
        %dma_wait3A_638 = tpu.memref_slice %arg3[%add3A_58, %dma_wait3A_637] : memref<12500x128xi32, #tpu.memory_space<hbm>> -> memref<24x128xi32, #tpu.memory_space<hbm>>
        %dma_wait3A_639 = arith.constant 0 : i32
        %dma_wait3A_640 = tpu.memref_slice %arg3[%add3A_58, %dma_wait3A_639] : memref<12500x128xi32, #tpu.memory_space<hbm>> -> memref<24x128xi32, #tpu.memory_space<hbm>>
        tpu.wait_dma2 semaphore(%run_scoped3A : memref<!tpu.dma_semaphore, #tpu.memory_space<semaphore_mem>>) src(%dma_wait3A_640 : memref<24x128xi32, #tpu.memory_space<hbm>>) dst(%arg6 : memref<24x128xi32, #tpu.memory_space<vmem>>)
        tpu.yield
      }) : () -> ()
      "tpu.region"() ({
        %run_scoped3A = tpu.sem_alloc : memref<!tpu.dma_semaphore, #tpu.memory_space<semaphore_mem>>
        %dma_start3A_633 = arith.constant 0 : i32
        %dma_start3A_634 = arith.constant 0 : i32
        %dma_start3A_635 = tpu.memref_slice %arg2[%add3A_58, %dma_start3A_633, %dma_start3A_634] : memref<12500x128x16xf32, #tpu.memory_space<hbm>> -> memref<24x128x16xf32, #tpu.memory_space<hbm>>
        %dma_start3A_636 = arith.constant 0 : i32
        %dma_start3A_637 = arith.constant 0 : i32
        %dma_start3A_638 = tpu.memref_slice %arg2[%add3A_58, %dma_start3A_636, %dma_start3A_637] : memref<12500x128x16xf32, #tpu.memory_space<hbm>> -> memref<24x128x16xf32, #tpu.memory_space<hbm>>
        tpu.enqueue_dma source(%dma_start3A_638 : memref<24x128x16xf32, #tpu.memory_space<hbm>>) target(%arg7 : memref<24x128x16xf32, #tpu.memory_space<vmem>>) target_semaphore(%run_scoped3A : memref<!tpu.dma_semaphore, #tpu.memory_space<semaphore_mem>>)
        %dma_wait3A_639 = arith.constant 0 : i32
        %dma_wait3A_640 = arith.constant 0 : i32
        %dma_wait3A_641 = tpu.memref_slice %arg2[%add3A_58, %dma_wait3A_639, %dma_wait3A_640] : memref<12500x128x16xf32, #tpu.memory_space<hbm>> -> memref<24x128x16xf32, #tpu.memory_space<hbm>>
        %dma_wait3A_642 = arith.constant 0 : i32
        %dma_wait3A_643 = arith.constant 0 : i32
        %dma_wait3A_644 = tpu.memref_slice %arg2[%add3A_58, %dma_wait3A_642, %dma_wait3A_643] : memref<12500x128x16xf32, #tpu.memory_space<hbm>> -> memref<24x128x16xf32, #tpu.memory_space<hbm>>
        tpu.wait_dma2 semaphore(%run_scoped3A : memref<!tpu.dma_semaphore, #tpu.memory_space<semaphore_mem>>) src(%dma_wait3A_644 : memref<24x128x16xf32, #tpu.memory_space<hbm>>) dst(%arg7 : memref<24x128x16xf32, #tpu.memory_space<vmem>>)
        tpu.yield
      }) : () -> ()
      %dma_start3A = arith.constant 0 : i32
      %dma_start3A_59 = arith.constant 0 : i32
      %dma_start3A_60 = arith.constant 0 : i32
      %dma_start3A_61 = arith.constant 0 : i32
      %dma_start3A_62 = tpu.memref_slice %arg7[%dma_start3A, %dma_start3A_60, %dma_start3A_61] : memref<24x128x16xf32, #tpu.memory_space<vmem>> -> memref<1x128x16xf32, #tpu.memory_space<vmem>>
      %dma_start3A_63 = tpu.memref_squeeze %dma_start3A_62 : memref<1x128x16xf32, #tpu.memory_space<vmem>> -> memref<128x16xf32, #tpu.memory_space<vmem>>
      %dma_start3A_64 = arith.constant 0 : i32
      %dma_start3A_65 = tpu.memref_slice %arg6[%dma_start3A_59, %dma_start3A_64] : memref<24x128xi32, #tpu.memory_space<vmem>> -> memref<1x128xi32, #tpu.memory_space<vmem>>
      %dma_start3A_66 = tpu.memref_squeeze %dma_start3A_65 : memref<1x128xi32, #tpu.memory_space<vmem>> -> memref<128xi32, #tpu.memory_space<vmem>>
      %dma_start3A_67 = arith.constant 0 : i32
      %dma_start3A_68 = arith.constant 0 : i32
      %dma_start3A_69 = tpu.memref_slice %arg8[%dma_start3A_67, %dma_start3A_68] : memref<50000x16xf32, #tpu.memory_space<vmem_shared>> -> memref<50000x16xf32, #tpu.memory_space<vmem_shared>>
      tpu.enqueue_indirect_dma source(%dma_start3A_63 : memref<128x16xf32, #tpu.memory_space<vmem>>) target(%dma_start3A_69 : memref<50000x16xf32, #tpu.memory_space<vmem_shared>>) offsets(%dma_start3A_66 : memref<128xi32, #tpu.memory_space<vmem>>) semaphore(%arg9 : memref<!tpu.dma_semaphore, #tpu.memory_space<semaphore_mem>>) {add = true}
      %dma_start3A_70 = arith.constant 1 : i32
      %dma_start3A_71 = arith.constant 1 : i32
      %dma_start3A_72 = arith.constant 0 : i32
      %dma_start3A_73 = arith.constant 0 : i32
      %dma_start3A_74 = tpu.memref_slice %arg7[%dma_start3A_70, %dma_start3A_72, %dma_start3A_73] : memref<24x128x16xf32, #tpu.memory_space<vmem>> -> memref<1x128x16xf32, #tpu.memory_space<vmem>>
      %dma_start3A_75 = tpu.memref_squeeze %dma_start3A_74 : memref<1x128x16xf32, #tpu.memory_space<vmem>> -> memref<128x16xf32, #tpu.memory_space<vmem>>
      %dma_start3A_76 = arith.constant 0 : i32
      %dma_start3A_77 = tpu.memref_slice %arg6[%dma_start3A_71, %dma_start3A_76] : memref<24x128xi32, #tpu.memory_space<vmem>> -> memref<1x128xi32, #tpu.memory_space<vmem>>
      %dma_start3A_78 = tpu.memref_squeeze %dma_start3A_77 : memref<1x128xi32, #tpu.memory_space<vmem>> -> memref<128xi32, #tpu.memory_space<vmem>>
      %dma_start3A_79 = arith.constant 0 : i32
      %dma_start3A_80 = arith.constant 0 : i32
      %dma_start3A_81 = tpu.memref_slice %arg8[%dma_start3A_79, %dma_start3A_80] : memref<50000x16xf32, #tpu.memory_space<vmem_shared>> -> memref<50000x16xf32, #tpu.memory_space<vmem_shared>>
      tpu.enqueue_indirect_dma source(%dma_start3A_75 : memref<128x16xf32, #tpu.memory_space<vmem>>) target(%dma_start3A_81 : memref<50000x16xf32, #tpu.memory_space<vmem_shared>>) offsets(%dma_start3A_78 : memref<128xi32, #tpu.memory_space<vmem>>) semaphore(%arg9 : memref<!tpu.dma_semaphore, #tpu.memory_space<semaphore_mem>>) {add = true}
      %dma_start3A_82 = arith.constant 2 : i32
      %dma_start3A_83 = arith.constant 2 : i32
      %dma_start3A_84 = arith.constant 0 : i32
      %dma_start3A_85 = arith.constant 0 : i32
      %dma_start3A_86 = tpu.memref_slice %arg7[%dma_start3A_82, %dma_start3A_84, %dma_start3A_85] : memref<24x128x16xf32, #tpu.memory_space<vmem>> -> memref<1x128x16xf32, #tpu.memory_space<vmem>>
      %dma_start3A_87 = tpu.memref_squeeze %dma_start3A_86 : memref<1x128x16xf32, #tpu.memory_space<vmem>> -> memref<128x16xf32, #tpu.memory_space<vmem>>
      %dma_start3A_88 = arith.constant 0 : i32
      %dma_start3A_89 = tpu.memref_slice %arg6[%dma_start3A_83, %dma_start3A_88] : memref<24x128xi32, #tpu.memory_space<vmem>> -> memref<1x128xi32, #tpu.memory_space<vmem>>
      %dma_start3A_90 = tpu.memref_squeeze %dma_start3A_89 : memref<1x128xi32, #tpu.memory_space<vmem>> -> memref<128xi32, #tpu.memory_space<vmem>>
      %dma_start3A_91 = arith.constant 0 : i32
      %dma_start3A_92 = arith.constant 0 : i32
      %dma_start3A_93 = tpu.memref_slice %arg8[%dma_start3A_91, %dma_start3A_92] : memref<50000x16xf32, #tpu.memory_space<vmem_shared>> -> memref<50000x16xf32, #tpu.memory_space<vmem_shared>>
      tpu.enqueue_indirect_dma source(%dma_start3A_87 : memref<128x16xf32, #tpu.memory_space<vmem>>) target(%dma_start3A_93 : memref<50000x16xf32, #tpu.memory_space<vmem_shared>>) offsets(%dma_start3A_90 : memref<128xi32, #tpu.memory_space<vmem>>) semaphore(%arg9 : memref<!tpu.dma_semaphore, #tpu.memory_space<semaphore_mem>>) {add = true}
      %dma_start3A_94 = arith.constant 3 : i32
      %dma_start3A_95 = arith.constant 3 : i32
      %dma_start3A_96 = arith.constant 0 : i32
      %dma_start3A_97 = arith.constant 0 : i32
      %dma_start3A_98 = tpu.memref_slice %arg7[%dma_start3A_94, %dma_start3A_96, %dma_start3A_97] : memref<24x128x16xf32, #tpu.memory_space<vmem>> -> memref<1x128x16xf32, #tpu.memory_space<vmem>>
      %dma_start3A_99 = tpu.memref_squeeze %dma_start3A_98 : memref<1x128x16xf32, #tpu.memory_space<vmem>> -> memref<128x16xf32, #tpu.memory_space<vmem>>
      %dma_start3A_100 = arith.constant 0 : i32
      %dma_start3A_101 = tpu.memref_slice %arg6[%dma_start3A_95, %dma_start3A_100] : memref<24x128xi32, #tpu.memory_space<vmem>> -> memref<1x128xi32, #tpu.memory_space<vmem>>
      %dma_start3A_102 = tpu.memref_squeeze %dma_start3A_101 : memref<1x128xi32, #tpu.memory_space<vmem>> -> memref<128xi32, #tpu.memory_space<vmem>>
      %dma_start3A_103 = arith.constant 0 : i32
      %dma_start3A_104 = arith.constant 0 : i32
      %dma_start3A_105 = tpu.memref_slice %arg8[%dma_start3A_103, %dma_start3A_104] : memref<50000x16xf32, #tpu.memory_space<vmem_shared>> -> memref<50000x16xf32, #tpu.memory_space<vmem_shared>>
      tpu.enqueue_indirect_dma source(%dma_start3A_99 : memref<128x16xf32, #tpu.memory_space<vmem>>) target(%dma_start3A_105 : memref<50000x16xf32, #tpu.memory_space<vmem_shared>>) offsets(%dma_start3A_102 : memref<128xi32, #tpu.memory_space<vmem>>) semaphore(%arg9 : memref<!tpu.dma_semaphore, #tpu.memory_space<semaphore_mem>>) {add = true}
      %dma_start3A_106 = arith.constant 4 : i32
      %dma_start3A_107 = arith.constant 4 : i32
      %dma_start3A_108 = arith.constant 0 : i32
      %dma_start3A_109 = arith.constant 0 : i32
      %dma_start3A_110 = tpu.memref_slice %arg7[%dma_start3A_106, %dma_start3A_108, %dma_start3A_109] : memref<24x128x16xf32, #tpu.memory_space<vmem>> -> memref<1x128x16xf32, #tpu.memory_space<vmem>>
      %dma_start3A_111 = tpu.memref_squeeze %dma_start3A_110 : memref<1x128x16xf32, #tpu.memory_space<vmem>> -> memref<128x16xf32, #tpu.memory_space<vmem>>
      %dma_start3A_112 = arith.constant 0 : i32
      %dma_start3A_113 = tpu.memref_slice %arg6[%dma_start3A_107, %dma_start3A_112] : memref<24x128xi32, #tpu.memory_space<vmem>> -> memref<1x128xi32, #tpu.memory_space<vmem>>
      %dma_start3A_114 = tpu.memref_squeeze %dma_start3A_113 : memref<1x128xi32, #tpu.memory_space<vmem>> -> memref<128xi32, #tpu.memory_space<vmem>>
      %dma_start3A_115 = arith.constant 0 : i32
      %dma_start3A_116 = arith.constant 0 : i32
      %dma_start3A_117 = tpu.memref_slice %arg8[%dma_start3A_115, %dma_start3A_116] : memref<50000x16xf32, #tpu.memory_space<vmem_shared>> -> memref<50000x16xf32, #tpu.memory_space<vmem_shared>>
      tpu.enqueue_indirect_dma source(%dma_start3A_111 : memref<128x16xf32, #tpu.memory_space<vmem>>) target(%dma_start3A_117 : memref<50000x16xf32, #tpu.memory_space<vmem_shared>>) offsets(%dma_start3A_114 : memref<128xi32, #tpu.memory_space<vmem>>) semaphore(%arg9 : memref<!tpu.dma_semaphore, #tpu.memory_space<semaphore_mem>>) {add = true}
      %dma_start3A_118 = arith.constant 5 : i32
      %dma_start3A_119 = arith.constant 5 : i32
      %dma_start3A_120 = arith.constant 0 : i32
      %dma_start3A_121 = arith.constant 0 : i32
      %dma_start3A_122 = tpu.memref_slice %arg7[%dma_start3A_118, %dma_start3A_120, %dma_start3A_121] : memref<24x128x16xf32, #tpu.memory_space<vmem>> -> memref<1x128x16xf32, #tpu.memory_space<vmem>>
      %dma_start3A_123 = tpu.memref_squeeze %dma_start3A_122 : memref<1x128x16xf32, #tpu.memory_space<vmem>> -> memref<128x16xf32, #tpu.memory_space<vmem>>
      %dma_start3A_124 = arith.constant 0 : i32
      %dma_start3A_125 = tpu.memref_slice %arg6[%dma_start3A_119, %dma_start3A_124] : memref<24x128xi32, #tpu.memory_space<vmem>> -> memref<1x128xi32, #tpu.memory_space<vmem>>
      %dma_start3A_126 = tpu.memref_squeeze %dma_start3A_125 : memref<1x128xi32, #tpu.memory_space<vmem>> -> memref<128xi32, #tpu.memory_space<vmem>>
      %dma_start3A_127 = arith.constant 0 : i32
      %dma_start3A_128 = arith.constant 0 : i32
      %dma_start3A_129 = tpu.memref_slice %arg8[%dma_start3A_127, %dma_start3A_128] : memref<50000x16xf32, #tpu.memory_space<vmem_shared>> -> memref<50000x16xf32, #tpu.memory_space<vmem_shared>>
      tpu.enqueue_indirect_dma source(%dma_start3A_123 : memref<128x16xf32, #tpu.memory_space<vmem>>) target(%dma_start3A_129 : memref<50000x16xf32, #tpu.memory_space<vmem_shared>>) offsets(%dma_start3A_126 : memref<128xi32, #tpu.memory_space<vmem>>) semaphore(%arg9 : memref<!tpu.dma_semaphore, #tpu.memory_space<semaphore_mem>>) {add = true}
      %dma_start3A_130 = arith.constant 6 : i32
      %dma_start3A_131 = arith.constant 6 : i32
      %dma_start3A_132 = arith.constant 0 : i32
      %dma_start3A_133 = arith.constant 0 : i32
      %dma_start3A_134 = tpu.memref_slice %arg7[%dma_start3A_130, %dma_start3A_132, %dma_start3A_133] : memref<24x128x16xf32, #tpu.memory_space<vmem>> -> memref<1x128x16xf32, #tpu.memory_space<vmem>>
      %dma_start3A_135 = tpu.memref_squeeze %dma_start3A_134 : memref<1x128x16xf32, #tpu.memory_space<vmem>> -> memref<128x16xf32, #tpu.memory_space<vmem>>
      %dma_start3A_136 = arith.constant 0 : i32
      %dma_start3A_137 = tpu.memref_slice %arg6[%dma_start3A_131, %dma_start3A_136] : memref<24x128xi32, #tpu.memory_space<vmem>> -> memref<1x128xi32, #tpu.memory_space<vmem>>
      %dma_start3A_138 = tpu.memref_squeeze %dma_start3A_137 : memref<1x128xi32, #tpu.memory_space<vmem>> -> memref<128xi32, #tpu.memory_space<vmem>>
      %dma_start3A_139 = arith.constant 0 : i32
      %dma_start3A_140 = arith.constant 0 : i32
      %dma_start3A_141 = tpu.memref_slice %arg8[%dma_start3A_139, %dma_start3A_140] : memref<50000x16xf32, #tpu.memory_space<vmem_shared>> -> memref<50000x16xf32, #tpu.memory_space<vmem_shared>>
      tpu.enqueue_indirect_dma source(%dma_start3A_135 : memref<128x16xf32, #tpu.memory_space<vmem>>) target(%dma_start3A_141 : memref<50000x16xf32, #tpu.memory_space<vmem_shared>>) offsets(%dma_start3A_138 : memref<128xi32, #tpu.memory_space<vmem>>) semaphore(%arg9 : memref<!tpu.dma_semaphore, #tpu.memory_space<semaphore_mem>>) {add = true}
      %dma_start3A_142 = arith.constant 7 : i32
      %dma_start3A_143 = arith.constant 7 : i32
      %dma_start3A_144 = arith.constant 0 : i32
      %dma_start3A_145 = arith.constant 0 : i32
      %dma_start3A_146 = tpu.memref_slice %arg7[%dma_start3A_142, %dma_start3A_144, %dma_start3A_145] : memref<24x128x16xf32, #tpu.memory_space<vmem>> -> memref<1x128x16xf32, #tpu.memory_space<vmem>>
      %dma_start3A_147 = tpu.memref_squeeze %dma_start3A_146 : memref<1x128x16xf32, #tpu.memory_space<vmem>> -> memref<128x16xf32, #tpu.memory_space<vmem>>
      %dma_start3A_148 = arith.constant 0 : i32
      %dma_start3A_149 = tpu.memref_slice %arg6[%dma_start3A_143, %dma_start3A_148] : memref<24x128xi32, #tpu.memory_space<vmem>> -> memref<1x128xi32, #tpu.memory_space<vmem>>
      %dma_start3A_150 = tpu.memref_squeeze %dma_start3A_149 : memref<1x128xi32, #tpu.memory_space<vmem>> -> memref<128xi32, #tpu.memory_space<vmem>>
      %dma_start3A_151 = arith.constant 0 : i32
      %dma_start3A_152 = arith.constant 0 : i32
      %dma_start3A_153 = tpu.memref_slice %arg8[%dma_start3A_151, %dma_start3A_152] : memref<50000x16xf32, #tpu.memory_space<vmem_shared>> -> memref<50000x16xf32, #tpu.memory_space<vmem_shared>>
      tpu.enqueue_indirect_dma source(%dma_start3A_147 : memref<128x16xf32, #tpu.memory_space<vmem>>) target(%dma_start3A_153 : memref<50000x16xf32, #tpu.memory_space<vmem_shared>>) offsets(%dma_start3A_150 : memref<128xi32, #tpu.memory_space<vmem>>) semaphore(%arg9 : memref<!tpu.dma_semaphore, #tpu.memory_space<semaphore_mem>>) {add = true}
      %dma_start3A_154 = arith.constant 8 : i32
      %dma_start3A_155 = arith.constant 8 : i32
      %dma_start3A_156 = arith.constant 0 : i32
      %dma_start3A_157 = arith.constant 0 : i32
      %dma_start3A_158 = tpu.memref_slice %arg7[%dma_start3A_154, %dma_start3A_156, %dma_start3A_157] : memref<24x128x16xf32, #tpu.memory_space<vmem>> -> memref<1x128x16xf32, #tpu.memory_space<vmem>>
      %dma_start3A_159 = tpu.memref_squeeze %dma_start3A_158 : memref<1x128x16xf32, #tpu.memory_space<vmem>> -> memref<128x16xf32, #tpu.memory_space<vmem>>
      %dma_start3A_160 = arith.constant 0 : i32
      %dma_start3A_161 = tpu.memref_slice %arg6[%dma_start3A_155, %dma_start3A_160] : memref<24x128xi32, #tpu.memory_space<vmem>> -> memref<1x128xi32, #tpu.memory_space<vmem>>
      %dma_start3A_162 = tpu.memref_squeeze %dma_start3A_161 : memref<1x128xi32, #tpu.memory_space<vmem>> -> memref<128xi32, #tpu.memory_space<vmem>>
      %dma_start3A_163 = arith.constant 0 : i32
      %dma_start3A_164 = arith.constant 0 : i32
      %dma_start3A_165 = tpu.memref_slice %arg8[%dma_start3A_163, %dma_start3A_164] : memref<50000x16xf32, #tpu.memory_space<vmem_shared>> -> memref<50000x16xf32, #tpu.memory_space<vmem_shared>>
      tpu.enqueue_indirect_dma source(%dma_start3A_159 : memref<128x16xf32, #tpu.memory_space<vmem>>) target(%dma_start3A_165 : memref<50000x16xf32, #tpu.memory_space<vmem_shared>>) offsets(%dma_start3A_162 : memref<128xi32, #tpu.memory_space<vmem>>) semaphore(%arg9 : memref<!tpu.dma_semaphore, #tpu.memory_space<semaphore_mem>>) {add = true}
      %dma_start3A_166 = arith.constant 9 : i32
      %dma_start3A_167 = arith.constant 9 : i32
      %dma_start3A_168 = arith.constant 0 : i32
      %dma_start3A_169 = arith.constant 0 : i32
      %dma_start3A_170 = tpu.memref_slice %arg7[%dma_start3A_166, %dma_start3A_168, %dma_start3A_169] : memref<24x128x16xf32, #tpu.memory_space<vmem>> -> memref<1x128x16xf32, #tpu.memory_space<vmem>>
      %dma_start3A_171 = tpu.memref_squeeze %dma_start3A_170 : memref<1x128x16xf32, #tpu.memory_space<vmem>> -> memref<128x16xf32, #tpu.memory_space<vmem>>
      %dma_start3A_172 = arith.constant 0 : i32
      %dma_start3A_173 = tpu.memref_slice %arg6[%dma_start3A_167, %dma_start3A_172] : memref<24x128xi32, #tpu.memory_space<vmem>> -> memref<1x128xi32, #tpu.memory_space<vmem>>
      %dma_start3A_174 = tpu.memref_squeeze %dma_start3A_173 : memref<1x128xi32, #tpu.memory_space<vmem>> -> memref<128xi32, #tpu.memory_space<vmem>>
      %dma_start3A_175 = arith.constant 0 : i32
      %dma_start3A_176 = arith.constant 0 : i32
      %dma_start3A_177 = tpu.memref_slice %arg8[%dma_start3A_175, %dma_start3A_176] : memref<50000x16xf32, #tpu.memory_space<vmem_shared>> -> memref<50000x16xf32, #tpu.memory_space<vmem_shared>>
      tpu.enqueue_indirect_dma source(%dma_start3A_171 : memref<128x16xf32, #tpu.memory_space<vmem>>) target(%dma_start3A_177 : memref<50000x16xf32, #tpu.memory_space<vmem_shared>>) offsets(%dma_start3A_174 : memref<128xi32, #tpu.memory_space<vmem>>) semaphore(%arg9 : memref<!tpu.dma_semaphore, #tpu.memory_space<semaphore_mem>>) {add = true}
      %dma_start3A_178 = arith.constant 10 : i32
      %dma_start3A_179 = arith.constant 10 : i32
      %dma_start3A_180 = arith.constant 0 : i32
      %dma_start3A_181 = arith.constant 0 : i32
      %dma_start3A_182 = tpu.memref_slice %arg7[%dma_start3A_178, %dma_start3A_180, %dma_start3A_181] : memref<24x128x16xf32, #tpu.memory_space<vmem>> -> memref<1x128x16xf32, #tpu.memory_space<vmem>>
      %dma_start3A_183 = tpu.memref_squeeze %dma_start3A_182 : memref<1x128x16xf32, #tpu.memory_space<vmem>> -> memref<128x16xf32, #tpu.memory_space<vmem>>
      %dma_start3A_184 = arith.constant 0 : i32
      %dma_start3A_185 = tpu.memref_slice %arg6[%dma_start3A_179, %dma_start3A_184] : memref<24x128xi32, #tpu.memory_space<vmem>> -> memref<1x128xi32, #tpu.memory_space<vmem>>
      %dma_start3A_186 = tpu.memref_squeeze %dma_start3A_185 : memref<1x128xi32, #tpu.memory_space<vmem>> -> memref<128xi32, #tpu.memory_space<vmem>>
      %dma_start3A_187 = arith.constant 0 : i32
      %dma_start3A_188 = arith.constant 0 : i32
      %dma_start3A_189 = tpu.memref_slice %arg8[%dma_start3A_187, %dma_start3A_188] : memref<50000x16xf32, #tpu.memory_space<vmem_shared>> -> memref<50000x16xf32, #tpu.memory_space<vmem_shared>>
      tpu.enqueue_indirect_dma source(%dma_start3A_183 : memref<128x16xf32, #tpu.memory_space<vmem>>) target(%dma_start3A_189 : memref<50000x16xf32, #tpu.memory_space<vmem_shared>>) offsets(%dma_start3A_186 : memref<128xi32, #tpu.memory_space<vmem>>) semaphore(%arg9 : memref<!tpu.dma_semaphore, #tpu.memory_space<semaphore_mem>>) {add = true}
      %dma_start3A_190 = arith.constant 11 : i32
      %dma_start3A_191 = arith.constant 11 : i32
      %dma_start3A_192 = arith.constant 0 : i32
      %dma_start3A_193 = arith.constant 0 : i32
      %dma_start3A_194 = tpu.memref_slice %arg7[%dma_start3A_190, %dma_start3A_192, %dma_start3A_193] : memref<24x128x16xf32, #tpu.memory_space<vmem>> -> memref<1x128x16xf32, #tpu.memory_space<vmem>>
      %dma_start3A_195 = tpu.memref_squeeze %dma_start3A_194 : memref<1x128x16xf32, #tpu.memory_space<vmem>> -> memref<128x16xf32, #tpu.memory_space<vmem>>
      %dma_start3A_196 = arith.constant 0 : i32
      %dma_start3A_197 = tpu.memref_slice %arg6[%dma_start3A_191, %dma_start3A_196] : memref<24x128xi32, #tpu.memory_space<vmem>> -> memref<1x128xi32, #tpu.memory_space<vmem>>
      %dma_start3A_198 = tpu.memref_squeeze %dma_start3A_197 : memref<1x128xi32, #tpu.memory_space<vmem>> -> memref<128xi32, #tpu.memory_space<vmem>>
      %dma_start3A_199 = arith.constant 0 : i32
      %dma_start3A_200 = arith.constant 0 : i32
      %dma_start3A_201 = tpu.memref_slice %arg8[%dma_start3A_199, %dma_start3A_200] : memref<50000x16xf32, #tpu.memory_space<vmem_shared>> -> memref<50000x16xf32, #tpu.memory_space<vmem_shared>>
      tpu.enqueue_indirect_dma source(%dma_start3A_195 : memref<128x16xf32, #tpu.memory_space<vmem>>) target(%dma_start3A_201 : memref<50000x16xf32, #tpu.memory_space<vmem_shared>>) offsets(%dma_start3A_198 : memref<128xi32, #tpu.memory_space<vmem>>) semaphore(%arg9 : memref<!tpu.dma_semaphore, #tpu.memory_space<semaphore_mem>>) {add = true}
      %dma_start3A_202 = arith.constant 12 : i32
      %dma_start3A_203 = arith.constant 12 : i32
      %dma_start3A_204 = arith.constant 0 : i32
      %dma_start3A_205 = arith.constant 0 : i32
      %dma_start3A_206 = tpu.memref_slice %arg7[%dma_start3A_202, %dma_start3A_204, %dma_start3A_205] : memref<24x128x16xf32, #tpu.memory_space<vmem>> -> memref<1x128x16xf32, #tpu.memory_space<vmem>>
      %dma_start3A_207 = tpu.memref_squeeze %dma_start3A_206 : memref<1x128x16xf32, #tpu.memory_space<vmem>> -> memref<128x16xf32, #tpu.memory_space<vmem>>
      %dma_start3A_208 = arith.constant 0 : i32
      %dma_start3A_209 = tpu.memref_slice %arg6[%dma_start3A_203, %dma_start3A_208] : memref<24x128xi32, #tpu.memory_space<vmem>> -> memref<1x128xi32, #tpu.memory_space<vmem>>
      %dma_start3A_210 = tpu.memref_squeeze %dma_start3A_209 : memref<1x128xi32, #tpu.memory_space<vmem>> -> memref<128xi32, #tpu.memory_space<vmem>>
      %dma_start3A_211 = arith.constant 0 : i32
      %dma_start3A_212 = arith.constant 0 : i32
      %dma_start3A_213 = tpu.memref_slice %arg8[%dma_start3A_211, %dma_start3A_212] : memref<50000x16xf32, #tpu.memory_space<vmem_shared>> -> memref<50000x16xf32, #tpu.memory_space<vmem_shared>>
      tpu.enqueue_indirect_dma source(%dma_start3A_207 : memref<128x16xf32, #tpu.memory_space<vmem>>) target(%dma_start3A_213 : memref<50000x16xf32, #tpu.memory_space<vmem_shared>>) offsets(%dma_start3A_210 : memref<128xi32, #tpu.memory_space<vmem>>) semaphore(%arg9 : memref<!tpu.dma_semaphore, #tpu.memory_space<semaphore_mem>>) {add = true}
      %dma_start3A_214 = arith.constant 13 : i32
      %dma_start3A_215 = arith.constant 13 : i32
      %dma_start3A_216 = arith.constant 0 : i32
      %dma_start3A_217 = arith.constant 0 : i32
      %dma_start3A_218 = tpu.memref_slice %arg7[%dma_start3A_214, %dma_start3A_216, %dma_start3A_217] : memref<24x128x16xf32, #tpu.memory_space<vmem>> -> memref<1x128x16xf32, #tpu.memory_space<vmem>>
      %dma_start3A_219 = tpu.memref_squeeze %dma_start3A_218 : memref<1x128x16xf32, #tpu.memory_space<vmem>> -> memref<128x16xf32, #tpu.memory_space<vmem>>
      %dma_start3A_220 = arith.constant 0 : i32
      %dma_start3A_221 = tpu.memref_slice %arg6[%dma_start3A_215, %dma_start3A_220] : memref<24x128xi32, #tpu.memory_space<vmem>> -> memref<1x128xi32, #tpu.memory_space<vmem>>
      %dma_start3A_222 = tpu.memref_squeeze %dma_start3A_221 : memref<1x128xi32, #tpu.memory_space<vmem>> -> memref<128xi32, #tpu.memory_space<vmem>>
      %dma_start3A_223 = arith.constant 0 : i32
      %dma_start3A_224 = arith.constant 0 : i32
      %dma_start3A_225 = tpu.memref_slice %arg8[%dma_start3A_223, %dma_start3A_224] : memref<50000x16xf32, #tpu.memory_space<vmem_shared>> -> memref<50000x16xf32, #tpu.memory_space<vmem_shared>>
      tpu.enqueue_indirect_dma source(%dma_start3A_219 : memref<128x16xf32, #tpu.memory_space<vmem>>) target(%dma_start3A_225 : memref<50000x16xf32, #tpu.memory_space<vmem_shared>>) offsets(%dma_start3A_222 : memref<128xi32, #tpu.memory_space<vmem>>) semaphore(%arg9 : memref<!tpu.dma_semaphore, #tpu.memory_space<semaphore_mem>>) {add = true}
      %dma_start3A_226 = arith.constant 14 : i32
      %dma_start3A_227 = arith.constant 14 : i32
      %dma_start3A_228 = arith.constant 0 : i32
      %dma_start3A_229 = arith.constant 0 : i32
      %dma_start3A_230 = tpu.memref_slice %arg7[%dma_start3A_226, %dma_start3A_228, %dma_start3A_229] : memref<24x128x16xf32, #tpu.memory_space<vmem>> -> memref<1x128x16xf32, #tpu.memory_space<vmem>>
      %dma_start3A_231 = tpu.memref_squeeze %dma_start3A_230 : memref<1x128x16xf32, #tpu.memory_space<vmem>> -> memref<128x16xf32, #tpu.memory_space<vmem>>
      %dma_start3A_232 = arith.constant 0 : i32
      %dma_start3A_233 = tpu.memref_slice %arg6[%dma_start3A_227, %dma_start3A_232] : memref<24x128xi32, #tpu.memory_space<vmem>> -> memref<1x128xi32, #tpu.memory_space<vmem>>
      %dma_start3A_234 = tpu.memref_squeeze %dma_start3A_233 : memref<1x128xi32, #tpu.memory_space<vmem>> -> memref<128xi32, #tpu.memory_space<vmem>>
      %dma_start3A_235 = arith.constant 0 : i32
      %dma_start3A_236 = arith.constant 0 : i32
      %dma_start3A_237 = tpu.memref_slice %arg8[%dma_start3A_235, %dma_start3A_236] : memref<50000x16xf32, #tpu.memory_space<vmem_shared>> -> memref<50000x16xf32, #tpu.memory_space<vmem_shared>>
      tpu.enqueue_indirect_dma source(%dma_start3A_231 : memref<128x16xf32, #tpu.memory_space<vmem>>) target(%dma_start3A_237 : memref<50000x16xf32, #tpu.memory_space<vmem_shared>>) offsets(%dma_start3A_234 : memref<128xi32, #tpu.memory_space<vmem>>) semaphore(%arg9 : memref<!tpu.dma_semaphore, #tpu.memory_space<semaphore_mem>>) {add = true}
      %dma_start3A_238 = arith.constant 15 : i32
      %dma_start3A_239 = arith.constant 15 : i32
      %dma_start3A_240 = arith.constant 0 : i32
      %dma_start3A_241 = arith.constant 0 : i32
      %dma_start3A_242 = tpu.memref_slice %arg7[%dma_start3A_238, %dma_start3A_240, %dma_start3A_241] : memref<24x128x16xf32, #tpu.memory_space<vmem>> -> memref<1x128x16xf32, #tpu.memory_space<vmem>>
      %dma_start3A_243 = tpu.memref_squeeze %dma_start3A_242 : memref<1x128x16xf32, #tpu.memory_space<vmem>> -> memref<128x16xf32, #tpu.memory_space<vmem>>
      %dma_start3A_244 = arith.constant 0 : i32
      %dma_start3A_245 = tpu.memref_slice %arg6[%dma_start3A_239, %dma_start3A_244] : memref<24x128xi32, #tpu.memory_space<vmem>> -> memref<1x128xi32, #tpu.memory_space<vmem>>
      %dma_start3A_246 = tpu.memref_squeeze %dma_start3A_245 : memref<1x128xi32, #tpu.memory_space<vmem>> -> memref<128xi32, #tpu.memory_space<vmem>>
      %dma_start3A_247 = arith.constant 0 : i32
      %dma_start3A_248 = arith.constant 0 : i32
      %dma_start3A_249 = tpu.memref_slice %arg8[%dma_start3A_247, %dma_start3A_248] : memref<50000x16xf32, #tpu.memory_space<vmem_shared>> -> memref<50000x16xf32, #tpu.memory_space<vmem_shared>>
      tpu.enqueue_indirect_dma source(%dma_start3A_243 : memref<128x16xf32, #tpu.memory_space<vmem>>) target(%dma_start3A_249 : memref<50000x16xf32, #tpu.memory_space<vmem_shared>>) offsets(%dma_start3A_246 : memref<128xi32, #tpu.memory_space<vmem>>) semaphore(%arg9 : memref<!tpu.dma_semaphore, #tpu.memory_space<semaphore_mem>>) {add = true}
      %dma_start3A_250 = arith.constant 16 : i32
      %dma_start3A_251 = arith.constant 16 : i32
      %dma_start3A_252 = arith.constant 0 : i32
      %dma_start3A_253 = arith.constant 0 : i32
      %dma_start3A_254 = tpu.memref_slice %arg7[%dma_start3A_250, %dma_start3A_252, %dma_start3A_253] : memref<24x128x16xf32, #tpu.memory_space<vmem>> -> memref<1x128x16xf32, #tpu.memory_space<vmem>>
      %dma_start3A_255 = tpu.memref_squeeze %dma_start3A_254 : memref<1x128x16xf32, #tpu.memory_space<vmem>> -> memref<128x16xf32, #tpu.memory_space<vmem>>
      %dma_start3A_256 = arith.constant 0 : i32
      %dma_start3A_257 = tpu.memref_slice %arg6[%dma_start3A_251, %dma_start3A_256] : memref<24x128xi32, #tpu.memory_space<vmem>> -> memref<1x128xi32, #tpu.memory_space<vmem>>
      %dma_start3A_258 = tpu.memref_squeeze %dma_start3A_257 : memref<1x128xi32, #tpu.memory_space<vmem>> -> memref<128xi32, #tpu.memory_space<vmem>>
      %dma_start3A_259 = arith.constant 0 : i32
      %dma_start3A_260 = arith.constant 0 : i32
      %dma_start3A_261 = tpu.memref_slice %arg8[%dma_start3A_259, %dma_start3A_260] : memref<50000x16xf32, #tpu.memory_space<vmem_shared>> -> memref<50000x16xf32, #tpu.memory_space<vmem_shared>>
      tpu.enqueue_indirect_dma source(%dma_start3A_255 : memref<128x16xf32, #tpu.memory_space<vmem>>) target(%dma_start3A_261 : memref<50000x16xf32, #tpu.memory_space<vmem_shared>>) offsets(%dma_start3A_258 : memref<128xi32, #tpu.memory_space<vmem>>) semaphore(%arg9 : memref<!tpu.dma_semaphore, #tpu.memory_space<semaphore_mem>>) {add = true}
      %dma_start3A_262 = arith.constant 17 : i32
      %dma_start3A_263 = arith.constant 17 : i32
      %dma_start3A_264 = arith.constant 0 : i32
      %dma_start3A_265 = arith.constant 0 : i32
      %dma_start3A_266 = tpu.memref_slice %arg7[%dma_start3A_262, %dma_start3A_264, %dma_start3A_265] : memref<24x128x16xf32, #tpu.memory_space<vmem>> -> memref<1x128x16xf32, #tpu.memory_space<vmem>>
      %dma_start3A_267 = tpu.memref_squeeze %dma_start3A_266 : memref<1x128x16xf32, #tpu.memory_space<vmem>> -> memref<128x16xf32, #tpu.memory_space<vmem>>
      %dma_start3A_268 = arith.constant 0 : i32
      %dma_start3A_269 = tpu.memref_slice %arg6[%dma_start3A_263, %dma_start3A_268] : memref<24x128xi32, #tpu.memory_space<vmem>> -> memref<1x128xi32, #tpu.memory_space<vmem>>
      %dma_start3A_270 = tpu.memref_squeeze %dma_start3A_269 : memref<1x128xi32, #tpu.memory_space<vmem>> -> memref<128xi32, #tpu.memory_space<vmem>>
      %dma_start3A_271 = arith.constant 0 : i32
      %dma_start3A_272 = arith.constant 0 : i32
      %dma_start3A_273 = tpu.memref_slice %arg8[%dma_start3A_271, %dma_start3A_272] : memref<50000x16xf32, #tpu.memory_space<vmem_shared>> -> memref<50000x16xf32, #tpu.memory_space<vmem_shared>>
      tpu.enqueue_indirect_dma source(%dma_start3A_267 : memref<128x16xf32, #tpu.memory_space<vmem>>) target(%dma_start3A_273 : memref<50000x16xf32, #tpu.memory_space<vmem_shared>>) offsets(%dma_start3A_270 : memref<128xi32, #tpu.memory_space<vmem>>) semaphore(%arg9 : memref<!tpu.dma_semaphore, #tpu.memory_space<semaphore_mem>>) {add = true}
      %dma_start3A_274 = arith.constant 18 : i32
      %dma_start3A_275 = arith.constant 18 : i32
      %dma_start3A_276 = arith.constant 0 : i32
      %dma_start3A_277 = arith.constant 0 : i32
      %dma_start3A_278 = tpu.memref_slice %arg7[%dma_start3A_274, %dma_start3A_276, %dma_start3A_277] : memref<24x128x16xf32, #tpu.memory_space<vmem>> -> memref<1x128x16xf32, #tpu.memory_space<vmem>>
      %dma_start3A_279 = tpu.memref_squeeze %dma_start3A_278 : memref<1x128x16xf32, #tpu.memory_space<vmem>> -> memref<128x16xf32, #tpu.memory_space<vmem>>
      %dma_start3A_280 = arith.constant 0 : i32
      %dma_start3A_281 = tpu.memref_slice %arg6[%dma_start3A_275, %dma_start3A_280] : memref<24x128xi32, #tpu.memory_space<vmem>> -> memref<1x128xi32, #tpu.memory_space<vmem>>
      %dma_start3A_282 = tpu.memref_squeeze %dma_start3A_281 : memref<1x128xi32, #tpu.memory_space<vmem>> -> memref<128xi32, #tpu.memory_space<vmem>>
      %dma_start3A_283 = arith.constant 0 : i32
      %dma_start3A_284 = arith.constant 0 : i32
      %dma_start3A_285 = tpu.memref_slice %arg8[%dma_start3A_283, %dma_start3A_284] : memref<50000x16xf32, #tpu.memory_space<vmem_shared>> -> memref<50000x16xf32, #tpu.memory_space<vmem_shared>>
      tpu.enqueue_indirect_dma source(%dma_start3A_279 : memref<128x16xf32, #tpu.memory_space<vmem>>) target(%dma_start3A_285 : memref<50000x16xf32, #tpu.memory_space<vmem_shared>>) offsets(%dma_start3A_282 : memref<128xi32, #tpu.memory_space<vmem>>) semaphore(%arg9 : memref<!tpu.dma_semaphore, #tpu.memory_space<semaphore_mem>>) {add = true}
      %dma_start3A_286 = arith.constant 19 : i32
      %dma_start3A_287 = arith.constant 19 : i32
      %dma_start3A_288 = arith.constant 0 : i32
      %dma_start3A_289 = arith.constant 0 : i32
      %dma_start3A_290 = tpu.memref_slice %arg7[%dma_start3A_286, %dma_start3A_288, %dma_start3A_289] : memref<24x128x16xf32, #tpu.memory_space<vmem>> -> memref<1x128x16xf32, #tpu.memory_space<vmem>>
      %dma_start3A_291 = tpu.memref_squeeze %dma_start3A_290 : memref<1x128x16xf32, #tpu.memory_space<vmem>> -> memref<128x16xf32, #tpu.memory_space<vmem>>
      %dma_start3A_292 = arith.constant 0 : i32
      %dma_start3A_293 = tpu.memref_slice %arg6[%dma_start3A_287, %dma_start3A_292] : memref<24x128xi32, #tpu.memory_space<vmem>> -> memref<1x128xi32, #tpu.memory_space<vmem>>
      %dma_start3A_294 = tpu.memref_squeeze %dma_start3A_293 : memref<1x128xi32, #tpu.memory_space<vmem>> -> memref<128xi32, #tpu.memory_space<vmem>>
      %dma_start3A_295 = arith.constant 0 : i32
      %dma_start3A_296 = arith.constant 0 : i32
      %dma_start3A_297 = tpu.memref_slice %arg8[%dma_start3A_295, %dma_start3A_296] : memref<50000x16xf32, #tpu.memory_space<vmem_shared>> -> memref<50000x16xf32, #tpu.memory_space<vmem_shared>>
      tpu.enqueue_indirect_dma source(%dma_start3A_291 : memref<128x16xf32, #tpu.memory_space<vmem>>) target(%dma_start3A_297 : memref<50000x16xf32, #tpu.memory_space<vmem_shared>>) offsets(%dma_start3A_294 : memref<128xi32, #tpu.memory_space<vmem>>) semaphore(%arg9 : memref<!tpu.dma_semaphore, #tpu.memory_space<semaphore_mem>>) {add = true}
      %dma_start3A_298 = arith.constant 20 : i32
      %dma_start3A_299 = arith.constant 20 : i32
      %dma_start3A_300 = arith.constant 0 : i32
      %dma_start3A_301 = arith.constant 0 : i32
      %dma_start3A_302 = tpu.memref_slice %arg7[%dma_start3A_298, %dma_start3A_300, %dma_start3A_301] : memref<24x128x16xf32, #tpu.memory_space<vmem>> -> memref<1x128x16xf32, #tpu.memory_space<vmem>>
      %dma_start3A_303 = tpu.memref_squeeze %dma_start3A_302 : memref<1x128x16xf32, #tpu.memory_space<vmem>> -> memref<128x16xf32, #tpu.memory_space<vmem>>
      %dma_start3A_304 = arith.constant 0 : i32
      %dma_start3A_305 = tpu.memref_slice %arg6[%dma_start3A_299, %dma_start3A_304] : memref<24x128xi32, #tpu.memory_space<vmem>> -> memref<1x128xi32, #tpu.memory_space<vmem>>
      %dma_start3A_306 = tpu.memref_squeeze %dma_start3A_305 : memref<1x128xi32, #tpu.memory_space<vmem>> -> memref<128xi32, #tpu.memory_space<vmem>>
      %dma_start3A_307 = arith.constant 0 : i32
      %dma_start3A_308 = arith.constant 0 : i32
      %dma_start3A_309 = tpu.memref_slice %arg8[%dma_start3A_307, %dma_start3A_308] : memref<50000x16xf32, #tpu.memory_space<vmem_shared>> -> memref<50000x16xf32, #tpu.memory_space<vmem_shared>>
      tpu.enqueue_indirect_dma source(%dma_start3A_303 : memref<128x16xf32, #tpu.memory_space<vmem>>) target(%dma_start3A_309 : memref<50000x16xf32, #tpu.memory_space<vmem_shared>>) offsets(%dma_start3A_306 : memref<128xi32, #tpu.memory_space<vmem>>) semaphore(%arg9 : memref<!tpu.dma_semaphore, #tpu.memory_space<semaphore_mem>>) {add = true}
      %dma_start3A_310 = arith.constant 21 : i32
      %dma_start3A_311 = arith.constant 21 : i32
      %dma_start3A_312 = arith.constant 0 : i32
      %dma_start3A_313 = arith.constant 0 : i32
      %dma_start3A_314 = tpu.memref_slice %arg7[%dma_start3A_310, %dma_start3A_312, %dma_start3A_313] : memref<24x128x16xf32, #tpu.memory_space<vmem>> -> memref<1x128x16xf32, #tpu.memory_space<vmem>>
      %dma_start3A_315 = tpu.memref_squeeze %dma_start3A_314 : memref<1x128x16xf32, #tpu.memory_space<vmem>> -> memref<128x16xf32, #tpu.memory_space<vmem>>
      %dma_start3A_316 = arith.constant 0 : i32
      %dma_start3A_317 = tpu.memref_slice %arg6[%dma_start3A_311, %dma_start3A_316] : memref<24x128xi32, #tpu.memory_space<vmem>> -> memref<1x128xi32, #tpu.memory_space<vmem>>
      %dma_start3A_318 = tpu.memref_squeeze %dma_start3A_317 : memref<1x128xi32, #tpu.memory_space<vmem>> -> memref<128xi32, #tpu.memory_space<vmem>>
      %dma_start3A_319 = arith.constant 0 : i32
      %dma_start3A_320 = arith.constant 0 : i32
      %dma_start3A_321 = tpu.memref_slice %arg8[%dma_start3A_319, %dma_start3A_320] : memref<50000x16xf32, #tpu.memory_space<vmem_shared>> -> memref<50000x16xf32, #tpu.memory_space<vmem_shared>>
      tpu.enqueue_indirect_dma source(%dma_start3A_315 : memref<128x16xf32, #tpu.memory_space<vmem>>) target(%dma_start3A_321 : memref<50000x16xf32, #tpu.memory_space<vmem_shared>>) offsets(%dma_start3A_318 : memref<128xi32, #tpu.memory_space<vmem>>) semaphore(%arg9 : memref<!tpu.dma_semaphore, #tpu.memory_space<semaphore_mem>>) {add = true}
      %dma_start3A_322 = arith.constant 22 : i32
      %dma_start3A_323 = arith.constant 22 : i32
      %dma_start3A_324 = arith.constant 0 : i32
      %dma_start3A_325 = arith.constant 0 : i32
      %dma_start3A_326 = tpu.memref_slice %arg7[%dma_start3A_322, %dma_start3A_324, %dma_start3A_325] : memref<24x128x16xf32, #tpu.memory_space<vmem>> -> memref<1x128x16xf32, #tpu.memory_space<vmem>>
      %dma_start3A_327 = tpu.memref_squeeze %dma_start3A_326 : memref<1x128x16xf32, #tpu.memory_space<vmem>> -> memref<128x16xf32, #tpu.memory_space<vmem>>
      %dma_start3A_328 = arith.constant 0 : i32
      %dma_start3A_329 = tpu.memref_slice %arg6[%dma_start3A_323, %dma_start3A_328] : memref<24x128xi32, #tpu.memory_space<vmem>> -> memref<1x128xi32, #tpu.memory_space<vmem>>
      %dma_start3A_330 = tpu.memref_squeeze %dma_start3A_329 : memref<1x128xi32, #tpu.memory_space<vmem>> -> memref<128xi32, #tpu.memory_space<vmem>>
      %dma_start3A_331 = arith.constant 0 : i32
      %dma_start3A_332 = arith.constant 0 : i32
      %dma_start3A_333 = tpu.memref_slice %arg8[%dma_start3A_331, %dma_start3A_332] : memref<50000x16xf32, #tpu.memory_space<vmem_shared>> -> memref<50000x16xf32, #tpu.memory_space<vmem_shared>>
      tpu.enqueue_indirect_dma source(%dma_start3A_327 : memref<128x16xf32, #tpu.memory_space<vmem>>) target(%dma_start3A_333 : memref<50000x16xf32, #tpu.memory_space<vmem_shared>>) offsets(%dma_start3A_330 : memref<128xi32, #tpu.memory_space<vmem>>) semaphore(%arg9 : memref<!tpu.dma_semaphore, #tpu.memory_space<semaphore_mem>>) {add = true}
      %dma_start3A_334 = arith.constant 23 : i32
      %dma_start3A_335 = arith.constant 23 : i32
      %dma_start3A_336 = arith.constant 0 : i32
      %dma_start3A_337 = arith.constant 0 : i32
      %dma_start3A_338 = tpu.memref_slice %arg7[%dma_start3A_334, %dma_start3A_336, %dma_start3A_337] : memref<24x128x16xf32, #tpu.memory_space<vmem>> -> memref<1x128x16xf32, #tpu.memory_space<vmem>>
      %dma_start3A_339 = tpu.memref_squeeze %dma_start3A_338 : memref<1x128x16xf32, #tpu.memory_space<vmem>> -> memref<128x16xf32, #tpu.memory_space<vmem>>
      %dma_start3A_340 = arith.constant 0 : i32
      %dma_start3A_341 = tpu.memref_slice %arg6[%dma_start3A_335, %dma_start3A_340] : memref<24x128xi32, #tpu.memory_space<vmem>> -> memref<1x128xi32, #tpu.memory_space<vmem>>
      %dma_start3A_342 = tpu.memref_squeeze %dma_start3A_341 : memref<1x128xi32, #tpu.memory_space<vmem>> -> memref<128xi32, #tpu.memory_space<vmem>>
      %dma_start3A_343 = arith.constant 0 : i32
      %dma_start3A_344 = arith.constant 0 : i32
      %dma_start3A_345 = tpu.memref_slice %arg8[%dma_start3A_343, %dma_start3A_344] : memref<50000x16xf32, #tpu.memory_space<vmem_shared>> -> memref<50000x16xf32, #tpu.memory_space<vmem_shared>>
      tpu.enqueue_indirect_dma source(%dma_start3A_339 : memref<128x16xf32, #tpu.memory_space<vmem>>) target(%dma_start3A_345 : memref<50000x16xf32, #tpu.memory_space<vmem_shared>>) offsets(%dma_start3A_342 : memref<128xi32, #tpu.memory_space<vmem>>) semaphore(%arg9 : memref<!tpu.dma_semaphore, #tpu.memory_space<semaphore_mem>>) {add = true}
      %dma_wait3A = arith.constant 0 : i32
      %dma_wait3A_346 = arith.constant 0 : i32
      %dma_wait3A_347 = arith.constant 0 : i32
      %dma_wait3A_348 = arith.constant 0 : i32
      %dma_wait3A_349 = tpu.memref_slice %arg7[%dma_wait3A, %dma_wait3A_347, %dma_wait3A_348] : memref<24x128x16xf32, #tpu.memory_space<vmem>> -> memref<1x128x16xf32, #tpu.memory_space<vmem>>
      %dma_wait3A_350 = tpu.memref_squeeze %dma_wait3A_349 : memref<1x128x16xf32, #tpu.memory_space<vmem>> -> memref<128x16xf32, #tpu.memory_space<vmem>>
      %dma_wait3A_351 = arith.constant 0 : i32
      %dma_wait3A_352 = tpu.memref_slice %arg6[%dma_wait3A_346, %dma_wait3A_351] : memref<24x128xi32, #tpu.memory_space<vmem>> -> memref<1x128xi32, #tpu.memory_space<vmem>>
      %dma_wait3A_353 = tpu.memref_squeeze %dma_wait3A_352 : memref<1x128xi32, #tpu.memory_space<vmem>> -> memref<128xi32, #tpu.memory_space<vmem>>
      %dma_wait3A_354 = arith.constant 0 : i32
      %dma_wait3A_355 = arith.constant 0 : i32
      %dma_wait3A_356 = tpu.memref_slice %arg8[%dma_wait3A_354, %dma_wait3A_355] : memref<50000x16xf32, #tpu.memory_space<vmem_shared>> -> memref<50000x16xf32, #tpu.memory_space<vmem_shared>>
      tpu.wait_indirect_dma semaphore(%arg9 : memref<!tpu.dma_semaphore, #tpu.memory_space<semaphore_mem>>) src(%dma_wait3A_350 : memref<128x16xf32, #tpu.memory_space<vmem>>) dst(%dma_wait3A_356 : memref<50000x16xf32, #tpu.memory_space<vmem_shared>>)
      %dma_wait3A_357 = arith.constant 1 : i32
      %dma_wait3A_358 = arith.constant 1 : i32
      %dma_wait3A_359 = arith.constant 0 : i32
      %dma_wait3A_360 = arith.constant 0 : i32
      %dma_wait3A_361 = tpu.memref_slice %arg7[%dma_wait3A_357, %dma_wait3A_359, %dma_wait3A_360] : memref<24x128x16xf32, #tpu.memory_space<vmem>> -> memref<1x128x16xf32, #tpu.memory_space<vmem>>
      %dma_wait3A_362 = tpu.memref_squeeze %dma_wait3A_361 : memref<1x128x16xf32, #tpu.memory_space<vmem>> -> memref<128x16xf32, #tpu.memory_space<vmem>>
      %dma_wait3A_363 = arith.constant 0 : i32
      %dma_wait3A_364 = tpu.memref_slice %arg6[%dma_wait3A_358, %dma_wait3A_363] : memref<24x128xi32, #tpu.memory_space<vmem>> -> memref<1x128xi32, #tpu.memory_space<vmem>>
      %dma_wait3A_365 = tpu.memref_squeeze %dma_wait3A_364 : memref<1x128xi32, #tpu.memory_space<vmem>> -> memref<128xi32, #tpu.memory_space<vmem>>
      %dma_wait3A_366 = arith.constant 0 : i32
      %dma_wait3A_367 = arith.constant 0 : i32
      %dma_wait3A_368 = tpu.memref_slice %arg8[%dma_wait3A_366, %dma_wait3A_367] : memref<50000x16xf32, #tpu.memory_space<vmem_shared>> -> memref<50000x16xf32, #tpu.memory_space<vmem_shared>>
      tpu.wait_indirect_dma semaphore(%arg9 : memref<!tpu.dma_semaphore, #tpu.memory_space<semaphore_mem>>) src(%dma_wait3A_362 : memref<128x16xf32, #tpu.memory_space<vmem>>) dst(%dma_wait3A_368 : memref<50000x16xf32, #tpu.memory_space<vmem_shared>>)
      %dma_wait3A_369 = arith.constant 2 : i32
      %dma_wait3A_370 = arith.constant 2 : i32
      %dma_wait3A_371 = arith.constant 0 : i32
      %dma_wait3A_372 = arith.constant 0 : i32
      %dma_wait3A_373 = tpu.memref_slice %arg7[%dma_wait3A_369, %dma_wait3A_371, %dma_wait3A_372] : memref<24x128x16xf32, #tpu.memory_space<vmem>> -> memref<1x128x16xf32, #tpu.memory_space<vmem>>
      %dma_wait3A_374 = tpu.memref_squeeze %dma_wait3A_373 : memref<1x128x16xf32, #tpu.memory_space<vmem>> -> memref<128x16xf32, #tpu.memory_space<vmem>>
      %dma_wait3A_375 = arith.constant 0 : i32
      %dma_wait3A_376 = tpu.memref_slice %arg6[%dma_wait3A_370, %dma_wait3A_375] : memref<24x128xi32, #tpu.memory_space<vmem>> -> memref<1x128xi32, #tpu.memory_space<vmem>>
      %dma_wait3A_377 = tpu.memref_squeeze %dma_wait3A_376 : memref<1x128xi32, #tpu.memory_space<vmem>> -> memref<128xi32, #tpu.memory_space<vmem>>
      %dma_wait3A_378 = arith.constant 0 : i32
      %dma_wait3A_379 = arith.constant 0 : i32
      %dma_wait3A_380 = tpu.memref_slice %arg8[%dma_wait3A_378, %dma_wait3A_379] : memref<50000x16xf32, #tpu.memory_space<vmem_shared>> -> memref<50000x16xf32, #tpu.memory_space<vmem_shared>>
      tpu.wait_indirect_dma semaphore(%arg9 : memref<!tpu.dma_semaphore, #tpu.memory_space<semaphore_mem>>) src(%dma_wait3A_374 : memref<128x16xf32, #tpu.memory_space<vmem>>) dst(%dma_wait3A_380 : memref<50000x16xf32, #tpu.memory_space<vmem_shared>>)
      %dma_wait3A_381 = arith.constant 3 : i32
      %dma_wait3A_382 = arith.constant 3 : i32
      %dma_wait3A_383 = arith.constant 0 : i32
      %dma_wait3A_384 = arith.constant 0 : i32
      %dma_wait3A_385 = tpu.memref_slice %arg7[%dma_wait3A_381, %dma_wait3A_383, %dma_wait3A_384] : memref<24x128x16xf32, #tpu.memory_space<vmem>> -> memref<1x128x16xf32, #tpu.memory_space<vmem>>
      %dma_wait3A_386 = tpu.memref_squeeze %dma_wait3A_385 : memref<1x128x16xf32, #tpu.memory_space<vmem>> -> memref<128x16xf32, #tpu.memory_space<vmem>>
      %dma_wait3A_387 = arith.constant 0 : i32
      %dma_wait3A_388 = tpu.memref_slice %arg6[%dma_wait3A_382, %dma_wait3A_387] : memref<24x128xi32, #tpu.memory_space<vmem>> -> memref<1x128xi32, #tpu.memory_space<vmem>>
      %dma_wait3A_389 = tpu.memref_squeeze %dma_wait3A_388 : memref<1x128xi32, #tpu.memory_space<vmem>> -> memref<128xi32, #tpu.memory_space<vmem>>
      %dma_wait3A_390 = arith.constant 0 : i32
      %dma_wait3A_391 = arith.constant 0 : i32
      %dma_wait3A_392 = tpu.memref_slice %arg8[%dma_wait3A_390, %dma_wait3A_391] : memref<50000x16xf32, #tpu.memory_space<vmem_shared>> -> memref<50000x16xf32, #tpu.memory_space<vmem_shared>>
      tpu.wait_indirect_dma semaphore(%arg9 : memref<!tpu.dma_semaphore, #tpu.memory_space<semaphore_mem>>) src(%dma_wait3A_386 : memref<128x16xf32, #tpu.memory_space<vmem>>) dst(%dma_wait3A_392 : memref<50000x16xf32, #tpu.memory_space<vmem_shared>>)
      %dma_wait3A_393 = arith.constant 4 : i32
      %dma_wait3A_394 = arith.constant 4 : i32
      %dma_wait3A_395 = arith.constant 0 : i32
      %dma_wait3A_396 = arith.constant 0 : i32
      %dma_wait3A_397 = tpu.memref_slice %arg7[%dma_wait3A_393, %dma_wait3A_395, %dma_wait3A_396] : memref<24x128x16xf32, #tpu.memory_space<vmem>> -> memref<1x128x16xf32, #tpu.memory_space<vmem>>
      %dma_wait3A_398 = tpu.memref_squeeze %dma_wait3A_397 : memref<1x128x16xf32, #tpu.memory_space<vmem>> -> memref<128x16xf32, #tpu.memory_space<vmem>>
      %dma_wait3A_399 = arith.constant 0 : i32
      %dma_wait3A_400 = tpu.memref_slice %arg6[%dma_wait3A_394, %dma_wait3A_399] : memref<24x128xi32, #tpu.memory_space<vmem>> -> memref<1x128xi32, #tpu.memory_space<vmem>>
      %dma_wait3A_401 = tpu.memref_squeeze %dma_wait3A_400 : memref<1x128xi32, #tpu.memory_space<vmem>> -> memref<128xi32, #tpu.memory_space<vmem>>
      %dma_wait3A_402 = arith.constant 0 : i32
      %dma_wait3A_403 = arith.constant 0 : i32
      %dma_wait3A_404 = tpu.memref_slice %arg8[%dma_wait3A_402, %dma_wait3A_403] : memref<50000x16xf32, #tpu.memory_space<vmem_shared>> -> memref<50000x16xf32, #tpu.memory_space<vmem_shared>>
      tpu.wait_indirect_dma semaphore(%arg9 : memref<!tpu.dma_semaphore, #tpu.memory_space<semaphore_mem>>) src(%dma_wait3A_398 : memref<128x16xf32, #tpu.memory_space<vmem>>) dst(%dma_wait3A_404 : memref<50000x16xf32, #tpu.memory_space<vmem_shared>>)
      %dma_wait3A_405 = arith.constant 5 : i32
      %dma_wait3A_406 = arith.constant 5 : i32
      %dma_wait3A_407 = arith.constant 0 : i32
      %dma_wait3A_408 = arith.constant 0 : i32
      %dma_wait3A_409 = tpu.memref_slice %arg7[%dma_wait3A_405, %dma_wait3A_407, %dma_wait3A_408] : memref<24x128x16xf32, #tpu.memory_space<vmem>> -> memref<1x128x16xf32, #tpu.memory_space<vmem>>
      %dma_wait3A_410 = tpu.memref_squeeze %dma_wait3A_409 : memref<1x128x16xf32, #tpu.memory_space<vmem>> -> memref<128x16xf32, #tpu.memory_space<vmem>>
      %dma_wait3A_411 = arith.constant 0 : i32
      %dma_wait3A_412 = tpu.memref_slice %arg6[%dma_wait3A_406, %dma_wait3A_411] : memref<24x128xi32, #tpu.memory_space<vmem>> -> memref<1x128xi32, #tpu.memory_space<vmem>>
      %dma_wait3A_413 = tpu.memref_squeeze %dma_wait3A_412 : memref<1x128xi32, #tpu.memory_space<vmem>> -> memref<128xi32, #tpu.memory_space<vmem>>
      %dma_wait3A_414 = arith.constant 0 : i32
      %dma_wait3A_415 = arith.constant 0 : i32
      %dma_wait3A_416 = tpu.memref_slice %arg8[%dma_wait3A_414, %dma_wait3A_415] : memref<50000x16xf32, #tpu.memory_space<vmem_shared>> -> memref<50000x16xf32, #tpu.memory_space<vmem_shared>>
      tpu.wait_indirect_dma semaphore(%arg9 : memref<!tpu.dma_semaphore, #tpu.memory_space<semaphore_mem>>) src(%dma_wait3A_410 : memref<128x16xf32, #tpu.memory_space<vmem>>) dst(%dma_wait3A_416 : memref<50000x16xf32, #tpu.memory_space<vmem_shared>>)
      %dma_wait3A_417 = arith.constant 6 : i32
      %dma_wait3A_418 = arith.constant 6 : i32
      %dma_wait3A_419 = arith.constant 0 : i32
      %dma_wait3A_420 = arith.constant 0 : i32
      %dma_wait3A_421 = tpu.memref_slice %arg7[%dma_wait3A_417, %dma_wait3A_419, %dma_wait3A_420] : memref<24x128x16xf32, #tpu.memory_space<vmem>> -> memref<1x128x16xf32, #tpu.memory_space<vmem>>
      %dma_wait3A_422 = tpu.memref_squeeze %dma_wait3A_421 : memref<1x128x16xf32, #tpu.memory_space<vmem>> -> memref<128x16xf32, #tpu.memory_space<vmem>>
      %dma_wait3A_423 = arith.constant 0 : i32
      %dma_wait3A_424 = tpu.memref_slice %arg6[%dma_wait3A_418, %dma_wait3A_423] : memref<24x128xi32, #tpu.memory_space<vmem>> -> memref<1x128xi32, #tpu.memory_space<vmem>>
      %dma_wait3A_425 = tpu.memref_squeeze %dma_wait3A_424 : memref<1x128xi32, #tpu.memory_space<vmem>> -> memref<128xi32, #tpu.memory_space<vmem>>
      %dma_wait3A_426 = arith.constant 0 : i32
      %dma_wait3A_427 = arith.constant 0 : i32
      %dma_wait3A_428 = tpu.memref_slice %arg8[%dma_wait3A_426, %dma_wait3A_427] : memref<50000x16xf32, #tpu.memory_space<vmem_shared>> -> memref<50000x16xf32, #tpu.memory_space<vmem_shared>>
      tpu.wait_indirect_dma semaphore(%arg9 : memref<!tpu.dma_semaphore, #tpu.memory_space<semaphore_mem>>) src(%dma_wait3A_422 : memref<128x16xf32, #tpu.memory_space<vmem>>) dst(%dma_wait3A_428 : memref<50000x16xf32, #tpu.memory_space<vmem_shared>>)
      %dma_wait3A_429 = arith.constant 7 : i32
      %dma_wait3A_430 = arith.constant 7 : i32
      %dma_wait3A_431 = arith.constant 0 : i32
      %dma_wait3A_432 = arith.constant 0 : i32
      %dma_wait3A_433 = tpu.memref_slice %arg7[%dma_wait3A_429, %dma_wait3A_431, %dma_wait3A_432] : memref<24x128x16xf32, #tpu.memory_space<vmem>> -> memref<1x128x16xf32, #tpu.memory_space<vmem>>
      %dma_wait3A_434 = tpu.memref_squeeze %dma_wait3A_433 : memref<1x128x16xf32, #tpu.memory_space<vmem>> -> memref<128x16xf32, #tpu.memory_space<vmem>>
      %dma_wait3A_435 = arith.constant 0 : i32
      %dma_wait3A_436 = tpu.memref_slice %arg6[%dma_wait3A_430, %dma_wait3A_435] : memref<24x128xi32, #tpu.memory_space<vmem>> -> memref<1x128xi32, #tpu.memory_space<vmem>>
      %dma_wait3A_437 = tpu.memref_squeeze %dma_wait3A_436 : memref<1x128xi32, #tpu.memory_space<vmem>> -> memref<128xi32, #tpu.memory_space<vmem>>
      %dma_wait3A_438 = arith.constant 0 : i32
      %dma_wait3A_439 = arith.constant 0 : i32
      %dma_wait3A_440 = tpu.memref_slice %arg8[%dma_wait3A_438, %dma_wait3A_439] : memref<50000x16xf32, #tpu.memory_space<vmem_shared>> -> memref<50000x16xf32, #tpu.memory_space<vmem_shared>>
      tpu.wait_indirect_dma semaphore(%arg9 : memref<!tpu.dma_semaphore, #tpu.memory_space<semaphore_mem>>) src(%dma_wait3A_434 : memref<128x16xf32, #tpu.memory_space<vmem>>) dst(%dma_wait3A_440 : memref<50000x16xf32, #tpu.memory_space<vmem_shared>>)
      %dma_wait3A_441 = arith.constant 8 : i32
      %dma_wait3A_442 = arith.constant 8 : i32
      %dma_wait3A_443 = arith.constant 0 : i32
      %dma_wait3A_444 = arith.constant 0 : i32
      %dma_wait3A_445 = tpu.memref_slice %arg7[%dma_wait3A_441, %dma_wait3A_443, %dma_wait3A_444] : memref<24x128x16xf32, #tpu.memory_space<vmem>> -> memref<1x128x16xf32, #tpu.memory_space<vmem>>
      %dma_wait3A_446 = tpu.memref_squeeze %dma_wait3A_445 : memref<1x128x16xf32, #tpu.memory_space<vmem>> -> memref<128x16xf32, #tpu.memory_space<vmem>>
      %dma_wait3A_447 = arith.constant 0 : i32
      %dma_wait3A_448 = tpu.memref_slice %arg6[%dma_wait3A_442, %dma_wait3A_447] : memref<24x128xi32, #tpu.memory_space<vmem>> -> memref<1x128xi32, #tpu.memory_space<vmem>>
      %dma_wait3A_449 = tpu.memref_squeeze %dma_wait3A_448 : memref<1x128xi32, #tpu.memory_space<vmem>> -> memref<128xi32, #tpu.memory_space<vmem>>
      %dma_wait3A_450 = arith.constant 0 : i32
      %dma_wait3A_451 = arith.constant 0 : i32
      %dma_wait3A_452 = tpu.memref_slice %arg8[%dma_wait3A_450, %dma_wait3A_451] : memref<50000x16xf32, #tpu.memory_space<vmem_shared>> -> memref<50000x16xf32, #tpu.memory_space<vmem_shared>>
      tpu.wait_indirect_dma semaphore(%arg9 : memref<!tpu.dma_semaphore, #tpu.memory_space<semaphore_mem>>) src(%dma_wait3A_446 : memref<128x16xf32, #tpu.memory_space<vmem>>) dst(%dma_wait3A_452 : memref<50000x16xf32, #tpu.memory_space<vmem_shared>>)
      %dma_wait3A_453 = arith.constant 9 : i32
      %dma_wait3A_454 = arith.constant 9 : i32
      %dma_wait3A_455 = arith.constant 0 : i32
      %dma_wait3A_456 = arith.constant 0 : i32
      %dma_wait3A_457 = tpu.memref_slice %arg7[%dma_wait3A_453, %dma_wait3A_455, %dma_wait3A_456] : memref<24x128x16xf32, #tpu.memory_space<vmem>> -> memref<1x128x16xf32, #tpu.memory_space<vmem>>
      %dma_wait3A_458 = tpu.memref_squeeze %dma_wait3A_457 : memref<1x128x16xf32, #tpu.memory_space<vmem>> -> memref<128x16xf32, #tpu.memory_space<vmem>>
      %dma_wait3A_459 = arith.constant 0 : i32
      %dma_wait3A_460 = tpu.memref_slice %arg6[%dma_wait3A_454, %dma_wait3A_459] : memref<24x128xi32, #tpu.memory_space<vmem>> -> memref<1x128xi32, #tpu.memory_space<vmem>>
      %dma_wait3A_461 = tpu.memref_squeeze %dma_wait3A_460 : memref<1x128xi32, #tpu.memory_space<vmem>> -> memref<128xi32, #tpu.memory_space<vmem>>
      %dma_wait3A_462 = arith.constant 0 : i32
      %dma_wait3A_463 = arith.constant 0 : i32
      %dma_wait3A_464 = tpu.memref_slice %arg8[%dma_wait3A_462, %dma_wait3A_463] : memref<50000x16xf32, #tpu.memory_space<vmem_shared>> -> memref<50000x16xf32, #tpu.memory_space<vmem_shared>>
      tpu.wait_indirect_dma semaphore(%arg9 : memref<!tpu.dma_semaphore, #tpu.memory_space<semaphore_mem>>) src(%dma_wait3A_458 : memref<128x16xf32, #tpu.memory_space<vmem>>) dst(%dma_wait3A_464 : memref<50000x16xf32, #tpu.memory_space<vmem_shared>>)
      %dma_wait3A_465 = arith.constant 10 : i32
      %dma_wait3A_466 = arith.constant 10 : i32
      %dma_wait3A_467 = arith.constant 0 : i32
      %dma_wait3A_468 = arith.constant 0 : i32
      %dma_wait3A_469 = tpu.memref_slice %arg7[%dma_wait3A_465, %dma_wait3A_467, %dma_wait3A_468] : memref<24x128x16xf32, #tpu.memory_space<vmem>> -> memref<1x128x16xf32, #tpu.memory_space<vmem>>
      %dma_wait3A_470 = tpu.memref_squeeze %dma_wait3A_469 : memref<1x128x16xf32, #tpu.memory_space<vmem>> -> memref<128x16xf32, #tpu.memory_space<vmem>>
      %dma_wait3A_471 = arith.constant 0 : i32
      %dma_wait3A_472 = tpu.memref_slice %arg6[%dma_wait3A_466, %dma_wait3A_471] : memref<24x128xi32, #tpu.memory_space<vmem>> -> memref<1x128xi32, #tpu.memory_space<vmem>>
      %dma_wait3A_473 = tpu.memref_squeeze %dma_wait3A_472 : memref<1x128xi32, #tpu.memory_space<vmem>> -> memref<128xi32, #tpu.memory_space<vmem>>
      %dma_wait3A_474 = arith.constant 0 : i32
      %dma_wait3A_475 = arith.constant 0 : i32
      %dma_wait3A_476 = tpu.memref_slice %arg8[%dma_wait3A_474, %dma_wait3A_475] : memref<50000x16xf32, #tpu.memory_space<vmem_shared>> -> memref<50000x16xf32, #tpu.memory_space<vmem_shared>>
      tpu.wait_indirect_dma semaphore(%arg9 : memref<!tpu.dma_semaphore, #tpu.memory_space<semaphore_mem>>) src(%dma_wait3A_470 : memref<128x16xf32, #tpu.memory_space<vmem>>) dst(%dma_wait3A_476 : memref<50000x16xf32, #tpu.memory_space<vmem_shared>>)
      %dma_wait3A_477 = arith.constant 11 : i32
      %dma_wait3A_478 = arith.constant 11 : i32
      %dma_wait3A_479 = arith.constant 0 : i32
      %dma_wait3A_480 = arith.constant 0 : i32
      %dma_wait3A_481 = tpu.memref_slice %arg7[%dma_wait3A_477, %dma_wait3A_479, %dma_wait3A_480] : memref<24x128x16xf32, #tpu.memory_space<vmem>> -> memref<1x128x16xf32, #tpu.memory_space<vmem>>
      %dma_wait3A_482 = tpu.memref_squeeze %dma_wait3A_481 : memref<1x128x16xf32, #tpu.memory_space<vmem>> -> memref<128x16xf32, #tpu.memory_space<vmem>>
      %dma_wait3A_483 = arith.constant 0 : i32
      %dma_wait3A_484 = tpu.memref_slice %arg6[%dma_wait3A_478, %dma_wait3A_483] : memref<24x128xi32, #tpu.memory_space<vmem>> -> memref<1x128xi32, #tpu.memory_space<vmem>>
      %dma_wait3A_485 = tpu.memref_squeeze %dma_wait3A_484 : memref<1x128xi32, #tpu.memory_space<vmem>> -> memref<128xi32, #tpu.memory_space<vmem>>
      %dma_wait3A_486 = arith.constant 0 : i32
      %dma_wait3A_487 = arith.constant 0 : i32
      %dma_wait3A_488 = tpu.memref_slice %arg8[%dma_wait3A_486, %dma_wait3A_487] : memref<50000x16xf32, #tpu.memory_space<vmem_shared>> -> memref<50000x16xf32, #tpu.memory_space<vmem_shared>>
      tpu.wait_indirect_dma semaphore(%arg9 : memref<!tpu.dma_semaphore, #tpu.memory_space<semaphore_mem>>) src(%dma_wait3A_482 : memref<128x16xf32, #tpu.memory_space<vmem>>) dst(%dma_wait3A_488 : memref<50000x16xf32, #tpu.memory_space<vmem_shared>>)
      %dma_wait3A_489 = arith.constant 12 : i32
      %dma_wait3A_490 = arith.constant 12 : i32
      %dma_wait3A_491 = arith.constant 0 : i32
      %dma_wait3A_492 = arith.constant 0 : i32
      %dma_wait3A_493 = tpu.memref_slice %arg7[%dma_wait3A_489, %dma_wait3A_491, %dma_wait3A_492] : memref<24x128x16xf32, #tpu.memory_space<vmem>> -> memref<1x128x16xf32, #tpu.memory_space<vmem>>
      %dma_wait3A_494 = tpu.memref_squeeze %dma_wait3A_493 : memref<1x128x16xf32, #tpu.memory_space<vmem>> -> memref<128x16xf32, #tpu.memory_space<vmem>>
      %dma_wait3A_495 = arith.constant 0 : i32
      %dma_wait3A_496 = tpu.memref_slice %arg6[%dma_wait3A_490, %dma_wait3A_495] : memref<24x128xi32, #tpu.memory_space<vmem>> -> memref<1x128xi32, #tpu.memory_space<vmem>>
      %dma_wait3A_497 = tpu.memref_squeeze %dma_wait3A_496 : memref<1x128xi32, #tpu.memory_space<vmem>> -> memref<128xi32, #tpu.memory_space<vmem>>
      %dma_wait3A_498 = arith.constant 0 : i32
      %dma_wait3A_499 = arith.constant 0 : i32
      %dma_wait3A_500 = tpu.memref_slice %arg8[%dma_wait3A_498, %dma_wait3A_499] : memref<50000x16xf32, #tpu.memory_space<vmem_shared>> -> memref<50000x16xf32, #tpu.memory_space<vmem_shared>>
      tpu.wait_indirect_dma semaphore(%arg9 : memref<!tpu.dma_semaphore, #tpu.memory_space<semaphore_mem>>) src(%dma_wait3A_494 : memref<128x16xf32, #tpu.memory_space<vmem>>) dst(%dma_wait3A_500 : memref<50000x16xf32, #tpu.memory_space<vmem_shared>>)
      %dma_wait3A_501 = arith.constant 13 : i32
      %dma_wait3A_502 = arith.constant 13 : i32
      %dma_wait3A_503 = arith.constant 0 : i32
      %dma_wait3A_504 = arith.constant 0 : i32
      %dma_wait3A_505 = tpu.memref_slice %arg7[%dma_wait3A_501, %dma_wait3A_503, %dma_wait3A_504] : memref<24x128x16xf32, #tpu.memory_space<vmem>> -> memref<1x128x16xf32, #tpu.memory_space<vmem>>
      %dma_wait3A_506 = tpu.memref_squeeze %dma_wait3A_505 : memref<1x128x16xf32, #tpu.memory_space<vmem>> -> memref<128x16xf32, #tpu.memory_space<vmem>>
      %dma_wait3A_507 = arith.constant 0 : i32
      %dma_wait3A_508 = tpu.memref_slice %arg6[%dma_wait3A_502, %dma_wait3A_507] : memref<24x128xi32, #tpu.memory_space<vmem>> -> memref<1x128xi32, #tpu.memory_space<vmem>>
      %dma_wait3A_509 = tpu.memref_squeeze %dma_wait3A_508 : memref<1x128xi32, #tpu.memory_space<vmem>> -> memref<128xi32, #tpu.memory_space<vmem>>
      %dma_wait3A_510 = arith.constant 0 : i32
      %dma_wait3A_511 = arith.constant 0 : i32
      %dma_wait3A_512 = tpu.memref_slice %arg8[%dma_wait3A_510, %dma_wait3A_511] : memref<50000x16xf32, #tpu.memory_space<vmem_shared>> -> memref<50000x16xf32, #tpu.memory_space<vmem_shared>>
      tpu.wait_indirect_dma semaphore(%arg9 : memref<!tpu.dma_semaphore, #tpu.memory_space<semaphore_mem>>) src(%dma_wait3A_506 : memref<128x16xf32, #tpu.memory_space<vmem>>) dst(%dma_wait3A_512 : memref<50000x16xf32, #tpu.memory_space<vmem_shared>>)
      %dma_wait3A_513 = arith.constant 14 : i32
      %dma_wait3A_514 = arith.constant 14 : i32
      %dma_wait3A_515 = arith.constant 0 : i32
      %dma_wait3A_516 = arith.constant 0 : i32
      %dma_wait3A_517 = tpu.memref_slice %arg7[%dma_wait3A_513, %dma_wait3A_515, %dma_wait3A_516] : memref<24x128x16xf32, #tpu.memory_space<vmem>> -> memref<1x128x16xf32, #tpu.memory_space<vmem>>
      %dma_wait3A_518 = tpu.memref_squeeze %dma_wait3A_517 : memref<1x128x16xf32, #tpu.memory_space<vmem>> -> memref<128x16xf32, #tpu.memory_space<vmem>>
      %dma_wait3A_519 = arith.constant 0 : i32
      %dma_wait3A_520 = tpu.memref_slice %arg6[%dma_wait3A_514, %dma_wait3A_519] : memref<24x128xi32, #tpu.memory_space<vmem>> -> memref<1x128xi32, #tpu.memory_space<vmem>>
      %dma_wait3A_521 = tpu.memref_squeeze %dma_wait3A_520 : memref<1x128xi32, #tpu.memory_space<vmem>> -> memref<128xi32, #tpu.memory_space<vmem>>
      %dma_wait3A_522 = arith.constant 0 : i32
      %dma_wait3A_523 = arith.constant 0 : i32
      %dma_wait3A_524 = tpu.memref_slice %arg8[%dma_wait3A_522, %dma_wait3A_523] : memref<50000x16xf32, #tpu.memory_space<vmem_shared>> -> memref<50000x16xf32, #tpu.memory_space<vmem_shared>>
      tpu.wait_indirect_dma semaphore(%arg9 : memref<!tpu.dma_semaphore, #tpu.memory_space<semaphore_mem>>) src(%dma_wait3A_518 : memref<128x16xf32, #tpu.memory_space<vmem>>) dst(%dma_wait3A_524 : memref<50000x16xf32, #tpu.memory_space<vmem_shared>>)
      %dma_wait3A_525 = arith.constant 15 : i32
      %dma_wait3A_526 = arith.constant 15 : i32
      %dma_wait3A_527 = arith.constant 0 : i32
      %dma_wait3A_528 = arith.constant 0 : i32
      %dma_wait3A_529 = tpu.memref_slice %arg7[%dma_wait3A_525, %dma_wait3A_527, %dma_wait3A_528] : memref<24x128x16xf32, #tpu.memory_space<vmem>> -> memref<1x128x16xf32, #tpu.memory_space<vmem>>
      %dma_wait3A_530 = tpu.memref_squeeze %dma_wait3A_529 : memref<1x128x16xf32, #tpu.memory_space<vmem>> -> memref<128x16xf32, #tpu.memory_space<vmem>>
      %dma_wait3A_531 = arith.constant 0 : i32
      %dma_wait3A_532 = tpu.memref_slice %arg6[%dma_wait3A_526, %dma_wait3A_531] : memref<24x128xi32, #tpu.memory_space<vmem>> -> memref<1x128xi32, #tpu.memory_space<vmem>>
      %dma_wait3A_533 = tpu.memref_squeeze %dma_wait3A_532 : memref<1x128xi32, #tpu.memory_space<vmem>> -> memref<128xi32, #tpu.memory_space<vmem>>
      %dma_wait3A_534 = arith.constant 0 : i32
      %dma_wait3A_535 = arith.constant 0 : i32
      %dma_wait3A_536 = tpu.memref_slice %arg8[%dma_wait3A_534, %dma_wait3A_535] : memref<50000x16xf32, #tpu.memory_space<vmem_shared>> -> memref<50000x16xf32, #tpu.memory_space<vmem_shared>>
      tpu.wait_indirect_dma semaphore(%arg9 : memref<!tpu.dma_semaphore, #tpu.memory_space<semaphore_mem>>) src(%dma_wait3A_530 : memref<128x16xf32, #tpu.memory_space<vmem>>) dst(%dma_wait3A_536 : memref<50000x16xf32, #tpu.memory_space<vmem_shared>>)
      %dma_wait3A_537 = arith.constant 16 : i32
      %dma_wait3A_538 = arith.constant 16 : i32
      %dma_wait3A_539 = arith.constant 0 : i32
      %dma_wait3A_540 = arith.constant 0 : i32
      %dma_wait3A_541 = tpu.memref_slice %arg7[%dma_wait3A_537, %dma_wait3A_539, %dma_wait3A_540] : memref<24x128x16xf32, #tpu.memory_space<vmem>> -> memref<1x128x16xf32, #tpu.memory_space<vmem>>
      %dma_wait3A_542 = tpu.memref_squeeze %dma_wait3A_541 : memref<1x128x16xf32, #tpu.memory_space<vmem>> -> memref<128x16xf32, #tpu.memory_space<vmem>>
      %dma_wait3A_543 = arith.constant 0 : i32
      %dma_wait3A_544 = tpu.memref_slice %arg6[%dma_wait3A_538, %dma_wait3A_543] : memref<24x128xi32, #tpu.memory_space<vmem>> -> memref<1x128xi32, #tpu.memory_space<vmem>>
      %dma_wait3A_545 = tpu.memref_squeeze %dma_wait3A_544 : memref<1x128xi32, #tpu.memory_space<vmem>> -> memref<128xi32, #tpu.memory_space<vmem>>
      %dma_wait3A_546 = arith.constant 0 : i32
      %dma_wait3A_547 = arith.constant 0 : i32
      %dma_wait3A_548 = tpu.memref_slice %arg8[%dma_wait3A_546, %dma_wait3A_547] : memref<50000x16xf32, #tpu.memory_space<vmem_shared>> -> memref<50000x16xf32, #tpu.memory_space<vmem_shared>>
      tpu.wait_indirect_dma semaphore(%arg9 : memref<!tpu.dma_semaphore, #tpu.memory_space<semaphore_mem>>) src(%dma_wait3A_542 : memref<128x16xf32, #tpu.memory_space<vmem>>) dst(%dma_wait3A_548 : memref<50000x16xf32, #tpu.memory_space<vmem_shared>>)
      %dma_wait3A_549 = arith.constant 17 : i32
      %dma_wait3A_550 = arith.constant 17 : i32
      %dma_wait3A_551 = arith.constant 0 : i32
      %dma_wait3A_552 = arith.constant 0 : i32
      %dma_wait3A_553 = tpu.memref_slice %arg7[%dma_wait3A_549, %dma_wait3A_551, %dma_wait3A_552] : memref<24x128x16xf32, #tpu.memory_space<vmem>> -> memref<1x128x16xf32, #tpu.memory_space<vmem>>
      %dma_wait3A_554 = tpu.memref_squeeze %dma_wait3A_553 : memref<1x128x16xf32, #tpu.memory_space<vmem>> -> memref<128x16xf32, #tpu.memory_space<vmem>>
      %dma_wait3A_555 = arith.constant 0 : i32
      %dma_wait3A_556 = tpu.memref_slice %arg6[%dma_wait3A_550, %dma_wait3A_555] : memref<24x128xi32, #tpu.memory_space<vmem>> -> memref<1x128xi32, #tpu.memory_space<vmem>>
      %dma_wait3A_557 = tpu.memref_squeeze %dma_wait3A_556 : memref<1x128xi32, #tpu.memory_space<vmem>> -> memref<128xi32, #tpu.memory_space<vmem>>
      %dma_wait3A_558 = arith.constant 0 : i32
      %dma_wait3A_559 = arith.constant 0 : i32
      %dma_wait3A_560 = tpu.memref_slice %arg8[%dma_wait3A_558, %dma_wait3A_559] : memref<50000x16xf32, #tpu.memory_space<vmem_shared>> -> memref<50000x16xf32, #tpu.memory_space<vmem_shared>>
      tpu.wait_indirect_dma semaphore(%arg9 : memref<!tpu.dma_semaphore, #tpu.memory_space<semaphore_mem>>) src(%dma_wait3A_554 : memref<128x16xf32, #tpu.memory_space<vmem>>) dst(%dma_wait3A_560 : memref<50000x16xf32, #tpu.memory_space<vmem_shared>>)
      %dma_wait3A_561 = arith.constant 18 : i32
      %dma_wait3A_562 = arith.constant 18 : i32
      %dma_wait3A_563 = arith.constant 0 : i32
      %dma_wait3A_564 = arith.constant 0 : i32
      %dma_wait3A_565 = tpu.memref_slice %arg7[%dma_wait3A_561, %dma_wait3A_563, %dma_wait3A_564] : memref<24x128x16xf32, #tpu.memory_space<vmem>> -> memref<1x128x16xf32, #tpu.memory_space<vmem>>
      %dma_wait3A_566 = tpu.memref_squeeze %dma_wait3A_565 : memref<1x128x16xf32, #tpu.memory_space<vmem>> -> memref<128x16xf32, #tpu.memory_space<vmem>>
      %dma_wait3A_567 = arith.constant 0 : i32
      %dma_wait3A_568 = tpu.memref_slice %arg6[%dma_wait3A_562, %dma_wait3A_567] : memref<24x128xi32, #tpu.memory_space<vmem>> -> memref<1x128xi32, #tpu.memory_space<vmem>>
      %dma_wait3A_569 = tpu.memref_squeeze %dma_wait3A_568 : memref<1x128xi32, #tpu.memory_space<vmem>> -> memref<128xi32, #tpu.memory_space<vmem>>
      %dma_wait3A_570 = arith.constant 0 : i32
      %dma_wait3A_571 = arith.constant 0 : i32
      %dma_wait3A_572 = tpu.memref_slice %arg8[%dma_wait3A_570, %dma_wait3A_571] : memref<50000x16xf32, #tpu.memory_space<vmem_shared>> -> memref<50000x16xf32, #tpu.memory_space<vmem_shared>>
      tpu.wait_indirect_dma semaphore(%arg9 : memref<!tpu.dma_semaphore, #tpu.memory_space<semaphore_mem>>) src(%dma_wait3A_566 : memref<128x16xf32, #tpu.memory_space<vmem>>) dst(%dma_wait3A_572 : memref<50000x16xf32, #tpu.memory_space<vmem_shared>>)
      %dma_wait3A_573 = arith.constant 19 : i32
      %dma_wait3A_574 = arith.constant 19 : i32
      %dma_wait3A_575 = arith.constant 0 : i32
      %dma_wait3A_576 = arith.constant 0 : i32
      %dma_wait3A_577 = tpu.memref_slice %arg7[%dma_wait3A_573, %dma_wait3A_575, %dma_wait3A_576] : memref<24x128x16xf32, #tpu.memory_space<vmem>> -> memref<1x128x16xf32, #tpu.memory_space<vmem>>
      %dma_wait3A_578 = tpu.memref_squeeze %dma_wait3A_577 : memref<1x128x16xf32, #tpu.memory_space<vmem>> -> memref<128x16xf32, #tpu.memory_space<vmem>>
      %dma_wait3A_579 = arith.constant 0 : i32
      %dma_wait3A_580 = tpu.memref_slice %arg6[%dma_wait3A_574, %dma_wait3A_579] : memref<24x128xi32, #tpu.memory_space<vmem>> -> memref<1x128xi32, #tpu.memory_space<vmem>>
      %dma_wait3A_581 = tpu.memref_squeeze %dma_wait3A_580 : memref<1x128xi32, #tpu.memory_space<vmem>> -> memref<128xi32, #tpu.memory_space<vmem>>
      %dma_wait3A_582 = arith.constant 0 : i32
      %dma_wait3A_583 = arith.constant 0 : i32
      %dma_wait3A_584 = tpu.memref_slice %arg8[%dma_wait3A_582, %dma_wait3A_583] : memref<50000x16xf32, #tpu.memory_space<vmem_shared>> -> memref<50000x16xf32, #tpu.memory_space<vmem_shared>>
      tpu.wait_indirect_dma semaphore(%arg9 : memref<!tpu.dma_semaphore, #tpu.memory_space<semaphore_mem>>) src(%dma_wait3A_578 : memref<128x16xf32, #tpu.memory_space<vmem>>) dst(%dma_wait3A_584 : memref<50000x16xf32, #tpu.memory_space<vmem_shared>>)
      %dma_wait3A_585 = arith.constant 20 : i32
      %dma_wait3A_586 = arith.constant 20 : i32
      %dma_wait3A_587 = arith.constant 0 : i32
      %dma_wait3A_588 = arith.constant 0 : i32
      %dma_wait3A_589 = tpu.memref_slice %arg7[%dma_wait3A_585, %dma_wait3A_587, %dma_wait3A_588] : memref<24x128x16xf32, #tpu.memory_space<vmem>> -> memref<1x128x16xf32, #tpu.memory_space<vmem>>
      %dma_wait3A_590 = tpu.memref_squeeze %dma_wait3A_589 : memref<1x128x16xf32, #tpu.memory_space<vmem>> -> memref<128x16xf32, #tpu.memory_space<vmem>>
      %dma_wait3A_591 = arith.constant 0 : i32
      %dma_wait3A_592 = tpu.memref_slice %arg6[%dma_wait3A_586, %dma_wait3A_591] : memref<24x128xi32, #tpu.memory_space<vmem>> -> memref<1x128xi32, #tpu.memory_space<vmem>>
      %dma_wait3A_593 = tpu.memref_squeeze %dma_wait3A_592 : memref<1x128xi32, #tpu.memory_space<vmem>> -> memref<128xi32, #tpu.memory_space<vmem>>
      %dma_wait3A_594 = arith.constant 0 : i32
      %dma_wait3A_595 = arith.constant 0 : i32
      %dma_wait3A_596 = tpu.memref_slice %arg8[%dma_wait3A_594, %dma_wait3A_595] : memref<50000x16xf32, #tpu.memory_space<vmem_shared>> -> memref<50000x16xf32, #tpu.memory_space<vmem_shared>>
      tpu.wait_indirect_dma semaphore(%arg9 : memref<!tpu.dma_semaphore, #tpu.memory_space<semaphore_mem>>) src(%dma_wait3A_590 : memref<128x16xf32, #tpu.memory_space<vmem>>) dst(%dma_wait3A_596 : memref<50000x16xf32, #tpu.memory_space<vmem_shared>>)
      %dma_wait3A_597 = arith.constant 21 : i32
      %dma_wait3A_598 = arith.constant 21 : i32
      %dma_wait3A_599 = arith.constant 0 : i32
      %dma_wait3A_600 = arith.constant 0 : i32
      %dma_wait3A_601 = tpu.memref_slice %arg7[%dma_wait3A_597, %dma_wait3A_599, %dma_wait3A_600] : memref<24x128x16xf32, #tpu.memory_space<vmem>> -> memref<1x128x16xf32, #tpu.memory_space<vmem>>
      %dma_wait3A_602 = tpu.memref_squeeze %dma_wait3A_601 : memref<1x128x16xf32, #tpu.memory_space<vmem>> -> memref<128x16xf32, #tpu.memory_space<vmem>>
      %dma_wait3A_603 = arith.constant 0 : i32
      %dma_wait3A_604 = tpu.memref_slice %arg6[%dma_wait3A_598, %dma_wait3A_603] : memref<24x128xi32, #tpu.memory_space<vmem>> -> memref<1x128xi32, #tpu.memory_space<vmem>>
      %dma_wait3A_605 = tpu.memref_squeeze %dma_wait3A_604 : memref<1x128xi32, #tpu.memory_space<vmem>> -> memref<128xi32, #tpu.memory_space<vmem>>
      %dma_wait3A_606 = arith.constant 0 : i32
      %dma_wait3A_607 = arith.constant 0 : i32
      %dma_wait3A_608 = tpu.memref_slice %arg8[%dma_wait3A_606, %dma_wait3A_607] : memref<50000x16xf32, #tpu.memory_space<vmem_shared>> -> memref<50000x16xf32, #tpu.memory_space<vmem_shared>>
      tpu.wait_indirect_dma semaphore(%arg9 : memref<!tpu.dma_semaphore, #tpu.memory_space<semaphore_mem>>) src(%dma_wait3A_602 : memref<128x16xf32, #tpu.memory_space<vmem>>) dst(%dma_wait3A_608 : memref<50000x16xf32, #tpu.memory_space<vmem_shared>>)
      %dma_wait3A_609 = arith.constant 22 : i32
      %dma_wait3A_610 = arith.constant 22 : i32
      %dma_wait3A_611 = arith.constant 0 : i32
      %dma_wait3A_612 = arith.constant 0 : i32
      %dma_wait3A_613 = tpu.memref_slice %arg7[%dma_wait3A_609, %dma_wait3A_611, %dma_wait3A_612] : memref<24x128x16xf32, #tpu.memory_space<vmem>> -> memref<1x128x16xf32, #tpu.memory_space<vmem>>
      %dma_wait3A_614 = tpu.memref_squeeze %dma_wait3A_613 : memref<1x128x16xf32, #tpu.memory_space<vmem>> -> memref<128x16xf32, #tpu.memory_space<vmem>>
      %dma_wait3A_615 = arith.constant 0 : i32
      %dma_wait3A_616 = tpu.memref_slice %arg6[%dma_wait3A_610, %dma_wait3A_615] : memref<24x128xi32, #tpu.memory_space<vmem>> -> memref<1x128xi32, #tpu.memory_space<vmem>>
      %dma_wait3A_617 = tpu.memref_squeeze %dma_wait3A_616 : memref<1x128xi32, #tpu.memory_space<vmem>> -> memref<128xi32, #tpu.memory_space<vmem>>
      %dma_wait3A_618 = arith.constant 0 : i32
      %dma_wait3A_619 = arith.constant 0 : i32
      %dma_wait3A_620 = tpu.memref_slice %arg8[%dma_wait3A_618, %dma_wait3A_619] : memref<50000x16xf32, #tpu.memory_space<vmem_shared>> -> memref<50000x16xf32, #tpu.memory_space<vmem_shared>>
      tpu.wait_indirect_dma semaphore(%arg9 : memref<!tpu.dma_semaphore, #tpu.memory_space<semaphore_mem>>) src(%dma_wait3A_614 : memref<128x16xf32, #tpu.memory_space<vmem>>) dst(%dma_wait3A_620 : memref<50000x16xf32, #tpu.memory_space<vmem_shared>>)
      %dma_wait3A_621 = arith.constant 23 : i32
      %dma_wait3A_622 = arith.constant 23 : i32
      %dma_wait3A_623 = arith.constant 0 : i32
      %dma_wait3A_624 = arith.constant 0 : i32
      %dma_wait3A_625 = tpu.memref_slice %arg7[%dma_wait3A_621, %dma_wait3A_623, %dma_wait3A_624] : memref<24x128x16xf32, #tpu.memory_space<vmem>> -> memref<1x128x16xf32, #tpu.memory_space<vmem>>
      %dma_wait3A_626 = tpu.memref_squeeze %dma_wait3A_625 : memref<1x128x16xf32, #tpu.memory_space<vmem>> -> memref<128x16xf32, #tpu.memory_space<vmem>>
      %dma_wait3A_627 = arith.constant 0 : i32
      %dma_wait3A_628 = tpu.memref_slice %arg6[%dma_wait3A_622, %dma_wait3A_627] : memref<24x128xi32, #tpu.memory_space<vmem>> -> memref<1x128xi32, #tpu.memory_space<vmem>>
      %dma_wait3A_629 = tpu.memref_squeeze %dma_wait3A_628 : memref<1x128xi32, #tpu.memory_space<vmem>> -> memref<128xi32, #tpu.memory_space<vmem>>
      %dma_wait3A_630 = arith.constant 0 : i32
      %dma_wait3A_631 = arith.constant 0 : i32
      %dma_wait3A_632 = tpu.memref_slice %arg8[%dma_wait3A_630, %dma_wait3A_631] : memref<50000x16xf32, #tpu.memory_space<vmem_shared>> -> memref<50000x16xf32, #tpu.memory_space<vmem_shared>>
      tpu.wait_indirect_dma semaphore(%arg9 : memref<!tpu.dma_semaphore, #tpu.memory_space<semaphore_mem>>) src(%dma_wait3A_626 : memref<128x16xf32, #tpu.memory_space<vmem>>) dst(%dma_wait3A_632 : memref<50000x16xf32, #tpu.memory_space<vmem_shared>>)
    }
    %mul3A_37 = arith.constant 24 : i32
    %mul3A_38 = arith.muli %select_n3A, %mul3A_37 : i32
    %sub3A_39 = arith.subi %add3A_3, %mul3A_38 : i32
    %while3A_40 = arith.constant 0 : i32
    %while3A_41 = arith.constant 0 : i32
    %while3A_42 = arith.subi %sub3A_39, %while3A_41 : i32
    %while3A_43 = arith.addi %while3A_41, %while3A_42 : i32
    %while3A_44 = arith.constant 1 : i32
    %while3A_45 = arith.divsi %while3A_42, %while3A_44 : i32
    %while3A_46 = arith.muli %while3A_45, %while3A_44 : i32
    %while3A_47 = arith.addi %while3A_41, %while3A_46 : i32
    %while3A_48 = arith.constant 1 : i32
    scf.for %while3A_55 = %while3A_41 to %while3A_47 step %while3A_48  : i32 {
      %mul3A_56 = arith.constant 24 : i32
      %mul3A_57 = arith.muli %select_n3A, %mul3A_56 : i32
      %add3A_58 = arith.addi %add3A_7, %mul3A_57 : i32
      %add3A_59 = arith.addi %add3A_58, %while3A_55 : i32
      "tpu.region"() ({
        %run_scoped3A = tpu.sem_alloc : memref<!tpu.dma_semaphore, #tpu.memory_space<semaphore_mem>>
        %dma_start3A_82 = arith.constant 0 : i32
        %dma_start3A_83 = arith.constant 0 : i32
        %dma_start3A_84 = tpu.memref_slice %arg6[%dma_start3A_82, %dma_start3A_83] : memref<24x128xi32, #tpu.memory_space<vmem>> -> memref<1x128xi32, #tpu.memory_space<vmem>>
        %dma_start3A_85 = arith.constant 0 : i32
        %dma_start3A_86 = tpu.memref_slice %arg3[%add3A_59, %dma_start3A_85] : memref<12500x128xi32, #tpu.memory_space<hbm>> -> memref<1x128xi32, #tpu.memory_space<hbm>>
        %dma_start3A_87 = arith.constant 0 : i32
        %dma_start3A_88 = arith.constant 0 : i32
        %dma_start3A_89 = tpu.memref_slice %arg6[%dma_start3A_87, %dma_start3A_88] : memref<24x128xi32, #tpu.memory_space<vmem>> -> memref<1x128xi32, #tpu.memory_space<vmem>>
        %dma_start3A_90 = arith.constant 0 : i32
        %dma_start3A_91 = tpu.memref_slice %arg3[%add3A_59, %dma_start3A_90] : memref<12500x128xi32, #tpu.memory_space<hbm>> -> memref<1x128xi32, #tpu.memory_space<hbm>>
        tpu.enqueue_dma source(%dma_start3A_91 : memref<1x128xi32, #tpu.memory_space<hbm>>) target(%dma_start3A_89 : memref<1x128xi32, #tpu.memory_space<vmem>>) target_semaphore(%run_scoped3A : memref<!tpu.dma_semaphore, #tpu.memory_space<semaphore_mem>>)
        %dma_wait3A_92 = arith.constant 0 : i32
        %dma_wait3A_93 = arith.constant 0 : i32
        %dma_wait3A_94 = tpu.memref_slice %arg6[%dma_wait3A_92, %dma_wait3A_93] : memref<24x128xi32, #tpu.memory_space<vmem>> -> memref<1x128xi32, #tpu.memory_space<vmem>>
        %dma_wait3A_95 = arith.constant 0 : i32
        %dma_wait3A_96 = tpu.memref_slice %arg3[%add3A_59, %dma_wait3A_95] : memref<12500x128xi32, #tpu.memory_space<hbm>> -> memref<1x128xi32, #tpu.memory_space<hbm>>
        %dma_wait3A_97 = arith.constant 0 : i32
        %dma_wait3A_98 = arith.constant 0 : i32
        %dma_wait3A_99 = tpu.memref_slice %arg6[%dma_wait3A_97, %dma_wait3A_98] : memref<24x128xi32, #tpu.memory_space<vmem>> -> memref<1x128xi32, #tpu.memory_space<vmem>>
        %dma_wait3A_100 = arith.constant 0 : i32
        %dma_wait3A_101 = tpu.memref_slice %arg3[%add3A_59, %dma_wait3A_100] : memref<12500x128xi32, #tpu.memory_space<hbm>> -> memref<1x128xi32, #tpu.memory_space<hbm>>
        tpu.wait_dma2 semaphore(%run_scoped3A : memref<!tpu.dma_semaphore, #tpu.memory_space<semaphore_mem>>) src(%dma_wait3A_101 : memref<1x128xi32, #tpu.memory_space<hbm>>) dst(%dma_wait3A_99 : memref<1x128xi32, #tpu.memory_space<vmem>>)
        tpu.yield
      }) : () -> ()
      "tpu.region"() ({
        %run_scoped3A = tpu.sem_alloc : memref<!tpu.dma_semaphore, #tpu.memory_space<semaphore_mem>>
        %dma_start3A_82 = arith.constant 0 : i32
        %dma_start3A_83 = arith.constant 0 : i32
        %dma_start3A_84 = arith.constant 0 : i32
        %dma_start3A_85 = tpu.memref_slice %arg7[%dma_start3A_82, %dma_start3A_83, %dma_start3A_84] : memref<24x128x16xf32, #tpu.memory_space<vmem>> -> memref<1x128x16xf32, #tpu.memory_space<vmem>>
        %dma_start3A_86 = arith.constant 0 : i32
        %dma_start3A_87 = arith.constant 0 : i32
        %dma_start3A_88 = tpu.memref_slice %arg2[%add3A_59, %dma_start3A_86, %dma_start3A_87] : memref<12500x128x16xf32, #tpu.memory_space<hbm>> -> memref<1x128x16xf32, #tpu.memory_space<hbm>>
        %dma_start3A_89 = arith.constant 0 : i32
        %dma_start3A_90 = arith.constant 0 : i32
        %dma_start3A_91 = arith.constant 0 : i32
        %dma_start3A_92 = tpu.memref_slice %arg7[%dma_start3A_89, %dma_start3A_90, %dma_start3A_91] : memref<24x128x16xf32, #tpu.memory_space<vmem>> -> memref<1x128x16xf32, #tpu.memory_space<vmem>>
        %dma_start3A_93 = arith.constant 0 : i32
        %dma_start3A_94 = arith.constant 0 : i32
        %dma_start3A_95 = tpu.memref_slice %arg2[%add3A_59, %dma_start3A_93, %dma_start3A_94] : memref<12500x128x16xf32, #tpu.memory_space<hbm>> -> memref<1x128x16xf32, #tpu.memory_space<hbm>>
        tpu.enqueue_dma source(%dma_start3A_95 : memref<1x128x16xf32, #tpu.memory_space<hbm>>) target(%dma_start3A_92 : memref<1x128x16xf32, #tpu.memory_space<vmem>>) target_semaphore(%run_scoped3A : memref<!tpu.dma_semaphore, #tpu.memory_space<semaphore_mem>>)
        %dma_wait3A_96 = arith.constant 0 : i32
        %dma_wait3A_97 = arith.constant 0 : i32
        %dma_wait3A_98 = arith.constant 0 : i32
        %dma_wait3A_99 = tpu.memref_slice %arg7[%dma_wait3A_96, %dma_wait3A_97, %dma_wait3A_98] : memref<24x128x16xf32, #tpu.memory_space<vmem>> -> memref<1x128x16xf32, #tpu.memory_space<vmem>>
        %dma_wait3A_100 = arith.constant 0 : i32
        %dma_wait3A_101 = arith.constant 0 : i32
        %dma_wait3A_102 = tpu.memref_slice %arg2[%add3A_59, %dma_wait3A_100, %dma_wait3A_101] : memref<12500x128x16xf32, #tpu.memory_space<hbm>> -> memref<1x128x16xf32, #tpu.memory_space<hbm>>
        %dma_wait3A_103 = arith.constant 0 : i32
        %dma_wait3A_104 = arith.constant 0 : i32
        %dma_wait3A_105 = arith.constant 0 : i32
        %dma_wait3A_106 = tpu.memref_slice %arg7[%dma_wait3A_103, %dma_wait3A_104, %dma_wait3A_105] : memref<24x128x16xf32, #tpu.memory_space<vmem>> -> memref<1x128x16xf32, #tpu.memory_space<vmem>>
        %dma_wait3A_107 = arith.constant 0 : i32
        %dma_wait3A_108 = arith.constant 0 : i32
        %dma_wait3A_109 = tpu.memref_slice %arg2[%add3A_59, %dma_wait3A_107, %dma_wait3A_108] : memref<12500x128x16xf32, #tpu.memory_space<hbm>> -> memref<1x128x16xf32, #tpu.memory_space<hbm>>
        tpu.wait_dma2 semaphore(%run_scoped3A : memref<!tpu.dma_semaphore, #tpu.memory_space<semaphore_mem>>) src(%dma_wait3A_109 : memref<1x128x16xf32, #tpu.memory_space<hbm>>) dst(%dma_wait3A_106 : memref<1x128x16xf32, #tpu.memory_space<vmem>>)
        tpu.yield
      }) : () -> ()
      %dma_start3A = arith.constant 0 : i32
      %dma_start3A_60 = arith.constant 0 : i32
      %dma_start3A_61 = arith.constant 0 : i32
      %dma_start3A_62 = arith.constant 0 : i32
      %dma_start3A_63 = tpu.memref_slice %arg7[%dma_start3A, %dma_start3A_61, %dma_start3A_62] : memref<24x128x16xf32, #tpu.memory_space<vmem>> -> memref<1x128x16xf32, #tpu.memory_space<vmem>>
      %dma_start3A_64 = tpu.memref_squeeze %dma_start3A_63 : memref<1x128x16xf32, #tpu.memory_space<vmem>> -> memref<128x16xf32, #tpu.memory_space<vmem>>
      %dma_start3A_65 = arith.constant 0 : i32
      %dma_start3A_66 = tpu.memref_slice %arg6[%dma_start3A_60, %dma_start3A_65] : memref<24x128xi32, #tpu.memory_space<vmem>> -> memref<1x128xi32, #tpu.memory_space<vmem>>
      %dma_start3A_67 = tpu.memref_squeeze %dma_start3A_66 : memref<1x128xi32, #tpu.memory_space<vmem>> -> memref<128xi32, #tpu.memory_space<vmem>>
      %dma_start3A_68 = arith.constant 0 : i32
      %dma_start3A_69 = arith.constant 0 : i32
      %dma_start3A_70 = tpu.memref_slice %arg8[%dma_start3A_68, %dma_start3A_69] : memref<50000x16xf32, #tpu.memory_space<vmem_shared>> -> memref<50000x16xf32, #tpu.memory_space<vmem_shared>>
      tpu.enqueue_indirect_dma source(%dma_start3A_64 : memref<128x16xf32, #tpu.memory_space<vmem>>) target(%dma_start3A_70 : memref<50000x16xf32, #tpu.memory_space<vmem_shared>>) offsets(%dma_start3A_67 : memref<128xi32, #tpu.memory_space<vmem>>) semaphore(%arg9 : memref<!tpu.dma_semaphore, #tpu.memory_space<semaphore_mem>>) {add = true}
      %dma_wait3A = arith.constant 0 : i32
      %dma_wait3A_71 = arith.constant 0 : i32
      %dma_wait3A_72 = arith.constant 0 : i32
      %dma_wait3A_73 = arith.constant 0 : i32
      %dma_wait3A_74 = tpu.memref_slice %arg7[%dma_wait3A, %dma_wait3A_72, %dma_wait3A_73] : memref<24x128x16xf32, #tpu.memory_space<vmem>> -> memref<1x128x16xf32, #tpu.memory_space<vmem>>
      %dma_wait3A_75 = tpu.memref_squeeze %dma_wait3A_74 : memref<1x128x16xf32, #tpu.memory_space<vmem>> -> memref<128x16xf32, #tpu.memory_space<vmem>>
      %dma_wait3A_76 = arith.constant 0 : i32
      %dma_wait3A_77 = tpu.memref_slice %arg6[%dma_wait3A_71, %dma_wait3A_76] : memref<24x128xi32, #tpu.memory_space<vmem>> -> memref<1x128xi32, #tpu.memory_space<vmem>>
      %dma_wait3A_78 = tpu.memref_squeeze %dma_wait3A_77 : memref<1x128xi32, #tpu.memory_space<vmem>> -> memref<128xi32, #tpu.memory_space<vmem>>
      %dma_wait3A_79 = arith.constant 0 : i32
      %dma_wait3A_80 = arith.constant 0 : i32
      %dma_wait3A_81 = tpu.memref_slice %arg8[%dma_wait3A_79, %dma_wait3A_80] : memref<50000x16xf32, #tpu.memory_space<vmem_shared>> -> memref<50000x16xf32, #tpu.memory_space<vmem_shared>>
      tpu.wait_indirect_dma semaphore(%arg9 : memref<!tpu.dma_semaphore, #tpu.memory_space<semaphore_mem>>) src(%dma_wait3A_75 : memref<128x16xf32, #tpu.memory_space<vmem>>) dst(%dma_wait3A_81 : memref<50000x16xf32, #tpu.memory_space<vmem_shared>>)
    }
    %while3A_49 = arith.constant 1 : i32
    scf.for %while3A_55 = %while3A_47 to %while3A_43 step %while3A_49  : i32 {
      %mul3A_56 = arith.constant 24 : i32
      %mul3A_57 = arith.muli %select_n3A, %mul3A_56 : i32
      %add3A_58 = arith.addi %add3A_7, %mul3A_57 : i32
      %add3A_59 = arith.addi %add3A_58, %while3A_55 : i32
      "tpu.region"() ({
        %run_scoped3A = tpu.sem_alloc : memref<!tpu.dma_semaphore, #tpu.memory_space<semaphore_mem>>
        %dma_start3A_82 = arith.constant 0 : i32
        %dma_start3A_83 = arith.constant 0 : i32
        %dma_start3A_84 = tpu.memref_slice %arg6[%dma_start3A_82, %dma_start3A_83] : memref<24x128xi32, #tpu.memory_space<vmem>> -> memref<1x128xi32, #tpu.memory_space<vmem>>
        %dma_start3A_85 = arith.constant 0 : i32
        %dma_start3A_86 = tpu.memref_slice %arg3[%add3A_59, %dma_start3A_85] : memref<12500x128xi32, #tpu.memory_space<hbm>> -> memref<1x128xi32, #tpu.memory_space<hbm>>
        %dma_start3A_87 = arith.constant 0 : i32
        %dma_start3A_88 = arith.constant 0 : i32
        %dma_start3A_89 = tpu.memref_slice %arg6[%dma_start3A_87, %dma_start3A_88] : memref<24x128xi32, #tpu.memory_space<vmem>> -> memref<1x128xi32, #tpu.memory_space<vmem>>
        %dma_start3A_90 = arith.constant 0 : i32
        %dma_start3A_91 = tpu.memref_slice %arg3[%add3A_59, %dma_start3A_90] : memref<12500x128xi32, #tpu.memory_space<hbm>> -> memref<1x128xi32, #tpu.memory_space<hbm>>
        tpu.enqueue_dma source(%dma_start3A_91 : memref<1x128xi32, #tpu.memory_space<hbm>>) target(%dma_start3A_89 : memref<1x128xi32, #tpu.memory_space<vmem>>) target_semaphore(%run_scoped3A : memref<!tpu.dma_semaphore, #tpu.memory_space<semaphore_mem>>)
        %dma_wait3A_92 = arith.constant 0 : i32
        %dma_wait3A_93 = arith.constant 0 : i32
        %dma_wait3A_94 = tpu.memref_slice %arg6[%dma_wait3A_92, %dma_wait3A_93] : memref<24x128xi32, #tpu.memory_space<vmem>> -> memref<1x128xi32, #tpu.memory_space<vmem>>
        %dma_wait3A_95 = arith.constant 0 : i32
        %dma_wait3A_96 = tpu.memref_slice %arg3[%add3A_59, %dma_wait3A_95] : memref<12500x128xi32, #tpu.memory_space<hbm>> -> memref<1x128xi32, #tpu.memory_space<hbm>>
        %dma_wait3A_97 = arith.constant 0 : i32
        %dma_wait3A_98 = arith.constant 0 : i32
        %dma_wait3A_99 = tpu.memref_slice %arg6[%dma_wait3A_97, %dma_wait3A_98] : memref<24x128xi32, #tpu.memory_space<vmem>> -> memref<1x128xi32, #tpu.memory_space<vmem>>
        %dma_wait3A_100 = arith.constant 0 : i32
        %dma_wait3A_101 = tpu.memref_slice %arg3[%add3A_59, %dma_wait3A_100] : memref<12500x128xi32, #tpu.memory_space<hbm>> -> memref<1x128xi32, #tpu.memory_space<hbm>>
        tpu.wait_dma2 semaphore(%run_scoped3A : memref<!tpu.dma_semaphore, #tpu.memory_space<semaphore_mem>>) src(%dma_wait3A_101 : memref<1x128xi32, #tpu.memory_space<hbm>>) dst(%dma_wait3A_99 : memref<1x128xi32, #tpu.memory_space<vmem>>)
        tpu.yield
      }) : () -> ()
      "tpu.region"() ({
        %run_scoped3A = tpu.sem_alloc : memref<!tpu.dma_semaphore, #tpu.memory_space<semaphore_mem>>
        %dma_start3A_82 = arith.constant 0 : i32
        %dma_start3A_83 = arith.constant 0 : i32
        %dma_start3A_84 = arith.constant 0 : i32
        %dma_start3A_85 = tpu.memref_slice %arg7[%dma_start3A_82, %dma_start3A_83, %dma_start3A_84] : memref<24x128x16xf32, #tpu.memory_space<vmem>> -> memref<1x128x16xf32, #tpu.memory_space<vmem>>
        %dma_start3A_86 = arith.constant 0 : i32
        %dma_start3A_87 = arith.constant 0 : i32
        %dma_start3A_88 = tpu.memref_slice %arg2[%add3A_59, %dma_start3A_86, %dma_start3A_87] : memref<12500x128x16xf32, #tpu.memory_space<hbm>> -> memref<1x128x16xf32, #tpu.memory_space<hbm>>
        %dma_start3A_89 = arith.constant 0 : i32
        %dma_start3A_90 = arith.constant 0 : i32
        %dma_start3A_91 = arith.constant 0 : i32
        %dma_start3A_92 = tpu.memref_slice %arg7[%dma_start3A_89, %dma_start3A_90, %dma_start3A_91] : memref<24x128x16xf32, #tpu.memory_space<vmem>> -> memref<1x128x16xf32, #tpu.memory_space<vmem>>
        %dma_start3A_93 = arith.constant 0 : i32
        %dma_start3A_94 = arith.constant 0 : i32
        %dma_start3A_95 = tpu.memref_slice %arg2[%add3A_59, %dma_start3A_93, %dma_start3A_94] : memref<12500x128x16xf32, #tpu.memory_space<hbm>> -> memref<1x128x16xf32, #tpu.memory_space<hbm>>
        tpu.enqueue_dma source(%dma_start3A_95 : memref<1x128x16xf32, #tpu.memory_space<hbm>>) target(%dma_start3A_92 : memref<1x128x16xf32, #tpu.memory_space<vmem>>) target_semaphore(%run_scoped3A : memref<!tpu.dma_semaphore, #tpu.memory_space<semaphore_mem>>)
        %dma_wait3A_96 = arith.constant 0 : i32
        %dma_wait3A_97 = arith.constant 0 : i32
        %dma_wait3A_98 = arith.constant 0 : i32
        %dma_wait3A_99 = tpu.memref_slice %arg7[%dma_wait3A_96, %dma_wait3A_97, %dma_wait3A_98] : memref<24x128x16xf32, #tpu.memory_space<vmem>> -> memref<1x128x16xf32, #tpu.memory_space<vmem>>
        %dma_wait3A_100 = arith.constant 0 : i32
        %dma_wait3A_101 = arith.constant 0 : i32
        %dma_wait3A_102 = tpu.memref_slice %arg2[%add3A_59, %dma_wait3A_100, %dma_wait3A_101] : memref<12500x128x16xf32, #tpu.memory_space<hbm>> -> memref<1x128x16xf32, #tpu.memory_space<hbm>>
        %dma_wait3A_103 = arith.constant 0 : i32
        %dma_wait3A_104 = arith.constant 0 : i32
        %dma_wait3A_105 = arith.constant 0 : i32
        %dma_wait3A_106 = tpu.memref_slice %arg7[%dma_wait3A_103, %dma_wait3A_104, %dma_wait3A_105] : memref<24x128x16xf32, #tpu.memory_space<vmem>> -> memref<1x128x16xf32, #tpu.memory_space<vmem>>
        %dma_wait3A_107 = arith.constant 0 : i32
        %dma_wait3A_108 = arith.constant 0 : i32
        %dma_wait3A_109 = tpu.memref_slice %arg2[%add3A_59, %dma_wait3A_107, %dma_wait3A_108] : memref<12500x128x16xf32, #tpu.memory_space<hbm>> -> memref<1x128x16xf32, #tpu.memory_space<hbm>>
        tpu.wait_dma2 semaphore(%run_scoped3A : memref<!tpu.dma_semaphore, #tpu.memory_space<semaphore_mem>>) src(%dma_wait3A_109 : memref<1x128x16xf32, #tpu.memory_space<hbm>>) dst(%dma_wait3A_106 : memref<1x128x16xf32, #tpu.memory_space<vmem>>)
        tpu.yield
      }) : () -> ()
      %dma_start3A = arith.constant 0 : i32
      %dma_start3A_60 = arith.constant 0 : i32
      %dma_start3A_61 = arith.constant 0 : i32
      %dma_start3A_62 = arith.constant 0 : i32
      %dma_start3A_63 = tpu.memref_slice %arg7[%dma_start3A, %dma_start3A_61, %dma_start3A_62] : memref<24x128x16xf32, #tpu.memory_space<vmem>> -> memref<1x128x16xf32, #tpu.memory_space<vmem>>
      %dma_start3A_64 = tpu.memref_squeeze %dma_start3A_63 : memref<1x128x16xf32, #tpu.memory_space<vmem>> -> memref<128x16xf32, #tpu.memory_space<vmem>>
      %dma_start3A_65 = arith.constant 0 : i32
      %dma_start3A_66 = tpu.memref_slice %arg6[%dma_start3A_60, %dma_start3A_65] : memref<24x128xi32, #tpu.memory_space<vmem>> -> memref<1x128xi32, #tpu.memory_space<vmem>>
      %dma_start3A_67 = tpu.memref_squeeze %dma_start3A_66 : memref<1x128xi32, #tpu.memory_space<vmem>> -> memref<128xi32, #tpu.memory_space<vmem>>
      %dma_start3A_68 = arith.constant 0 : i32
      %dma_start3A_69 = arith.constant 0 : i32
      %dma_start3A_70 = tpu.memref_slice %arg8[%dma_start3A_68, %dma_start3A_69] : memref<50000x16xf32, #tpu.memory_space<vmem_shared>> -> memref<50000x16xf32, #tpu.memory_space<vmem_shared>>
      tpu.enqueue_indirect_dma source(%dma_start3A_64 : memref<128x16xf32, #tpu.memory_space<vmem>>) target(%dma_start3A_70 : memref<50000x16xf32, #tpu.memory_space<vmem_shared>>) offsets(%dma_start3A_67 : memref<128xi32, #tpu.memory_space<vmem>>) semaphore(%arg9 : memref<!tpu.dma_semaphore, #tpu.memory_space<semaphore_mem>>) {add = true}
      %dma_wait3A = arith.constant 0 : i32
      %dma_wait3A_71 = arith.constant 0 : i32
      %dma_wait3A_72 = arith.constant 0 : i32
      %dma_wait3A_73 = arith.constant 0 : i32
      %dma_wait3A_74 = tpu.memref_slice %arg7[%dma_wait3A, %dma_wait3A_72, %dma_wait3A_73] : memref<24x128x16xf32, #tpu.memory_space<vmem>> -> memref<1x128x16xf32, #tpu.memory_space<vmem>>
      %dma_wait3A_75 = tpu.memref_squeeze %dma_wait3A_74 : memref<1x128x16xf32, #tpu.memory_space<vmem>> -> memref<128x16xf32, #tpu.memory_space<vmem>>
      %dma_wait3A_76 = arith.constant 0 : i32
      %dma_wait3A_77 = tpu.memref_slice %arg6[%dma_wait3A_71, %dma_wait3A_76] : memref<24x128xi32, #tpu.memory_space<vmem>> -> memref<1x128xi32, #tpu.memory_space<vmem>>
      %dma_wait3A_78 = tpu.memref_squeeze %dma_wait3A_77 : memref<1x128xi32, #tpu.memory_space<vmem>> -> memref<128xi32, #tpu.memory_space<vmem>>
      %dma_wait3A_79 = arith.constant 0 : i32
      %dma_wait3A_80 = arith.constant 0 : i32
      %dma_wait3A_81 = tpu.memref_slice %arg8[%dma_wait3A_79, %dma_wait3A_80] : memref<50000x16xf32, #tpu.memory_space<vmem_shared>> -> memref<50000x16xf32, #tpu.memory_space<vmem_shared>>
      tpu.wait_indirect_dma semaphore(%arg9 : memref<!tpu.dma_semaphore, #tpu.memory_space<semaphore_mem>>) src(%dma_wait3A_75 : memref<128x16xf32, #tpu.memory_space<vmem>>) dst(%dma_wait3A_81 : memref<50000x16xf32, #tpu.memory_space<vmem_shared>>)
    }
    %barrier3A_50 = arith.constant 0 : index
    tpu.barrier barrier_id(%barrier3A_50)
    %mul3A_51 = arith.constant 3125 : i32
    %mul3A_52 = arith.muli %arg1, %mul3A_51 : i32
    %mul3A_53 = arith.constant 3125 : i32
    %mul3A_54 = arith.muli %arg1, %mul3A_53 : i32
    "tpu.region"() ({
      %run_scoped3A = tpu.sem_alloc : memref<!tpu.dma_semaphore, #tpu.memory_space<semaphore_mem>>
      %dma_start3A = arith.constant 0 : i32
      %dma_start3A_55 = tpu.memref_slice %arg5[%arg0, %mul3A_54, %dma_start3A] : memref<2x50000x16xf32, #tpu.memory_space<hbm>> -> memref<1x3125x16xf32, #tpu.memory_space<hbm>>
      %dma_start3A_56 = tpu.memref_squeeze %dma_start3A_55 : memref<1x3125x16xf32, #tpu.memory_space<hbm>> -> memref<3125x16xf32, #tpu.memory_space<hbm>>
      %dma_start3A_57 = arith.constant 0 : i32
      %dma_start3A_58 = tpu.memref_slice %arg8[%mul3A_52, %dma_start3A_57] : memref<50000x16xf32, #tpu.memory_space<vmem_shared>> -> memref<3125x16xf32, #tpu.memory_space<vmem_shared>>
      tpu.enqueue_dma source(%dma_start3A_58 : memref<3125x16xf32, #tpu.memory_space<vmem_shared>>) target(%dma_start3A_56 : memref<3125x16xf32, #tpu.memory_space<hbm>>) target_semaphore(%run_scoped3A : memref<!tpu.dma_semaphore, #tpu.memory_space<semaphore_mem>>)
      %dma_wait3A = arith.constant 0 : i32
      %dma_wait3A_59 = tpu.memref_slice %arg5[%arg0, %mul3A_54, %dma_wait3A] : memref<2x50000x16xf32, #tpu.memory_space<hbm>> -> memref<1x3125x16xf32, #tpu.memory_space<hbm>>
      %dma_wait3A_60 = tpu.memref_squeeze %dma_wait3A_59 : memref<1x3125x16xf32, #tpu.memory_space<hbm>> -> memref<3125x16xf32, #tpu.memory_space<hbm>>
      %dma_wait3A_61 = arith.constant 0 : i32
      %dma_wait3A_62 = tpu.memref_slice %arg8[%mul3A_52, %dma_wait3A_61] : memref<50000x16xf32, #tpu.memory_space<vmem_shared>> -> memref<3125x16xf32, #tpu.memory_space<vmem_shared>>
      tpu.wait_dma2 semaphore(%run_scoped3A : memref<!tpu.dma_semaphore, #tpu.memory_space<semaphore_mem>>) src(%dma_wait3A_62 : memref<3125x16xf32, #tpu.memory_space<vmem_shared>>) dst(%dma_wait3A_60 : memref<3125x16xf32, #tpu.memory_space<hbm>>)
      tpu.yield
    }) : () -> ()
    return
  }
}

module attributes {stable_mosaic.version = 14 : i64} {
  func.func @body(%arg0: i32, %arg1: memref<2000x128xf32, #tpu.memory_space<vmem>>, %arg2: memref<2000x128xf32, #tpu.memory_space<vmem>>, %arg3: memref<2000x128xf32, #tpu.memory_space<vmem>>, %arg4: memref<128x128xf32, #tpu.memory_space<vmem>>, %arg5: memref<1x128xf32, #tpu.memory_space<vmem>>, %arg6: memref<2000x128xf32, #tpu.memory_space<vmem>>) attributes {dimension_semantics = [#tpu.dimension_semantics<arbitrary>], iteration_bounds = array<i64: 100>, scalar_prefetch = 0 : i64, scratch_operands = 0 : i64, tpu.core_type = #tpu.core_type<tc>, window_params = [{transform_indices = @transform_0, window_bounds = array<i64: 2000, 128>}, {transform_indices = @transform_1, window_bounds = array<i64: 2000, 128>}, {transform_indices = @transform_2, window_bounds = array<i64: 2000, 128>}, {pipeline_mode = #tpu.pipeline_mode<synchronous>, transform_indices = @transform_3, window_bounds = array<i64: 128, 128>}, {pipeline_mode = #tpu.pipeline_mode<synchronous>, transform_indices = @transform_4, window_bounds = array<i64: 1, 128>}, {transform_indices = @transform_5, window_bounds = array<i64: 2000, 128>}]} {
    %get3A = arith.constant 0 : index
    %get3A_0 = arith.constant 0 : index
    %get3A_1 = vector.load %arg1[%get3A, %get3A_0] : memref<2000x128xf32, #tpu.memory_space<vmem>>, vector<2000x128xf32>
    %get3A_2 = arith.constant 0 : index
    %get3A_3 = arith.constant 0 : index
    %get3A_4 = vector.load %arg2[%get3A_2, %get3A_3] : memref<2000x128xf32, #tpu.memory_space<vmem>>, vector<2000x128xf32>
    %sub3A = arith.subf %get3A_1, %get3A_4 : vector<2000x128xf32>
    %get3A_5 = arith.constant 0 : index
    %get3A_6 = arith.constant 0 : index
    %get3A_7 = vector.load %arg4[%get3A_5, %get3A_6] : memref<128x128xf32, #tpu.memory_space<vmem>>, vector<128x128xf32>
    %dot_general3A = arith.constant dense<0.000000e+00> : vector<2000x128xf32>
    %dot_general3A_8 = tpu.matmul %sub3A, %get3A_7, %dot_general3A {dimension_numbers = #tpu.dot_dimension_numbers<[1], [0], [0], [1], [0, 0, 1, 1], [], []>, transpose_lhs_hint = false} : vector<2000x128xf32>, vector<128x128xf32>, vector<2000x128xf32> -> vector<2000x128xf32>
    %get3A_9 = arith.constant 0 : index
    %get3A_10 = arith.constant 0 : index
    %get3A_11 = vector.load %arg5[%get3A_9, %get3A_10] : memref<1x128xf32, #tpu.memory_space<vmem>>, vector<1x128xf32>
    %add3A = vector.broadcast %get3A_11 : vector<1x128xf32> to vector<2000x128xf32>
    %add3A_12 = arith.addf %dot_general3A_8, %add3A : vector<2000x128xf32>
    %get3A_13 = arith.constant 0 : index
    %get3A_14 = arith.constant 0 : index
    %get3A_15 = vector.load %arg3[%get3A_13, %get3A_14] : memref<2000x128xf32, #tpu.memory_space<vmem>>, vector<2000x128xf32>
    %mul3A = arith.constant 5.000000e-01 : f32
    %mul3A_16 = vector.broadcast %mul3A : f32 to vector<2000x128xf32>
    %mul3A_17 = arith.mulf %mul3A_16, %add3A_12 : vector<2000x128xf32>
    %mul3A_18 = arith.constant 5.000000e-01 : f32
    %mul3A_19 = vector.broadcast %mul3A_18 : f32 to vector<2000x128xf32>
    %mul3A_20 = arith.mulf %mul3A_19, %get3A_15 : vector<2000x128xf32>
    %add3A_21 = arith.addf %mul3A_17, %mul3A_20 : vector<2000x128xf32>
    %max3A = arith.constant -9.900000e+01 : f32
    %max3A_22 = vector.broadcast %max3A : f32 to vector<2000x128xf32>
    %max3A_23 = arith.maximumf %add3A_21, %max3A_22 : vector<2000x128xf32>
    %iota3A = tpu.iota {dimensions = array<i32: 1>} : vector<2000x128xi32>
    %roll3A = arith.constant 127 : i32
    %roll3A_24 = tpu.dynamic_rotate %max3A_23 by %roll3A dim 1 : vector<2000x128xf32>, i32 -> vector<2000x128xf32>
    %roll3A_25 = arith.constant 1 : i32
    %roll3A_26 = tpu.dynamic_rotate %max3A_23 by %roll3A_25 dim 1 : vector<2000x128xf32>, i32 -> vector<2000x128xf32>
    %and3A = arith.constant 1 : i32
    %and3A_27 = vector.broadcast %and3A : i32 to vector<2000x128xi32>
    %and3A_28 = arith.andi %iota3A, %and3A_27 : vector<2000x128xi32>
    %ne3A = arith.constant 0 : i32
    %ne3A_29 = vector.broadcast %ne3A : i32 to vector<2000x128xi32>
    %ne3A_30 = arith.cmpi ne, %and3A_28, %ne3A_29 : vector<2000x128xi32>
    %select_n3A = arith.select %ne3A_30, %roll3A_26, %roll3A_24 : vector<2000x128xi1>, vector<2000x128xf32>
    %max3A_31 = arith.maximumf %max3A_23, %select_n3A : vector<2000x128xf32>
    %roll3A_32 = arith.constant 126 : i32
    %roll3A_33 = tpu.dynamic_rotate %max3A_31 by %roll3A_32 dim 1 : vector<2000x128xf32>, i32 -> vector<2000x128xf32>
    %roll3A_34 = arith.constant 2 : i32
    %roll3A_35 = tpu.dynamic_rotate %max3A_31 by %roll3A_34 dim 1 : vector<2000x128xf32>, i32 -> vector<2000x128xf32>
    %and3A_36 = arith.constant 2 : i32
    %and3A_37 = vector.broadcast %and3A_36 : i32 to vector<2000x128xi32>
    %and3A_38 = arith.andi %iota3A, %and3A_37 : vector<2000x128xi32>
    %ne3A_39 = arith.constant 0 : i32
    %ne3A_40 = vector.broadcast %ne3A_39 : i32 to vector<2000x128xi32>
    %ne3A_41 = arith.cmpi ne, %and3A_38, %ne3A_40 : vector<2000x128xi32>
    %select_n3A_42 = arith.select %ne3A_41, %roll3A_35, %roll3A_33 : vector<2000x128xi1>, vector<2000x128xf32>
    %max3A_43 = arith.maximumf %max3A_31, %select_n3A_42 : vector<2000x128xf32>
    %roll3A_44 = arith.constant 124 : i32
    %roll3A_45 = tpu.dynamic_rotate %max3A_43 by %roll3A_44 dim 1 : vector<2000x128xf32>, i32 -> vector<2000x128xf32>
    %roll3A_46 = arith.constant 4 : i32
    %roll3A_47 = tpu.dynamic_rotate %max3A_43 by %roll3A_46 dim 1 : vector<2000x128xf32>, i32 -> vector<2000x128xf32>
    %and3A_48 = arith.constant 4 : i32
    %and3A_49 = vector.broadcast %and3A_48 : i32 to vector<2000x128xi32>
    %and3A_50 = arith.andi %iota3A, %and3A_49 : vector<2000x128xi32>
    %ne3A_51 = arith.constant 0 : i32
    %ne3A_52 = vector.broadcast %ne3A_51 : i32 to vector<2000x128xi32>
    %ne3A_53 = arith.cmpi ne, %and3A_50, %ne3A_52 : vector<2000x128xi32>
    %select_n3A_54 = arith.select %ne3A_53, %roll3A_47, %roll3A_45 : vector<2000x128xi1>, vector<2000x128xf32>
    %max3A_55 = arith.maximumf %max3A_43, %select_n3A_54 : vector<2000x128xf32>
    %roll3A_56 = arith.constant 120 : i32
    %roll3A_57 = tpu.dynamic_rotate %max3A_55 by %roll3A_56 dim 1 : vector<2000x128xf32>, i32 -> vector<2000x128xf32>
    %roll3A_58 = arith.constant 8 : i32
    %roll3A_59 = tpu.dynamic_rotate %max3A_55 by %roll3A_58 dim 1 : vector<2000x128xf32>, i32 -> vector<2000x128xf32>
    %and3A_60 = arith.constant 8 : i32
    %and3A_61 = vector.broadcast %and3A_60 : i32 to vector<2000x128xi32>
    %and3A_62 = arith.andi %iota3A, %and3A_61 : vector<2000x128xi32>
    %ne3A_63 = arith.constant 0 : i32
    %ne3A_64 = vector.broadcast %ne3A_63 : i32 to vector<2000x128xi32>
    %ne3A_65 = arith.cmpi ne, %and3A_62, %ne3A_64 : vector<2000x128xi32>
    %select_n3A_66 = arith.select %ne3A_65, %roll3A_59, %roll3A_57 : vector<2000x128xi1>, vector<2000x128xf32>
    %max3A_67 = arith.maximumf %max3A_55, %select_n3A_66 : vector<2000x128xf32>
    %sub3A_68 = arith.subf %max3A_23, %max3A_67 : vector<2000x128xf32>
    %exp3A = math.exp %sub3A_68 : vector<2000x128xf32>
    %iota3A_69 = tpu.iota {dimensions = array<i32: 0>} : vector<128x128xi32>
    %iota3A_70 = tpu.iota {dimensions = array<i32: 1>} : vector<128x128xi32>
    %jit3A = arith.constant 16 : i32
    %div3A = vector.broadcast %jit3A : i32 to vector<128x128xi32>
    %div3A_71 = arith.divsi %iota3A_69, %div3A : vector<128x128xi32>
    %sign3A = arith.constant 0 : i32
    %sign3A_72 = vector.broadcast %sign3A : i32 to vector<128x128xi32>
    %sign3A_73 = arith.cmpi sgt, %iota3A_69, %sign3A_72 : vector<128x128xi32>
    %sign3A_74 = arith.extui %sign3A_73 : vector<128x128xi1> to vector<128x128xi32>
    %sign3A_75 = arith.constant 0 : i32
    %sign3A_76 = vector.broadcast %sign3A_75 : i32 to vector<128x128xi32>
    %sign3A_77 = arith.cmpi slt, %iota3A_69, %sign3A_76 : vector<128x128xi32>
    %sign3A_78 = arith.extui %sign3A_77 : vector<128x128xi1> to vector<128x128xi32>
    %sign3A_79 = arith.subi %sign3A_74, %sign3A_78 : vector<128x128xi32>
    %sign3A_80 = arith.constant 0 : i32
    %sign3A_81 = arith.cmpi sgt, %jit3A, %sign3A_80 : i32
    %sign3A_82 = arith.extui %sign3A_81 : i1 to i32
    %sign3A_83 = arith.constant 0 : i32
    %sign3A_84 = arith.cmpi slt, %jit3A, %sign3A_83 : i32
    %sign3A_85 = arith.extui %sign3A_84 : i1 to i32
    %sign3A_86 = arith.subi %sign3A_82, %sign3A_85 : i32
    %ne3A_87 = vector.broadcast %sign3A_86 : i32 to vector<128x128xi32>
    %ne3A_88 = arith.cmpi ne, %sign3A_79, %ne3A_87 : vector<128x128xi32>
    %rem3A = vector.broadcast %jit3A : i32 to vector<128x128xi32>
    %rem3A_89 = arith.remsi %iota3A_69, %rem3A : vector<128x128xi32>
    %ne3A_90 = arith.constant 0 : i32
    %ne3A_91 = vector.broadcast %ne3A_90 : i32 to vector<128x128xi32>
    %ne3A_92 = arith.cmpi ne, %rem3A_89, %ne3A_91 : vector<128x128xi32>
    %and3A_93 = arith.andi %ne3A_88, %ne3A_92 : vector<128x128xi1>
    %sub3A_94 = arith.constant 1 : i32
    %sub3A_95 = vector.broadcast %sub3A_94 : i32 to vector<128x128xi32>
    %sub3A_96 = arith.subi %div3A_71, %sub3A_95 : vector<128x128xi32>
    %select_n3A_97 = arith.select %and3A_93, %sub3A_96, %div3A_71 : vector<128x128xi1>, vector<128x128xi32>
    %jit3A_98 = arith.constant 16 : i32
    %div3A_99 = vector.broadcast %jit3A_98 : i32 to vector<128x128xi32>
    %div3A_100 = arith.divsi %iota3A_70, %div3A_99 : vector<128x128xi32>
    %sign3A_101 = arith.constant 0 : i32
    %sign3A_102 = vector.broadcast %sign3A_101 : i32 to vector<128x128xi32>
    %sign3A_103 = arith.cmpi sgt, %iota3A_70, %sign3A_102 : vector<128x128xi32>
    %sign3A_104 = arith.extui %sign3A_103 : vector<128x128xi1> to vector<128x128xi32>
    %sign3A_105 = arith.constant 0 : i32
    %sign3A_106 = vector.broadcast %sign3A_105 : i32 to vector<128x128xi32>
    %sign3A_107 = arith.cmpi slt, %iota3A_70, %sign3A_106 : vector<128x128xi32>
    %sign3A_108 = arith.extui %sign3A_107 : vector<128x128xi1> to vector<128x128xi32>
    %sign3A_109 = arith.subi %sign3A_104, %sign3A_108 : vector<128x128xi32>
    %sign3A_110 = arith.constant 0 : i32
    %sign3A_111 = arith.cmpi sgt, %jit3A_98, %sign3A_110 : i32
    %sign3A_112 = arith.extui %sign3A_111 : i1 to i32
    %sign3A_113 = arith.constant 0 : i32
    %sign3A_114 = arith.cmpi slt, %jit3A_98, %sign3A_113 : i32
    %sign3A_115 = arith.extui %sign3A_114 : i1 to i32
    %sign3A_116 = arith.subi %sign3A_112, %sign3A_115 : i32
    %ne3A_117 = vector.broadcast %sign3A_116 : i32 to vector<128x128xi32>
    %ne3A_118 = arith.cmpi ne, %sign3A_109, %ne3A_117 : vector<128x128xi32>
    %rem3A_119 = vector.broadcast %jit3A_98 : i32 to vector<128x128xi32>
    %rem3A_120 = arith.remsi %iota3A_70, %rem3A_119 : vector<128x128xi32>
    %ne3A_121 = arith.constant 0 : i32
    %ne3A_122 = vector.broadcast %ne3A_121 : i32 to vector<128x128xi32>
    %ne3A_123 = arith.cmpi ne, %rem3A_120, %ne3A_122 : vector<128x128xi32>
    %and3A_124 = arith.andi %ne3A_118, %ne3A_123 : vector<128x128xi1>
    %sub3A_125 = arith.constant 1 : i32
    %sub3A_126 = vector.broadcast %sub3A_125 : i32 to vector<128x128xi32>
    %sub3A_127 = arith.subi %div3A_100, %sub3A_126 : vector<128x128xi32>
    %select_n3A_128 = arith.select %and3A_124, %sub3A_127, %div3A_100 : vector<128x128xi1>, vector<128x128xi32>
    %eq3A = arith.cmpi eq, %select_n3A_97, %select_n3A_128 : vector<128x128xi32>
    %convert_element_type3A = arith.extui %eq3A : vector<128x128xi1> to vector<128x128xi32>
    %convert_element_type3A_129 = arith.sitofp %convert_element_type3A : vector<128x128xi32> to vector<128x128xf32>
    %dot_general3A_130 = arith.constant dense<0.000000e+00> : vector<2000x128xf32>
    %dot_general3A_131 = tpu.matmul %exp3A, %convert_element_type3A_129, %dot_general3A_130 {dimension_numbers = #tpu.dot_dimension_numbers<[1], [0], [0], [1], [0, 0, 1, 1], [], []>, transpose_lhs_hint = false} : vector<2000x128xf32>, vector<128x128xf32>, vector<2000x128xf32> -> vector<2000x128xf32>
    %sub3A_132 = arith.subf %max3A_23, %max3A_67 : vector<2000x128xf32>
    %log3A = math.log %dot_general3A_131 : vector<2000x128xf32>
    %sub3A_133 = arith.subf %sub3A_132, %log3A : vector<2000x128xf32>
    %swap3A = arith.constant 0 : index
    %swap3A_134 = arith.constant 0 : index
    %swap3A_135 = vector.load %arg6[%swap3A, %swap3A_134] : memref<2000x128xf32, #tpu.memory_space<vmem>>, vector<2000x128xf32>
    tpu.vector_store %arg6[%swap3A, %swap3A_134], %sub3A_133 {strides = array<i32>} : memref<2000x128xf32, #tpu.memory_space<vmem>>, vector<2000x128xf32>,
    return
  }
  func.func @transform_0(%arg0: i32) -> (i32, i32) {
    %c0_i32 = arith.constant 0 : i32
    %c0_i32_0 = arith.constant 0 : i32
    return %arg0, %c0_i32 : i32, i32
  }
  func.func @transform_1(%arg0: i32) -> (i32, i32) {
    %c0_i32 = arith.constant 0 : i32
    %c0_i32_0 = arith.constant 0 : i32
    return %arg0, %c0_i32 : i32, i32
  }
  func.func @transform_2(%arg0: i32) -> (i32, i32) {
    %c0_i32 = arith.constant 0 : i32
    %c0_i32_0 = arith.constant 0 : i32
    return %arg0, %c0_i32 : i32, i32
  }
  func.func @transform_3(%arg0: i32) -> (i32, i32) {
    %c0_i32 = arith.constant 0 : i32
    %c0_i32_0 = arith.constant 0 : i32
    %c0_i32_1 = arith.constant 0 : i32
    return %c0_i32, %c0_i32_0 : i32, i32
  }
  func.func @transform_4(%arg0: i32) -> (i32, i32) {
    %c0_i32 = arith.constant 0 : i32
    %c0_i32_0 = arith.constant 0 : i32
    %c0_i32_1 = arith.constant 0 : i32
    return %c0_i32, %c0_i32_0 : i32, i32
  }
  func.func @transform_5(%arg0: i32) -> (i32, i32) {
    %c0_i32 = arith.constant 0 : i32
    %c0_i32_0 = arith.constant 0 : i32
    return %arg0, %c0_i32 : i32, i32
  }
}

module attributes {stable_mosaic.version = 14 : i64} {
  func.func @body(%arg0: i32, %arg1: memref<512x128xf32, #tpu.memory_space<vmem>>, %arg2: memref<512x128xf32, #tpu.memory_space<vmem>>, %arg3: memref<512x128xf32, #tpu.memory_space<vmem>>) attributes {dimension_semantics = [#tpu.dimension_semantics<arbitrary>], iteration_bounds = array<i64: 25>, scalar_prefetch = 0 : i64, scratch_operands = 0 : i64, tpu.core_type = #tpu.core_type<tc>, window_params = [{transform_indices = @transform_0, window_bounds = array<i64: 512, 128>}, {transform_indices = @transform_1, window_bounds = array<i64: 512, 128>}, {transform_indices = @transform_2, window_bounds = array<i64: 512, 128>}]} {
    %get3A = arith.constant 0 : index
    %get3A_0 = arith.constant 0 : index
    %get3A_1 = vector.load %arg1[%get3A, %get3A_0] : memref<512x128xf32, #tpu.memory_space<vmem>>, vector<512x128xf32>
    %get3A_2 = arith.constant 0 : index
    %get3A_3 = arith.constant 0 : index
    %get3A_4 = vector.load %arg2[%get3A_2, %get3A_3] : memref<512x128xf32, #tpu.memory_space<vmem>>, vector<512x128xf32>
    %add3A = arith.addf %get3A_1, %get3A_4 : vector<512x128xf32>
    %swap3A = arith.constant 0 : index
    %swap3A_5 = arith.constant 0 : index
    %swap3A_6 = vector.load %arg3[%swap3A, %swap3A_5] : memref<512x128xf32, #tpu.memory_space<vmem>>, vector<512x128xf32>
    tpu.vector_store %arg3[%swap3A, %swap3A_5], %add3A {strides = array<i32>} : memref<512x128xf32, #tpu.memory_space<vmem>>, vector<512x128xf32>,
    return
  }
  func.func @transform_0(%arg0: i32) -> (i32, i32) {
    %c0_i32 = arith.constant 0 : i32
    %c0_i32_0 = arith.constant 0 : i32
    return %arg0, %c0_i32 : i32, i32
  }
  func.func @transform_1(%arg0: i32) -> (i32, i32) {
    %c0_i32 = arith.constant 0 : i32
    %c0_i32_0 = arith.constant 0 : i32
    return %arg0, %c0_i32 : i32, i32
  }
  func.func @transform_2(%arg0: i32) -> (i32, i32) {
    %c0_i32 = arith.constant 0 : i32
    %c0_i32_0 = arith.constant 0 : i32
    return %arg0, %c0_i32 : i32, i32
  }
}

module attributes {stable_mosaic.version = 14 : i64} {
  func.func @body(%arg0: i32, %arg1: memref<2000x128xf32, #tpu.memory_space<vmem>>, %arg2: memref<2000x128xf32, #tpu.memory_space<vmem>>, %arg3: memref<128x128xf32, #tpu.memory_space<vmem>>, %arg4: memref<1x128xf32, #tpu.memory_space<vmem>>, %arg5: memref<2000x128xf32, #tpu.memory_space<vmem>>) attributes {dimension_semantics = [#tpu.dimension_semantics<arbitrary>], iteration_bounds = array<i64: 100>, scalar_prefetch = 0 : i64, scratch_operands = 0 : i64, tpu.core_type = #tpu.core_type<tc>, window_params = [{transform_indices = @transform_0, window_bounds = array<i64: 2000, 128>}, {transform_indices = @transform_1, window_bounds = array<i64: 2000, 128>}, {pipeline_mode = #tpu.pipeline_mode<synchronous>, transform_indices = @transform_2, window_bounds = array<i64: 128, 128>}, {pipeline_mode = #tpu.pipeline_mode<synchronous>, transform_indices = @transform_3, window_bounds = array<i64: 1, 128>}, {transform_indices = @transform_4, window_bounds = array<i64: 2000, 128>}]} {
    %get3A = arith.constant 0 : index
    %get3A_0 = arith.constant 0 : index
    %get3A_1 = vector.load %arg1[%get3A, %get3A_0] : memref<2000x128xf32, #tpu.memory_space<vmem>>, vector<2000x128xf32>
    %get3A_2 = arith.constant 0 : index
    %get3A_3 = arith.constant 0 : index
    %get3A_4 = vector.load %arg2[%get3A_2, %get3A_3] : memref<2000x128xf32, #tpu.memory_space<vmem>>, vector<2000x128xf32>
    %sub3A = arith.subf %get3A_1, %get3A_4 : vector<2000x128xf32>
    %get3A_5 = arith.constant 0 : index
    %get3A_6 = arith.constant 0 : index
    %get3A_7 = vector.load %arg3[%get3A_5, %get3A_6] : memref<128x128xf32, #tpu.memory_space<vmem>>, vector<128x128xf32>
    %dot_general3A = arith.constant dense<0.000000e+00> : vector<2000x128xf32>
    %dot_general3A_8 = tpu.matmul %sub3A, %get3A_7, %dot_general3A {dimension_numbers = #tpu.dot_dimension_numbers<[1], [0], [0], [1], [0, 0, 1, 1], [], []>, transpose_lhs_hint = false} : vector<2000x128xf32>, vector<128x128xf32>, vector<2000x128xf32> -> vector<2000x128xf32>
    %get3A_9 = arith.constant 0 : index
    %get3A_10 = arith.constant 0 : index
    %get3A_11 = vector.load %arg4[%get3A_9, %get3A_10] : memref<1x128xf32, #tpu.memory_space<vmem>>, vector<1x128xf32>
    %add3A = vector.broadcast %get3A_11 : vector<1x128xf32> to vector<2000x128xf32>
    %add3A_12 = arith.addf %dot_general3A_8, %add3A : vector<2000x128xf32>
    %mul3A = arith.constant 5.000000e-01 : f32
    %mul3A_13 = vector.broadcast %mul3A : f32 to vector<2000x128xf32>
    %mul3A_14 = arith.mulf %mul3A_13, %add3A_12 : vector<2000x128xf32>
    %mul3A_15 = arith.constant 5.000000e-01 : f32
    %mul3A_16 = vector.broadcast %mul3A_15 : f32 to vector<2000x128xf32>
    %mul3A_17 = arith.mulf %mul3A_16, %sub3A : vector<2000x128xf32>
    %add3A_18 = arith.addf %mul3A_14, %mul3A_17 : vector<2000x128xf32>
    %max3A = arith.constant -9.900000e+01 : f32
    %max3A_19 = vector.broadcast %max3A : f32 to vector<2000x128xf32>
    %max3A_20 = arith.maximumf %add3A_18, %max3A_19 : vector<2000x128xf32>
    %iota3A = tpu.iota {dimensions = array<i32: 1>} : vector<2000x128xi32>
    %roll3A = arith.constant 127 : i32
    %roll3A_21 = tpu.dynamic_rotate %max3A_20 by %roll3A dim 1 : vector<2000x128xf32>, i32 -> vector<2000x128xf32>
    %roll3A_22 = arith.constant 1 : i32
    %roll3A_23 = tpu.dynamic_rotate %max3A_20 by %roll3A_22 dim 1 : vector<2000x128xf32>, i32 -> vector<2000x128xf32>
    %and3A = arith.constant 1 : i32
    %and3A_24 = vector.broadcast %and3A : i32 to vector<2000x128xi32>
    %and3A_25 = arith.andi %iota3A, %and3A_24 : vector<2000x128xi32>
    %ne3A = arith.constant 0 : i32
    %ne3A_26 = vector.broadcast %ne3A : i32 to vector<2000x128xi32>
    %ne3A_27 = arith.cmpi ne, %and3A_25, %ne3A_26 : vector<2000x128xi32>
    %select_n3A = arith.select %ne3A_27, %roll3A_23, %roll3A_21 : vector<2000x128xi1>, vector<2000x128xf32>
    %max3A_28 = arith.maximumf %max3A_20, %select_n3A : vector<2000x128xf32>
    %roll3A_29 = arith.constant 126 : i32
    %roll3A_30 = tpu.dynamic_rotate %max3A_28 by %roll3A_29 dim 1 : vector<2000x128xf32>, i32 -> vector<2000x128xf32>
    %roll3A_31 = arith.constant 2 : i32
    %roll3A_32 = tpu.dynamic_rotate %max3A_28 by %roll3A_31 dim 1 : vector<2000x128xf32>, i32 -> vector<2000x128xf32>
    %and3A_33 = arith.constant 2 : i32
    %and3A_34 = vector.broadcast %and3A_33 : i32 to vector<2000x128xi32>
    %and3A_35 = arith.andi %iota3A, %and3A_34 : vector<2000x128xi32>
    %ne3A_36 = arith.constant 0 : i32
    %ne3A_37 = vector.broadcast %ne3A_36 : i32 to vector<2000x128xi32>
    %ne3A_38 = arith.cmpi ne, %and3A_35, %ne3A_37 : vector<2000x128xi32>
    %select_n3A_39 = arith.select %ne3A_38, %roll3A_32, %roll3A_30 : vector<2000x128xi1>, vector<2000x128xf32>
    %max3A_40 = arith.maximumf %max3A_28, %select_n3A_39 : vector<2000x128xf32>
    %roll3A_41 = arith.constant 124 : i32
    %roll3A_42 = tpu.dynamic_rotate %max3A_40 by %roll3A_41 dim 1 : vector<2000x128xf32>, i32 -> vector<2000x128xf32>
    %roll3A_43 = arith.constant 4 : i32
    %roll3A_44 = tpu.dynamic_rotate %max3A_40 by %roll3A_43 dim 1 : vector<2000x128xf32>, i32 -> vector<2000x128xf32>
    %and3A_45 = arith.constant 4 : i32
    %and3A_46 = vector.broadcast %and3A_45 : i32 to vector<2000x128xi32>
    %and3A_47 = arith.andi %iota3A, %and3A_46 : vector<2000x128xi32>
    %ne3A_48 = arith.constant 0 : i32
    %ne3A_49 = vector.broadcast %ne3A_48 : i32 to vector<2000x128xi32>
    %ne3A_50 = arith.cmpi ne, %and3A_47, %ne3A_49 : vector<2000x128xi32>
    %select_n3A_51 = arith.select %ne3A_50, %roll3A_44, %roll3A_42 : vector<2000x128xi1>, vector<2000x128xf32>
    %max3A_52 = arith.maximumf %max3A_40, %select_n3A_51 : vector<2000x128xf32>
    %roll3A_53 = arith.constant 120 : i32
    %roll3A_54 = tpu.dynamic_rotate %max3A_52 by %roll3A_53 dim 1 : vector<2000x128xf32>, i32 -> vector<2000x128xf32>
    %roll3A_55 = arith.constant 8 : i32
    %roll3A_56 = tpu.dynamic_rotate %max3A_52 by %roll3A_55 dim 1 : vector<2000x128xf32>, i32 -> vector<2000x128xf32>
    %and3A_57 = arith.constant 8 : i32
    %and3A_58 = vector.broadcast %and3A_57 : i32 to vector<2000x128xi32>
    %and3A_59 = arith.andi %iota3A, %and3A_58 : vector<2000x128xi32>
    %ne3A_60 = arith.constant 0 : i32
    %ne3A_61 = vector.broadcast %ne3A_60 : i32 to vector<2000x128xi32>
    %ne3A_62 = arith.cmpi ne, %and3A_59, %ne3A_61 : vector<2000x128xi32>
    %select_n3A_63 = arith.select %ne3A_62, %roll3A_56, %roll3A_54 : vector<2000x128xi1>, vector<2000x128xf32>
    %max3A_64 = arith.maximumf %max3A_52, %select_n3A_63 : vector<2000x128xf32>
    %sub3A_65 = arith.subf %max3A_20, %max3A_64 : vector<2000x128xf32>
    %exp3A = math.exp %sub3A_65 : vector<2000x128xf32>
    %iota3A_66 = tpu.iota {dimensions = array<i32: 0>} : vector<128x128xi32>
    %iota3A_67 = tpu.iota {dimensions = array<i32: 1>} : vector<128x128xi32>
    %jit3A = arith.constant 16 : i32
    %div3A = vector.broadcast %jit3A : i32 to vector<128x128xi32>
    %div3A_68 = arith.divsi %iota3A_66, %div3A : vector<128x128xi32>
    %sign3A = arith.constant 0 : i32
    %sign3A_69 = vector.broadcast %sign3A : i32 to vector<128x128xi32>
    %sign3A_70 = arith.cmpi sgt, %iota3A_66, %sign3A_69 : vector<128x128xi32>
    %sign3A_71 = arith.extui %sign3A_70 : vector<128x128xi1> to vector<128x128xi32>
    %sign3A_72 = arith.constant 0 : i32
    %sign3A_73 = vector.broadcast %sign3A_72 : i32 to vector<128x128xi32>
    %sign3A_74 = arith.cmpi slt, %iota3A_66, %sign3A_73 : vector<128x128xi32>
    %sign3A_75 = arith.extui %sign3A_74 : vector<128x128xi1> to vector<128x128xi32>
    %sign3A_76 = arith.subi %sign3A_71, %sign3A_75 : vector<128x128xi32>
    %sign3A_77 = arith.constant 0 : i32
    %sign3A_78 = arith.cmpi sgt, %jit3A, %sign3A_77 : i32
    %sign3A_79 = arith.extui %sign3A_78 : i1 to i32
    %sign3A_80 = arith.constant 0 : i32
    %sign3A_81 = arith.cmpi slt, %jit3A, %sign3A_80 : i32
    %sign3A_82 = arith.extui %sign3A_81 : i1 to i32
    %sign3A_83 = arith.subi %sign3A_79, %sign3A_82 : i32
    %ne3A_84 = vector.broadcast %sign3A_83 : i32 to vector<128x128xi32>
    %ne3A_85 = arith.cmpi ne, %sign3A_76, %ne3A_84 : vector<128x128xi32>
    %rem3A = vector.broadcast %jit3A : i32 to vector<128x128xi32>
    %rem3A_86 = arith.remsi %iota3A_66, %rem3A : vector<128x128xi32>
    %ne3A_87 = arith.constant 0 : i32
    %ne3A_88 = vector.broadcast %ne3A_87 : i32 to vector<128x128xi32>
    %ne3A_89 = arith.cmpi ne, %rem3A_86, %ne3A_88 : vector<128x128xi32>
    %and3A_90 = arith.andi %ne3A_85, %ne3A_89 : vector<128x128xi1>
    %sub3A_91 = arith.constant 1 : i32
    %sub3A_92 = vector.broadcast %sub3A_91 : i32 to vector<128x128xi32>
    %sub3A_93 = arith.subi %div3A_68, %sub3A_92 : vector<128x128xi32>
    %select_n3A_94 = arith.select %and3A_90, %sub3A_93, %div3A_68 : vector<128x128xi1>, vector<128x128xi32>
    %jit3A_95 = arith.constant 16 : i32
    %div3A_96 = vector.broadcast %jit3A_95 : i32 to vector<128x128xi32>
    %div3A_97 = arith.divsi %iota3A_67, %div3A_96 : vector<128x128xi32>
    %sign3A_98 = arith.constant 0 : i32
    %sign3A_99 = vector.broadcast %sign3A_98 : i32 to vector<128x128xi32>
    %sign3A_100 = arith.cmpi sgt, %iota3A_67, %sign3A_99 : vector<128x128xi32>
    %sign3A_101 = arith.extui %sign3A_100 : vector<128x128xi1> to vector<128x128xi32>
    %sign3A_102 = arith.constant 0 : i32
    %sign3A_103 = vector.broadcast %sign3A_102 : i32 to vector<128x128xi32>
    %sign3A_104 = arith.cmpi slt, %iota3A_67, %sign3A_103 : vector<128x128xi32>
    %sign3A_105 = arith.extui %sign3A_104 : vector<128x128xi1> to vector<128x128xi32>
    %sign3A_106 = arith.subi %sign3A_101, %sign3A_105 : vector<128x128xi32>
    %sign3A_107 = arith.constant 0 : i32
    %sign3A_108 = arith.cmpi sgt, %jit3A_95, %sign3A_107 : i32
    %sign3A_109 = arith.extui %sign3A_108 : i1 to i32
    %sign3A_110 = arith.constant 0 : i32
    %sign3A_111 = arith.cmpi slt, %jit3A_95, %sign3A_110 : i32
    %sign3A_112 = arith.extui %sign3A_111 : i1 to i32
    %sign3A_113 = arith.subi %sign3A_109, %sign3A_112 : i32
    %ne3A_114 = vector.broadcast %sign3A_113 : i32 to vector<128x128xi32>
    %ne3A_115 = arith.cmpi ne, %sign3A_106, %ne3A_114 : vector<128x128xi32>
    %rem3A_116 = vector.broadcast %jit3A_95 : i32 to vector<128x128xi32>
    %rem3A_117 = arith.remsi %iota3A_67, %rem3A_116 : vector<128x128xi32>
    %ne3A_118 = arith.constant 0 : i32
    %ne3A_119 = vector.broadcast %ne3A_118 : i32 to vector<128x128xi32>
    %ne3A_120 = arith.cmpi ne, %rem3A_117, %ne3A_119 : vector<128x128xi32>
    %and3A_121 = arith.andi %ne3A_115, %ne3A_120 : vector<128x128xi1>
    %sub3A_122 = arith.constant 1 : i32
    %sub3A_123 = vector.broadcast %sub3A_122 : i32 to vector<128x128xi32>
    %sub3A_124 = arith.subi %div3A_97, %sub3A_123 : vector<128x128xi32>
    %select_n3A_125 = arith.select %and3A_121, %sub3A_124, %div3A_97 : vector<128x128xi1>, vector<128x128xi32>
    %eq3A = arith.cmpi eq, %select_n3A_94, %select_n3A_125 : vector<128x128xi32>
    %convert_element_type3A = arith.extui %eq3A : vector<128x128xi1> to vector<128x128xi32>
    %convert_element_type3A_126 = arith.sitofp %convert_element_type3A : vector<128x128xi32> to vector<128x128xf32>
    %dot_general3A_127 = arith.constant dense<0.000000e+00> : vector<2000x128xf32>
    %dot_general3A_128 = tpu.matmul %exp3A, %convert_element_type3A_126, %dot_general3A_127 {dimension_numbers = #tpu.dot_dimension_numbers<[1], [0], [0], [1], [0, 0, 1, 1], [], []>, transpose_lhs_hint = false} : vector<2000x128xf32>, vector<128x128xf32>, vector<2000x128xf32> -> vector<2000x128xf32>
    %sub3A_129 = arith.subf %max3A_20, %max3A_64 : vector<2000x128xf32>
    %log3A = math.log %dot_general3A_128 : vector<2000x128xf32>
    %sub3A_130 = arith.subf %sub3A_129, %log3A : vector<2000x128xf32>
    %swap3A = arith.constant 0 : index
    %swap3A_131 = arith.constant 0 : index
    %swap3A_132 = vector.load %arg5[%swap3A, %swap3A_131] : memref<2000x128xf32, #tpu.memory_space<vmem>>, vector<2000x128xf32>
    tpu.vector_store %arg5[%swap3A, %swap3A_131], %sub3A_130 {strides = array<i32>} : memref<2000x128xf32, #tpu.memory_space<vmem>>, vector<2000x128xf32>,
    return
  }
  func.func @transform_0(%arg0: i32) -> (i32, i32) {
    %c0_i32 = arith.constant 0 : i32
    %c0_i32_0 = arith.constant 0 : i32
    return %arg0, %c0_i32 : i32, i32
  }
  func.func @transform_1(%arg0: i32) -> (i32, i32) {
    %c0_i32 = arith.constant 0 : i32
    %c0_i32_0 = arith.constant 0 : i32
    return %arg0, %c0_i32 : i32, i32
  }
  func.func @transform_2(%arg0: i32) -> (i32, i32) {
    %c0_i32 = arith.constant 0 : i32
    %c0_i32_0 = arith.constant 0 : i32
    %c0_i32_1 = arith.constant 0 : i32
    return %c0_i32, %c0_i32_0 : i32, i32
  }
  func.func @transform_3(%arg0: i32) -> (i32, i32) {
    %c0_i32 = arith.constant 0 : i32
    %c0_i32_0 = arith.constant 0 : i32
    %c0_i32_1 = arith.constant 0 : i32
    return %c0_i32, %c0_i32_0 : i32, i32
  }
  func.func @transform_4(%arg0: i32) -> (i32, i32) {
    %c0_i32 = arith.constant 0 : i32
    %c0_i32_0 = arith.constant 0 : i32
    return %arg0, %c0_i32 : i32, i32
  }
}

module attributes {stable_mosaic.version = 14 : i64} {
  func.func @body(%arg0: i32, %arg1: memref<512x128xf32, #tpu.memory_space<vmem>>, %arg2: memref<512x128xf32, #tpu.memory_space<vmem>>, %arg3: memref<512x128xf32, #tpu.memory_space<vmem>>) attributes {dimension_semantics = [#tpu.dimension_semantics<arbitrary>], iteration_bounds = array<i64: 13>, scalar_prefetch = 0 : i64, scratch_operands = 0 : i64, tpu.core_type = #tpu.core_type<tc>, window_params = [{transform_indices = @transform_0, window_bounds = array<i64: 512, 128>}, {transform_indices = @transform_1, window_bounds = array<i64: 512, 128>}, {transform_indices = @transform_2, window_bounds = array<i64: 512, 128>}]} {
    %get3A = arith.constant 0 : index
    %get3A_0 = arith.constant 0 : index
    %get3A_1 = vector.load %arg1[%get3A, %get3A_0] : memref<512x128xf32, #tpu.memory_space<vmem>>, vector<512x128xf32>
    %get3A_2 = arith.constant 0 : index
    %get3A_3 = arith.constant 0 : index
    %get3A_4 = vector.load %arg2[%get3A_2, %get3A_3] : memref<512x128xf32, #tpu.memory_space<vmem>>, vector<512x128xf32>
    %add3A = arith.addf %get3A_1, %get3A_4 : vector<512x128xf32>
    %swap3A = arith.constant 0 : index
    %swap3A_5 = arith.constant 0 : index
    %swap3A_6 = vector.load %arg3[%swap3A, %swap3A_5] : memref<512x128xf32, #tpu.memory_space<vmem>>, vector<512x128xf32>
    tpu.vector_store %arg3[%swap3A, %swap3A_5], %add3A {strides = array<i32>} : memref<512x128xf32, #tpu.memory_space<vmem>>, vector<512x128xf32>,
    return
  }
  func.func @transform_0(%arg0: i32) -> (i32, i32) {
    %c0_i32 = arith.constant 0 : i32
    %c0_i32_0 = arith.constant 0 : i32
    return %arg0, %c0_i32 : i32, i32
  }
  func.func @transform_1(%arg0: i32) -> (i32, i32) {
    %c0_i32 = arith.constant 0 : i32
    %c0_i32_0 = arith.constant 0 : i32
    return %arg0, %c0_i32 : i32, i32
  }
  func.func @transform_2(%arg0: i32) -> (i32, i32) {
    %c0_i32 = arith.constant 0 : i32
    %c0_i32_0 = arith.constant 0 : i32
    return %arg0, %c0_i32 : i32, i32
  }
}

</mosaic_0001>

<sc_bundles>
// kernel: kernel.10.cloned.1.call-start
scs
__scs_entry_jumppad:
0x0: {  	(pc) =	sbr.rel $0x88, $3  }
0x1: {  	(tag) =	ssettag $0x0;
	lr =	simm.s32 $0x1  }
0x2: {  	[smem:$0x3F94] =	sst lr;
	_ =	strace $0xD0000000  }
0x3: {  	_ = 	snop  }
0x4: {  	_ = 	snop  }
0x5: {  	_ = 	snop  }
0x6: {  	_ = 	snop  }
0x7: {  	_ = 	snop  }
__scs_overlays_trampoline_lowered:
0x8: {  	[smem:$0x3FA3] =	sst s0  }
0x9: {  	[smem:$0x3FA4] =	sst s1  }
0xa: {  	[smem:$0x3FA5] =	sst s2  }
0xb: {  	[smem:$0x3FA6] =	sst s3  }
0xc: {  	[smem:$0x3FA7] =	sst s4  }
0xd: {  	[smem:$0x3FA8] =	sst s5  }
0xe: {  	[smem:$0x3FA9] =	sst s6  }
0xf: {  	[smem:$0x3FAA] =	sst s7  }
0x10: {  	[smem:$0x3FAB] =	sst s8  }
0x11: {  	[smem:$0x3FAC] =	sst s9;
	s0 =	simm.s32 @!p0 $0x0  }
0x12: {  	s1 =	sld [smem:$0x3F92];
	s0 =	simm.s32 @p0 $0x1  }
0x13: {  	[smem:$0x3FAD] =	sst s0;
	s0 =	simm.s32 @!p1 $0x0  }
0x14: {  	s2 =	sld [smem:$0x3F91];
	s0 =	simm.s32 @p1 $0x1  }
0x15: {  	[smem:$0x3FAE] =	sst s0;
	s0 =	simm.s32 @!p2 $0x0  }
0x16: {  	s3 =	sld [smem:$0x3FDB];
	s0 =	simm.s32 @p2 $0x1  }
0x17: {  	s4 =	simm.s32 $0x1BF5;
	[smem:$0x3FB0] =	sst s0  }
0x18: {  	s0 =	sld [smem:$0x3F93];
	_ =	swait.ge [sflag:s4], $0x0  }
0x19: {  	s7 =	sld [smem:$0x3F94]  }
0x1a: {  	s8 =	sadd.s32 $0xFFFFE003, lr  }
0x1b: {  	s9 =	sadd.s32 $0xFFFFFEF7, lr;
	s5 =	simm.s32 $0xFFFFFFFF;
	p2 =	slt.u32 s8, $0xFFFFF086  }
0x1c: {  	p1 =	slt.u32 s9, $0xF7A;
	s5 =	simm.s32 @!p2 $0x0  }
0x1d: {  	s5 =	simm.s32 @p1 $0x1;
	p0 =	seq.s32 s7, s2  }
0x1e: {  	s7 =	smul.u32 @!p0 $0xF7A, s2;
	p2 =	seq.s32 @!p0 s5, $0x0  }
0x1f: {  	s9 =	smul.u32 $0xF7A, s1;
	s8 =	simm.s32 @!p0 $0x1BF5;
	p2 =	por !p2, p0  }
0x20: {  	[sflag:s8] =	ssyncset.s32 @!p0 $0xFFFFF086;
	s6 =	sadd.s32 @!p0 s3, s7;
	s7 =	simm.s32 @!p0 $0x108  }
0x21: {  	s3 =	sadd.s32 s3, s9;
	s6 =	sadd.s32 @!p0 $0x88, s6;
	s7 =	simm.s32 @p2 $0x1082  }
0x22: {  	[simem:s7], [sflag:s8] =	dma.local @!p0 [hbm:s6], $0xF7A  }
0x23: {  	s9 =	sor.u32 $0xD0000000, s2;
	s6 =	simm.s32 $0x108;
	_ =	swait.ge @!p0 [sflag:s8], $0x0  }
0x24: {  	s3 =	sadd.s32 $0x88, s3;
	s6 =	simm.s32 @!p1 $0x1082;
	[sflag:s4] =	ssyncset.s32 $0xFFFFF086  }
0x25: {  	[simem:s6], [sflag:s4] =	dma.local [hbm:s3], $0xF7A  }
0x26: {  	[smem:$0x3F94] =	sst s1;
	(tag) =	ssettag s2;
	_ =	strace s9  }
0x27: {  	s1 =	sld [smem:$0x3FA4]  }
0x28: {  	s2 =	sld [smem:$0x3FA5]  }
0x29: {  	s4 =	sld [smem:$0x3FA7]  }
0x2a: {  	p0 =	seq.s32 s5, $0x0;
	s5 =	sld [smem:$0x3FA8]  }
0x2b: {  	s6 =	sld [smem:$0x3FA9]  }
0x2c: {  	s7 =	sld [smem:$0x3FAA]  }
0x2d: {  	s3 =	simm.s32 $0x108;
	s8 =	sld [smem:$0x3FAB]  }
0x2e: {  	s3 =	simm.s32 @!p0 $0x1082;
	s9 =	sld [smem:$0x3FAC]  }
0x2f: {  	lr =	sadd.s32 s0, s3;
	s0 =	sld [smem:$0x3FA3]  }
0x30: {  	s3 =	sld [smem:$0x3FA6]  }
0x31: {  	[smem:$0x3FAF] =	sst s10  }
0x32: {  	s10 =	sld [smem:$0x3FAD];
	_ =	sdelay $0x3  }
0x33: {  	p0 =	seq.s32 s10, $0x1;
	s10 =	sld [smem:$0x3FAF];
	_ =	sdelay $0x3  }
0x34: {  	[smem:$0x3FAF] =	sst s10  }
0x35: {  	s10 =	sld [smem:$0x3FAE];
	_ =	sdelay $0x3  }
0x36: {  	p1 =	seq.s32 s10, $0x1;
	s10 =	sld [smem:$0x3FAF];
	_ =	sdelay $0x3  }
0x37: {  	[smem:$0x3FAF] =	sst s10  }
0x38: {  	s10 =	sld [smem:$0x3FB0]  }
0x39: {  	_ = 	snop;
	(pc) =	sbr.ind lr, $3  }
0x3a: {  	_ = 	snop  }
0x3b: {  	_ = 	snop  }
0x3c: {  	p2 =	seq.s32 s10, $0x1;
	s10 =	sld [smem:$0x3FAF]  }
0x3d: {  	_ =	shalt  }
0x3e: {  	_ =	shalt  }
0x3f: {  	_ =	shalt  }
0x40: {  	_ =	shalt  }
0x41: {  	_ =	shalt  }
0x42: {  	_ =	shalt  }
0x43: {  	_ =	shalt  }
0x44: {  	_ =	shalt  }
0x45: {  	_ =	shalt  }
0x46: {  	_ =	shalt  }
0x47: {  	_ =	shalt  }
0x48: {  	_ =	shalt  }
0x49: {  	_ =	shalt  }
0x4a: {  	_ =	shalt  }
0x4b: {  	_ =	shalt  }
0x4c: {  	_ =	shalt  }
0x4d: {  	_ =	shalt  }
0x4e: {  	_ =	shalt  }
0x4f: {  	_ =	shalt  }
0x50: {  	_ =	shalt  }
0x51: {  	_ =	shalt  }
0x52: {  	_ =	shalt  }
0x53: {  	_ =	shalt  }
0x54: {  	_ =	shalt  }
0x55: {  	_ =	shalt  }
0x56: {  	_ =	shalt  }
0x57: {  	_ =	shalt  }
0x58: {  	_ =	shalt  }
0x59: {  	_ =	shalt  }
0x5a: {  	_ =	shalt  }
0x5b: {  	_ =	shalt  }
0x5c: {  	_ =	shalt  }
0x5d: {  	_ =	shalt  }
0x5e: {  	_ =	shalt  }
0x5f: {  	_ =	shalt  }
0x60: {  	_ =	shalt  }
0x61: {  	_ =	shalt  }
0x62: {  	_ =	shalt  }
0x63: {  	_ =	shalt  }
0x64: {  	_ =	shalt  }
0x65: {  	_ =	shalt  }
0x66: {  	_ =	shalt  }
0x67: {  	_ =	shalt  }
0x68: {  	_ =	shalt  }
0x69: {  	_ =	shalt  }
0x6a: {  	_ =	shalt  }
0x6b: {  	_ =	shalt  }
0x6c: {  	_ =	shalt  }
0x6d: {  	_ =	shalt  }
0x6e: {  	_ =	shalt  }
0x6f: {  	_ =	shalt  }
0x70: {  	_ =	shalt  }
0x71: {  	_ =	shalt  }
0x72: {  	_ =	shalt  }
0x73: {  	_ =	shalt  }
0x74: {  	_ =	shalt  }
0x75: {  	_ =	shalt  }
0x76: {  	_ =	shalt  }
0x77: {  	_ =	shalt  }
0x78: {  	_ =	shalt  }
0x79: {  	_ =	shalt  }
0x7a: {  	_ =	shalt  }
0x7b: {  	_ =	shalt  }
0x7c: {  	_ =	shalt  }
0x7d: {  	_ =	shalt  }
0x7e: {  	_ =	shalt  }
0x7f: {  	_ =	shalt  }
0x80: {  	_ =	shalt  }
0x81: {  	_ =	shalt  }
0x82: {  	_ =	shalt  }
0x83: {  	_ =	shalt  }
0x84: {  	_ =	shalt  }
0x85: {  	_ =	shalt  }
0x86: {  	_ =	shalt  }
0x87: {  	_ =	shalt  }
.Lfunc_end0:
.L_simem_size_0:
called_computation.2_lowered:
.L_overlay_start_0:
0x88: {  	s2 =	sld [smem:$0x3FD9]  }
0x89: {  	s3 =	sld [smem:$0x3FFE];
	_ =	sdelay $0x1  }
0x8a: {  	s1 =	srdreg.scid  }
0x8b: {  	s0 =	sand.u32 $0x1, s1  }
0x8c: {  	s14 =	sshll.u32 s0, $0xA;
	s2 =	sadd.s32 s3, s2  }
0x8d: {  	s2 =	sadd.s32 s2, s14  }
0x8e: {  	[smem:$0x3FBB] =	sst s2  }
0x8f: {  	_ = 	snop  }
0x90: {  	s2 =	sld [smem:$0x3FD0];
	_ =	sdelay $0x2  }
0x91: {  	s4 =	simm.s32 $0xC;
	s5 =	simm.s32 $0x10;
	s15 =	sld [smem:$0x3FBE]  }
0x92: {  	[smem:s5], [sflag:s4] =	dma.local [hbm:s2], $0x1  }
0x93: {  	_ =	swait.eq [sflag:s4], $0x1  }
0x94: {  	[sflag:s4] =	ssyncset.done $0x0  }
0x95: {  	[sflag:s4] =	ssyncadd.s32 $0xFFFFFFFF  }
0x96: {  	s16 =	sld [smem:$0x12];
	(tm) =	ssettm $0x1  }
0x97: {  	s17 =	sld [smem:$0x3FFB];
	_ =	sdelay $0x3  }
0x98: {  	_ =	strace s17  }
0x99: {  	s4 =	sld [smem:$0x3FFC];
	_ =	sdelay $0x3  }
0x9a: {  	_ =	strace s4  }
0x9b: {  	s4 =	sld [smem:$0x3FFD];
	_ =	sdelay $0x3  }
0x9c: {  	_ =	strace s4  }
0x9d: {  	_ =	strace $0x8FFFFFFF  }
0x9e: {  	s18 =	sld [smem:$0x3FDB];
	_ =	sdelay $0x1  }
0x9f: {  	s19 =	simm.s32 $_scs_section_size  }
0xa0: {  	s6 =	simm.s32 $_size__tile_overlayer_lowered;
	s7 =	simm.s32 $_tile_overlayer_lowered  }
0xa1: {  	s22 =	simm.s32 $0x1BFF;
	s21 =	sshll.u32 s7, $0x1;
	s4 =	sadd.s32 s19, s18  }
0xa2: {  	s8 =	simm.s32 $0x0;
	s20 =	sshll.u32 s6, $0x1;
	s6 =	sadd.s32 s21, s4  }
0xa3: {  	[timem:s8], [sflag:s22] =	dma.local [hbm:s6], s20  }
0xa4: {  	_ =	swait.ge [sflag:s22], s20  }
0xa5: {  	s5 =	ssub.s32 $0x0, s20;
	[sflag:s22] =	ssyncset.done $0x0  }
0xa6: {  	[sflag:s22] =	ssyncadd.s32 s5;
	_ =	sdelay $0x1  }
0xa7: {  	s23 =	simm.s32 $0x1B8B  }
0xa8: {  	_ =	swait.ge [sflag:s23], $0x1  }
0xa9: {  	[sflag:s23] =	ssyncset.done $0x0  }
0xaa: {  	s25 =	simm.s32 $0x1B8E;
	s24 =	sld [smem:$0x3FFE];
	[sflag:s23] =	ssyncadd.s32 $0xFFFFFFFF  }
0xab: {  	s26 =	simm.s32 $execute0_lowered;
	[smem:$0x3FD2] =	sst s25  }
0xac: {  	s6 =	sshll.u32 s26, $0x1;
	_ =	strace $0x80000046;
	[dreg:$0x1] =	wrdreg $0xFFFFFFFF  }
0xad: {  	s28 =	simm.s32 $_size_execute0_lowered;
	s4 =	sadd.s32 s4, s6;
	[dreg:$0x0] =	wrdreg $0x0  }
0xae: {  	s6 =	sshll.u32 s28, $0x1;
	[dreg:$0x2] =	wrdreg s4  }
0xaf: {  	[dreg:$0x3] =	wrdreg s6  }
0xb0: {  	[dreg:$0x4] =	wrdreg $0xC0  }
0xb1: {  	_ =	task [dreg:s8], $0x5FFFF  }
0xb2: {  	[dreg:$0x1] =	wrdreg $0xFFFFFFFF  }
0xb3: {  	[dreg:$0x0] =	wrdreg $0x60  }
0xb4: {  	[dreg:$0x2] =	wrdreg s16  }
0xb5: {  	[dreg:$0x3] =	wrdreg s15  }
0xb6: {  	[dreg:$0x4] =	wrdreg s24  }
0xb7: {  	[dreg:$0x5] =	wrdreg $0x9  }
0xb8: {  	_ =	task.clear_ibuf [dreg:s8], $0x6FFFF;
	_ =	strace $0x90000046  }
0xb9: {  	s29 =	simm.s32 $0x9;
	_ =	strace $0x80000048  }
0xba: {  	_ =	swait.ge [sflag:s29], $0x1  }
0xbb: {  	[sflag:s29] =	ssyncadd.s32 $0xFFFFFFFF  }
0xbc: {  	_ =	strace $0x90000048  }
0xbd: {  	_ =	sfence  }
0xbe: {  	s30 =	sld [smem:$0x0];
	_ =	sdelay $0x2  }
0xbf: {  	s31 =	sshll.u32 s1, $0xD;
	s1 =	sshrl.u32 s1, $0x2  }
0xc0: {  	s3 =	sand.u32 $0x4000, s31;
	s1 =	sadd.s32 s1, s30  }
0xc1: {  	s0 =	sor.u32 s3, s0;
	s1 =	sshll.u32 s1, $0x11  }
0xc2: {  	s0 =	sor.u32 s1, s0  }
0xc3: {  	s0 =	sadd.s32 $0x8F2B, s0  }
0xc4: {  	[sflag:s0] =	ssyncadd.remote.s32 $0x1  }
0xc5: {  	_ =	sfence.sel $0xFFFF  }
0xc6: {  	[dreg:$0x0] =	wrdreg $0xFFFFFFFF;
	(pc) =	sbr.abs _section_cstart, $3  }
0xc7: {  	[dreg:$0x1] =	wrdreg $0xFFFFFFFF  }
0xc8: {  	_ =	task.clear_ibuf [dreg:s8], $0x2FFFF;
	_ =	strace $0x9FFFFFFF  }
0xc9: {  	(tm) =	ssettm $0x7FFFFFFF  }
tec
execute0_lowered:
.L_overlay_start_1:
0x0: {  	(tag) =	ssettag $0x1  }
0x1: {  	s1 =	rddreg [dreg:$0x0]  }
0x2: {  	s9 =	rddreg [dreg:$0x1]  }
0x3: {  	s2 =	srdreg.scid;
	s0 =	stileid.u32  }
0x4: {  	s4 =	rddreg [dreg:$0x2];
	s3 =	simm.s32 $0x0;
	s13 =	simm.s32 $0x600  }
0x5: {  	s14 =	simm.s32 $0xC00;
	s15 =	simm.s32 $0x6C00;
	s16 =	simm.s32 $0x1  }
0x6: {  	s17 =	simm.s32 $0x2;
	s18 =	simm.s32 $0x80;
	s19 =	simm.s32 $0x0  }
0x7: {  	s5 =	sand.u32 $0x1, s2;
	s6 =	sshll.u32 s0, $0x1;
	s2 =	rddreg [dreg:$0x3]  }
0x8: {  	[smem:$0x7FF] =	sst s3;
	s11 =	smul.u32 $0x30C, s0;
	s12 =	sadd.s32 $0x3A00, s4  }
0x9: {  	p0 =	slt.u32 s0, $0xA;
	s4 =	simm.s32 $0x7;
	s6 =	sor.u32 s5, s6  }
0xa: {  	s7 =	ssub.s32 $0x2, s5;
	_ =	strace $0x80000047;
	s5 =	smul.u32 $0x186, s5  }
0xb: {  	s4 =	simm.s32 @!p0 $0x6;
	s8 =	smul.u32 $0x186, s6;
	s10 =	sshrl.u32 s7, $0x1  }
0xc: {  	s6 =	smin.u32 s6, $0x14;
	s7 =	ssub.s32 s7, s10;
	s26 =	sadd.s32 s5, s11  }
0xd: {  	s8 =	sadd.s32 s6, s8;
	s5 =	smax.u32 s7, $0x1;
	s10 =	sadd.s32 s6, s26  }
0xe: {  	s28 =	sshll.u32 s8, $0x4;
	s29 =	sshll.u32 s8, $0x8;
	s30 =	sshll.u32 s10, $0x8  }
0xf: {  	s10 =	sshll.u32 s10, $0x4;
	s6 =	sadd.s32 s9, s28;
	s7 =	sadd.s32 s12, s29  }
0x10: {  	s31 =	sadd.s32 s30, s12;
	s9 =	sadd.s32 s10, s9;
	s12 =	simm.s32 $0x3  }
0x11: {  	s8 =	sadd.s32 $0x1800, s31;
	s10 =	sadd.s32 $0x18000, s31;
	s11 =	sadd.s32 $0x1800, s9  }
.LBB2_1:
0x12: {  	[tilespmem:s3], [sflag:$0x3] =	stream.linear.gather [hbm4b:s6+s3], $0xC00, $0x38;
	[tilespmem:$0xCC00] =	vst v63  }
0x13: {  	_ =	swait.ge [sflag:s12], $0xC00  }
0x14: {  	[sflag:s12] =	ssyncset.done $0x0  }
0x15: {  	[sflag:s12] =	ssyncadd.s32 $0xFFFFF400  }
0x16: {  	[tilespmem:s14], [sflag:$0x1] =	stream.indirect.gather [hbm4b:s1+s13], $0x10, s3, s13, $0xb8;
	[tilespmem:$0xCC00] =	vst v63  }
0x17: {  	_ = 	snop  }
0x18: {  	[tilespmem:s15], [sflag:$0x1] =	stream.indirect.gather [hbm4b:s1+s13], $0x10, s13, s13, $0xb8;
	[tilespmem:$0xCC00] =	vst v63  }
0x19: {  	_ =	swait.ge [sflag:s16], $0x6000  }
0x1a: {  	[sflag:s16] =	ssyncset.done $0x0  }
0x1b: {  	[sflag:s16] =	ssyncadd.s32 $0xFFFFA000  }
0x1c: {  	_ =	swait.ge [sflag:s16], $0x6000  }
0x1d: {  	[sflag:s16] =	ssyncset.done $0x0  }
0x1e: {  	[sflag:s16] =	ssyncadd.s32 $0xFFFFA000  }
0x1f: {  	[hbm4b:s7+s3] =	stream.linear.scatter [tilespmem:s14], [sflag:$0x2], $0xC000, $0x38;
	[tilespmem:$0xCC00] =	vst v63  }
0x20: {  	s20 =	sadd.s32 $0x180, s9  }
0x21: {  	[tilespmem:s3], [sflag:$0x3] =	stream.linear.gather [hbm4b:s20+s3], $0xC00, $0x38;
	[tilespmem:$0xCC00] =	vst v63  }
0x22: {  	_ =	swait.ge [sflag:s12], $0xC00  }
0x23: {  	[sflag:s12] =	ssyncset.done $0x0  }
0x24: {  	[sflag:s12] =	ssyncadd.s32 $0xFFFFF400  }
0x25: {  	_ =	swait.ge [sflag:s17], $0xC000  }
0x26: {  	[sflag:s17] =	ssyncset.done $0x0  }
0x27: {  	[sflag:s17] =	ssyncadd.s32 $0xFFFF4000  }
0x28: {  	[tilespmem:s14], [sflag:$0x1] =	stream.indirect.gather [hbm4b:s1+s13], $0x10, s3, s13, $0xb8;
	[tilespmem:$0xCC00] =	vst v63  }
0x29: {  	_ = 	snop  }
0x2a: {  	[tilespmem:s15], [sflag:$0x1] =	stream.indirect.gather [hbm4b:s1+s13], $0x10, s13, s13, $0xb8;
	[tilespmem:$0xCC00] =	vst v63  }
0x2b: {  	_ =	swait.ge [sflag:s16], $0x6000  }
0x2c: {  	[sflag:s16] =	ssyncset.done $0x0  }
0x2d: {  	[sflag:s16] =	ssyncadd.s32 $0xFFFFA000  }
0x2e: {  	_ =	swait.ge [sflag:s16], $0x6000  }
0x2f: {  	s21 =	sadd.s32 $0x1800, s8;
	[sflag:s16] =	ssyncset.done $0x0  }
0x30: {  	s22 =	smov.u32 s8;
	s20 =	simm.s32 $0x300;
	[sflag:s16] =	ssyncadd.s32 $0xFFFFA000  }
.LBB2_2:
0x31: {  	[hbm4b:s22+s3] =	stream.linear.scatter [tilespmem:s14], [sflag:$0x2], $0xC000, $0x38;
	[tilespmem:$0xCC00] =	vst v63  }
0x32: {  	s22 =	sadd.s32 s20, s9;
	p0 =	sne.s32 s20, $0x1680;
	s20 =	sadd.s32 $0x180, s20  }
0x33: {  	[tilespmem:s3], [sflag:$0x3] =	stream.linear.gather [hbm4b:s22+s3], $0xC00, $0x38;
	[tilespmem:$0xCC00] =	vst v63  }
0x34: {  	s22 =	smov.u32 s21;
	_ =	swait.ge [sflag:s12], $0xC00  }
0x35: {  	[sflag:s12] =	ssyncset.done $0x0  }
0x36: {  	[sflag:s12] =	ssyncadd.s32 $0xFFFFF400  }
0x37: {  	_ =	swait.ge [sflag:s17], $0xC000  }
0x38: {  	[sflag:s17] =	ssyncset.done $0x0  }
0x39: {  	[sflag:s17] =	ssyncadd.s32 $0xFFFF4000  }
0x3a: {  	[tilespmem:s14], [sflag:$0x1] =	stream.indirect.gather [hbm4b:s1+s13], $0x10, s3, s13, $0xb8;
	[tilespmem:$0xCC00] =	vst v63  }
0x3b: {  	_ = 	snop  }
0x3c: {  	[tilespmem:s15], [sflag:$0x1] =	stream.indirect.gather [hbm4b:s1+s13], $0x10, s13, s13, $0xb8;
	[tilespmem:$0xCC00] =	vst v63  }
0x3d: {  	_ =	swait.ge [sflag:s16], $0x6000  }
.Ltmp0:
0x3e: {  	[sflag:s16] =	ssyncset.done $0x0;
	(pc) =	sbr.rel @p0 .LBB2_2-.Ltmp0, $4  }
0x3f: {  	[sflag:s16] =	ssyncadd.s32 $0xFFFFA000  }
0x40: {  	_ =	swait.ge [sflag:s16], $0x6000  }
0x41: {  	[sflag:s16] =	ssyncset.done $0x0  }
0x42: {  	s21 =	sadd.s32 $0x1800, s21;
	[sflag:s16] =	ssyncadd.s32 $0xFFFFA000  }
0x43: {  	[hbm4b:s22+s3] =	stream.linear.scatter [tilespmem:s14], [sflag:$0x2], $0xC000, $0x38;
	[tilespmem:$0xCC00] =	vst v63  }
0x44: {  	_ =	swait.ge [sflag:s17], $0xC000  }
0x45: {  	[sflag:s17] =	ssyncset.done $0x0  }
0x46: {  	[sflag:s17] =	ssyncadd.s32 $0xFFFF4000  }
0x47: {  	[tilespmem:s3], [sflag:$0x3] =	stream.linear.gather [hbm4b:s11+s3], $0x80, $0x38;
	[tilespmem:$0xCC00] =	vst v63  }
0x48: {  	_ =	swait.ge [sflag:s12], $0x80  }
0x49: {  	[sflag:s12] =	ssyncset.done $0x0  }
0x4a: {  	[sflag:s12] =	ssyncadd.s32 $0xFFFFFF80  }
0x4b: {  	[tilespmem:s14], [sflag:$0x1] =	stream.indirect.gather [hbm4b:s1+s18], $0x10, s3, s18, $0xb8;
	[tilespmem:$0xCC00] =	vst v63  }
0x4c: {  	p0 =	sne.s32 s4, $0x1;
	_ =	swait.ge [sflag:s16], $0x800  }
.Ltmp1:
0x4d: {  	[sflag:s16] =	ssyncset.done $0x0;
	(pc) =	sbr.rel @!p0 .LBB2_5-.Ltmp1, $4  }
0x4e: {  	[sflag:s16] =	ssyncadd.s32 $0xFFFFF800  }
0x4f: {  	[hbm4b:s10+s3] =	stream.linear.scatter [tilespmem:s14], [sflag:$0x3], $0x800, $0x38;
	[tilespmem:$0xCC00] =	vst v63  }
0x50: {  	s20 =	sadd.s32 $0xFFFFFFFF, s4;
	_ =	swait.ge [sflag:s12], $0x800  }
0x51: {  	s21 =	smov.u32 s10;
	s22 =	smov.u32 s11;
	[sflag:s12] =	ssyncset.done $0x0  }
.LBB2_4:
0x52: {  	[sflag:s12] =	ssyncadd.s32 $0xFFFFF800;
	s21 =	sadd.s32 $0x100, s21;
	s22 =	sadd.s32 $0x10, s22  }
0x53: {  	[tilespmem:s3], [sflag:$0x3] =	stream.linear.gather [hbm4b:s22+s3], $0x80, $0x38;
	[tilespmem:$0xCC00] =	vst v63  }
0x54: {  	p0 =	sne.s32 s20, $0x1;
	s20 =	sadd.s32 $0xFFFFFFFF, s20;
	_ =	swait.ge [sflag:s12], $0x80  }
0x55: {  	[sflag:s12] =	ssyncset.done $0x0  }
0x56: {  	[sflag:s12] =	ssyncadd.s32 $0xFFFFFF80  }
0x57: {  	[tilespmem:s14], [sflag:$0x1] =	stream.indirect.gather [hbm4b:s1+s18], $0x10, s3, s18, $0xb8;
	[tilespmem:$0xCC00] =	vst v63  }
0x58: {  	_ =	swait.ge [sflag:s16], $0x800  }
.Ltmp2:
0x59: {  	[sflag:s16] =	ssyncset.done $0x0;
	(pc) =	sbr.rel @p0 .LBB2_4-.Ltmp2, $4  }
0x5a: {  	[sflag:s16] =	ssyncadd.s32 $0xFFFFF800  }
0x5b: {  	[hbm4b:s21+s3] =	stream.linear.scatter [tilespmem:s14], [sflag:$0x3], $0x800, $0x38;
	[tilespmem:$0xCC00] =	vst v63  }
0x5c: {  	_ =	swait.ge [sflag:s12], $0x800  }
0x5d: {  	[sflag:s12] =	ssyncset.done $0x0  }
.LBB2_5:
0x5e: {  	s19 =	sadd.s32 $0x1, s19  }
0x5f: {  	p0 =	sne.s32 s19, s5  }
.Ltmp3:
0x60: {  	_ = 	snop;
	(pc) =	sbr.rel @p0 .LBB2_1-.Ltmp3, $2  }
0x61: {  	_ =	sdelay $0x2  }
0x62: {  	[sflag:s12] =	ssyncadd.s32 $0xFFFFF800  }
0x63: {  	_ =	sfence.sel $0x180000  }
0x64: {  	[bflag:$0x0] =	sbarrier.arrive $0xFFFF  }
0x65: {  	p0 =	sne.s32 s0, $0x0;
	_ =	strace $0x90000047  }
0x66: {  	s0 =	sadd.s32 @!p0 $0x100000, s2;
	[bflag:$0x2] =	sbarrier.arrive $0xFFFF  }
0x67: {  	[sflag:s0] =	ssyncadd.tile.s32 @!p0 $0x1;
	_ =	shalt  }
.Lfunc_end2:
_tile_overlayer_lowered:
.L_overlay_start_2:
0x68: {  	(tag) =	ssettag $0x2  }
0x69: {  	s0 =	rddreg [dreg:$0x0];
	s2 =	stileid.u32  }
0x6a: {  	s1 =	rddreg [dreg:$0x1];
	p0 =	sne.s32 s2, $0x0  }
0x6b: {  	s3 =	rddreg [dreg:$0x2];
	[bflag:$0x3] =	sbarrier.arrive $0xFFFF;
	s2 =	simm.s32 @!p0 $0x1C03  }
0x6c: {  	[timem:s3], [sflag:s2] =	dma.local @!p0 [hbm:s0], s1  }
0x6d: {  	s0 =	simm.s32 @!p0 $0x3  }
0x6e: {  	_ =	swait.ge @!p0 [sflag:s0], s1  }
0x6f: {  	s1 =	ssub.s32 @!p0 $0x0, s1;
	[sflag:s0] =	ssyncset.done @!p0 $0x0  }
0x70: {  	[sflag:s0] =	ssyncadd.s32 @!p0 s1  }
0x71: {  	[bflag:$0x3] =	sbarrier.arrive $0xFFFF  }
0x72: {  	_ =	shalt  }

// kernel: kernel.13.cloned.1.call-start
scs
__scs_entry_jumppad:
0x0: {  	(pc) =	sbr.rel $0x88, $3  }
0x1: {  	(tag) =	ssettag $0x0;
	lr =	simm.s32 $0x1  }
0x2: {  	[smem:$0x3F94] =	sst lr;
	_ =	strace $0xD0000000  }
0x3: {  	_ = 	snop  }
0x4: {  	_ = 	snop  }
0x5: {  	_ = 	snop  }
0x6: {  	_ = 	snop  }
0x7: {  	_ = 	snop  }
__scs_overlays_trampoline_lowered:
0x8: {  	[smem:$0x3FA3] =	sst s0  }
0x9: {  	[smem:$0x3FA4] =	sst s1  }
0xa: {  	[smem:$0x3FA5] =	sst s2  }
0xb: {  	[smem:$0x3FA6] =	sst s3  }
0xc: {  	[smem:$0x3FA7] =	sst s4  }
0xd: {  	[smem:$0x3FA8] =	sst s5  }
0xe: {  	[smem:$0x3FA9] =	sst s6  }
0xf: {  	[smem:$0x3FAA] =	sst s7  }
0x10: {  	[smem:$0x3FAB] =	sst s8  }
0x11: {  	[smem:$0x3FAC] =	sst s9;
	s0 =	simm.s32 @!p0 $0x0  }
0x12: {  	s1 =	sld [smem:$0x3F92];
	s0 =	simm.s32 @p0 $0x1  }
0x13: {  	[smem:$0x3FAD] =	sst s0;
	s0 =	simm.s32 @!p1 $0x0  }
0x14: {  	s2 =	sld [smem:$0x3F91];
	s0 =	simm.s32 @p1 $0x1  }
0x15: {  	[smem:$0x3FAE] =	sst s0;
	s0 =	simm.s32 @!p2 $0x0  }
0x16: {  	s3 =	sld [smem:$0x3FDB];
	s0 =	simm.s32 @p2 $0x1  }
0x17: {  	s4 =	simm.s32 $0x1BF5;
	[smem:$0x3FB0] =	sst s0  }
0x18: {  	s0 =	sld [smem:$0x3F93];
	_ =	swait.ge [sflag:s4], $0x0  }
0x19: {  	s7 =	sld [smem:$0x3F94]  }
0x1a: {  	s8 =	sadd.s32 $0xFFFFE003, lr  }
0x1b: {  	s9 =	sadd.s32 $0xFFFFFEF7, lr;
	s5 =	simm.s32 $0xFFFFFFFF;
	p2 =	slt.u32 s8, $0xFFFFF086  }
0x1c: {  	p1 =	slt.u32 s9, $0xF7A;
	s5 =	simm.s32 @!p2 $0x0  }
0x1d: {  	s5 =	simm.s32 @p1 $0x1;
	p0 =	seq.s32 s7, s2  }
0x1e: {  	s7 =	smul.u32 @!p0 $0xF7A, s2;
	p2 =	seq.s32 @!p0 s5, $0x0  }
0x1f: {  	s9 =	smul.u32 $0xF7A, s1;
	s8 =	simm.s32 @!p0 $0x1BF5;
	p2 =	por !p2, p0  }
0x20: {  	[sflag:s8] =	ssyncset.s32 @!p0 $0xFFFFF086;
	s6 =	sadd.s32 @!p0 s3, s7;
	s7 =	simm.s32 @!p0 $0x108  }
0x21: {  	s3 =	sadd.s32 s3, s9;
	s6 =	sadd.s32 @!p0 $0x88, s6;
	s7 =	simm.s32 @p2 $0x1082  }
0x22: {  	[simem:s7], [sflag:s8] =	dma.local @!p0 [hbm:s6], $0xF7A  }
0x23: {  	s9 =	sor.u32 $0xD0000000, s2;
	s6 =	simm.s32 $0x108;
	_ =	swait.ge @!p0 [sflag:s8], $0x0  }
0x24: {  	s3 =	sadd.s32 $0x88, s3;
	s6 =	simm.s32 @!p1 $0x1082;
	[sflag:s4] =	ssyncset.s32 $0xFFFFF086  }
0x25: {  	[simem:s6], [sflag:s4] =	dma.local [hbm:s3], $0xF7A  }
0x26: {  	[smem:$0x3F94] =	sst s1;
	(tag) =	ssettag s2;
	_ =	strace s9  }
0x27: {  	s1 =	sld [smem:$0x3FA4]  }
0x28: {  	s2 =	sld [smem:$0x3FA5]  }
0x29: {  	s4 =	sld [smem:$0x3FA7]  }
0x2a: {  	p0 =	seq.s32 s5, $0x0;
	s5 =	sld [smem:$0x3FA8]  }
0x2b: {  	s6 =	sld [smem:$0x3FA9]  }
0x2c: {  	s7 =	sld [smem:$0x3FAA]  }
0x2d: {  	s3 =	simm.s32 $0x108;
	s8 =	sld [smem:$0x3FAB]  }
0x2e: {  	s3 =	simm.s32 @!p0 $0x1082;
	s9 =	sld [smem:$0x3FAC]  }
0x2f: {  	lr =	sadd.s32 s0, s3;
	s0 =	sld [smem:$0x3FA3]  }
0x30: {  	s3 =	sld [smem:$0x3FA6]  }
0x31: {  	[smem:$0x3FAF] =	sst s10  }
0x32: {  	s10 =	sld [smem:$0x3FAD];
	_ =	sdelay $0x3  }
0x33: {  	p0 =	seq.s32 s10, $0x1;
	s10 =	sld [smem:$0x3FAF];
	_ =	sdelay $0x3  }
0x34: {  	[smem:$0x3FAF] =	sst s10  }
0x35: {  	s10 =	sld [smem:$0x3FAE];
	_ =	sdelay $0x3  }
0x36: {  	p1 =	seq.s32 s10, $0x1;
	s10 =	sld [smem:$0x3FAF];
	_ =	sdelay $0x3  }
0x37: {  	[smem:$0x3FAF] =	sst s10  }
0x38: {  	s10 =	sld [smem:$0x3FB0]  }
0x39: {  	_ = 	snop;
	(pc) =	sbr.ind lr, $3  }
0x3a: {  	_ = 	snop  }
0x3b: {  	_ = 	snop  }
0x3c: {  	p2 =	seq.s32 s10, $0x1;
	s10 =	sld [smem:$0x3FAF]  }
0x3d: {  	_ =	shalt  }
0x3e: {  	_ =	shalt  }
0x3f: {  	_ =	shalt  }
0x40: {  	_ =	shalt  }
0x41: {  	_ =	shalt  }
0x42: {  	_ =	shalt  }
0x43: {  	_ =	shalt  }
0x44: {  	_ =	shalt  }
0x45: {  	_ =	shalt  }
0x46: {  	_ =	shalt  }
0x47: {  	_ =	shalt  }
0x48: {  	_ =	shalt  }
0x49: {  	_ =	shalt  }
0x4a: {  	_ =	shalt  }
0x4b: {  	_ =	shalt  }
0x4c: {  	_ =	shalt  }
0x4d: {  	_ =	shalt  }
0x4e: {  	_ =	shalt  }
0x4f: {  	_ =	shalt  }
0x50: {  	_ =	shalt  }
0x51: {  	_ =	shalt  }
0x52: {  	_ =	shalt  }
0x53: {  	_ =	shalt  }
0x54: {  	_ =	shalt  }
0x55: {  	_ =	shalt  }
0x56: {  	_ =	shalt  }
0x57: {  	_ =	shalt  }
0x58: {  	_ =	shalt  }
0x59: {  	_ =	shalt  }
0x5a: {  	_ =	shalt  }
0x5b: {  	_ =	shalt  }
0x5c: {  	_ =	shalt  }
0x5d: {  	_ =	shalt  }
0x5e: {  	_ =	shalt  }
0x5f: {  	_ =	shalt  }
0x60: {  	_ =	shalt  }
0x61: {  	_ =	shalt  }
0x62: {  	_ =	shalt  }
0x63: {  	_ =	shalt  }
0x64: {  	_ =	shalt  }
0x65: {  	_ =	shalt  }
0x66: {  	_ =	shalt  }
0x67: {  	_ =	shalt  }
0x68: {  	_ =	shalt  }
0x69: {  	_ =	shalt  }
0x6a: {  	_ =	shalt  }
0x6b: {  	_ =	shalt  }
0x6c: {  	_ =	shalt  }
0x6d: {  	_ =	shalt  }
0x6e: {  	_ =	shalt  }
0x6f: {  	_ =	shalt  }
0x70: {  	_ =	shalt  }
0x71: {  	_ =	shalt  }
0x72: {  	_ =	shalt  }
0x73: {  	_ =	shalt  }
0x74: {  	_ =	shalt  }
0x75: {  	_ =	shalt  }
0x76: {  	_ =	shalt  }
0x77: {  	_ =	shalt  }
0x78: {  	_ =	shalt  }
0x79: {  	_ =	shalt  }
0x7a: {  	_ =	shalt  }
0x7b: {  	_ =	shalt  }
0x7c: {  	_ =	shalt  }
0x7d: {  	_ =	shalt  }
0x7e: {  	_ =	shalt  }
0x7f: {  	_ =	shalt  }
0x80: {  	_ =	shalt  }
0x81: {  	_ =	shalt  }
0x82: {  	_ =	shalt  }
0x83: {  	_ =	shalt  }
0x84: {  	_ =	shalt  }
0x85: {  	_ =	shalt  }
0x86: {  	_ =	shalt  }
0x87: {  	_ =	shalt  }
.Lfunc_end0:
.L_simem_size_0:
called_computation.3_lowered:
.L_overlay_start_0:
0x88: {  	s2 =	sld [smem:$0x3FD9]  }
0x89: {  	s3 =	sld [smem:$0x3FFE];
	_ =	sdelay $0x1  }
0x8a: {  	s1 =	srdreg.scid  }
0x8b: {  	s0 =	sand.u32 $0x1, s1  }
0x8c: {  	s14 =	sshll.u32 s0, $0xA;
	s2 =	sadd.s32 s3, s2  }
0x8d: {  	s2 =	sadd.s32 s2, s14  }
0x8e: {  	[smem:$0x3FBB] =	sst s2  }
0x8f: {  	_ = 	snop  }
0x90: {  	s2 =	sld [smem:$0x3FD0];
	_ =	sdelay $0x2  }
0x91: {  	s4 =	simm.s32 $0xC;
	s5 =	simm.s32 $0x10;
	s15 =	sld [smem:$0x3FBD]  }
0x92: {  	[smem:s5], [sflag:s4] =	dma.local [hbm:s2], $0x1  }
0x93: {  	_ =	swait.eq [sflag:s4], $0x1  }
0x94: {  	[sflag:s4] =	ssyncset.done $0x0  }
0x95: {  	s16 =	sld [smem:$0x10];
	[sflag:s4] =	ssyncadd.s32 $0xFFFFFFFF  }
0x96: {  	s17 =	sld [smem:$0x13];
	(tm) =	ssettm $0x1  }
0x97: {  	s18 =	sld [smem:$0x3FFB];
	_ =	sdelay $0x3  }
0x98: {  	_ =	strace s18  }
0x99: {  	s5 =	sld [smem:$0x3FFC];
	_ =	sdelay $0x3  }
0x9a: {  	_ =	strace s5  }
0x9b: {  	s5 =	sld [smem:$0x3FFD];
	_ =	sdelay $0x3  }
0x9c: {  	_ =	strace s5  }
0x9d: {  	_ =	strace $0x8FFFFFFF  }
0x9e: {  	s19 =	sld [smem:$0x3FDB];
	_ =	sdelay $0x1  }
0x9f: {  	s6 =	simm.s32 $_scs_section_size  }
0xa0: {  	s7 =	simm.s32 $_size__tile_overlayer_lowered;
	s8 =	simm.s32 $_tile_overlayer_lowered  }
0xa1: {  	s22 =	simm.s32 $0x1BFF;
	s21 =	sshll.u32 s8, $0x1;
	s5 =	sadd.s32 s6, s19  }
0xa2: {  	s9 =	simm.s32 $0x0;
	s20 =	sshll.u32 s7, $0x1;
	s7 =	sadd.s32 s21, s5  }
0xa3: {  	[timem:s9], [sflag:s22] =	dma.local [hbm:s7], s20  }
0xa4: {  	_ =	swait.ge [sflag:s22], s20  }
0xa5: {  	s6 =	ssub.s32 $0x0, s20;
	[sflag:s22] =	ssyncset.done $0x0  }
0xa6: {  	[sflag:s22] =	ssyncadd.s32 s6;
	_ =	sdelay $0x1  }
0xa7: {  	s23 =	simm.s32 $0x1B8B  }
0xa8: {  	_ =	swait.ge [sflag:s23], $0x1  }
0xa9: {  	[sflag:s23] =	ssyncset.done $0x0  }
0xaa: {  	s25 =	simm.s32 $0x1B8E;
	s24 =	sld [smem:$0x3FFE];
	[sflag:s23] =	ssyncadd.s32 $0xFFFFFFFF  }
0xab: {  	s26 =	simm.s32 $execute0_lowered;
	[smem:$0x3FD2] =	sst s25  }
0xac: {  	s7 =	sshll.u32 s26, $0x1;
	_ =	strace $0x80000049;
	[dreg:$0x1] =	wrdreg $0xFFFFFFFF  }
0xad: {  	s28 =	simm.s32 $_size_execute0_lowered;
	s5 =	sadd.s32 s5, s7;
	[dreg:$0x0] =	wrdreg $0x0  }
0xae: {  	s7 =	sshll.u32 s28, $0x1;
	[dreg:$0x2] =	wrdreg s5  }
0xaf: {  	[dreg:$0x3] =	wrdreg s7  }
0xb0: {  	[dreg:$0x4] =	wrdreg $0xC0  }
0xb1: {  	_ =	task [dreg:s9], $0x5FFFF  }
0xb2: {  	[dreg:$0x1] =	wrdreg $0xFFFFFFFF  }
0xb3: {  	[dreg:$0x0] =	wrdreg $0x60  }
0xb4: {  	[dreg:$0x2] =	wrdreg s24  }
0xb5: {  	[dreg:$0x3] =	wrdreg s15  }
0xb6: {  	[dreg:$0x4] =	wrdreg s17  }
0xb7: {  	[dreg:$0x5] =	wrdreg s16  }
0xb8: {  	[dreg:$0x6] =	wrdreg $0x66000  }
0xb9: {  	[dreg:$0x7] =	wrdreg $0x9  }
0xba: {  	_ =	task.clear_ibuf [dreg:s9], $0x8FFFF;
	_ =	strace $0x90000049  }
0xbb: {  	s29 =	simm.s32 $0x9;
	_ =	strace $0x8000004B  }
0xbc: {  	_ =	swait.ge [sflag:s29], $0x1  }
0xbd: {  	[sflag:s29] =	ssyncadd.s32 $0xFFFFFFFF  }
0xbe: {  	_ =	strace $0x9000004B  }
0xbf: {  	_ =	sfence  }
0xc0: {  	s30 =	sld [smem:$0x0];
	_ =	sdelay $0x2  }
0xc1: {  	s31 =	sshll.u32 s1, $0xD;
	s1 =	sshrl.u32 s1, $0x2  }
0xc2: {  	s3 =	sand.u32 $0x4000, s31;
	s1 =	sadd.s32 s1, s30  }
0xc3: {  	s0 =	sor.u32 s3, s0;
	s1 =	sshll.u32 s1, $0x11  }
0xc4: {  	s0 =	sor.u32 s1, s0  }
0xc5: {  	s0 =	sadd.s32 $0x8F2B, s0  }
0xc6: {  	[sflag:s0] =	ssyncadd.remote.s32 $0x1  }
0xc7: {  	_ =	sfence.sel $0xFFFF  }
0xc8: {  	[dreg:$0x0] =	wrdreg $0xFFFFFFFF;
	(pc) =	sbr.abs _section_cstart, $3  }
0xc9: {  	[dreg:$0x1] =	wrdreg $0xFFFFFFFF  }
0xca: {  	_ =	task.clear_ibuf [dreg:s9], $0x2FFFF;
	_ =	strace $0x9FFFFFFF  }
0xcb: {  	(tm) =	ssettm $0x7FFFFFFF  }
tec
execute0_lowered:
.L_overlay_start_1:
0x0: {  	(tag) =	ssettag $0x1  }
0x1: {  	s0 =	rddreg [dreg:$0x0]  }
0x2: {  	s1 =	rddreg [dreg:$0x1]  }
0x3: {  	s4 =	rddreg [dreg:$0x2]  }
0x4: {  	s2 =	srdreg.scid;
	s12 =	stileid.u32  }
0x5: {  	s5 =	rddreg [dreg:$0x3];
	s25 =	simm.s32 $0xE00;
	s14 =	simm.s32 $0x2  }
0x6: {  	s26 =	simm.s32 $0x100;
	s28 =	simm.s32 $0x3E00;
	s29 =	simm.s32 $0x400  }
0x7: {  	s30 =	simm.s32 $0x4600;
	s31 =	simm.s32 $0x480;
	s6 =	sand.u32 $0x1, s2  }
0x8: {  	s7 =	smul.u32 $0x30C, s12;
	s2 =	rddreg [dreg:$0x4];
	s3 =	sshll.u32 s12, $0x1  }
0x9: {  	s10 =	smul.u32 $0x186A0, s12;
	p0 =	slt.u32 s12, $0xA;
	s19 =	sshll.u32 s12, $0x6  }
0xa: {  	s8 =	smul.u32 $0x186, s6;
	s9 =	sor.u32 s6, s3;
	s3 =	simm.s32 $0x0  }
0xb: {  	s16 =	ssub.s32 $0x2, s6;
	s6 =	smul.u32 $0x186A00, s6;
	s12 =	sor.u32 $0x1C02, s19  }
0xc: {  	s19 =	simm.s32 $0x1E00;
	s9 =	smin.u32 s9, $0x14;
	[smem:$0x7FF] =	sst s3  }
0xd: {  	s17 =	sshrl.u32 s16, $0x1;
	s18 =	sshrl.u32 s10, $0x3;
	s11 =	sadd.s32 s10, s2  }
0xe: {  	s7 =	sadd.s32 s8, s7;
	_ =	strace $0x8000004A;
	s8 =	ssub.s32 s16, s17  }
0xf: {  	s4 =	sadd.s32 s4, s18;
	s6 =	sadd.s32 s10, s6;
	[dreg:$0x6] =	wrdreg s25  }
0x10: {  	s16 =	simm.s32 $0x80;
	[dreg:$0x7] =	wrdreg s26;
	s17 =	simm.s32 $0x1600  }
0x11: {  	s18 =	simm.s32 $0x180;
	s25 =	simm.s32 $0x3600;
	[dreg:$0xa] =	wrdreg s12  }
0x12: {  	s26 =	simm.s32 $0x380;
	s7 =	sadd.s32 s9, s7;
	[dreg:$0x8] =	wrdreg s4  }
0x13: {  	s9 =	simm.s32 $0x7;
	s20 =	sshrl.u32 s6, $0x3;
	s21 =	smax.u32 s8, $0x1  }
0x14: {  	s8 =	simm.s32 $0x5E00;
	s6 =	simm.s32 $0x1;
	s15 =	sshll.u32 s7, $0x8  }
0x15: {  	s9 =	simm.s32 @!p0 $0x6;
	s4 =	sadd.s32 s5, s20;
	[dreg:$0xc] =	wrdreg s21  }
0x16: {  	s22 =	sshll.u32 s7, $0x4;
	s20 =	simm.s32 $0x200;
	s21 =	simm.s32 $0x2600  }
0x17: {  	s7 =	simm.s32 $0x580;
	s0 =	sadd.s32 s15, s0;
	[dreg:$0x9] =	wrdreg s9  }
0x18: {  	[dreg:$0xb] =	wrdreg s4;
	s10 =	sadd.s32 s22, s1;
	s9 =	sshrl.u32 s11, $0x3  }
0x19: {  	s15 =	simm.s32 $0x600;
	s23 =	sadd.s32 $0x314E00, s0;
	[dreg:$0x10] =	wrdreg s9  }
0x1a: {  	s22 =	simm.s32 $0x280;
	s0 =	sadd.s32 $0x32CE00, s0;
	[dreg:$0xd] =	wrdreg s23  }
0x1b: {  	s1 =	simm.s32 $0x4E00;
	s24 =	sadd.s32 $0x1800, s10;
	[dreg:$0xe] =	wrdreg s0  }
0x1c: {  	s4 =	simm.s32 $0x5600;
	s11 =	simm.s32 $0x0;
	[dreg:$0xf] =	wrdreg s24  }
0x1d: {  	s23 =	simm.s32 $0x2E00;
	s24 =	simm.s32 $0x300;
	s0 =	simm.s32 $0x500  }
.LBB2_1:
0x1e: {  	[dreg:$0x11] =	wrdreg s11  }
0x1f: {  	s5 =	rddreg [dreg:$0x8]  }
0x20: {  	[spmem:s9], [sflag:s12] =	dma.local [hbm:s5], $0x30D4  }
0x21: {  	_ =	swait.ge [sflag:s14], $0x30D4  }
0x22: {  	[sflag:s14] =	ssyncset.done $0x0  }
0x23: {  	[sflag:s14] =	ssyncadd.s32 $0xFFFFCF2C  }
0x24: {  	s11 =	sadd.s32 $0x0, s10;
	[bflag:$0x0] =	sbarrier.arrive $0xFFFF  }
0x25: {  	[tilespmem:s3], [sflag:$0x2] =	stream.linear.gather [hbm4b:s11+s3], $0x600, $0x38;
	[tilespmem:$0x1ECA0] =	vst v63  }
0x26: {  	_ =	swait.ge [sflag:s14], $0x600  }
0x27: {  	[sflag:s14] =	ssyncset.done $0x0  }
0x28: {  	s9 =	rddreg [dreg:$0xd];
	[sflag:s14] =	ssyncadd.s32 $0xFFFFFA00  }
0x29: {  	[tilespmem:s15], [sflag:$0x2] =	stream.linear.gather [hbm4b:s9+s3], $0x6000, $0x38;
	[tilespmem:$0x1ECA0] =	vst v63  }
0x2a: {  	_ =	swait.ge [sflag:s14], $0x6000  }
0x2b: {  	[sflag:s14] =	ssyncset.done $0x0  }
0x2c: {  	[sflag:s14] =	ssyncadd.s32 $0xFFFFA000  }
0x2d: {  	[spmem:s2] =	stream.indirect.scatter.add.f32 [tilespmem:s15], [sflag:$0x1], $0x10, s3, s16, $0xb8;
	[tilespmem:$0x1ECA0] =	vst v63  }
0x2e: {  	s12 =	rddreg [dreg:$0x6]  }
0x2f: {  	[spmem:s2] =	stream.indirect.scatter.add.f32 [tilespmem:s12], [sflag:$0x1], $0x10, s16, s16, $0xb8;
	[tilespmem:$0x1ECA0] =	vst v63  }
0x30: {  	s13 =	rddreg [dreg:$0x7]  }
0x31: {  	[spmem:s2] =	stream.indirect.scatter.add.f32 [tilespmem:s17], [sflag:$0x1], $0x10, s13, s16, $0xb8;
	[tilespmem:$0x1ECA0] =	vst v63  }
0x32: {  	_ = 	snop  }
0x33: {  	[spmem:s2] =	stream.indirect.scatter.add.f32 [tilespmem:s19], [sflag:$0x1], $0x10, s18, s16, $0xb8;
	[tilespmem:$0x1ECA0] =	vst v63  }
0x34: {  	_ = 	snop  }
0x35: {  	[spmem:s2] =	stream.indirect.scatter.add.f32 [tilespmem:s21], [sflag:$0x1], $0x10, s20, s16, $0xb8;
	[tilespmem:$0x1ECA0] =	vst v63  }
0x36: {  	_ = 	snop  }
0x37: {  	[spmem:s2] =	stream.indirect.scatter.add.f32 [tilespmem:s23], [sflag:$0x1], $0x10, s22, s16, $0xb8;
	[tilespmem:$0x1ECA0] =	vst v63  }
0x38: {  	_ = 	snop  }
0x39: {  	[spmem:s2] =	stream.indirect.scatter.add.f32 [tilespmem:s25], [sflag:$0x1], $0x10, s24, s16, $0xb8;
	[tilespmem:$0x1ECA0] =	vst v63  }
0x3a: {  	_ = 	snop  }
0x3b: {  	[spmem:s2] =	stream.indirect.scatter.add.f32 [tilespmem:s28], [sflag:$0x1], $0x10, s26, s16, $0xb8;
	[tilespmem:$0x1ECA0] =	vst v63  }
0x3c: {  	_ = 	snop  }
0x3d: {  	[spmem:s2] =	stream.indirect.scatter.add.f32 [tilespmem:s30], [sflag:$0x1], $0x10, s29, s16, $0xb8;
	[tilespmem:$0x1ECA0] =	vst v63  }
0x3e: {  	_ = 	snop  }
0x3f: {  	[spmem:s2] =	stream.indirect.scatter.add.f32 [tilespmem:s1], [sflag:$0x1], $0x10, s31, s16, $0xb8;
	[tilespmem:$0x1ECA0] =	vst v63  }
0x40: {  	_ = 	snop  }
0x41: {  	[spmem:s2] =	stream.indirect.scatter.add.f32 [tilespmem:s4], [sflag:$0x1], $0x10, s0, s16, $0xb8;
	[tilespmem:$0x1ECA0] =	vst v63  }
0x42: {  	_ = 	snop  }
0x43: {  	[spmem:s2] =	stream.indirect.scatter.add.f32 [tilespmem:s8], [sflag:$0x1], $0x10, s7, s16, $0xb8;
	[tilespmem:$0x1ECA0] =	vst v63  }
0x44: {  	_ =	swait.ge [sflag:s6], $0x800  }
0x45: {  	[sflag:s6] =	ssyncset.done $0x0  }
0x46: {  	[sflag:s6] =	ssyncadd.s32 $0xFFFFF800  }
0x47: {  	_ =	swait.ge [sflag:s6], $0x800  }
0x48: {  	[sflag:s6] =	ssyncset.done $0x0  }
0x49: {  	[sflag:s6] =	ssyncadd.s32 $0xFFFFF800  }
0x4a: {  	_ =	swait.ge [sflag:s6], $0x800  }
0x4b: {  	[sflag:s6] =	ssyncset.done $0x0  }
0x4c: {  	[sflag:s6] =	ssyncadd.s32 $0xFFFFF800  }
0x4d: {  	_ =	swait.ge [sflag:s6], $0x800  }
0x4e: {  	[sflag:s6] =	ssyncset.done $0x0  }
0x4f: {  	[sflag:s6] =	ssyncadd.s32 $0xFFFFF800  }
0x50: {  	_ =	swait.ge [sflag:s6], $0x800  }
0x51: {  	[sflag:s6] =	ssyncset.done $0x0  }
0x52: {  	[sflag:s6] =	ssyncadd.s32 $0xFFFFF800  }
0x53: {  	_ =	swait.ge [sflag:s6], $0x800  }
0x54: {  	[sflag:s6] =	ssyncset.done $0x0  }
0x55: {  	[sflag:s6] =	ssyncadd.s32 $0xFFFFF800  }
0x56: {  	_ =	swait.ge [sflag:s6], $0x800  }
0x57: {  	[sflag:s6] =	ssyncset.done $0x0  }
0x58: {  	[sflag:s6] =	ssyncadd.s32 $0xFFFFF800  }
0x59: {  	_ =	swait.ge [sflag:s6], $0x800  }
0x5a: {  	[sflag:s6] =	ssyncset.done $0x0  }
0x5b: {  	[sflag:s6] =	ssyncadd.s32 $0xFFFFF800  }
0x5c: {  	_ =	swait.ge [sflag:s6], $0x800  }
0x5d: {  	[sflag:s6] =	ssyncset.done $0x0  }
0x5e: {  	[sflag:s6] =	ssyncadd.s32 $0xFFFFF800  }
0x5f: {  	_ =	swait.ge [sflag:s6], $0x800  }
0x60: {  	[sflag:s6] =	ssyncset.done $0x0  }
0x61: {  	[sflag:s6] =	ssyncadd.s32 $0xFFFFF800  }
0x62: {  	_ =	swait.ge [sflag:s6], $0x800  }
0x63: {  	[sflag:s6] =	ssyncset.done $0x0  }
0x64: {  	[sflag:s6] =	ssyncadd.s32 $0xFFFFF800  }
0x65: {  	s11 =	simm.s32 $0x180;
	_ =	swait.ge [sflag:s6], $0x800  }
0x66: {  	s5 =	sadd.s32 $0xC00, s9;
	s13 =	simm.s32 $0xC0;
	[sflag:s6] =	ssyncset.done $0x0  }
.LBB2_2:
0x67: {  	s9 =	sadd.s32 s13, s10;
	[sflag:s6] =	ssyncadd.s32 $0xFFFFF800  }
0x68: {  	[tilespmem:s3], [sflag:$0x2] =	stream.linear.gather [hbm4b:s9+s3], $0x600, $0x38;
	[tilespmem:$0x1ECA0] =	vst v63  }
0x69: {  	_ =	swait.ge [sflag:s14], $0x600  }
0x6a: {  	[sflag:s14] =	ssyncset.done $0x0  }
0x6b: {  	[sflag:s14] =	ssyncadd.s32 $0xFFFFFA00  }
0x6c: {  	[tilespmem:s15], [sflag:$0x2] =	stream.linear.gather [hbm4b:s5+s3], $0x6000, $0x38;
	[tilespmem:$0x1ECA0] =	vst v63  }
0x6d: {  	_ =	swait.ge [sflag:s14], $0x6000  }
0x6e: {  	[sflag:s14] =	ssyncset.done $0x0  }
0x6f: {  	[sflag:s14] =	ssyncadd.s32 $0xFFFFA000  }
0x70: {  	[spmem:s2] =	stream.indirect.scatter.add.f32 [tilespmem:s15], [sflag:$0x1], $0x10, s3, s16, $0xb8;
	[tilespmem:$0x1ECA0] =	vst v63  }
0x71: {  	s13 =	smov.u32 s11;
	s9 =	rddreg [dreg:$0x6]  }
0x72: {  	[spmem:s2] =	stream.indirect.scatter.add.f32 [tilespmem:s9], [sflag:$0x1], $0x10, s16, s16, $0xb8;
	[tilespmem:$0x1ECA0] =	vst v63  }
0x73: {  	s12 =	sadd.s32 $0xC0, s11;
	p0 =	sne.s32 s11, $0x1740;
	s11 =	rddreg [dreg:$0x7]  }
0x74: {  	[spmem:s2] =	stream.indirect.scatter.add.f32 [tilespmem:s17], [sflag:$0x1], $0x10, s11, s16, $0xb8;
	[tilespmem:$0x1ECA0] =	vst v63  }
0x75: {  	_ = 	snop  }
0x76: {  	[spmem:s2] =	stream.indirect.scatter.add.f32 [tilespmem:s19], [sflag:$0x1], $0x10, s18, s16, $0xb8;
	[tilespmem:$0x1ECA0] =	vst v63  }
0x77: {  	_ = 	snop  }
0x78: {  	[spmem:s2] =	stream.indirect.scatter.add.f32 [tilespmem:s21], [sflag:$0x1], $0x10, s20, s16, $0xb8;
	[tilespmem:$0x1ECA0] =	vst v63  }
0x79: {  	_ = 	snop  }
0x7a: {  	[spmem:s2] =	stream.indirect.scatter.add.f32 [tilespmem:s23], [sflag:$0x1], $0x10, s22, s16, $0xb8;
	[tilespmem:$0x1ECA0] =	vst v63  }
0x7b: {  	_ = 	snop  }
0x7c: {  	[spmem:s2] =	stream.indirect.scatter.add.f32 [tilespmem:s25], [sflag:$0x1], $0x10, s24, s16, $0xb8;
	[tilespmem:$0x1ECA0] =	vst v63  }
0x7d: {  	_ = 	snop  }
0x7e: {  	[spmem:s2] =	stream.indirect.scatter.add.f32 [tilespmem:s28], [sflag:$0x1], $0x10, s26, s16, $0xb8;
	[tilespmem:$0x1ECA0] =	vst v63  }
0x7f: {  	_ = 	snop  }
0x80: {  	[spmem:s2] =	stream.indirect.scatter.add.f32 [tilespmem:s30], [sflag:$0x1], $0x10, s29, s16, $0xb8;
	[tilespmem:$0x1ECA0] =	vst v63  }
0x81: {  	_ = 	snop  }
0x82: {  	[spmem:s2] =	stream.indirect.scatter.add.f32 [tilespmem:s1], [sflag:$0x1], $0x10, s31, s16, $0xb8;
	[tilespmem:$0x1ECA0] =	vst v63  }
0x83: {  	_ = 	snop  }
0x84: {  	[spmem:s2] =	stream.indirect.scatter.add.f32 [tilespmem:s4], [sflag:$0x1], $0x10, s0, s16, $0xb8;
	[tilespmem:$0x1ECA0] =	vst v63  }
0x85: {  	_ = 	snop  }
0x86: {  	[spmem:s2] =	stream.indirect.scatter.add.f32 [tilespmem:s8], [sflag:$0x1], $0x10, s7, s16, $0xb8;
	[tilespmem:$0x1ECA0] =	vst v63  }
0x87: {  	_ =	swait.ge [sflag:s6], $0x800  }
0x88: {  	[sflag:s6] =	ssyncset.done $0x0  }
0x89: {  	[sflag:s6] =	ssyncadd.s32 $0xFFFFF800  }
0x8a: {  	_ =	swait.ge [sflag:s6], $0x800  }
0x8b: {  	[sflag:s6] =	ssyncset.done $0x0  }
0x8c: {  	[sflag:s6] =	ssyncadd.s32 $0xFFFFF800  }
0x8d: {  	_ =	swait.ge [sflag:s6], $0x800  }
0x8e: {  	[sflag:s6] =	ssyncset.done $0x0  }
0x8f: {  	[sflag:s6] =	ssyncadd.s32 $0xFFFFF800  }
0x90: {  	_ =	swait.ge [sflag:s6], $0x800  }
0x91: {  	[sflag:s6] =	ssyncset.done $0x0  }
0x92: {  	[sflag:s6] =	ssyncadd.s32 $0xFFFFF800  }
0x93: {  	_ =	swait.ge [sflag:s6], $0x800  }
0x94: {  	[sflag:s6] =	ssyncset.done $0x0  }
0x95: {  	[sflag:s6] =	ssyncadd.s32 $0xFFFFF800  }
0x96: {  	_ =	swait.ge [sflag:s6], $0x800  }
0x97: {  	[sflag:s6] =	ssyncset.done $0x0  }
0x98: {  	[sflag:s6] =	ssyncadd.s32 $0xFFFFF800  }
0x99: {  	_ =	swait.ge [sflag:s6], $0x800  }
0x9a: {  	[sflag:s6] =	ssyncset.done $0x0  }
0x9b: {  	[sflag:s6] =	ssyncadd.s32 $0xFFFFF800  }
0x9c: {  	_ =	swait.ge [sflag:s6], $0x800  }
0x9d: {  	[sflag:s6] =	ssyncset.done $0x0  }
0x9e: {  	[sflag:s6] =	ssyncadd.s32 $0xFFFFF800  }
0x9f: {  	_ =	swait.ge [sflag:s6], $0x800  }
0xa0: {  	[sflag:s6] =	ssyncset.done $0x0  }
0xa1: {  	[sflag:s6] =	ssyncadd.s32 $0xFFFFF800  }
0xa2: {  	_ =	swait.ge [sflag:s6], $0x800  }
0xa3: {  	[sflag:s6] =	ssyncset.done $0x0  }
0xa4: {  	[sflag:s6] =	ssyncadd.s32 $0xFFFFF800  }
.Ltmp0:
0xa5: {  	_ =	swait.ge [sflag:s6], $0x800;
	(pc) =	sbr.rel @p0 .LBB2_2-.Ltmp0, $4  }
0xa6: {  	[sflag:s6] =	ssyncset.done $0x0  }
0xa7: {  	[sflag:s6] =	ssyncadd.s32 $0xFFFFF800  }
0xa8: {  	_ =	swait.ge [sflag:s6], $0x800  }
0xa9: {  	s5 =	sadd.s32 $0xC00, s5;
	s11 =	smov.u32 s12;
	[sflag:s6] =	ssyncset.done $0x0  }
0xaa: {  	s9 =	sadd.s32 s13, s10;
	[sflag:s6] =	ssyncadd.s32 $0xFFFFF800  }
0xab: {  	[tilespmem:s3], [sflag:$0x2] =	stream.linear.gather [hbm4b:s9+s3], $0x600, $0x38;
	[tilespmem:$0x1ECA0] =	vst v63  }
0xac: {  	_ =	swait.ge [sflag:s14], $0x600  }
0xad: {  	[sflag:s14] =	ssyncset.done $0x0  }
0xae: {  	[sflag:s14] =	ssyncadd.s32 $0xFFFFFA00  }
0xaf: {  	[tilespmem:s15], [sflag:$0x2] =	stream.linear.gather [hbm4b:s5+s3], $0x6000, $0x38;
	[tilespmem:$0x1ECA0] =	vst v63  }
0xb0: {  	_ =	swait.ge [sflag:s14], $0x6000  }
0xb1: {  	[sflag:s14] =	ssyncset.done $0x0  }
0xb2: {  	[sflag:s14] =	ssyncadd.s32 $0xFFFFA000  }
0xb3: {  	[spmem:s2] =	stream.indirect.scatter.add.f32 [tilespmem:s15], [sflag:$0x1], $0x10, s3, s16, $0xb8;
	[tilespmem:$0x1ECA0] =	vst v63  }
0xb4: {  	s9 =	rddreg [dreg:$0x6]  }
0xb5: {  	[spmem:s2] =	stream.indirect.scatter.add.f32 [tilespmem:s9], [sflag:$0x1], $0x10, s16, s16, $0xb8;
	[tilespmem:$0x1ECA0] =	vst v63  }
0xb6: {  	s11 =	rddreg [dreg:$0x7]  }
0xb7: {  	[spmem:s2] =	stream.indirect.scatter.add.f32 [tilespmem:s17], [sflag:$0x1], $0x10, s11, s16, $0xb8;
	[tilespmem:$0x1ECA0] =	vst v63  }
0xb8: {  	_ = 	snop  }
0xb9: {  	[spmem:s2] =	stream.indirect.scatter.add.f32 [tilespmem:s19], [sflag:$0x1], $0x10, s18, s16, $0xb8;
	[tilespmem:$0x1ECA0] =	vst v63  }
0xba: {  	_ = 	snop  }
0xbb: {  	[spmem:s2] =	stream.indirect.scatter.add.f32 [tilespmem:s21], [sflag:$0x1], $0x10, s20, s16, $0xb8;
	[tilespmem:$0x1ECA0] =	vst v63  }
0xbc: {  	_ = 	snop  }
0xbd: {  	[spmem:s2] =	stream.indirect.scatter.add.f32 [tilespmem:s23], [sflag:$0x1], $0x10, s22, s16, $0xb8;
	[tilespmem:$0x1ECA0] =	vst v63  }
0xbe: {  	_ = 	snop  }
0xbf: {  	[spmem:s2] =	stream.indirect.scatter.add.f32 [tilespmem:s25], [sflag:$0x1], $0x10, s24, s16, $0xb8;
	[tilespmem:$0x1ECA0] =	vst v63  }
0xc0: {  	_ = 	snop  }
0xc1: {  	[spmem:s2] =	stream.indirect.scatter.add.f32 [tilespmem:s28], [sflag:$0x1], $0x10, s26, s16, $0xb8;
	[tilespmem:$0x1ECA0] =	vst v63  }
0xc2: {  	_ = 	snop  }
0xc3: {  	[spmem:s2] =	stream.indirect.scatter.add.f32 [tilespmem:s30], [sflag:$0x1], $0x10, s29, s16, $0xb8;
	[tilespmem:$0x1ECA0] =	vst v63  }
0xc4: {  	_ = 	snop  }
0xc5: {  	[spmem:s2] =	stream.indirect.scatter.add.f32 [tilespmem:s1], [sflag:$0x1], $0x10, s31, s16, $0xb8;
	[tilespmem:$0x1ECA0] =	vst v63  }
0xc6: {  	_ = 	snop  }
0xc7: {  	[spmem:s2] =	stream.indirect.scatter.add.f32 [tilespmem:s4], [sflag:$0x1], $0x10, s0, s16, $0xb8;
	[tilespmem:$0x1ECA0] =	vst v63  }
0xc8: {  	_ = 	snop  }
0xc9: {  	[spmem:s2] =	stream.indirect.scatter.add.f32 [tilespmem:s8], [sflag:$0x1], $0x10, s7, s16, $0xb8;
	[tilespmem:$0x1ECA0] =	vst v63  }
0xca: {  	_ =	swait.ge [sflag:s6], $0x800  }
0xcb: {  	[sflag:s6] =	ssyncset.done $0x0  }
0xcc: {  	[sflag:s6] =	ssyncadd.s32 $0xFFFFF800  }
0xcd: {  	_ =	swait.ge [sflag:s6], $0x800  }
0xce: {  	[sflag:s6] =	ssyncset.done $0x0  }
0xcf: {  	[sflag:s6] =	ssyncadd.s32 $0xFFFFF800  }
0xd0: {  	_ =	swait.ge [sflag:s6], $0x800  }
0xd1: {  	[sflag:s6] =	ssyncset.done $0x0  }
0xd2: {  	[sflag:s6] =	ssyncadd.s32 $0xFFFFF800  }
0xd3: {  	_ =	swait.ge [sflag:s6], $0x800  }
0xd4: {  	[sflag:s6] =	ssyncset.done $0x0  }
0xd5: {  	[sflag:s6] =	ssyncadd.s32 $0xFFFFF800  }
0xd6: {  	_ =	swait.ge [sflag:s6], $0x800  }
0xd7: {  	[sflag:s6] =	ssyncset.done $0x0  }
0xd8: {  	[sflag:s6] =	ssyncadd.s32 $0xFFFFF800  }
0xd9: {  	_ =	swait.ge [sflag:s6], $0x800  }
0xda: {  	[sflag:s6] =	ssyncset.done $0x0  }
0xdb: {  	[sflag:s6] =	ssyncadd.s32 $0xFFFFF800  }
0xdc: {  	_ =	swait.ge [sflag:s6], $0x800  }
0xdd: {  	[sflag:s6] =	ssyncset.done $0x0  }
0xde: {  	[sflag:s6] =	ssyncadd.s32 $0xFFFFF800  }
0xdf: {  	_ =	swait.ge [sflag:s6], $0x800  }
0xe0: {  	[sflag:s6] =	ssyncset.done $0x0  }
0xe1: {  	[sflag:s6] =	ssyncadd.s32 $0xFFFFF800  }
0xe2: {  	_ =	swait.ge [sflag:s6], $0x800  }
0xe3: {  	[sflag:s6] =	ssyncset.done $0x0  }
0xe4: {  	[sflag:s6] =	ssyncadd.s32 $0xFFFFF800  }
0xe5: {  	_ =	swait.ge [sflag:s6], $0x800  }
0xe6: {  	[sflag:s6] =	ssyncset.done $0x0  }
0xe7: {  	[sflag:s6] =	ssyncadd.s32 $0xFFFFF800  }
0xe8: {  	_ =	swait.ge [sflag:s6], $0x800  }
0xe9: {  	[sflag:s6] =	ssyncset.done $0x0  }
0xea: {  	[sflag:s6] =	ssyncadd.s32 $0xFFFFF800  }
0xeb: {  	_ =	swait.ge [sflag:s6], $0x800  }
0xec: {  	[sflag:s6] =	ssyncset.done $0x0  }
0xed: {  	s13 =	rddreg [dreg:$0xf];
	[sflag:s6] =	ssyncadd.s32 $0xFFFFF800  }
0xee: {  	[tilespmem:s3], [sflag:$0x2] =	stream.linear.gather [hbm4b:s13+s3], $0x80, $0x38;
	[tilespmem:$0x1ECA0] =	vst v63  }
0xef: {  	_ =	swait.ge [sflag:s14], $0x80  }
0xf0: {  	[sflag:s14] =	ssyncset.done $0x0  }
0xf1: {  	s11 =	rddreg [dreg:$0xe];
	[sflag:s14] =	ssyncadd.s32 $0xFFFFFF80  }
0xf2: {  	[tilespmem:s15], [sflag:$0x2] =	stream.linear.gather [hbm4b:s11+s3], $0x800, $0x38;
	[tilespmem:$0x1ECA0] =	vst v63  }
0xf3: {  	_ =	swait.ge [sflag:s14], $0x800  }
0xf4: {  	s12 =	rddreg [dreg:$0x9]  }
0xf5: {  	p0 =	sne.s32 s12, $0x1  }
.Ltmp1:
0xf6: {  	[sflag:s14] =	ssyncset.done $0x0;
	(pc) =	sbr.rel @!p0 .LBB2_5-.Ltmp1, $4  }
0xf7: {  	[sflag:s14] =	ssyncadd.s32 $0xFFFFF800  }
0xf8: {  	[spmem:s2] =	stream.indirect.scatter.add.f32 [tilespmem:s15], [sflag:$0x1], $0x10, s3, s16, $0xb8;
	[tilespmem:$0x1ECA0] =	vst v63  }
0xf9: {  	_ =	swait.ge [sflag:s6], $0x800  }
0xfa: {  	s5 =	sadd.s32 $0xFFFFFFFF, s12;
	[sflag:s6] =	ssyncset.done $0x0  }
.LBB2_4:
0xfb: {  	[sflag:s6] =	ssyncadd.s32 $0xFFFFF800;
	s11 =	sadd.s32 $0x100, s11;
	s13 =	sadd.s32 $0x10, s13  }
0xfc: {  	[tilespmem:s3], [sflag:$0x2] =	stream.linear.gather [hbm4b:s13+s3], $0x80, $0x38;
	[tilespmem:$0x1ECA0] =	vst v63  }
0xfd: {  	p0 =	sne.s32 s5, $0x1;
	s5 =	sadd.s32 $0xFFFFFFFF, s5;
	_ =	swait.ge [sflag:s14], $0x80  }
0xfe: {  	[sflag:s14] =	ssyncset.done $0x0  }
0xff: {  	[sflag:s14] =	ssyncadd.s32 $0xFFFFFF80  }
0x100: {  	[tilespmem:s15], [sflag:$0x2] =	stream.linear.gather [hbm4b:s11+s3], $0x800, $0x38;
	[tilespmem:$0x1ECA0] =	vst v63  }
0x101: {  	_ =	swait.ge [sflag:s14], $0x800  }
.Ltmp2:
0x102: {  	[sflag:s14] =	ssyncset.done $0x0;
	(pc) =	sbr.rel @p0 .LBB2_4-.Ltmp2, $4  }
0x103: {  	[sflag:s14] =	ssyncadd.s32 $0xFFFFF800  }
0x104: {  	[spmem:s2] =	stream.indirect.scatter.add.f32 [tilespmem:s15], [sflag:$0x1], $0x10, s3, s16, $0xb8;
	[tilespmem:$0x1ECA0] =	vst v63  }
0x105: {  	_ =	swait.ge [sflag:s6], $0x800  }
0x106: {  	[sflag:s6] =	ssyncset.done $0x0  }
.LBB2_5:
0x107: {  	[sflag:s6] =	ssyncadd.s32 $0xFFFFF800  }
0x108: {  	[bflag:$0x0] =	sbarrier.arrive $0xFFFF  }
0x109: {  	s12 =	rddreg [dreg:$0xa]  }
0x10a: {  	s5 =	rddreg [dreg:$0xb]  }
0x10b: {  	s9 =	rddreg [dreg:$0x10]  }
0x10c: {  	[hbm:s5], [sflag:s12] =	dma.local [spmem:s9], $0x30D4  }
0x10d: {  	_ =	swait.ge [sflag:s14], $0x30D4  }
0x10e: {  	s11 =	rddreg [dreg:$0x11]  }
0x10f: {  	s13 =	rddreg [dreg:$0xc];
	s11 =	sadd.s32 $0x1, s11  }
0x110: {  	p0 =	sne.s32 s11, s13  }
.Ltmp3:
0x111: {  	_ = 	snop;
	(pc) =	sbr.rel @p0 .LBB2_1-.Ltmp3, $3  }
0x112: {  	_ =	sdelay $0x1  }
0x113: {  	[sflag:s14] =	ssyncset.done $0x0  }
0x114: {  	[sflag:s14] =	ssyncadd.s32 $0xFFFFCF2C  }
0x115: {  	_ =	sfence.sel $0x180000  }
0x116: {  	[bflag:$0x0] =	sbarrier.arrive $0xFFFF  }
0x117: {  	_ =	strace $0x9000004A  }
0x118: {  	s0 =	stileid.u32;
	[bflag:$0x2] =	sbarrier.arrive $0xFFFF  }
0x119: {  	p0 =	sne.s32 s0, $0x0;
	s0 =	rddreg [dreg:$0x5]  }
0x11a: {  	s0 =	sadd.s32 @!p0 $0x100000, s0  }
0x11b: {  	[sflag:s0] =	ssyncadd.tile.s32 @!p0 $0x1;
	_ =	shalt  }
.Lfunc_end2:
_tile_overlayer_lowered:
.L_overlay_start_2:
0x11c: {  	(tag) =	ssettag $0x2  }
0x11d: {  	s0 =	rddreg [dreg:$0x0];
	s2 =	stileid.u32  }
0x11e: {  	s1 =	rddreg [dreg:$0x1];
	p0 =	sne.s32 s2, $0x0  }
0x11f: {  	s3 =	rddreg [dreg:$0x2];
	[bflag:$0x3] =	sbarrier.arrive $0xFFFF;
	s2 =	simm.s32 @!p0 $0x1C02  }
0x120: {  	[timem:s3], [sflag:s2] =	dma.local @!p0 [hbm:s0], s1  }
0x121: {  	s0 =	simm.s32 @!p0 $0x2  }
0x122: {  	_ =	swait.ge @!p0 [sflag:s0], s1  }
0x123: {  	s1 =	ssub.s32 @!p0 $0x0, s1;
	[sflag:s0] =	ssyncset.done @!p0 $0x0  }
0x124: {  	[sflag:s0] =	ssyncadd.s32 @!p0 s1  }
0x125: {  	[bflag:$0x3] =	sbarrier.arrive $0xFFFF  }
0x126: {  	_ =	shalt  }

// kernel: kernel.16.cloned.1.call-start
scs
__scs_entry_jumppad:
0x0: {  	(pc) =	sbr.rel $0x88, $3  }
0x1: {  	(tag) =	ssettag $0x0;
	lr =	simm.s32 $0x1  }
0x2: {  	[smem:$0x3F94] =	sst lr;
	_ =	strace $0xD0000000  }
0x3: {  	_ = 	snop  }
0x4: {  	_ = 	snop  }
0x5: {  	_ = 	snop  }
0x6: {  	_ = 	snop  }
0x7: {  	_ = 	snop  }
__scs_overlays_trampoline_lowered:
0x8: {  	[smem:$0x3FA3] =	sst s0  }
0x9: {  	[smem:$0x3FA4] =	sst s1  }
0xa: {  	[smem:$0x3FA5] =	sst s2  }
0xb: {  	[smem:$0x3FA6] =	sst s3  }
0xc: {  	[smem:$0x3FA7] =	sst s4  }
0xd: {  	[smem:$0x3FA8] =	sst s5  }
0xe: {  	[smem:$0x3FA9] =	sst s6  }
0xf: {  	[smem:$0x3FAA] =	sst s7  }
0x10: {  	[smem:$0x3FAB] =	sst s8  }
0x11: {  	[smem:$0x3FAC] =	sst s9;
	s0 =	simm.s32 @!p0 $0x0  }
0x12: {  	s1 =	sld [smem:$0x3F92];
	s0 =	simm.s32 @p0 $0x1  }
0x13: {  	[smem:$0x3FAD] =	sst s0;
	s0 =	simm.s32 @!p1 $0x0  }
0x14: {  	s2 =	sld [smem:$0x3F91];
	s0 =	simm.s32 @p1 $0x1  }
0x15: {  	[smem:$0x3FAE] =	sst s0;
	s0 =	simm.s32 @!p2 $0x0  }
0x16: {  	s3 =	sld [smem:$0x3FDB];
	s0 =	simm.s32 @p2 $0x1  }
0x17: {  	s4 =	simm.s32 $0x1BF5;
	[smem:$0x3FB0] =	sst s0  }
0x18: {  	s0 =	sld [smem:$0x3F93];
	_ =	swait.ge [sflag:s4], $0x0  }
0x19: {  	s7 =	sld [smem:$0x3F94]  }
0x1a: {  	s8 =	sadd.s32 $0xFFFFE003, lr  }
0x1b: {  	s9 =	sadd.s32 $0xFFFFFEF7, lr;
	s5 =	simm.s32 $0xFFFFFFFF;
	p2 =	slt.u32 s8, $0xFFFFF086  }
0x1c: {  	p1 =	slt.u32 s9, $0xF7A;
	s5 =	simm.s32 @!p2 $0x0  }
0x1d: {  	s5 =	simm.s32 @p1 $0x1;
	p0 =	seq.s32 s7, s2  }
0x1e: {  	s7 =	smul.u32 @!p0 $0xF7A, s2;
	p2 =	seq.s32 @!p0 s5, $0x0  }
0x1f: {  	s9 =	smul.u32 $0xF7A, s1;
	s8 =	simm.s32 @!p0 $0x1BF5;
	p2 =	por !p2, p0  }
0x20: {  	[sflag:s8] =	ssyncset.s32 @!p0 $0xFFFFF086;
	s6 =	sadd.s32 @!p0 s3, s7;
	s7 =	simm.s32 @!p0 $0x108  }
0x21: {  	s3 =	sadd.s32 s3, s9;
	s6 =	sadd.s32 @!p0 $0x88, s6;
	s7 =	simm.s32 @p2 $0x1082  }
0x22: {  	[simem:s7], [sflag:s8] =	dma.local @!p0 [hbm:s6], $0xF7A  }
0x23: {  	s9 =	sor.u32 $0xD0000000, s2;
	s6 =	simm.s32 $0x108;
	_ =	swait.ge @!p0 [sflag:s8], $0x0  }
0x24: {  	s3 =	sadd.s32 $0x88, s3;
	s6 =	simm.s32 @!p1 $0x1082;
	[sflag:s4] =	ssyncset.s32 $0xFFFFF086  }
0x25: {  	[simem:s6], [sflag:s4] =	dma.local [hbm:s3], $0xF7A  }
0x26: {  	[smem:$0x3F94] =	sst s1;
	(tag) =	ssettag s2;
	_ =	strace s9  }
0x27: {  	s1 =	sld [smem:$0x3FA4]  }
0x28: {  	s2 =	sld [smem:$0x3FA5]  }
0x29: {  	s4 =	sld [smem:$0x3FA7]  }
0x2a: {  	p0 =	seq.s32 s5, $0x0;
	s5 =	sld [smem:$0x3FA8]  }
0x2b: {  	s6 =	sld [smem:$0x3FA9]  }
0x2c: {  	s7 =	sld [smem:$0x3FAA]  }
0x2d: {  	s3 =	simm.s32 $0x108;
	s8 =	sld [smem:$0x3FAB]  }
0x2e: {  	s3 =	simm.s32 @!p0 $0x1082;
	s9 =	sld [smem:$0x3FAC]  }
0x2f: {  	lr =	sadd.s32 s0, s3;
	s0 =	sld [smem:$0x3FA3]  }
0x30: {  	s3 =	sld [smem:$0x3FA6]  }
0x31: {  	[smem:$0x3FAF] =	sst s10  }
0x32: {  	s10 =	sld [smem:$0x3FAD];
	_ =	sdelay $0x3  }
0x33: {  	p0 =	seq.s32 s10, $0x1;
	s10 =	sld [smem:$0x3FAF];
	_ =	sdelay $0x3  }
0x34: {  	[smem:$0x3FAF] =	sst s10  }
0x35: {  	s10 =	sld [smem:$0x3FAE];
	_ =	sdelay $0x3  }
0x36: {  	p1 =	seq.s32 s10, $0x1;
	s10 =	sld [smem:$0x3FAF];
	_ =	sdelay $0x3  }
0x37: {  	[smem:$0x3FAF] =	sst s10  }
0x38: {  	s10 =	sld [smem:$0x3FB0]  }
0x39: {  	_ = 	snop;
	(pc) =	sbr.ind lr, $3  }
0x3a: {  	_ = 	snop  }
0x3b: {  	_ = 	snop  }
0x3c: {  	p2 =	seq.s32 s10, $0x1;
	s10 =	sld [smem:$0x3FAF]  }
0x3d: {  	_ =	shalt  }
0x3e: {  	_ =	shalt  }
0x3f: {  	_ =	shalt  }
0x40: {  	_ =	shalt  }
0x41: {  	_ =	shalt  }
0x42: {  	_ =	shalt  }
0x43: {  	_ =	shalt  }
0x44: {  	_ =	shalt  }
0x45: {  	_ =	shalt  }
0x46: {  	_ =	shalt  }
0x47: {  	_ =	shalt  }
0x48: {  	_ =	shalt  }
0x49: {  	_ =	shalt  }
0x4a: {  	_ =	shalt  }
0x4b: {  	_ =	shalt  }
0x4c: {  	_ =	shalt  }
0x4d: {  	_ =	shalt  }
0x4e: {  	_ =	shalt  }
0x4f: {  	_ =	shalt  }
0x50: {  	_ =	shalt  }
0x51: {  	_ =	shalt  }
0x52: {  	_ =	shalt  }
0x53: {  	_ =	shalt  }
0x54: {  	_ =	shalt  }
0x55: {  	_ =	shalt  }
0x56: {  	_ =	shalt  }
0x57: {  	_ =	shalt  }
0x58: {  	_ =	shalt  }
0x59: {  	_ =	shalt  }
0x5a: {  	_ =	shalt  }
0x5b: {  	_ =	shalt  }
0x5c: {  	_ =	shalt  }
0x5d: {  	_ =	shalt  }
0x5e: {  	_ =	shalt  }
0x5f: {  	_ =	shalt  }
0x60: {  	_ =	shalt  }
0x61: {  	_ =	shalt  }
0x62: {  	_ =	shalt  }
0x63: {  	_ =	shalt  }
0x64: {  	_ =	shalt  }
0x65: {  	_ =	shalt  }
0x66: {  	_ =	shalt  }
0x67: {  	_ =	shalt  }
0x68: {  	_ =	shalt  }
0x69: {  	_ =	shalt  }
0x6a: {  	_ =	shalt  }
0x6b: {  	_ =	shalt  }
0x6c: {  	_ =	shalt  }
0x6d: {  	_ =	shalt  }
0x6e: {  	_ =	shalt  }
0x6f: {  	_ =	shalt  }
0x70: {  	_ =	shalt  }
0x71: {  	_ =	shalt  }
0x72: {  	_ =	shalt  }
0x73: {  	_ =	shalt  }
0x74: {  	_ =	shalt  }
0x75: {  	_ =	shalt  }
0x76: {  	_ =	shalt  }
0x77: {  	_ =	shalt  }
0x78: {  	_ =	shalt  }
0x79: {  	_ =	shalt  }
0x7a: {  	_ =	shalt  }
0x7b: {  	_ =	shalt  }
0x7c: {  	_ =	shalt  }
0x7d: {  	_ =	shalt  }
0x7e: {  	_ =	shalt  }
0x7f: {  	_ =	shalt  }
0x80: {  	_ =	shalt  }
0x81: {  	_ =	shalt  }
0x82: {  	_ =	shalt  }
0x83: {  	_ =	shalt  }
0x84: {  	_ =	shalt  }
0x85: {  	_ =	shalt  }
0x86: {  	_ =	shalt  }
0x87: {  	_ =	shalt  }
.Lfunc_end0:
.L_simem_size_0:
called_computation.4_lowered:
.L_overlay_start_0:
0x88: {  	s2 =	sld [smem:$0x3FD9]  }
0x89: {  	s3 =	sld [smem:$0x3FFE];
	_ =	sdelay $0x1  }
0x8a: {  	s1 =	srdreg.scid  }
0x8b: {  	s0 =	sand.u32 $0x1, s1  }
0x8c: {  	s15 =	sshll.u32 s0, $0xA;
	s2 =	sadd.s32 s3, s2  }
0x8d: {  	s2 =	sadd.s32 s2, s15  }
0x8e: {  	[smem:$0x3FBB] =	sst s2  }
0x8f: {  	_ = 	snop  }
0x90: {  	s2 =	sld [smem:$0x3FD0];
	_ =	sdelay $0x2  }
0x91: {  	s4 =	simm.s32 $0xC;
	s5 =	simm.s32 $0x10;
	s16 =	sld [smem:$0x3FBD]  }
0x92: {  	[smem:s5], [sflag:s4] =	dma.local [hbm:s2], $0x1  }
0x93: {  	_ =	swait.eq [sflag:s4], $0x1  }
0x94: {  	[sflag:s4] =	ssyncset.done $0x0  }
0x95: {  	s17 =	sld [smem:$0x11];
	[sflag:s4] =	ssyncadd.s32 $0xFFFFFFFF  }
0x96: {  	s18 =	sld [smem:$0x13];
	(tm) =	ssettm $0x1  }
0x97: {  	s19 =	sld [smem:$0x3FFB];
	_ =	sdelay $0x3  }
0x98: {  	_ =	strace s19  }
0x99: {  	s5 =	sld [smem:$0x3FFC];
	_ =	sdelay $0x3  }
0x9a: {  	_ =	strace s5  }
0x9b: {  	s5 =	sld [smem:$0x3FFD];
	_ =	sdelay $0x3  }
0x9c: {  	_ =	strace s5  }
0x9d: {  	_ =	strace $0x8FFFFFFF  }
0x9e: {  	s20 =	sld [smem:$0x3FDB];
	_ =	sdelay $0x1  }
0x9f: {  	s6 =	simm.s32 $_scs_section_size  }
0xa0: {  	s7 =	simm.s32 $_size__tile_overlayer_lowered;
	s8 =	simm.s32 $_tile_overlayer_lowered  }
0xa1: {  	s23 =	simm.s32 $0x1BFF;
	s22 =	sshll.u32 s8, $0x1;
	s5 =	sadd.s32 s6, s20  }
0xa2: {  	s9 =	simm.s32 $0x0;
	s21 =	sshll.u32 s7, $0x1;
	s7 =	sadd.s32 s22, s5  }
0xa3: {  	[timem:s9], [sflag:s23] =	dma.local [hbm:s7], s21  }
0xa4: {  	_ =	swait.ge [sflag:s23], s21  }
0xa5: {  	s6 =	ssub.s32 $0x0, s21;
	[sflag:s23] =	ssyncset.done $0x0  }
0xa6: {  	[sflag:s23] =	ssyncadd.s32 s6;
	_ =	sdelay $0x1  }
0xa7: {  	s24 =	simm.s32 $0x1B8B  }
0xa8: {  	_ =	swait.ge [sflag:s24], $0x1  }
0xa9: {  	[sflag:s24] =	ssyncset.done $0x0  }
0xaa: {  	s25 =	simm.s32 $0x1B8E;
	[sflag:s24] =	ssyncadd.s32 $0xFFFFFFFF  }
0xab: {  	s26 =	simm.s32 $execute0_lowered;
	[smem:$0x3FD2] =	sst s25  }
0xac: {  	s6 =	sshll.u32 s26, $0x1;
	_ =	strace $0x8000004C;
	[dreg:$0x1] =	wrdreg $0xFFFFFFFF  }
0xad: {  	s28 =	simm.s32 $_size_execute0_lowered;
	s5 =	sadd.s32 s5, s6;
	[dreg:$0x0] =	wrdreg $0x0  }
0xae: {  	s6 =	sshll.u32 s28, $0x1;
	[dreg:$0x2] =	wrdreg s5  }
0xaf: {  	[dreg:$0x3] =	wrdreg s6  }
0xb0: {  	[dreg:$0x4] =	wrdreg $0xC0  }
0xb1: {  	_ =	task [dreg:s9], $0x5FFFF  }
0xb2: {  	[dreg:$0x1] =	wrdreg $0xFFFFFFFF  }
0xb3: {  	[dreg:$0x0] =	wrdreg $0x60  }
0xb4: {  	[dreg:$0x2] =	wrdreg s18  }
0xb5: {  	[dreg:$0x3] =	wrdreg s16  }
0xb6: {  	[dreg:$0x4] =	wrdreg s17  }
0xb7: {  	[dreg:$0x5] =	wrdreg $0x9  }
0xb8: {  	_ =	task.clear_ibuf [dreg:s9], $0x6FFFF;
	_ =	strace $0x9000004C  }
0xb9: {  	s29 =	simm.s32 $0x9;
	_ =	strace $0x8000004E  }
0xba: {  	_ =	swait.ge [sflag:s29], $0x1  }
0xbb: {  	[sflag:s29] =	ssyncadd.s32 $0xFFFFFFFF  }
0xbc: {  	_ =	strace $0x9000004E  }
0xbd: {  	_ =	sfence  }
0xbe: {  	s30 =	sld [smem:$0x0];
	_ =	sdelay $0x2  }
0xbf: {  	s31 =	sshll.u32 s1, $0xD;
	s1 =	sshrl.u32 s1, $0x2  }
0xc0: {  	s3 =	sand.u32 $0x4000, s31;
	s1 =	sadd.s32 s1, s30  }
0xc1: {  	s0 =	sor.u32 s3, s0;
	s1 =	sshll.u32 s1, $0x11  }
0xc2: {  	s0 =	sor.u32 s1, s0  }
0xc3: {  	s0 =	sadd.s32 $0x8F2B, s0  }
0xc4: {  	[sflag:s0] =	ssyncadd.remote.s32 $0x1  }
0xc5: {  	_ =	sfence.sel $0xFFFF  }
0xc6: {  	[dreg:$0x0] =	wrdreg $0xFFFFFFFF;
	(pc) =	sbr.abs _section_cstart, $3  }
0xc7: {  	[dreg:$0x1] =	wrdreg $0xFFFFFFFF  }
0xc8: {  	_ =	task.clear_ibuf [dreg:s9], $0x2FFFF;
	_ =	strace $0x9FFFFFFF  }
0xc9: {  	(tm) =	ssettm $0x7FFFFFFF  }
tec
execute0_lowered:
.L_overlay_start_1:
0x0: {  	(tag) =	ssettag $0x1  }
0x1: {  	s1 =	rddreg [dreg:$0x0]  }
0x2: {  	s9 =	rddreg [dreg:$0x1];
	s2 =	srdreg.scid  }
0x3: {  	s0 =	stileid.u32;
	s8 =	rddreg [dreg:$0x2];
	s13 =	simm.s32 $0x600  }
0x4: {  	s14 =	simm.s32 $0xC00;
	s15 =	simm.s32 $0x6C00;
	s16 =	simm.s32 $0x1  }
0x5: {  	s17 =	simm.s32 $0x2;
	s18 =	simm.s32 $0x80;
	s19 =	simm.s32 $0x0  }
0x6: {  	s4 =	sand.u32 $0x1, s2;
	s3 =	sshll.u32 s0, $0x1;
	s2 =	rddreg [dreg:$0x3]  }
0x7: {  	s11 =	smul.u32 $0x30C, s0;
	p0 =	slt.u32 s0, $0xA;
	s5 =	sor.u32 s4, s3  }
0x8: {  	s3 =	simm.s32 $0x0;
	s6 =	ssub.s32 $0x2, s4;
	s29 =	smul.u32 $0x186, s4  }
0x9: {  	s4 =	simm.s32 $0x7;
	s7 =	smul.u32 $0x186, s5;
	[smem:$0x7FF] =	sst s3  }
0xa: {  	s10 =	sshrl.u32 s6, $0x1;
	s12 =	smin.u32 s5, $0x14;
	s4 =	simm.s32 @!p0 $0x6  }
0xb: {  	_ =	strace $0x8000004D;
	s6 =	ssub.s32 s6, s10;
	s10 =	sadd.s32 s29, s11  }
0xc: {  	s7 =	sadd.s32 s12, s7;
	s5 =	smax.u32 s6, $0x1;
	s10 =	sadd.s32 s12, s10  }
0xd: {  	s12 =	simm.s32 $0x3;
	s30 =	sshll.u32 s7, $0x4;
	s7 =	sshll.u32 s7, $0x8  }
0xe: {  	s31 =	sshll.u32 s10, $0x8;
	s10 =	sshll.u32 s10, $0x4;
	s6 =	sadd.s32 s9, s30  }
0xf: {  	s7 =	sadd.s32 s8, s7;
	s11 =	sadd.s32 s31, s8;
	s9 =	sadd.s32 s10, s9  }
0x10: {  	s8 =	sadd.s32 $0x1800, s11;
	s10 =	sadd.s32 $0x18000, s11;
	s11 =	sadd.s32 $0x1800, s9  }
.LBB2_1:
0x11: {  	[tilespmem:s3], [sflag:$0x3] =	stream.linear.gather [hbm4b:s6+s3], $0xC00, $0x38;
	[tilespmem:$0xCC00] =	vst v63  }
0x12: {  	_ =	swait.ge [sflag:s12], $0xC00  }
0x13: {  	[sflag:s12] =	ssyncset.done $0x0  }
0x14: {  	[sflag:s12] =	ssyncadd.s32 $0xFFFFF400  }
0x15: {  	[tilespmem:s14], [sflag:$0x1] =	stream.indirect.gather [hbm4b:s1+s13], $0x10, s3, s13, $0xb8;
	[tilespmem:$0xCC00] =	vst v63  }
0x16: {  	_ = 	snop  }
0x17: {  	[tilespmem:s15], [sflag:$0x1] =	stream.indirect.gather [hbm4b:s1+s13], $0x10, s13, s13, $0xb8;
	[tilespmem:$0xCC00] =	vst v63  }
0x18: {  	_ =	swait.ge [sflag:s16], $0x6000  }
0x19: {  	[sflag:s16] =	ssyncset.done $0x0  }
0x1a: {  	[sflag:s16] =	ssyncadd.s32 $0xFFFFA000  }
0x1b: {  	_ =	swait.ge [sflag:s16], $0x6000  }
0x1c: {  	[sflag:s16] =	ssyncset.done $0x0  }
0x1d: {  	[sflag:s16] =	ssyncadd.s32 $0xFFFFA000  }
0x1e: {  	[hbm4b:s7+s3] =	stream.linear.scatter [tilespmem:s14], [sflag:$0x2], $0xC000, $0x38;
	[tilespmem:$0xCC00] =	vst v63  }
0x1f: {  	s20 =	sadd.s32 $0x180, s9  }
0x20: {  	[tilespmem:s3], [sflag:$0x3] =	stream.linear.gather [hbm4b:s20+s3], $0xC00, $0x38;
	[tilespmem:$0xCC00] =	vst v63  }
0x21: {  	_ =	swait.ge [sflag:s12], $0xC00  }
0x22: {  	[sflag:s12] =	ssyncset.done $0x0  }
0x23: {  	[sflag:s12] =	ssyncadd.s32 $0xFFFFF400  }
0x24: {  	_ =	swait.ge [sflag:s17], $0xC000  }
0x25: {  	[sflag:s17] =	ssyncset.done $0x0  }
0x26: {  	[sflag:s17] =	ssyncadd.s32 $0xFFFF4000  }
0x27: {  	[tilespmem:s14], [sflag:$0x1] =	stream.indirect.gather [hbm4b:s1+s13], $0x10, s3, s13, $0xb8;
	[tilespmem:$0xCC00] =	vst v63  }
0x28: {  	_ = 	snop  }
0x29: {  	[tilespmem:s15], [sflag:$0x1] =	stream.indirect.gather [hbm4b:s1+s13], $0x10, s13, s13, $0xb8;
	[tilespmem:$0xCC00] =	vst v63  }
0x2a: {  	_ =	swait.ge [sflag:s16], $0x6000  }
0x2b: {  	[sflag:s16] =	ssyncset.done $0x0  }
0x2c: {  	[sflag:s16] =	ssyncadd.s32 $0xFFFFA000  }
0x2d: {  	_ =	swait.ge [sflag:s16], $0x6000  }
0x2e: {  	s21 =	sadd.s32 $0x1800, s8;
	[sflag:s16] =	ssyncset.done $0x0  }
0x2f: {  	s22 =	smov.u32 s8;
	s20 =	simm.s32 $0x300;
	[sflag:s16] =	ssyncadd.s32 $0xFFFFA000  }
.LBB2_2:
0x30: {  	[hbm4b:s22+s3] =	stream.linear.scatter [tilespmem:s14], [sflag:$0x2], $0xC000, $0x38;
	[tilespmem:$0xCC00] =	vst v63  }
0x31: {  	s22 =	sadd.s32 s20, s9;
	p0 =	sne.s32 s20, $0x1680;
	s20 =	sadd.s32 $0x180, s20  }
0x32: {  	[tilespmem:s3], [sflag:$0x3] =	stream.linear.gather [hbm4b:s22+s3], $0xC00, $0x38;
	[tilespmem:$0xCC00] =	vst v63  }
0x33: {  	s22 =	smov.u32 s21;
	_ =	swait.ge [sflag:s12], $0xC00  }
0x34: {  	[sflag:s12] =	ssyncset.done $0x0  }
0x35: {  	[sflag:s12] =	ssyncadd.s32 $0xFFFFF400  }
0x36: {  	_ =	swait.ge [sflag:s17], $0xC000  }
0x37: {  	[sflag:s17] =	ssyncset.done $0x0  }
0x38: {  	[sflag:s17] =	ssyncadd.s32 $0xFFFF4000  }
0x39: {  	[tilespmem:s14], [sflag:$0x1] =	stream.indirect.gather [hbm4b:s1+s13], $0x10, s3, s13, $0xb8;
	[tilespmem:$0xCC00] =	vst v63  }
0x3a: {  	_ = 	snop  }
0x3b: {  	[tilespmem:s15], [sflag:$0x1] =	stream.indirect.gather [hbm4b:s1+s13], $0x10, s13, s13, $0xb8;
	[tilespmem:$0xCC00] =	vst v63  }
0x3c: {  	_ =	swait.ge [sflag:s16], $0x6000  }
.Ltmp0:
0x3d: {  	[sflag:s16] =	ssyncset.done $0x0;
	(pc) =	sbr.rel @p0 .LBB2_2-.Ltmp0, $4  }
0x3e: {  	[sflag:s16] =	ssyncadd.s32 $0xFFFFA000  }
0x3f: {  	_ =	swait.ge [sflag:s16], $0x6000  }
0x40: {  	[sflag:s16] =	ssyncset.done $0x0  }
0x41: {  	s21 =	sadd.s32 $0x1800, s21;
	[sflag:s16] =	ssyncadd.s32 $0xFFFFA000  }
0x42: {  	[hbm4b:s22+s3] =	stream.linear.scatter [tilespmem:s14], [sflag:$0x2], $0xC000, $0x38;
	[tilespmem:$0xCC00] =	vst v63  }
0x43: {  	_ =	swait.ge [sflag:s17], $0xC000  }
0x44: {  	[sflag:s17] =	ssyncset.done $0x0  }
0x45: {  	[sflag:s17] =	ssyncadd.s32 $0xFFFF4000  }
0x46: {  	[tilespmem:s3], [sflag:$0x3] =	stream.linear.gather [hbm4b:s11+s3], $0x80, $0x38;
	[tilespmem:$0xCC00] =	vst v63  }
0x47: {  	_ =	swait.ge [sflag:s12], $0x80  }
0x48: {  	[sflag:s12] =	ssyncset.done $0x0  }
0x49: {  	[sflag:s12] =	ssyncadd.s32 $0xFFFFFF80  }
0x4a: {  	[tilespmem:s14], [sflag:$0x1] =	stream.indirect.gather [hbm4b:s1+s18], $0x10, s3, s18, $0xb8;
	[tilespmem:$0xCC00] =	vst v63  }
0x4b: {  	p0 =	sne.s32 s4, $0x1;
	_ =	swait.ge [sflag:s16], $0x800  }
.Ltmp1:
0x4c: {  	[sflag:s16] =	ssyncset.done $0x0;
	(pc) =	sbr.rel @!p0 .LBB2_5-.Ltmp1, $4  }
0x4d: {  	[sflag:s16] =	ssyncadd.s32 $0xFFFFF800  }
0x4e: {  	[hbm4b:s10+s3] =	stream.linear.scatter [tilespmem:s14], [sflag:$0x3], $0x800, $0x38;
	[tilespmem:$0xCC00] =	vst v63  }
0x4f: {  	s20 =	sadd.s32 $0xFFFFFFFF, s4;
	_ =	swait.ge [sflag:s12], $0x800  }
0x50: {  	s21 =	smov.u32 s10;
	s22 =	smov.u32 s11;
	[sflag:s12] =	ssyncset.done $0x0  }
.LBB2_4:
0x51: {  	[sflag:s12] =	ssyncadd.s32 $0xFFFFF800;
	s21 =	sadd.s32 $0x100, s21;
	s22 =	sadd.s32 $0x10, s22  }
0x52: {  	[tilespmem:s3], [sflag:$0x3] =	stream.linear.gather [hbm4b:s22+s3], $0x80, $0x38;
	[tilespmem:$0xCC00] =	vst v63  }
0x53: {  	p0 =	sne.s32 s20, $0x1;
	s20 =	sadd.s32 $0xFFFFFFFF, s20;
	_ =	swait.ge [sflag:s12], $0x80  }
0x54: {  	[sflag:s12] =	ssyncset.done $0x0  }
0x55: {  	[sflag:s12] =	ssyncadd.s32 $0xFFFFFF80  }
0x56: {  	[tilespmem:s14], [sflag:$0x1] =	stream.indirect.gather [hbm4b:s1+s18], $0x10, s3, s18, $0xb8;
	[tilespmem:$0xCC00] =	vst v63  }
0x57: {  	_ =	swait.ge [sflag:s16], $0x800  }
.Ltmp2:
0x58: {  	[sflag:s16] =	ssyncset.done $0x0;
	(pc) =	sbr.rel @p0 .LBB2_4-.Ltmp2, $4  }
0x59: {  	[sflag:s16] =	ssyncadd.s32 $0xFFFFF800  }
0x5a: {  	[hbm4b:s21+s3] =	stream.linear.scatter [tilespmem:s14], [sflag:$0x3], $0x800, $0x38;
	[tilespmem:$0xCC00] =	vst v63  }
0x5b: {  	_ =	swait.ge [sflag:s12], $0x800  }
0x5c: {  	[sflag:s12] =	ssyncset.done $0x0  }
.LBB2_5:
0x5d: {  	s19 =	sadd.s32 $0x1, s19  }
0x5e: {  	p0 =	sne.s32 s19, s5  }
.Ltmp3:
0x5f: {  	_ = 	snop;
	(pc) =	sbr.rel @p0 .LBB2_1-.Ltmp3, $2  }
0x60: {  	_ =	sdelay $0x2  }
0x61: {  	[sflag:s12] =	ssyncadd.s32 $0xFFFFF800  }
0x62: {  	_ =	sfence.sel $0x180000  }
0x63: {  	[bflag:$0x0] =	sbarrier.arrive $0xFFFF  }
0x64: {  	p0 =	sne.s32 s0, $0x0;
	_ =	strace $0x9000004D  }
0x65: {  	s0 =	sadd.s32 @!p0 $0x100000, s2;
	[bflag:$0x2] =	sbarrier.arrive $0xFFFF  }
0x66: {  	[sflag:s0] =	ssyncadd.tile.s32 @!p0 $0x1;
	_ =	shalt  }
.Lfunc_end2:
_tile_overlayer_lowered:
.L_overlay_start_2:
0x67: {  	(tag) =	ssettag $0x2  }
0x68: {  	s0 =	rddreg [dreg:$0x0];
	s2 =	stileid.u32  }
0x69: {  	s1 =	rddreg [dreg:$0x1];
	p0 =	sne.s32 s2, $0x0  }
0x6a: {  	s3 =	rddreg [dreg:$0x2];
	[bflag:$0x3] =	sbarrier.arrive $0xFFFF;
	s2 =	simm.s32 @!p0 $0x1C03  }
0x6b: {  	[timem:s3], [sflag:s2] =	dma.local @!p0 [hbm:s0], s1  }
0x6c: {  	s0 =	simm.s32 @!p0 $0x3  }
0x6d: {  	_ =	swait.ge @!p0 [sflag:s0], s1  }
0x6e: {  	s1 =	ssub.s32 @!p0 $0x0, s1;
	[sflag:s0] =	ssyncset.done @!p0 $0x0  }
0x6f: {  	[sflag:s0] =	ssyncadd.s32 @!p0 s1  }
0x70: {  	[bflag:$0x3] =	sbarrier.arrive $0xFFFF  }
0x71: {  	_ =	shalt  }

// kernel: kernel.19.cloned.1.call-start
scs
__scs_entry_jumppad:
0x0: {  	(pc) =	sbr.rel $0x88, $3  }
0x1: {  	(tag) =	ssettag $0x0;
	lr =	simm.s32 $0x1  }
0x2: {  	[smem:$0x3F94] =	sst lr;
	_ =	strace $0xD0000000  }
0x3: {  	_ = 	snop  }
0x4: {  	_ = 	snop  }
0x5: {  	_ = 	snop  }
0x6: {  	_ = 	snop  }
0x7: {  	_ = 	snop  }
__scs_overlays_trampoline_lowered:
0x8: {  	[smem:$0x3FA3] =	sst s0  }
0x9: {  	[smem:$0x3FA4] =	sst s1  }
0xa: {  	[smem:$0x3FA5] =	sst s2  }
0xb: {  	[smem:$0x3FA6] =	sst s3  }
0xc: {  	[smem:$0x3FA7] =	sst s4  }
0xd: {  	[smem:$0x3FA8] =	sst s5  }
0xe: {  	[smem:$0x3FA9] =	sst s6  }
0xf: {  	[smem:$0x3FAA] =	sst s7  }
0x10: {  	[smem:$0x3FAB] =	sst s8  }
0x11: {  	[smem:$0x3FAC] =	sst s9;
	s0 =	simm.s32 @!p0 $0x0  }
0x12: {  	s1 =	sld [smem:$0x3F92];
	s0 =	simm.s32 @p0 $0x1  }
0x13: {  	[smem:$0x3FAD] =	sst s0;
	s0 =	simm.s32 @!p1 $0x0  }
0x14: {  	s2 =	sld [smem:$0x3F91];
	s0 =	simm.s32 @p1 $0x1  }
0x15: {  	[smem:$0x3FAE] =	sst s0;
	s0 =	simm.s32 @!p2 $0x0  }
0x16: {  	s3 =	sld [smem:$0x3FDB];
	s0 =	simm.s32 @p2 $0x1  }
0x17: {  	s4 =	simm.s32 $0x1BF5;
	[smem:$0x3FB0] =	sst s0  }
0x18: {  	s0 =	sld [smem:$0x3F93];
	_ =	swait.ge [sflag:s4], $0x0  }
0x19: {  	s7 =	sld [smem:$0x3F94]  }
0x1a: {  	s8 =	sadd.s32 $0xFFFFE003, lr  }
0x1b: {  	s9 =	sadd.s32 $0xFFFFFEF7, lr;
	s5 =	simm.s32 $0xFFFFFFFF;
	p2 =	slt.u32 s8, $0xFFFFF086  }
0x1c: {  	p1 =	slt.u32 s9, $0xF7A;
	s5 =	simm.s32 @!p2 $0x0  }
0x1d: {  	s5 =	simm.s32 @p1 $0x1;
	p0 =	seq.s32 s7, s2  }
0x1e: {  	s7 =	smul.u32 @!p0 $0xF7A, s2;
	p2 =	seq.s32 @!p0 s5, $0x0  }
0x1f: {  	s9 =	smul.u32 $0xF7A, s1;
	s8 =	simm.s32 @!p0 $0x1BF5;
	p2 =	por !p2, p0  }
0x20: {  	[sflag:s8] =	ssyncset.s32 @!p0 $0xFFFFF086;
	s6 =	sadd.s32 @!p0 s3, s7;
	s7 =	simm.s32 @!p0 $0x108  }
0x21: {  	s3 =	sadd.s32 s3, s9;
	s6 =	sadd.s32 @!p0 $0x88, s6;
	s7 =	simm.s32 @p2 $0x1082  }
0x22: {  	[simem:s7], [sflag:s8] =	dma.local @!p0 [hbm:s6], $0xF7A  }
0x23: {  	s9 =	sor.u32 $0xD0000000, s2;
	s6 =	simm.s32 $0x108;
	_ =	swait.ge @!p0 [sflag:s8], $0x0  }
0x24: {  	s3 =	sadd.s32 $0x88, s3;
	s6 =	simm.s32 @!p1 $0x1082;
	[sflag:s4] =	ssyncset.s32 $0xFFFFF086  }
0x25: {  	[simem:s6], [sflag:s4] =	dma.local [hbm:s3], $0xF7A  }
0x26: {  	[smem:$0x3F94] =	sst s1;
	(tag) =	ssettag s2;
	_ =	strace s9  }
0x27: {  	s1 =	sld [smem:$0x3FA4]  }
0x28: {  	s2 =	sld [smem:$0x3FA5]  }
0x29: {  	s4 =	sld [smem:$0x3FA7]  }
0x2a: {  	p0 =	seq.s32 s5, $0x0;
	s5 =	sld [smem:$0x3FA8]  }
0x2b: {  	s6 =	sld [smem:$0x3FA9]  }
0x2c: {  	s7 =	sld [smem:$0x3FAA]  }
0x2d: {  	s3 =	simm.s32 $0x108;
	s8 =	sld [smem:$0x3FAB]  }
0x2e: {  	s3 =	simm.s32 @!p0 $0x1082;
	s9 =	sld [smem:$0x3FAC]  }
0x2f: {  	lr =	sadd.s32 s0, s3;
	s0 =	sld [smem:$0x3FA3]  }
0x30: {  	s3 =	sld [smem:$0x3FA6]  }
0x31: {  	[smem:$0x3FAF] =	sst s10  }
0x32: {  	s10 =	sld [smem:$0x3FAD];
	_ =	sdelay $0x3  }
0x33: {  	p0 =	seq.s32 s10, $0x1;
	s10 =	sld [smem:$0x3FAF];
	_ =	sdelay $0x3  }
0x34: {  	[smem:$0x3FAF] =	sst s10  }
0x35: {  	s10 =	sld [smem:$0x3FAE];
	_ =	sdelay $0x3  }
0x36: {  	p1 =	seq.s32 s10, $0x1;
	s10 =	sld [smem:$0x3FAF];
	_ =	sdelay $0x3  }
0x37: {  	[smem:$0x3FAF] =	sst s10  }
0x38: {  	s10 =	sld [smem:$0x3FB0]  }
0x39: {  	_ = 	snop;
	(pc) =	sbr.ind lr, $3  }
0x3a: {  	_ = 	snop  }
0x3b: {  	_ = 	snop  }
0x3c: {  	p2 =	seq.s32 s10, $0x1;
	s10 =	sld [smem:$0x3FAF]  }
0x3d: {  	_ =	shalt  }
0x3e: {  	_ =	shalt  }
0x3f: {  	_ =	shalt  }
0x40: {  	_ =	shalt  }
0x41: {  	_ =	shalt  }
0x42: {  	_ =	shalt  }
0x43: {  	_ =	shalt  }
0x44: {  	_ =	shalt  }
0x45: {  	_ =	shalt  }
0x46: {  	_ =	shalt  }
0x47: {  	_ =	shalt  }
0x48: {  	_ =	shalt  }
0x49: {  	_ =	shalt  }
0x4a: {  	_ =	shalt  }
0x4b: {  	_ =	shalt  }
0x4c: {  	_ =	shalt  }
0x4d: {  	_ =	shalt  }
0x4e: {  	_ =	shalt  }
0x4f: {  	_ =	shalt  }
0x50: {  	_ =	shalt  }
0x51: {  	_ =	shalt  }
0x52: {  	_ =	shalt  }
0x53: {  	_ =	shalt  }
0x54: {  	_ =	shalt  }
0x55: {  	_ =	shalt  }
0x56: {  	_ =	shalt  }
0x57: {  	_ =	shalt  }
0x58: {  	_ =	shalt  }
0x59: {  	_ =	shalt  }
0x5a: {  	_ =	shalt  }
0x5b: {  	_ =	shalt  }
0x5c: {  	_ =	shalt  }
0x5d: {  	_ =	shalt  }
0x5e: {  	_ =	shalt  }
0x5f: {  	_ =	shalt  }
0x60: {  	_ =	shalt  }
0x61: {  	_ =	shalt  }
0x62: {  	_ =	shalt  }
0x63: {  	_ =	shalt  }
0x64: {  	_ =	shalt  }
0x65: {  	_ =	shalt  }
0x66: {  	_ =	shalt  }
0x67: {  	_ =	shalt  }
0x68: {  	_ =	shalt  }
0x69: {  	_ =	shalt  }
0x6a: {  	_ =	shalt  }
0x6b: {  	_ =	shalt  }
0x6c: {  	_ =	shalt  }
0x6d: {  	_ =	shalt  }
0x6e: {  	_ =	shalt  }
0x6f: {  	_ =	shalt  }
0x70: {  	_ =	shalt  }
0x71: {  	_ =	shalt  }
0x72: {  	_ =	shalt  }
0x73: {  	_ =	shalt  }
0x74: {  	_ =	shalt  }
0x75: {  	_ =	shalt  }
0x76: {  	_ =	shalt  }
0x77: {  	_ =	shalt  }
0x78: {  	_ =	shalt  }
0x79: {  	_ =	shalt  }
0x7a: {  	_ =	shalt  }
0x7b: {  	_ =	shalt  }
0x7c: {  	_ =	shalt  }
0x7d: {  	_ =	shalt  }
0x7e: {  	_ =	shalt  }
0x7f: {  	_ =	shalt  }
0x80: {  	_ =	shalt  }
0x81: {  	_ =	shalt  }
0x82: {  	_ =	shalt  }
0x83: {  	_ =	shalt  }
0x84: {  	_ =	shalt  }
0x85: {  	_ =	shalt  }
0x86: {  	_ =	shalt  }
0x87: {  	_ =	shalt  }
.Lfunc_end0:
.L_simem_size_0:
called_computation.5_lowered:
.L_overlay_start_0:
0x88: {  	s2 =	sld [smem:$0x3FD9]  }
0x89: {  	s3 =	sld [smem:$0x3FFE];
	_ =	sdelay $0x1  }
0x8a: {  	s1 =	srdreg.scid  }
0x8b: {  	s0 =	sand.u32 $0x1, s1  }
0x8c: {  	s14 =	sshll.u32 s0, $0xA;
	s2 =	sadd.s32 s3, s2  }
0x8d: {  	s2 =	sadd.s32 s2, s14  }
0x8e: {  	[smem:$0x3FBB] =	sst s2  }
0x8f: {  	_ = 	snop  }
0x90: {  	s2 =	sld [smem:$0x3FD0];
	_ =	sdelay $0x2  }
0x91: {  	s4 =	simm.s32 $0xC;
	s5 =	simm.s32 $0x10;
	s15 =	sld [smem:$0x3FBE]  }
0x92: {  	[smem:s5], [sflag:s4] =	dma.local [hbm:s2], $0x1  }
0x93: {  	_ =	swait.eq [sflag:s4], $0x1  }
0x94: {  	[sflag:s4] =	ssyncset.done $0x0  }
0x95: {  	[sflag:s4] =	ssyncadd.s32 $0xFFFFFFFF  }
0x96: {  	s16 =	sld [smem:$0x12];
	(tm) =	ssettm $0x1  }
0x97: {  	s17 =	sld [smem:$0x3FFB];
	_ =	sdelay $0x3  }
0x98: {  	_ =	strace s17  }
0x99: {  	s4 =	sld [smem:$0x3FFC];
	_ =	sdelay $0x3  }
0x9a: {  	_ =	strace s4  }
0x9b: {  	s4 =	sld [smem:$0x3FFD];
	_ =	sdelay $0x3  }
0x9c: {  	_ =	strace s4  }
0x9d: {  	_ =	strace $0x8FFFFFFF  }
0x9e: {  	s18 =	sld [smem:$0x3FDB];
	_ =	sdelay $0x1  }
0x9f: {  	s19 =	simm.s32 $_scs_section_size  }
0xa0: {  	s6 =	simm.s32 $_size__tile_overlayer_lowered;
	s7 =	simm.s32 $_tile_overlayer_lowered  }
0xa1: {  	s22 =	simm.s32 $0x1BFF;
	s21 =	sshll.u32 s7, $0x1;
	s4 =	sadd.s32 s19, s18  }
0xa2: {  	s8 =	simm.s32 $0x0;
	s20 =	sshll.u32 s6, $0x1;
	s6 =	sadd.s32 s21, s4  }
0xa3: {  	[timem:s8], [sflag:s22] =	dma.local [hbm:s6], s20  }
0xa4: {  	_ =	swait.ge [sflag:s22], s20  }
0xa5: {  	s5 =	ssub.s32 $0x0, s20;
	[sflag:s22] =	ssyncset.done $0x0  }
0xa6: {  	[sflag:s22] =	ssyncadd.s32 s5;
	_ =	sdelay $0x1  }
0xa7: {  	s23 =	simm.s32 $0x1B8B  }
0xa8: {  	_ =	swait.ge [sflag:s23], $0x1  }
0xa9: {  	[sflag:s23] =	ssyncset.done $0x0  }
0xaa: {  	s25 =	simm.s32 $0x1B8E;
	s24 =	sld [smem:$0x3FFE];
	[sflag:s23] =	ssyncadd.s32 $0xFFFFFFFF  }
0xab: {  	s26 =	simm.s32 $execute0_lowered;
	[smem:$0x3FD2] =	sst s25  }
0xac: {  	s6 =	sshll.u32 s26, $0x1;
	_ =	strace $0x8000004F;
	[dreg:$0x1] =	wrdreg $0xFFFFFFFF  }
0xad: {  	s28 =	simm.s32 $_size_execute0_lowered;
	s4 =	sadd.s32 s4, s6;
	[dreg:$0x0] =	wrdreg $0x0  }
0xae: {  	s6 =	sshll.u32 s28, $0x1;
	[dreg:$0x2] =	wrdreg s4  }
0xaf: {  	[dreg:$0x3] =	wrdreg s6  }
0xb0: {  	[dreg:$0x4] =	wrdreg $0xC0  }
0xb1: {  	_ =	task [dreg:s8], $0x5FFFF  }
0xb2: {  	[dreg:$0x1] =	wrdreg $0xFFFFFFFF  }
0xb3: {  	[dreg:$0x0] =	wrdreg $0x60  }
0xb4: {  	[dreg:$0x2] =	wrdreg s24  }
0xb5: {  	[dreg:$0x3] =	wrdreg s15  }
0xb6: {  	[dreg:$0x4] =	wrdreg s16  }
0xb7: {  	[dreg:$0x5] =	wrdreg $0xCC000  }
0xb8: {  	[dreg:$0x6] =	wrdreg $0xB  }
0xb9: {  	_ =	task.clear_ibuf [dreg:s8], $0x7FFFF;
	_ =	strace $0x9000004F  }
0xba: {  	s29 =	simm.s32 $0xB;
	_ =	strace $0x80000051  }
0xbb: {  	_ =	swait.ge [sflag:s29], $0x1  }
0xbc: {  	[sflag:s29] =	ssyncadd.s32 $0xFFFFFFFF  }
0xbd: {  	_ =	strace $0x90000051  }
0xbe: {  	_ =	sfence  }
0xbf: {  	s30 =	sld [smem:$0x0];
	_ =	sdelay $0x2  }
0xc0: {  	s31 =	sshll.u32 s1, $0xD;
	s1 =	sshrl.u32 s1, $0x2  }
0xc1: {  	s3 =	sand.u32 $0x4000, s31;
	s1 =	sadd.s32 s1, s30  }
0xc2: {  	s0 =	sor.u32 s3, s0;
	s1 =	sshll.u32 s1, $0x11  }
0xc3: {  	s0 =	sor.u32 s1, s0  }
0xc4: {  	s0 =	sadd.s32 $0x8F2B, s0  }
0xc5: {  	[sflag:s0] =	ssyncadd.remote.s32 $0x1  }
0xc6: {  	_ =	sfence.sel $0xFFFF  }
0xc7: {  	[dreg:$0x0] =	wrdreg $0xFFFFFFFF;
	(pc) =	sbr.abs _section_cstart, $3  }
0xc8: {  	[dreg:$0x1] =	wrdreg $0xFFFFFFFF  }
0xc9: {  	_ =	task.clear_ibuf [dreg:s8], $0x2FFFF;
	_ =	strace $0x9FFFFFFF  }
0xca: {  	(tm) =	ssettm $0x7FFFFFFF  }
0xcb: {  	_ =	shalt  }
tec
execute0_lowered:
.L_overlay_start_1:
0x0: {  	(tag) =	ssettag $0x1  }
0x1: {  	s1 =	rddreg [dreg:$0x0]  }
0x2: {  	s0 =	rddreg [dreg:$0x1]  }
0x3: {  	s2 =	srdreg.scid;
	s4 =	rddreg [dreg:$0x2]  }
0x4: {  	s3 =	simm.s32 $0x0;
	s5 =	sand.u32 $0x1, s2;
	s2 =	rddreg [dreg:$0x3]  }
0x5: {  	s9 =	simm.s32 $0x1400;
	[smem:$0x7FF] =	sst s3  }
0x6: {  	s26 =	simm.s32 $0x100;
	_ =	strace $0x80000050;
	[dreg:$0x5] =	wrdreg s9  }
0x7: {  	s11 =	simm.s32 $0x1C00;
	[dreg:$0x6] =	wrdreg s26  }
0x8: {  	s12 =	stileid.u32;
	s13 =	simm.s32 $0x180;
	[dreg:$0x7] =	wrdreg s11  }
0x9: {  	s14 =	simm.s32 $0x2400;
	s15 =	simm.s32 $0x200;
	[dreg:$0x8] =	wrdreg s13  }
0xa: {  	s16 =	simm.s32 $0x2C00;
	s18 =	simm.s32 $0x280;
	[dreg:$0x9] =	wrdreg s14  }
0xb: {  	s19 =	simm.s32 $0x3400;
	s20 =	simm.s32 $0x300;
	[dreg:$0xa] =	wrdreg s15  }
0xc: {  	s21 =	simm.s32 $0x3C00;
	s22 =	simm.s32 $0x380;
	[dreg:$0xb] =	wrdreg s16  }
0xd: {  	s23 =	simm.s32 $0x4400;
	s28 =	simm.s32 $0xA400;
	[dreg:$0xc] =	wrdreg s18  }
0xe: {  	s29 =	simm.s32 $0xA00;
	s30 =	simm.s32 $0xAC00;
	[dreg:$0xd] =	wrdreg s19  }
0xf: {  	s31 =	simm.s32 $0xA80;
	s6 =	smul.u32 $0x30C, s12;
	[dreg:$0xe] =	wrdreg s20  }
0x10: {  	s7 =	sshll.u32 s12, $0x1;
	s25 =	smul.u32 $0xC350, s12;
	[dreg:$0xf] =	wrdreg s21  }
0x11: {  	p0 =	slt.u32 s12, $0xA;
	s24 =	sshll.u32 s12, $0x6;
	[dreg:$0x10] =	wrdreg s22  }
0x12: {  	s12 =	simm.s32 $0x5400;
	s8 =	smul.u32 $0x186, s5;
	[dreg:$0x11] =	wrdreg s23  }
0x13: {  	s7 =	sor.u32 s5, s7;
	s26 =	simm.s32 $0x4C00;
	[dreg:$0x15] =	wrdreg s12  }
0x14: {  	s10 =	smul.u32 $0xC3500, s5;
	s13 =	simm.s32 $0x500;
	[dreg:$0x13] =	wrdreg s26  }
0x15: {  	s5 =	ssub.s32 $0x2, s5;
	s15 =	simm.s32 $0x5C00;
	[dreg:$0x16] =	wrdreg s13  }
0x16: {  	s9 =	sor.u32 $0x1C02, s24;
	s19 =	simm.s32 $0x6400;
	[dreg:$0x17] =	wrdreg s15  }
0x17: {  	s20 =	simm.s32 $0x600;
	s22 =	simm.s32 $0x6C00;
	[dreg:$0x19] =	wrdreg s19  }
0x18: {  	s24 =	simm.s32 $0x680;
	s12 =	simm.s32 $0x0;
	[dreg:$0x1a] =	wrdreg s20  }
0x19: {  	s7 =	smin.u32 s7, $0x14;
	s17 =	sshrl.u32 s5, $0x1;
	[dreg:$0x1b] =	wrdreg s22  }
0x1a: {  	s11 =	sadd.s32 s25, s2;
	[dreg:$0x1c] =	wrdreg s24;
	s26 =	simm.s32 $0x700  }
0x1b: {  	s15 =	simm.s32 $0xC00;
	s19 =	simm.s32 $0x8400;
	s20 =	simm.s32 $0x800  }
0x1c: {  	s22 =	simm.s32 $0x880;
	s24 =	simm.s32 $0x900;
	[smem:$0x7FC] =	sst s9  }
0x1d: {  	s6 =	sadd.s32 s8, s6;
	s10 =	sadd.s32 s25, s10;
	s5 =	ssub.s32 s5, s17  }
0x1e: {  	s8 =	sshrl.u32 s25, $0x3;
	s25 =	simm.s32 $0x400;
	s17 =	simm.s32 $0x580  }
0x1f: {  	s11 =	sshrl.u32 s11, $0x3;
	[dreg:$0x1e] =	wrdreg s26;
	s26 =	simm.s32 $0x980  }
0x20: {  	s6 =	sadd.s32 s7, s6;
	s10 =	sshrl.u32 s10, $0x3;
	[dreg:$0x12] =	wrdreg s25  }
0x21: {  	s4 =	sadd.s32 s4, s8;
	s8 =	simm.s32 $0x7;
	[dreg:$0x18] =	wrdreg s17  }
0x22: {  	s14 =	smax.u32 s5, $0x1;
	s25 =	simm.s32 $0x7400;
	[smem:$0x7FD] =	sst s11  }
0x23: {  	s17 =	simm.s32 $0x7C00;
	s5 =	simm.s32 $0x1;
	[dreg:$0x1f] =	wrdreg s4  }
0x24: {  	s7 =	sshll.u32 s6, $0x8;
	s8 =	simm.s32 @!p0 $0x6;
	[smem:$0x7F8] =	sst s14  }
0x25: {  	s18 =	sshll.u32 s6, $0x4;
	s14 =	simm.s32 $0x2;
	[dreg:$0x1d] =	wrdreg s25  }
0x26: {  	s25 =	simm.s32 $0x9C00;
	s4 =	simm.s32 $0xBC00;
	s7 =	sadd.s32 s7, s1  }
0x27: {  	s1 =	sadd.s32 s10, s1;
	s10 =	simm.s32 $0x480;
	[smem:$0x7F6] =	sst s8  }
0x28: {  	s8 =	simm.s32 $0xC400;
	[dreg:$0x14] =	wrdreg s10;
	s1 =	sadd.s32 $0x622200, s1  }
0x29: {  	s16 =	sadd.s32 $0x3A00, s7;
	s10 =	sadd.s32 s18, s0;
	[smem:$0x7F7] =	sst s1  }
0x2a: {  	s21 =	sadd.s32 $0x1BA00, s7;
	s18 =	simm.s32 $0x780;
	[smem:$0x7F9] =	sst s16  }
0x2b: {  	s0 =	simm.s32 $0xB00;
	s7 =	simm.s32 $0xB80;
	[smem:$0x7FA] =	sst s21  }
0x2c: {  	s23 =	sadd.s32 $0x1800, s10;
	s16 =	simm.s32 $0x80;
	s21 =	simm.s32 $0x8C00  }
0x2d: {  	s1 =	simm.s32 $0xB400;
	[smem:$0x7FB] =	sst s23;
	s23 =	simm.s32 $0x9400  }
.LBB2_1:
0x2e: {  	[smem:$0x7F5] =	sst s12  }
0x2f: {  	s6 =	rddreg [dreg:$0x1f]  }
0x30: {  	[spmem:s11], [sflag:s9] =	dma.local [hbm:s6], $0x186A  }
0x31: {  	_ =	swait.ge [sflag:s14], $0x186A  }
0x32: {  	[sflag:s14] =	ssyncset.done $0x0  }
0x33: {  	[sflag:s14] =	ssyncadd.s32 $0xFFFFE796  }
0x34: {  	s9 =	sadd.s32 $0x0, s10;
	[bflag:$0x0] =	sbarrier.arrive $0xFFFF  }
0x35: {  	[tilespmem:s3], [sflag:$0x2] =	stream.linear.gather [hbm4b:s9+s3], $0xC00, $0x38;
	[tilespmem:$0x18F50] =	vst v63  }
0x36: {  	_ =	swait.ge [sflag:s14], $0xC00  }
0x37: {  	s13 =	sld [smem:$0x7F9]  }
0x38: {  	[sflag:s14] =	ssyncset.done $0x0  }
0x39: {  	[sflag:s14] =	ssyncadd.s32 $0xFFFFF400  }
0x3a: {  	[tilespmem:s15], [sflag:$0x2] =	stream.linear.gather [hbm4b:s13+s3], $0xC000, $0x38;
	[tilespmem:$0x18F50] =	vst v63  }
0x3b: {  	_ =	swait.ge [sflag:s14], $0xC000  }
0x3c: {  	s6 =	rddreg [dreg:$0x6]  }
0x3d: {  	[sflag:s14] =	ssyncset.done $0x0;
	s9 =	rddreg [dreg:$0x5]  }
0x3e: {  	s11 =	rddreg [dreg:$0x7];
	[sflag:s14] =	ssyncadd.s32 $0xFFFF4000  }
0x3f: {  	[spmem:s2] =	stream.indirect.scatter.add.f32 [tilespmem:s15], [sflag:$0x1], $0x10, s3, s16, $0xb8;
	[tilespmem:$0x18F50] =	vst v63  }
0x40: {  	s12 =	rddreg [dreg:$0x9]  }
0x41: {  	[spmem:s2] =	stream.indirect.scatter.add.f32 [tilespmem:s9], [sflag:$0x1], $0x10, s16, s16, $0xb8;
	[tilespmem:$0x18F50] =	vst v63  }
0x42: {  	s9 =	rddreg [dreg:$0x8]  }
0x43: {  	[spmem:s2] =	stream.indirect.scatter.add.f32 [tilespmem:s11], [sflag:$0x1], $0x10, s6, s16, $0xb8;
	[tilespmem:$0x18F50] =	vst v63  }
0x44: {  	s6 =	rddreg [dreg:$0xb]  }
0x45: {  	s11 =	rddreg [dreg:$0xa]  }
0x46: {  	[spmem:s2] =	stream.indirect.scatter.add.f32 [tilespmem:s12], [sflag:$0x1], $0x10, s9, s16, $0xb8;
	[tilespmem:$0x18F50] =	vst v63  }
0x47: {  	s9 =	rddreg [dreg:$0xd]  }
0x48: {  	s12 =	rddreg [dreg:$0xc]  }
0x49: {  	[spmem:s2] =	stream.indirect.scatter.add.f32 [tilespmem:s6], [sflag:$0x1], $0x10, s11, s16, $0xb8;
	[tilespmem:$0x18F50] =	vst v63  }
0x4a: {  	s6 =	rddreg [dreg:$0xf]  }
0x4b: {  	s11 =	rddreg [dreg:$0xe]  }
0x4c: {  	[spmem:s2] =	stream.indirect.scatter.add.f32 [tilespmem:s9], [sflag:$0x1], $0x10, s12, s16, $0xb8;
	[tilespmem:$0x18F50] =	vst v63  }
0x4d: {  	s9 =	rddreg [dreg:$0x11]  }
0x4e: {  	s12 =	rddreg [dreg:$0x10]  }
0x4f: {  	[spmem:s2] =	stream.indirect.scatter.add.f32 [tilespmem:s6], [sflag:$0x1], $0x10, s11, s16, $0xb8;
	[tilespmem:$0x18F50] =	vst v63  }
0x50: {  	s6 =	rddreg [dreg:$0x13]  }
0x51: {  	s11 =	rddreg [dreg:$0x12]  }
0x52: {  	[spmem:s2] =	stream.indirect.scatter.add.f32 [tilespmem:s9], [sflag:$0x1], $0x10, s12, s16, $0xb8;
	[tilespmem:$0x18F50] =	vst v63  }
0x53: {  	s9 =	rddreg [dreg:$0x15]  }
0x54: {  	s12 =	rddreg [dreg:$0x14]  }
0x55: {  	[spmem:s2] =	stream.indirect.scatter.add.f32 [tilespmem:s6], [sflag:$0x1], $0x10, s11, s16, $0xb8;
	[tilespmem:$0x18F50] =	vst v63  }
0x56: {  	s6 =	rddreg [dreg:$0x17]  }
0x57: {  	s11 =	rddreg [dreg:$0x16]  }
0x58: {  	[spmem:s2] =	stream.indirect.scatter.add.f32 [tilespmem:s9], [sflag:$0x1], $0x10, s12, s16, $0xb8;
	[tilespmem:$0x18F50] =	vst v63  }
0x59: {  	s9 =	rddreg [dreg:$0x19]  }
0x5a: {  	s12 =	rddreg [dreg:$0x18]  }
0x5b: {  	[spmem:s2] =	stream.indirect.scatter.add.f32 [tilespmem:s6], [sflag:$0x1], $0x10, s11, s16, $0xb8;
	[tilespmem:$0x18F50] =	vst v63  }
0x5c: {  	s6 =	rddreg [dreg:$0x1b]  }
0x5d: {  	s11 =	rddreg [dreg:$0x1a]  }
0x5e: {  	[spmem:s2] =	stream.indirect.scatter.add.f32 [tilespmem:s9], [sflag:$0x1], $0x10, s12, s16, $0xb8;
	[tilespmem:$0x18F50] =	vst v63  }
0x5f: {  	s9 =	rddreg [dreg:$0x1d]  }
0x60: {  	[spmem:s2] =	stream.indirect.scatter.add.f32 [tilespmem:s6], [sflag:$0x1], $0x10, s11, s16, $0xb8;
	[tilespmem:$0x18F50] =	vst v63  }
0x61: {  	s12 =	rddreg [dreg:$0x1c]  }
0x62: {  	[spmem:s2] =	stream.indirect.scatter.add.f32 [tilespmem:s9], [sflag:$0x1], $0x10, s12, s16, $0xb8;
	[tilespmem:$0x18F50] =	vst v63  }
0x63: {  	s11 =	rddreg [dreg:$0x1e]  }
0x64: {  	[spmem:s2] =	stream.indirect.scatter.add.f32 [tilespmem:s17], [sflag:$0x1], $0x10, s11, s16, $0xb8;
	[tilespmem:$0x18F50] =	vst v63  }
0x65: {  	_ = 	snop  }
0x66: {  	[spmem:s2] =	stream.indirect.scatter.add.f32 [tilespmem:s19], [sflag:$0x1], $0x10, s18, s16, $0xb8;
	[tilespmem:$0x18F50] =	vst v63  }
0x67: {  	_ = 	snop  }
0x68: {  	[spmem:s2] =	stream.indirect.scatter.add.f32 [tilespmem:s21], [sflag:$0x1], $0x10, s20, s16, $0xb8;
	[tilespmem:$0x18F50] =	vst v63  }
0x69: {  	_ = 	snop  }
0x6a: {  	[spmem:s2] =	stream.indirect.scatter.add.f32 [tilespmem:s23], [sflag:$0x1], $0x10, s22, s16, $0xb8;
	[tilespmem:$0x18F50] =	vst v63  }
0x6b: {  	_ = 	snop  }
0x6c: {  	[spmem:s2] =	stream.indirect.scatter.add.f32 [tilespmem:s25], [sflag:$0x1], $0x10, s24, s16, $0xb8;
	[tilespmem:$0x18F50] =	vst v63  }
0x6d: {  	_ = 	snop  }
0x6e: {  	[spmem:s2] =	stream.indirect.scatter.add.f32 [tilespmem:s28], [sflag:$0x1], $0x10, s26, s16, $0xb8;
	[tilespmem:$0x18F50] =	vst v63  }
0x6f: {  	_ = 	snop  }
0x70: {  	[spmem:s2] =	stream.indirect.scatter.add.f32 [tilespmem:s30], [sflag:$0x1], $0x10, s29, s16, $0xb8;
	[tilespmem:$0x18F50] =	vst v63  }
0x71: {  	_ = 	snop  }
0x72: {  	[spmem:s2] =	stream.indirect.scatter.add.f32 [tilespmem:s1], [sflag:$0x1], $0x10, s31, s16, $0xb8;
	[tilespmem:$0x18F50] =	vst v63  }
0x73: {  	_ = 	snop  }
0x74: {  	[spmem:s2] =	stream.indirect.scatter.add.f32 [tilespmem:s4], [sflag:$0x1], $0x10, s0, s16, $0xb8;
	[tilespmem:$0x18F50] =	vst v63  }
0x75: {  	_ = 	snop  }
0x76: {  	[spmem:s2] =	stream.indirect.scatter.add.f32 [tilespmem:s8], [sflag:$0x1], $0x10, s7, s16, $0xb8;
	[tilespmem:$0x18F50] =	vst v63  }
0x77: {  	_ =	swait.ge [sflag:s5], $0x800  }
0x78: {  	[sflag:s5] =	ssyncset.done $0x0  }
0x79: {  	[sflag:s5] =	ssyncadd.s32 $0xFFFFF800  }
0x7a: {  	_ =	swait.ge [sflag:s5], $0x800  }
0x7b: {  	[sflag:s5] =	ssyncset.done $0x0  }
0x7c: {  	[sflag:s5] =	ssyncadd.s32 $0xFFFFF800  }
0x7d: {  	_ =	swait.ge [sflag:s5], $0x800  }
0x7e: {  	[sflag:s5] =	ssyncset.done $0x0  }
0x7f: {  	[sflag:s5] =	ssyncadd.s32 $0xFFFFF800  }
0x80: {  	_ =	swait.ge [sflag:s5], $0x800  }
0x81: {  	[sflag:s5] =	ssyncset.done $0x0  }
0x82: {  	[sflag:s5] =	ssyncadd.s32 $0xFFFFF800  }
0x83: {  	_ =	swait.ge [sflag:s5], $0x800  }
0x84: {  	[sflag:s5] =	ssyncset.done $0x0  }
0x85: {  	[sflag:s5] =	ssyncadd.s32 $0xFFFFF800  }
0x86: {  	_ =	swait.ge [sflag:s5], $0x800  }
0x87: {  	[sflag:s5] =	ssyncset.done $0x0  }
0x88: {  	[sflag:s5] =	ssyncadd.s32 $0xFFFFF800  }
0x89: {  	_ =	swait.ge [sflag:s5], $0x800  }
0x8a: {  	[sflag:s5] =	ssyncset.done $0x0  }
0x8b: {  	[sflag:s5] =	ssyncadd.s32 $0xFFFFF800  }
0x8c: {  	_ =	swait.ge [sflag:s5], $0x800  }
0x8d: {  	[sflag:s5] =	ssyncset.done $0x0  }
0x8e: {  	[sflag:s5] =	ssyncadd.s32 $0xFFFFF800  }
0x8f: {  	_ =	swait.ge [sflag:s5], $0x800  }
0x90: {  	[sflag:s5] =	ssyncset.done $0x0  }
0x91: {  	[sflag:s5] =	ssyncadd.s32 $0xFFFFF800  }
0x92: {  	_ =	swait.ge [sflag:s5], $0x800  }
0x93: {  	[sflag:s5] =	ssyncset.done $0x0  }
0x94: {  	[sflag:s5] =	ssyncadd.s32 $0xFFFFF800  }
0x95: {  	_ =	swait.ge [sflag:s5], $0x800  }
0x96: {  	[sflag:s5] =	ssyncset.done $0x0  }
0x97: {  	[sflag:s5] =	ssyncadd.s32 $0xFFFFF800  }
0x98: {  	_ =	swait.ge [sflag:s5], $0x800  }
0x99: {  	[sflag:s5] =	ssyncset.done $0x0  }
0x9a: {  	[sflag:s5] =	ssyncadd.s32 $0xFFFFF800  }
0x9b: {  	_ =	swait.ge [sflag:s5], $0x800  }
0x9c: {  	[sflag:s5] =	ssyncset.done $0x0  }
0x9d: {  	[sflag:s5] =	ssyncadd.s32 $0xFFFFF800  }
0x9e: {  	_ =	swait.ge [sflag:s5], $0x800  }
0x9f: {  	[sflag:s5] =	ssyncset.done $0x0  }
0xa0: {  	[sflag:s5] =	ssyncadd.s32 $0xFFFFF800  }
0xa1: {  	_ =	swait.ge [sflag:s5], $0x800  }
0xa2: {  	[sflag:s5] =	ssyncset.done $0x0  }
0xa3: {  	[sflag:s5] =	ssyncadd.s32 $0xFFFFF800  }
0xa4: {  	_ =	swait.ge [sflag:s5], $0x800  }
0xa5: {  	[sflag:s5] =	ssyncset.done $0x0  }
0xa6: {  	[sflag:s5] =	ssyncadd.s32 $0xFFFFF800  }
0xa7: {  	_ =	swait.ge [sflag:s5], $0x800  }
0xa8: {  	[sflag:s5] =	ssyncset.done $0x0  }
0xa9: {  	[sflag:s5] =	ssyncadd.s32 $0xFFFFF800  }
0xaa: {  	_ =	swait.ge [sflag:s5], $0x800  }
0xab: {  	[sflag:s5] =	ssyncset.done $0x0  }
0xac: {  	[sflag:s5] =	ssyncadd.s32 $0xFFFFF800  }
0xad: {  	_ =	swait.ge [sflag:s5], $0x800  }
0xae: {  	[sflag:s5] =	ssyncset.done $0x0  }
0xaf: {  	[sflag:s5] =	ssyncadd.s32 $0xFFFFF800  }
0xb0: {  	_ =	swait.ge [sflag:s5], $0x800  }
0xb1: {  	s9 =	simm.s32 $0x180;
	s11 =	smov.u32 s13;
	[sflag:s5] =	ssyncset.done $0x0  }
.LBB2_2:
0xb2: {  	[sflag:s5] =	ssyncadd.s32 $0xFFFFF800  }
0xb3: {  	_ =	swait.ge [sflag:s5], $0x800  }
0xb4: {  	[sflag:s5] =	ssyncset.done $0x0  }
0xb5: {  	[sflag:s5] =	ssyncadd.s32 $0xFFFFF800  }
0xb6: {  	_ =	swait.ge [sflag:s5], $0x800  }
0xb7: {  	[sflag:s5] =	ssyncset.done $0x0  }
0xb8: {  	[sflag:s5] =	ssyncadd.s32 $0xFFFFF800  }
0xb9: {  	_ =	swait.ge [sflag:s5], $0x800  }
0xba: {  	[sflag:s5] =	ssyncset.done $0x0  }
0xbb: {  	[sflag:s5] =	ssyncadd.s32 $0xFFFFF800  }
0xbc: {  	_ =	swait.ge [sflag:s5], $0x800  }
0xbd: {  	s6 =	smov.u32 s9;
	[sflag:s5] =	ssyncset.done $0x0  }
0xbe: {  	s6 =	sadd.s32 s6, s10;
	[sflag:s5] =	ssyncadd.s32 $0xFFFFF800  }
0xbf: {  	[tilespmem:s3], [sflag:$0x2] =	stream.linear.gather [hbm4b:s6+s3], $0xC00, $0x38;
	[tilespmem:$0x18F50] =	vst v63  }
0xc0: {  	_ =	swait.ge [sflag:s14], $0xC00  }
0xc1: {  	[sflag:s14] =	ssyncset.done $0x0  }
0xc2: {  	s11 =	sadd.s32 $0x1800, s11;
	[sflag:s14] =	ssyncadd.s32 $0xFFFFF400  }
0xc3: {  	[tilespmem:s15], [sflag:$0x2] =	stream.linear.gather [hbm4b:s11+s3], $0xC000, $0x38;
	[tilespmem:$0x18F50] =	vst v63  }
0xc4: {  	_ =	swait.ge [sflag:s14], $0xC000  }
0xc5: {  	s13 =	rddreg [dreg:$0x1d]  }
0xc6: {  	s12 =	rddreg [dreg:$0x1b]  }
0xc7: {  	s6 =	rddreg [dreg:$0x19]  }
0xc8: {  	s17 =	rddreg [dreg:$0x17]  }
0xc9: {  	s18 =	rddreg [dreg:$0x15]  }
0xca: {  	s19 =	rddreg [dreg:$0x13]  }
0xcb: {  	s20 =	rddreg [dreg:$0x11]  }
0xcc: {  	s21 =	rddreg [dreg:$0xf]  }
0xcd: {  	s22 =	rddreg [dreg:$0xd]  }
0xce: {  	s23 =	rddreg [dreg:$0xb]  }
0xcf: {  	s24 =	rddreg [dreg:$0x6];
	[sflag:s14] =	ssyncset.done $0x0  }
0xd0: {  	s25 =	rddreg [dreg:$0x5];
	[sflag:s14] =	ssyncadd.s32 $0xFFFF4000  }
0xd1: {  	[spmem:s2] =	stream.indirect.scatter.add.f32 [tilespmem:s15], [sflag:$0x1], $0x10, s3, s16, $0xb8;
	[tilespmem:$0x18F50] =	vst v63  }
0xd2: {  	s26 =	rddreg [dreg:$0x7]  }
0xd3: {  	[spmem:s2] =	stream.indirect.scatter.add.f32 [tilespmem:s25], [sflag:$0x1], $0x10, s16, s16, $0xb8;
	[tilespmem:$0x18F50] =	vst v63  }
0xd4: {  	s28 =	rddreg [dreg:$0x9]  }
0xd5: {  	[spmem:s2] =	stream.indirect.scatter.add.f32 [tilespmem:s26], [sflag:$0x1], $0x10, s24, s16, $0xb8;
	[tilespmem:$0x18F50] =	vst v63  }
0xd6: {  	s25 =	rddreg [dreg:$0x8]  }
0xd7: {  	[spmem:s2] =	stream.indirect.scatter.add.f32 [tilespmem:s28], [sflag:$0x1], $0x10, s25, s16, $0xb8;
	[tilespmem:$0x18F50] =	vst v63  }
0xd8: {  	s24 =	rddreg [dreg:$0xa]  }
0xd9: {  	[spmem:s2] =	stream.indirect.scatter.add.f32 [tilespmem:s23], [sflag:$0x1], $0x10, s24, s16, $0xb8;
	[tilespmem:$0x18F50] =	vst v63  }
0xda: {  	s25 =	rddreg [dreg:$0xc]  }
0xdb: {  	[spmem:s2] =	stream.indirect.scatter.add.f32 [tilespmem:s22], [sflag:$0x1], $0x10, s25, s16, $0xb8;
	[tilespmem:$0x18F50] =	vst v63  }
0xdc: {  	s23 =	rddreg [dreg:$0xe]  }
0xdd: {  	[spmem:s2] =	stream.indirect.scatter.add.f32 [tilespmem:s21], [sflag:$0x1], $0x10, s23, s16, $0xb8;
	[tilespmem:$0x18F50] =	vst v63  }
0xde: {  	s22 =	rddreg [dreg:$0x10]  }
0xdf: {  	[spmem:s2] =	stream.indirect.scatter.add.f32 [tilespmem:s20], [sflag:$0x1], $0x10, s22, s16, $0xb8;
	[tilespmem:$0x18F50] =	vst v63  }
0xe0: {  	s21 =	rddreg [dreg:$0x12]  }
0xe1: {  	[spmem:s2] =	stream.indirect.scatter.add.f32 [tilespmem:s19], [sflag:$0x1], $0x10, s21, s16, $0xb8;
	[tilespmem:$0x18F50] =	vst v63  }
0xe2: {  	s20 =	rddreg [dreg:$0x14]  }
0xe3: {  	[spmem:s2] =	stream.indirect.scatter.add.f32 [tilespmem:s18], [sflag:$0x1], $0x10, s20, s16, $0xb8;
	[tilespmem:$0x18F50] =	vst v63  }
0xe4: {  	s19 =	rddreg [dreg:$0x16]  }
0xe5: {  	[spmem:s2] =	stream.indirect.scatter.add.f32 [tilespmem:s17], [sflag:$0x1], $0x10, s19, s16, $0xb8;
	[tilespmem:$0x18F50] =	vst v63  }
0xe6: {  	s18 =	rddreg [dreg:$0x18]  }
0xe7: {  	[spmem:s2] =	stream.indirect.scatter.add.f32 [tilespmem:s6], [sflag:$0x1], $0x10, s18, s16, $0xb8;
	[tilespmem:$0x18F50] =	vst v63  }
0xe8: {  	s17 =	rddreg [dreg:$0x1a]  }
0xe9: {  	[spmem:s2] =	stream.indirect.scatter.add.f32 [tilespmem:s12], [sflag:$0x1], $0x10, s17, s16, $0xb8;
	[tilespmem:$0x18F50] =	vst v63  }
0xea: {  	s6 =	rddreg [dreg:$0x1c]  }
0xeb: {  	[spmem:s2] =	stream.indirect.scatter.add.f32 [tilespmem:s13], [sflag:$0x1], $0x10, s6, s16, $0xb8;
	[tilespmem:$0x18F50] =	vst v63  }
0xec: {  	s17 =	simm.s32 $0x7C00;
	s12 =	rddreg [dreg:$0x1e]  }
0xed: {  	[spmem:s2] =	stream.indirect.scatter.add.f32 [tilespmem:s17], [sflag:$0x1], $0x10, s12, s16, $0xb8;
	[tilespmem:$0x18F50] =	vst v63  }
0xee: {  	s19 =	simm.s32 $0x8400;
	s18 =	simm.s32 $0x780  }
0xef: {  	[spmem:s2] =	stream.indirect.scatter.add.f32 [tilespmem:s19], [sflag:$0x1], $0x10, s18, s16, $0xb8;
	[tilespmem:$0x18F50] =	vst v63  }
0xf0: {  	s21 =	simm.s32 $0x8C00;
	s20 =	simm.s32 $0x800  }
0xf1: {  	[spmem:s2] =	stream.indirect.scatter.add.f32 [tilespmem:s21], [sflag:$0x1], $0x10, s20, s16, $0xb8;
	[tilespmem:$0x18F50] =	vst v63  }
0xf2: {  	s23 =	simm.s32 $0x9400;
	s22 =	simm.s32 $0x880  }
0xf3: {  	[spmem:s2] =	stream.indirect.scatter.add.f32 [tilespmem:s23], [sflag:$0x1], $0x10, s22, s16, $0xb8;
	[tilespmem:$0x18F50] =	vst v63  }
0xf4: {  	s24 =	simm.s32 $0x900;
	s25 =	simm.s32 $0x9C00  }
0xf5: {  	[spmem:s2] =	stream.indirect.scatter.add.f32 [tilespmem:s25], [sflag:$0x1], $0x10, s24, s16, $0xb8;
	[tilespmem:$0x18F50] =	vst v63  }
0xf6: {  	s26 =	simm.s32 $0x980;
	s28 =	simm.s32 $0xA400  }
0xf7: {  	[spmem:s2] =	stream.indirect.scatter.add.f32 [tilespmem:s28], [sflag:$0x1], $0x10, s26, s16, $0xb8;
	[tilespmem:$0x18F50] =	vst v63  }
0xf8: {  	_ = 	snop  }
0xf9: {  	[spmem:s2] =	stream.indirect.scatter.add.f32 [tilespmem:s30], [sflag:$0x1], $0x10, s29, s16, $0xb8;
	[tilespmem:$0x18F50] =	vst v63  }
0xfa: {  	_ = 	snop  }
0xfb: {  	[spmem:s2] =	stream.indirect.scatter.add.f32 [tilespmem:s1], [sflag:$0x1], $0x10, s31, s16, $0xb8;
	[tilespmem:$0x18F50] =	vst v63  }
0xfc: {  	_ = 	snop  }
0xfd: {  	[spmem:s2] =	stream.indirect.scatter.add.f32 [tilespmem:s4], [sflag:$0x1], $0x10, s0, s16, $0xb8;
	[tilespmem:$0x18F50] =	vst v63  }
0xfe: {  	_ = 	snop  }
0xff: {  	[spmem:s2] =	stream.indirect.scatter.add.f32 [tilespmem:s8], [sflag:$0x1], $0x10, s7, s16, $0xb8;
	[tilespmem:$0x18F50] =	vst v63  }
0x100: {  	_ =	swait.ge [sflag:s5], $0x800  }
0x101: {  	[sflag:s5] =	ssyncset.done $0x0  }
0x102: {  	[sflag:s5] =	ssyncadd.s32 $0xFFFFF800  }
0x103: {  	_ =	swait.ge [sflag:s5], $0x800  }
0x104: {  	[sflag:s5] =	ssyncset.done $0x0  }
0x105: {  	[sflag:s5] =	ssyncadd.s32 $0xFFFFF800  }
0x106: {  	_ =	swait.ge [sflag:s5], $0x800  }
0x107: {  	[sflag:s5] =	ssyncset.done $0x0  }
0x108: {  	[sflag:s5] =	ssyncadd.s32 $0xFFFFF800  }
0x109: {  	_ =	swait.ge [sflag:s5], $0x800  }
0x10a: {  	[sflag:s5] =	ssyncset.done $0x0  }
0x10b: {  	[sflag:s5] =	ssyncadd.s32 $0xFFFFF800  }
0x10c: {  	_ =	swait.ge [sflag:s5], $0x800  }
0x10d: {  	[sflag:s5] =	ssyncset.done $0x0  }
0x10e: {  	[sflag:s5] =	ssyncadd.s32 $0xFFFFF800  }
0x10f: {  	_ =	swait.ge [sflag:s5], $0x800  }
0x110: {  	[sflag:s5] =	ssyncset.done $0x0  }
0x111: {  	[sflag:s5] =	ssyncadd.s32 $0xFFFFF800  }
0x112: {  	_ =	swait.ge [sflag:s5], $0x800  }
0x113: {  	[sflag:s5] =	ssyncset.done $0x0  }
0x114: {  	[sflag:s5] =	ssyncadd.s32 $0xFFFFF800  }
0x115: {  	_ =	swait.ge [sflag:s5], $0x800  }
0x116: {  	[sflag:s5] =	ssyncset.done $0x0  }
0x117: {  	[sflag:s5] =	ssyncadd.s32 $0xFFFFF800  }
0x118: {  	_ =	swait.ge [sflag:s5], $0x800  }
0x119: {  	[sflag:s5] =	ssyncset.done $0x0  }
0x11a: {  	[sflag:s5] =	ssyncadd.s32 $0xFFFFF800  }
0x11b: {  	_ =	swait.ge [sflag:s5], $0x800  }
0x11c: {  	[sflag:s5] =	ssyncset.done $0x0  }
0x11d: {  	[sflag:s5] =	ssyncadd.s32 $0xFFFFF800  }
0x11e: {  	_ =	swait.ge [sflag:s5], $0x800  }
0x11f: {  	[sflag:s5] =	ssyncset.done $0x0  }
0x120: {  	[sflag:s5] =	ssyncadd.s32 $0xFFFFF800  }
0x121: {  	_ =	swait.ge [sflag:s5], $0x800  }
0x122: {  	[sflag:s5] =	ssyncset.done $0x0  }
0x123: {  	[sflag:s5] =	ssyncadd.s32 $0xFFFFF800  }
0x124: {  	_ =	swait.ge [sflag:s5], $0x800  }
0x125: {  	[sflag:s5] =	ssyncset.done $0x0  }
0x126: {  	[sflag:s5] =	ssyncadd.s32 $0xFFFFF800  }
0x127: {  	_ =	swait.ge [sflag:s5], $0x800  }
0x128: {  	[sflag:s5] =	ssyncset.done $0x0  }
0x129: {  	[sflag:s5] =	ssyncadd.s32 $0xFFFFF800  }
0x12a: {  	_ =	swait.ge [sflag:s5], $0x800  }
0x12b: {  	[sflag:s5] =	ssyncset.done $0x0  }
0x12c: {  	[sflag:s5] =	ssyncadd.s32 $0xFFFFF800  }
0x12d: {  	_ =	swait.ge [sflag:s5], $0x800  }
0x12e: {  	[sflag:s5] =	ssyncset.done $0x0  }
0x12f: {  	[sflag:s5] =	ssyncadd.s32 $0xFFFFF800  }
0x130: {  	_ =	swait.ge [sflag:s5], $0x800  }
0x131: {  	[sflag:s5] =	ssyncset.done $0x0  }
0x132: {  	[sflag:s5] =	ssyncadd.s32 $0xFFFFF800  }
0x133: {  	_ =	swait.ge [sflag:s5], $0x800  }
0x134: {  	[sflag:s5] =	ssyncset.done $0x0  }
0x135: {  	p0 =	sne.s32 s9, $0x1680;
	[sflag:s5] =	ssyncadd.s32 $0xFFFFF800  }
.Ltmp0:
0x136: {  	_ =	swait.ge [sflag:s5], $0x800;
	(pc) =	sbr.rel @p0 .LBB2_2-.Ltmp0, $4  }
0x137: {  	[sflag:s5] =	ssyncset.done $0x0  }
0x138: {  	[sflag:s5] =	ssyncadd.s32 $0xFFFFF800  }
0x139: {  	_ =	swait.ge [sflag:s5], $0x800  }
0x13a: {  	s9 =	sadd.s32 $0x180, s9;
	[sflag:s5] =	ssyncset.done $0x0  }
0x13b: {  	[sflag:s5] =	ssyncadd.s32 $0xFFFFF800  }
0x13c: {  	_ =	swait.ge [sflag:s5], $0x800  }
0x13d: {  	[sflag:s5] =	ssyncset.done $0x0  }
0x13e: {  	[sflag:s5] =	ssyncadd.s32 $0xFFFFF800  }
0x13f: {  	_ =	swait.ge [sflag:s5], $0x800  }
0x140: {  	[sflag:s5] =	ssyncset.done $0x0  }
0x141: {  	[sflag:s5] =	ssyncadd.s32 $0xFFFFF800  }
0x142: {  	_ =	swait.ge [sflag:s5], $0x800  }
0x143: {  	[sflag:s5] =	ssyncset.done $0x0  }
0x144: {  	[sflag:s5] =	ssyncadd.s32 $0xFFFFF800  }
0x145: {  	_ =	swait.ge [sflag:s5], $0x800  }
0x146: {  	s11 =	sld [smem:$0x7FB]  }
0x147: {  	[sflag:s5] =	ssyncset.done $0x0  }
0x148: {  	[sflag:s5] =	ssyncadd.s32 $0xFFFFF800  }
0x149: {  	[tilespmem:s3], [sflag:$0x2] =	stream.linear.gather [hbm4b:s11+s3], $0x80, $0x38;
	[tilespmem:$0x18F50] =	vst v63  }
0x14a: {  	_ =	swait.ge [sflag:s14], $0x80  }
0x14b: {  	s9 =	sld [smem:$0x7FA]  }
0x14c: {  	[sflag:s14] =	ssyncset.done $0x0  }
0x14d: {  	[sflag:s14] =	ssyncadd.s32 $0xFFFFFF80  }
0x14e: {  	[tilespmem:s15], [sflag:$0x2] =	stream.linear.gather [hbm4b:s9+s3], $0x800, $0x38;
	[tilespmem:$0x18F50] =	vst v63  }
0x14f: {  	_ =	swait.ge [sflag:s14], $0x800  }
0x150: {  	s6 =	sld [smem:$0x7F6];
	_ =	sdelay $0x2  }
0x151: {  	p0 =	sne.s32 s6, $0x1  }
.Ltmp1:
0x152: {  	[sflag:s14] =	ssyncset.done $0x0;
	(pc) =	sbr.rel @!p0 .LBB2_5-.Ltmp1, $4  }
0x153: {  	[sflag:s14] =	ssyncadd.s32 $0xFFFFF800  }
0x154: {  	[spmem:s2] =	stream.indirect.scatter.add.f32 [tilespmem:s15], [sflag:$0x1], $0x10, s3, s16, $0xb8;
	[tilespmem:$0x18F50] =	vst v63  }
0x155: {  	_ =	swait.ge [sflag:s5], $0x800  }
0x156: {  	s6 =	sadd.s32 $0xFFFFFFFF, s6;
	[sflag:s5] =	ssyncset.done $0x0;
	s12 =	sld [smem:$0x7F5]  }
.LBB2_4:
0x157: {  	[sflag:s5] =	ssyncadd.s32 $0xFFFFF800;
	s9 =	sadd.s32 $0x100, s9;
	s11 =	sadd.s32 $0x10, s11  }
0x158: {  	[tilespmem:s3], [sflag:$0x2] =	stream.linear.gather [hbm4b:s11+s3], $0x80, $0x38;
	[tilespmem:$0x18F50] =	vst v63  }
0x159: {  	p0 =	sne.s32 s6, $0x1;
	s6 =	sadd.s32 $0xFFFFFFFF, s6;
	_ =	swait.ge [sflag:s14], $0x80  }
0x15a: {  	[sflag:s14] =	ssyncset.done $0x0  }
0x15b: {  	[sflag:s14] =	ssyncadd.s32 $0xFFFFFF80  }
0x15c: {  	[tilespmem:s15], [sflag:$0x2] =	stream.linear.gather [hbm4b:s9+s3], $0x800, $0x38;
	[tilespmem:$0x18F50] =	vst v63  }
0x15d: {  	_ =	swait.ge [sflag:s14], $0x800  }
.Ltmp2:
0x15e: {  	[sflag:s14] =	ssyncset.done $0x0;
	(pc) =	sbr.rel @p0 .LBB2_4-.Ltmp2, $4  }
0x15f: {  	[sflag:s14] =	ssyncadd.s32 $0xFFFFF800  }
0x160: {  	[spmem:s2] =	stream.indirect.scatter.add.f32 [tilespmem:s15], [sflag:$0x1], $0x10, s3, s16, $0xb8;
	[tilespmem:$0x18F50] =	vst v63  }
0x161: {  	_ =	swait.ge [sflag:s5], $0x800  }
0x162: {  	[sflag:s5] =	ssyncset.done $0x0  }
.LBB2_5:
0x163: {  	[sflag:s5] =	ssyncadd.s32 $0xFFFFF800  }
0x164: {  	[bflag:$0x0] =	sbarrier.arrive $0xFFFF  }
0x165: {  	s9 =	sld [smem:$0x7FC]  }
0x166: {  	s6 =	sld [smem:$0x7F7]  }
0x167: {  	s11 =	sld [smem:$0x7FD];
	_ =	sdelay $0x2  }
0x168: {  	[hbm:s6], [sflag:s9] =	dma.local [spmem:s11], $0x186A  }
0x169: {  	_ =	swait.ge [sflag:s14], $0x186A  }
0x16a: {  	s13 =	sld [smem:$0x7F8];
	_ =	sdelay $0x1  }
0x16b: {  	s12 =	sadd.s32 $0x1, s12  }
0x16c: {  	p0 =	sne.s32 s12, s13  }
.Ltmp3:
0x16d: {  	_ = 	snop;
	(pc) =	sbr.rel @p0 .LBB2_1-.Ltmp3, $3  }
0x16e: {  	_ =	sdelay $0x1  }
0x16f: {  	[sflag:s14] =	ssyncset.done $0x0  }
0x170: {  	[sflag:s14] =	ssyncadd.s32 $0xFFFFE796  }
0x171: {  	_ =	sfence.sel $0x180000  }
0x172: {  	[bflag:$0x0] =	sbarrier.arrive $0xFFFF  }
0x173: {  	_ =	strace $0x90000050  }
0x174: {  	s0 =	stileid.u32;
	[bflag:$0x2] =	sbarrier.arrive $0xFFFF  }
0x175: {  	p0 =	sne.s32 s0, $0x0;
	s0 =	rddreg [dreg:$0x4]  }
0x176: {  	s0 =	sadd.s32 @!p0 $0x100000, s0  }
0x177: {  	[sflag:s0] =	ssyncadd.tile.s32 @!p0 $0x1;
	_ =	shalt  }
.Lfunc_end2:
_tile_overlayer_lowered:
.L_overlay_start_2:
0x178: {  	(tag) =	ssettag $0x2  }
0x179: {  	s0 =	rddreg [dreg:$0x0];
	s2 =	stileid.u32  }
0x17a: {  	s1 =	rddreg [dreg:$0x1];
	p0 =	sne.s32 s2, $0x0  }
0x17b: {  	s3 =	rddreg [dreg:$0x2];
	[bflag:$0x3] =	sbarrier.arrive $0xFFFF;
	s2 =	simm.s32 @!p0 $0x1C02  }
0x17c: {  	[timem:s3], [sflag:s2] =	dma.local @!p0 [hbm:s0], s1  }
0x17d: {  	s0 =	simm.s32 @!p0 $0x2  }
0x17e: {  	_ =	swait.ge @!p0 [sflag:s0], s1  }
0x17f: {  	s1 =	ssub.s32 @!p0 $0x0, s1;
	[sflag:s0] =	ssyncset.done @!p0 $0x0  }
0x180: {  	[sflag:s0] =	ssyncadd.s32 @!p0 s1  }
0x181: {  	[bflag:$0x3] =	sbarrier.arrive $0xFFFF  }
0x182: {  	_ =	shalt  }

// kernel: sparse-core-data-format-call.1.cloned.1.call-start
scs
called_computation.1_lowered:
.L_overlay_start_0:
0x0: {  	s2 =	sld [smem:$0x3FD9]  }
0x1: {  	s3 =	sld [smem:$0x3FFE];
	_ =	sdelay $0x1  }
0x2: {  	s1 =	srdreg.scid  }
0x3: {  	s0 =	sand.u32 $0x1, s1  }
0x4: {  	s16 =	sshll.u32 s0, $0xA;
	s2 =	sadd.s32 s3, s2  }
0x5: {  	s2 =	sadd.s32 s2, s16  }
0x6: {  	[smem:$0x3FBB] =	sst s2  }
0x7: {  	_ = 	snop  }
0x8: {  	s2 =	sld [smem:$0x3FD0];
	_ =	sdelay $0x2  }
0x9: {  	s17 =	simm.s32 $0xC;
	s4 =	simm.s32 $0x10  }
0xa: {  	[smem:s4], [sflag:s17] =	dma.local [hbm:s2], $0x1  }
0xb: {  	_ =	swait.eq [sflag:s17], $0x1  }
0xc: {  	[sflag:s17] =	ssyncset.done $0x0  }
0xd: {  	[sflag:s17] =	ssyncadd.s32 $0xFFFFFFFF  }
0xe: {  	s18 =	sld [smem:$0x10];
	(tm) =	ssettm $0x1  }
0xf: {  	s19 =	sld [smem:$0x3FFB];
	_ =	sdelay $0x3  }
0x10: {  	_ =	strace s19  }
0x11: {  	s2 =	sld [smem:$0x3FFC];
	_ =	sdelay $0x3  }
0x12: {  	_ =	strace s2  }
0x13: {  	s2 =	sld [smem:$0x3FFD];
	_ =	sdelay $0x3  }
0x14: {  	_ =	strace s2  }
0x15: {  	_ =	strace $0x8FFFFFFF  }
0x16: {  	s20 =	sld [smem:$0x3FDB];
	_ =	sdelay $0x1  }
0x17: {  	s21 =	simm.s32 $_scs_section_size  }
0x18: {  	s5 =	simm.s32 $_size__tile_overlayer_lowered;
	s6 =	simm.s32 $_tile_overlayer_lowered  }
0x19: {  	s7 =	simm.s32 $0x1BFF;
	s22 =	sshll.u32 s6, $0x1;
	s4 =	sadd.s32 s21, s20  }
0x1a: {  	s23 =	simm.s32 $0x0;
	s5 =	sshll.u32 s5, $0x1;
	s6 =	sadd.s32 s22, s4  }
0x1b: {  	[timem:s23], [sflag:s7] =	dma.local [hbm:s6], s5  }
0x1c: {  	_ =	swait.ge [sflag:s7], s5  }
0x1d: {  	s5 =	ssub.s32 $0x0, s5;
	[sflag:s7] =	ssyncset.done $0x0  }
0x1e: {  	[sflag:s7] =	ssyncadd.s32 s5;
	_ =	sdelay $0x1  }
0x1f: {  	s24 =	simm.s32 $0x1B8B  }
0x20: {  	_ =	swait.ge [sflag:s24], $0x1  }
0x21: {  	[sflag:s24] =	ssyncset.done $0x0  }
0x22: {  	[sflag:s24] =	ssyncadd.s32 $0xFFFFFFFF  }
0x23: {  	s5 =	sld [smem:$0x0]  }
0x24: {  	s6 =	sand.u32 $0xFFFFFFFE, s1  }
0x25: {  	p0 =	sne.s32 s1, s6  }
0x26: {  	s6 =	sshll.u32 @p0 s6, $0xE  }
0x27: {  	s6 =	sadd.s32 @p0 $0x11B8D, s6;
	s7 =	sshll.u32 @p0 s5, $0x11  }
0x28: {  	s6 =	sor.u32 @p0 s7, s6  }
0x29: {  	[sflag:s6] =	ssyncadd.remote.s32 @p0 $0x1;
	_ =	sdelay $0x1  }
0x2a: {  	s6 =	simm.s32 @p0 $0x1B8D  }
0x2b: {  	_ =	swait.eq @p0 [sflag:s6], $0x1  }
0x2c: {  	[sflag:s6] =	ssyncadd.s32 @p0 $0xFFFFFFFF  }
0x2d: {  	s7 =	sshll.u32 @!p0 s1, $0xE  }
0x2e: {  	s7 =	sor.u32 @!p0 $0x4000, s7;
	s6 =	simm.s32 @!p0 $0x1B8D  }
0x2f: {  	s5 =	sshll.u32 @!p0 s5, $0x11;
	s7 =	sadd.s32 @!p0 $0x11B8D, s7;
	_ =	swait.eq @!p0 [sflag:s6], $0x1  }
0x30: {  	s5 =	sor.u32 @!p0 s5, s7;
	[sflag:s6] =	ssyncadd.s32 @!p0 $0xFFFFFFFF  }
0x31: {  	s26 =	simm.s32 $0x1B8E;
	s25 =	sld [smem:$0x3FFE];
	[sflag:s5] =	ssyncadd.remote.s32 @!p0 $0x1  }
0x32: {  	s27 =	simm.s32 $execute0_lowered;
	[smem:$0x3FD2] =	sst s26  }
0x33: {  	s6 =	sshll.u32 s27, $0x1;
	_ =	strace $0x80000055;
	[dreg:$0x1] =	wrdreg $0xFFFFFFFF  }
0x34: {  	s28 =	simm.s32 $_size_execute0_lowered;
	s4 =	sadd.s32 s4, s6;
	[dreg:$0x0] =	wrdreg $0x0  }
0x35: {  	s6 =	sshll.u32 s28, $0x1;
	[dreg:$0x2] =	wrdreg s4  }
0x36: {  	[dreg:$0x3] =	wrdreg s6  }
0x37: {  	[dreg:$0x4] =	wrdreg $0xC0  }
0x38: {  	_ =	task [dreg:s23], $0x5FFFF  }
0x39: {  	[dreg:$0x1] =	wrdreg $0xFFFFFFFF  }
0x3a: {  	[dreg:$0x0] =	wrdreg $0x60  }
0x3b: {  	[dreg:$0x2] =	wrdreg s25  }
0x3c: {  	[dreg:$0x3] =	wrdreg s18  }
0x3d: {  	[dreg:$0x4] =	wrdreg $0xA  }
0x3e: {  	_ =	task.clear_ibuf [dreg:s23], $0x5FFFF;
	_ =	strace $0x90000055  }
0x3f: {  	s29 =	simm.s32 $0xA;
	_ =	strace $0x80000057  }
0x40: {  	_ =	swait.ge [sflag:s29], $0x1  }
0x41: {  	[sflag:s29] =	ssyncadd.s32 $0xFFFFFFFF  }
0x42: {  	_ =	strace $0x90000057  }
0x43: {  	_ =	sfence  }
0x44: {  	s30 =	sld [smem:$0x0];
	_ =	sdelay $0x2  }
0x45: {  	s31 =	sshll.u32 s1, $0xD;
	s1 =	sshrl.u32 s1, $0x2  }
0x46: {  	s4 =	sand.u32 $0x4000, s31;
	s1 =	sadd.s32 s1, s30  }
0x47: {  	s0 =	sor.u32 s4, s0;
	s1 =	sshll.u32 s1, $0x11  }
0x48: {  	s0 =	sor.u32 s1, s0  }
0x49: {  	s0 =	sadd.s32 $0x8F2B, s0  }
0x4a: {  	[sflag:s0] =	ssyncadd.remote.s32 $0x1  }
0x4b: {  	_ =	sfence.sel $0xFFFF  }
0x4c: {  	[dreg:$0x0] =	wrdreg $0xFFFFFFFF;
	(pc) =	sbr.abs _section_cstart, $3  }
0x4d: {  	[dreg:$0x1] =	wrdreg $0xFFFFFFFF  }
0x4e: {  	_ =	task.clear_ibuf [dreg:s23], $0x2FFFF;
	_ =	strace $0x9FFFFFFF  }
0x4f: {  	(tm) =	ssettm $0x7FFFFFFF  }
tec
execute0_lowered:
.L_overlay_start_1:
0x0: {  	(tag) =	ssettag $0x1  }
0x1: {  	s0 =	srdreg.scid  }
0x2: {  	s1 =	sshll.u32 s0, $0x4  }
0x3: {  	s4 =	rddreg [dreg:$0x0];
	s0 =	stileid.u32;
	s1 =	sand.u32 $0x10, s1  }
0x4: {  	s2 =	rddreg [dreg:$0x1];
	s7 =	simm.s32 $0x1;
	s1 =	sor.u32 s0, s1  }
0x5: {  	s8 =	simm.s32 $0x2;
	s11 =	simm.s32 $0x0;
	s3 =	sshll.u32 s1, $0x7  }
0x6: {  	s10 =	simm.s32 $0x0;
	s4 =	sadd.s32 $0x1EBD000, s4;
	s6 =	ssub.s32 $0x186A00, s3  }
.Ltmp0:
0x7: {  	s1 =	rddreg [dreg:$0x2];
	s5 =	sand.u32 $0xF80, s6;
	(pc) =	sbr.rel .LBB1_1-.Ltmp0, $4  }
0x8: {  	_ =	strace $0x80000056;
	s9 =	smov.u32 s3;
	p0 =	sne.s32 s5, $0x0  }
0x9: {  	s6 =	sshrl.u32 s6, $0xC;
	s5 =	simm.s32 $0x1;
	s7 =	simm.s32 @!p0 $0x0  }
0xa: {  	[sflag:s5] =	ssyncpa.u1 $0x0;
	p0 =	por $0x0, $0x0;
	s6 =	sadd.s32 s7, s6  }
0xb: {  	[sflag:s8] =	ssyncpa.u1 $0x0;
	s8 =	simm.s32 $0xC35000;
	s7 =	sadd.s32 $0x1, s6  }
.LBB1_4:
0xc: {  	s14 =	sshll.u32 s11, $0x3  }
0xd: {  	s14 =	sand.u32 $0xFFFFFC00, s14  }
0xe: {  	s15 =	sshrl.u32 s14, $0x9  }
0xf: {  	s15 =	smulhi.u32 $0xA7C5AD, s15;
	_ =	sdelay $0x1  }
0x10: {  	s15 =	sshrl.u32 s15, $0x3  }
0x11: {  	s28 =	sand.u32 $0x7F, s11;
	s16 =	smul.u32 $0x186A00, s15  }
0x12: {  	[tilespmem:s12+$0xFFFFFFFC ss:$0x81] =	vst.msk $0xffff, v0;
	s11 =	sor.u32 s28, s14  }
0x13: {  	[tilespmem:s12+$0xFFFFFFFD ss:$0x81] =	vst.msk $0xffff, v3;
	s29 =	sand.u32 $0xF, s15;
	s11 =	ssub.s32 s11, s16  }
0x14: {  	[tilespmem:s12+$0xFFFFFFFE ss:$0x81] =	vst.msk $0xffff, v1;
	s14 =	smul.u32 $0x30D40, s29;
	s30 =	sshrl.u32 s11, $0x3;
	s11 =	sand.u32 $0x7, s11  }
0x15: {  	[tilespmem:s12+$0xFFFFFFFF ss:$0x81] =	vst.msk $0xffff, v4;
	s15 =	sadd.s32 s2, s30;
	s11 =	sshll.u32 s11, $0x12  }
0x16: {  	[tilespmem:s12+$0xFFFFFFF9 ss:$0x81] =	vst.msk $0xffff, v2;
	s31 =	sadd.s32 s14, s15;
	s11 =	sor.u32 $0x400, s11  }
0x17: {  	[hbm4b:s31+s11] =	stream.strided.scatter [tilespmem:s13], [sflag:$0x2], $0x800, s8, s11, $0x20;
	[tilespmem:$0x2020] =	vst v63  }
.LBB1_5:
0x18: {  	s13 =	sadd.s32 $0x1000, s9  }
0x19: {  	p2 =	sgt.s32 s13, $0x1869FF  }
0x1a: {  	s13 =	smov.u32 @p2 s3;
	p2 =	sne.s32 s10, s7  }
.Ltmp1:
0x1b: {  	p1 =	slt.u32 s10, $0x2;
	(pc) =	sbr.rel @!p2 .LBB1_6-.Ltmp1, $4  }
0x1c: {  	s12 =	simm.s32 @!p1 $0x2  }
0x1d: {  	s14 =	sadd.s32 $0x1, s10;
	_ =	swait.ge @!p1 [sflag:s12], $0x800  }
0x1e: {  	s11 =	smov.u32 s9;
	p0 =	por !p0, !p0;
	[sflag:s12] =	ssyncset.done @!p1 $0x0  }
0x1f: {  	s10 =	smov.u32 s14;
	s9 =	smov.u32 s13;
	[sflag:s12] =	ssyncadd.s32 @!p1 $0xFFFFF800  }
.LBB1_1:
0x20: {  	p1 =	sge.u32 s10, s6  }
0x21: {  	s12 =	sand.u32 @!p1 $0x1FFFFFF, s9  }
0x22: {  	s13 =	smulhi.u32 @!p1 $0x14F8B59, s12;
	_ =	sdelay $0x1  }
0x23: {  	s13 =	sshrl.u32 @!p1 s13, $0xD  }
0x24: {  	s13 =	smul.u32 @!p1 $0x186A00, s13;
	_ =	sdelay $0x1  }
0x25: {  	s31 =	sadd.s32 $0xFFFFFFFF, s10;
	s14 =	sxor.u32 @!p1 $0xFFFFFFFF, s10;
	s12 =	ssub.s32 @!p1 s12, s13  }
0x26: {  	s15 =	simm.s32 @!p1 $0x80;
	s14 =	sshll.u32 @!p1 s14, $0xB;
	s12 =	sshll.u32 @!p1 s12, $0x4  }
0x27: {  	s13 =	sand.u32 @!p1 $0x800, s14;
	s14 =	simm.s32 @!p1 $0x10;
	s12 =	sadd.s32 @!p1 s4, s12  }
0x28: {  	[tilespmem:s13], [sflag:$0x1] =	stream.strided.gather @!p1 [hbm4b:s12+s14], $0x800, s15, s14, $0x38;
	[tilespmem:$0x2020] =	vst v63  }
0x29: {  	p1 =	sge.u32 s31, s6  }
.Ltmp2:
0x2a: {  	_ = 	snop;
	(pc) =	sbr.rel @p1 .LBB1_5-.Ltmp2, $1  }
0x2b: {  	_ =	sdelay $0x3  }
0x2c: {  	s12 =	simm.s32 $0x1  }
0x2d: {  	_ =	swait.ge [sflag:s5], $0x800;
	s12 =	simm.s32 @!p0 $0x0  }
0x2e: {  	[sflag:s5] =	ssyncset.done $0x0;
	s13 =	sshll.u32 s12, $0xB  }
0x2f: {  	[sflag:s5] =	ssyncadd.s32 $0xFFFFF800;
	s15 =	sor.u32 $0x40, s13  }
0x30: {  	v2 =	vld [tilespmem:s15+$0x30]  }
0x31: {  	s12 =	smul.u32 $0x2040, s12;
	v4 =	vld [tilespmem:s15+$0xFFFFFFD0]  }
0x32: {  	v5 =	vld [tilespmem:s15+$0xFFFFFFE0]  }
0x33: {  	s31 =	sand.u32 $0x1, s10;
	s12 =	sshrl.u32 s12, $0x2;
	v0 =	vld [tilespmem:s15+$0xFFFFFFF0]  }
0x34: {  	s13 =	smul.u32 $0x2040, s31;
	v3 =	vld [tilespmem:s15+$0x0];
	s12 =	sor.u32 $0x1007, s12  }
0x35: {  	v1 =	vld [tilespmem:s15+$0x10];
	[tilespmem:s12+$0x0 ss:$0x81] =	vst.msk $0xffff, v2  }
0x36: {  	s13 =	sshrl.u32 s13, $0x2;
	[tilespmem:s12+$0xFFFFFFFA ss:$0x81] =	vst.msk $0xffff, v4;
	v4 =	vld [tilespmem:s15+$0x20]  }
0x37: {  	s14 =	simm.s32 $0x0;
	s13 =	sor.u32 $0x1000, s13;
	v2 =	vld [tilespmem:s15+$0xFFFFFFC0];
	[tilespmem:s12+$0xFFFFFFFB ss:$0x81] =	vst.msk $0xffff, v5;
	s15 =	sadd.s32 $0x80, s15  }
.LBB1_3:
0x38: {  	v5 =	vld [tilespmem:s15+$0x30];
	s14 =	sadd.s32 $0x8, s14;
	[tilespmem:s12+$0xFFFFFFFC ss:$0x81] =	vst.msk $0xffff, v0  }
0x39: {  	v6 =	vld [tilespmem:s15+$0xFFFFFFD0];
	p1 =	slt.u32 s14, $0x78;
	[tilespmem:s12+$0xFFFFFFFD ss:$0x81] =	vst.msk $0xffff, v3  }
0x3a: {  	v7 =	vld [tilespmem:s15+$0xFFFFFFE0];
	[tilespmem:s12+$0xFFFFFFFE ss:$0x81] =	vst.msk $0xffff, v1  }
.Ltmp3:
0x3b: {  	v0 =	vld [tilespmem:s15+$0xFFFFFFF0];
	[tilespmem:s12+$0xFFFFFFFF ss:$0x81] =	vst.msk $0xffff, v4;
	(pc) =	sbr.rel @p1 .LBB1_3-.Ltmp3, $4  }
0x3c: {  	v3 =	vld [tilespmem:s15+$0x0];
	[tilespmem:s12+$0xFFFFFFF9 ss:$0x81] =	vst.msk $0xffff, v2;
	s12 =	sadd.s32 $0x8, s12  }
0x3d: {  	v1 =	vld [tilespmem:s15+$0x10];
	[tilespmem:s12+$0x0 ss:$0x81] =	vst.msk $0xffff, v5  }
0x3e: {  	[tilespmem:s12+$0xFFFFFFFA ss:$0x81] =	vst.msk $0xffff, v6;
	v4 =	vld [tilespmem:s15+$0x20]  }
0x3f: {  	v2 =	vld [tilespmem:s15+$0xFFFFFFC0];
	[tilespmem:s12+$0xFFFFFFFB ss:$0x81] =	vst.msk $0xffff, v7;
	s15 =	sadd.s32 $0x80, s15  }
.Ltmp4:
0x40: {  	_ = 	snop;
	(pc) =	sbr.rel .LBB1_4-.Ltmp4, $1  }
0x41: {  	_ =	sdelay $0x3  }
.LBB1_6:
0x42: {  	_ =	sfence.sel $0x180000  }
0x43: {  	s2 =	simm.s32 $0x1;
	[bflag:$0x0] =	sbarrier.arrive $0xFFFF  }
0x44: {  	s31 =	simm.s32 $0x2;
	[sflag:s2] =	ssyncpa.u1 $0x1  }
0x45: {  	[sflag:s31] =	ssyncpa.u1 $0x1  }
0x46: {  	p0 =	sne.s32 s0, $0x0;
	_ =	strace $0x90000056  }
0x47: {  	s0 =	sadd.s32 @!p0 $0x100000, s1;
	[bflag:$0x2] =	sbarrier.arrive $0xFFFF  }
0x48: {  	[sflag:s0] =	ssyncadd.tile.s32 @!p0 $0x1;
	_ =	shalt  }
.Lfunc_end1:
_tile_overlayer_lowered:
.L_overlay_start_2:
0x49: {  	(tag) =	ssettag $0x2  }
0x4a: {  	s0 =	rddreg [dreg:$0x0];
	s2 =	stileid.u32  }
0x4b: {  	s1 =	rddreg [dreg:$0x1];
	p0 =	sne.s32 s2, $0x0  }
0x4c: {  	s3 =	rddreg [dreg:$0x2];
	[bflag:$0x3] =	sbarrier.arrive $0xFFFF;
	s2 =	simm.s32 @!p0 $0x1C01  }
0x4d: {  	[timem:s3], [sflag:s2] =	dma.local @!p0 [hbm:s0], s1  }
0x4e: {  	s0 =	simm.s32 @!p0 $0x1  }
0x4f: {  	_ =	swait.ge @!p0 [sflag:s0], s1  }
0x50: {  	s1 =	ssub.s32 @!p0 $0x0, s1;
	[sflag:s0] =	ssyncset.done @!p0 $0x0  }
0x51: {  	[sflag:s0] =	ssyncadd.s32 @!p0 s1  }
0x52: {  	[bflag:$0x3] =	sbarrier.arrive $0xFFFF  }
0x53: {  	_ =	shalt  }

// kernel: sparse-core-data-format-call.cloned.1.call-start
scs
called_computation_lowered:
.L_overlay_start_0:
0x0: {  	s2 =	sld [smem:$0x3FD9]  }
0x1: {  	s3 =	sld [smem:$0x3FFE];
	_ =	sdelay $0x1  }
0x2: {  	s1 =	srdreg.scid  }
0x3: {  	s0 =	sand.u32 $0x1, s1  }
0x4: {  	s16 =	sshll.u32 s0, $0xA;
	s2 =	sadd.s32 s3, s2  }
0x5: {  	s2 =	sadd.s32 s2, s16  }
0x6: {  	[smem:$0x3FBB] =	sst s2  }
0x7: {  	_ = 	snop  }
0x8: {  	s2 =	sld [smem:$0x3FD0];
	_ =	sdelay $0x2  }
0x9: {  	s17 =	simm.s32 $0xC;
	s4 =	simm.s32 $0x10  }
0xa: {  	[smem:s4], [sflag:s17] =	dma.local [hbm:s2], $0x1  }
0xb: {  	_ =	swait.eq [sflag:s17], $0x1  }
0xc: {  	[sflag:s17] =	ssyncset.done $0x0  }
0xd: {  	[sflag:s17] =	ssyncadd.s32 $0xFFFFFFFF  }
0xe: {  	s18 =	sld [smem:$0x11];
	(tm) =	ssettm $0x1  }
0xf: {  	s19 =	sld [smem:$0x3FFB];
	_ =	sdelay $0x3  }
0x10: {  	_ =	strace s19  }
0x11: {  	s2 =	sld [smem:$0x3FFC];
	_ =	sdelay $0x3  }
0x12: {  	_ =	strace s2  }
0x13: {  	s2 =	sld [smem:$0x3FFD];
	_ =	sdelay $0x3  }
0x14: {  	_ =	strace s2  }
0x15: {  	_ =	strace $0x8FFFFFFF  }
0x16: {  	s20 =	sld [smem:$0x3FDB];
	_ =	sdelay $0x1  }
0x17: {  	s21 =	simm.s32 $_scs_section_size  }
0x18: {  	s5 =	simm.s32 $_size__tile_overlayer_lowered;
	s6 =	simm.s32 $_tile_overlayer_lowered  }
0x19: {  	s7 =	simm.s32 $0x1BFF;
	s22 =	sshll.u32 s6, $0x1;
	s4 =	sadd.s32 s21, s20  }
0x1a: {  	s23 =	simm.s32 $0x0;
	s5 =	sshll.u32 s5, $0x1;
	s6 =	sadd.s32 s22, s4  }
0x1b: {  	[timem:s23], [sflag:s7] =	dma.local [hbm:s6], s5  }
0x1c: {  	_ =	swait.ge [sflag:s7], s5  }
0x1d: {  	s5 =	ssub.s32 $0x0, s5;
	[sflag:s7] =	ssyncset.done $0x0  }
0x1e: {  	[sflag:s7] =	ssyncadd.s32 s5;
	_ =	sdelay $0x1  }
0x1f: {  	s24 =	simm.s32 $0x1B8B  }
0x20: {  	_ =	swait.ge [sflag:s24], $0x1  }
0x21: {  	[sflag:s24] =	ssyncset.done $0x0  }
0x22: {  	[sflag:s24] =	ssyncadd.s32 $0xFFFFFFFF  }
0x23: {  	s5 =	sld [smem:$0x0]  }
0x24: {  	s6 =	sand.u32 $0xFFFFFFFE, s1  }
0x25: {  	p0 =	sne.s32 s1, s6  }
0x26: {  	s6 =	sshll.u32 @p0 s6, $0xE  }
0x27: {  	s6 =	sadd.s32 @p0 $0x11B8D, s6;
	s7 =	sshll.u32 @p0 s5, $0x11  }
0x28: {  	s6 =	sor.u32 @p0 s7, s6  }
0x29: {  	[sflag:s6] =	ssyncadd.remote.s32 @p0 $0x1;
	_ =	sdelay $0x1  }
0x2a: {  	s6 =	simm.s32 @p0 $0x1B8D  }
0x2b: {  	_ =	swait.eq @p0 [sflag:s6], $0x1  }
0x2c: {  	[sflag:s6] =	ssyncadd.s32 @p0 $0xFFFFFFFF  }
0x2d: {  	s7 =	sshll.u32 @!p0 s1, $0xE  }
0x2e: {  	s7 =	sor.u32 @!p0 $0x4000, s7;
	s6 =	simm.s32 @!p0 $0x1B8D  }
0x2f: {  	s5 =	sshll.u32 @!p0 s5, $0x11;
	s7 =	sadd.s32 @!p0 $0x11B8D, s7;
	_ =	swait.eq @!p0 [sflag:s6], $0x1  }
0x30: {  	s5 =	sor.u32 @!p0 s5, s7;
	[sflag:s6] =	ssyncadd.s32 @!p0 $0xFFFFFFFF  }
0x31: {  	s26 =	simm.s32 $0x1B8E;
	s25 =	sld [smem:$0x3FFE];
	[sflag:s5] =	ssyncadd.remote.s32 @!p0 $0x1  }
0x32: {  	s27 =	simm.s32 $execute0_lowered;
	[smem:$0x3FD2] =	sst s26  }
0x33: {  	s6 =	sshll.u32 s27, $0x1;
	_ =	strace $0x80000052;
	[dreg:$0x1] =	wrdreg $0xFFFFFFFF  }
0x34: {  	s28 =	simm.s32 $_size_execute0_lowered;
	s4 =	sadd.s32 s4, s6;
	[dreg:$0x0] =	wrdreg $0x0  }
0x35: {  	s6 =	sshll.u32 s28, $0x1;
	[dreg:$0x2] =	wrdreg s4  }
0x36: {  	[dreg:$0x3] =	wrdreg s6  }
0x37: {  	[dreg:$0x4] =	wrdreg $0xC0  }
0x38: {  	_ =	task [dreg:s23], $0x5FFFF  }
0x39: {  	[dreg:$0x1] =	wrdreg $0xFFFFFFFF  }
0x3a: {  	[dreg:$0x0] =	wrdreg $0x60  }
0x3b: {  	[dreg:$0x2] =	wrdreg s25  }
0x3c: {  	[dreg:$0x3] =	wrdreg s18  }
0x3d: {  	[dreg:$0x4] =	wrdreg $0x9  }
0x3e: {  	_ =	task.clear_ibuf [dreg:s23], $0x5FFFF;
	_ =	strace $0x90000052  }
0x3f: {  	s29 =	simm.s32 $0x9;
	_ =	strace $0x80000054  }
0x40: {  	_ =	swait.ge [sflag:s29], $0x1  }
0x41: {  	[sflag:s29] =	ssyncadd.s32 $0xFFFFFFFF  }
0x42: {  	_ =	strace $0x90000054  }
0x43: {  	_ =	sfence  }
0x44: {  	s30 =	sld [smem:$0x0];
	_ =	sdelay $0x2  }
0x45: {  	s31 =	sshll.u32 s1, $0xD;
	s1 =	sshrl.u32 s1, $0x2  }
0x46: {  	s4 =	sand.u32 $0x4000, s31;
	s1 =	sadd.s32 s1, s30  }
0x47: {  	s0 =	sor.u32 s4, s0;
	s1 =	sshll.u32 s1, $0x11  }
0x48: {  	s0 =	sor.u32 s1, s0  }
0x49: {  	s0 =	sadd.s32 $0x8F2B, s0  }
0x4a: {  	[sflag:s0] =	ssyncadd.remote.s32 $0x1  }
0x4b: {  	_ =	sfence.sel $0xFFFF  }
0x4c: {  	[dreg:$0x0] =	wrdreg $0xFFFFFFFF;
	(pc) =	sbr.abs _section_cstart, $3  }
0x4d: {  	[dreg:$0x1] =	wrdreg $0xFFFFFFFF  }
0x4e: {  	_ =	task.clear_ibuf [dreg:s23], $0x2FFFF;
	_ =	strace $0x9FFFFFFF  }
0x4f: {  	(tm) =	ssettm $0x7FFFFFFF  }
tec
execute0_lowered:
.L_overlay_start_1:
0x0: {  	(tag) =	ssettag $0x1  }
0x1: {  	s0 =	srdreg.scid  }
0x2: {  	s1 =	sshll.u32 s0, $0x4  }
0x3: {  	s4 =	rddreg [dreg:$0x0];
	s0 =	stileid.u32;
	s1 =	sand.u32 $0x10, s1  }
0x4: {  	s2 =	rddreg [dreg:$0x1];
	s7 =	simm.s32 $0x1;
	s1 =	sor.u32 s0, s1  }
0x5: {  	s8 =	simm.s32 $0x2;
	s11 =	simm.s32 $0x0;
	s3 =	sshll.u32 s1, $0x7  }
0x6: {  	s10 =	simm.s32 $0x0;
	s4 =	sadd.s32 $0x653000, s4;
	s6 =	ssub.s32 $0x186A00, s3  }
.Ltmp0:
0x7: {  	s1 =	rddreg [dreg:$0x2];
	s5 =	sand.u32 $0xF80, s6;
	(pc) =	sbr.rel .LBB1_1-.Ltmp0, $4  }
0x8: {  	_ =	strace $0x80000053;
	s9 =	smov.u32 s3;
	p0 =	sne.s32 s5, $0x0  }
0x9: {  	s6 =	sshrl.u32 s6, $0xC;
	s5 =	simm.s32 $0x1;
	s7 =	simm.s32 @!p0 $0x0  }
0xa: {  	[sflag:s5] =	ssyncpa.u1 $0x0;
	p0 =	por $0x0, $0x0;
	s6 =	sadd.s32 s7, s6  }
0xb: {  	[sflag:s8] =	ssyncpa.u1 $0x0;
	s8 =	simm.s32 $0xC35000;
	s7 =	sadd.s32 $0x1, s6  }
.LBB1_4:
0xc: {  	s14 =	sshll.u32 s11, $0x3  }
0xd: {  	s14 =	sand.u32 $0xFFFFFC00, s14  }
0xe: {  	s15 =	sshrl.u32 s14, $0x9  }
0xf: {  	s15 =	smulhi.u32 $0xA7C5AD, s15;
	_ =	sdelay $0x1  }
0x10: {  	s15 =	sshrl.u32 s15, $0x3  }
0x11: {  	s28 =	sand.u32 $0x7F, s11;
	s16 =	smul.u32 $0x186A00, s15  }
0x12: {  	[tilespmem:s12+$0xFFFFFFFC ss:$0x81] =	vst.msk $0xffff, v0;
	s11 =	sor.u32 s28, s14  }
0x13: {  	[tilespmem:s12+$0xFFFFFFFD ss:$0x81] =	vst.msk $0xffff, v3;
	s29 =	sand.u32 $0xF, s15;
	s11 =	ssub.s32 s11, s16  }
0x14: {  	[tilespmem:s12+$0xFFFFFFFE ss:$0x81] =	vst.msk $0xffff, v1;
	s14 =	smul.u32 $0x30D40, s29;
	s30 =	sshrl.u32 s11, $0x3;
	s11 =	sand.u32 $0x7, s11  }
0x15: {  	[tilespmem:s12+$0xFFFFFFFF ss:$0x81] =	vst.msk $0xffff, v4;
	s15 =	sadd.s32 s2, s30;
	s11 =	sshll.u32 s11, $0x12  }
0x16: {  	[tilespmem:s12+$0xFFFFFFF9 ss:$0x81] =	vst.msk $0xffff, v2;
	s31 =	sadd.s32 s14, s15;
	s11 =	sor.u32 $0x400, s11  }
0x17: {  	[hbm4b:s31+s11] =	stream.strided.scatter [tilespmem:s13], [sflag:$0x2], $0x800, s8, s11, $0x20;
	[tilespmem:$0x2020] =	vst v63  }
.LBB1_5:
0x18: {  	s13 =	sadd.s32 $0x1000, s9  }
0x19: {  	p2 =	sgt.s32 s13, $0x1869FF  }
0x1a: {  	s13 =	smov.u32 @p2 s3;
	p2 =	sne.s32 s10, s7  }
.Ltmp1:
0x1b: {  	p1 =	slt.u32 s10, $0x2;
	(pc) =	sbr.rel @!p2 .LBB1_6-.Ltmp1, $4  }
0x1c: {  	s12 =	simm.s32 @!p1 $0x2  }
0x1d: {  	s14 =	sadd.s32 $0x1, s10;
	_ =	swait.ge @!p1 [sflag:s12], $0x800  }
0x1e: {  	s11 =	smov.u32 s9;
	p0 =	por !p0, !p0;
	[sflag:s12] =	ssyncset.done @!p1 $0x0  }
0x1f: {  	s10 =	smov.u32 s14;
	s9 =	smov.u32 s13;
	[sflag:s12] =	ssyncadd.s32 @!p1 $0xFFFFF800  }
.LBB1_1:
0x20: {  	p1 =	sge.u32 s10, s6  }
0x21: {  	s12 =	sand.u32 @!p1 $0x1FFFFFF, s9  }
0x22: {  	s13 =	smulhi.u32 @!p1 $0x14F8B59, s12;
	_ =	sdelay $0x1  }
0x23: {  	s13 =	sshrl.u32 @!p1 s13, $0xD  }
0x24: {  	s13 =	smul.u32 @!p1 $0x186A00, s13;
	_ =	sdelay $0x1  }
0x25: {  	s31 =	sadd.s32 $0xFFFFFFFF, s10;
	s14 =	sxor.u32 @!p1 $0xFFFFFFFF, s10;
	s12 =	ssub.s32 @!p1 s12, s13  }
0x26: {  	s15 =	simm.s32 @!p1 $0x80;
	s14 =	sshll.u32 @!p1 s14, $0xB;
	s12 =	sshll.u32 @!p1 s12, $0x4  }
0x27: {  	s13 =	sand.u32 @!p1 $0x800, s14;
	s14 =	simm.s32 @!p1 $0x10;
	s12 =	sadd.s32 @!p1 s4, s12  }
0x28: {  	[tilespmem:s13], [sflag:$0x1] =	stream.strided.gather @!p1 [hbm4b:s12+s14], $0x800, s15, s14, $0x38;
	[tilespmem:$0x2020] =	vst v63  }
0x29: {  	p1 =	sge.u32 s31, s6  }
.Ltmp2:
0x2a: {  	_ = 	snop;
	(pc) =	sbr.rel @p1 .LBB1_5-.Ltmp2, $1  }
0x2b: {  	_ =	sdelay $0x3  }
0x2c: {  	s12 =	simm.s32 $0x1  }
0x2d: {  	_ =	swait.ge [sflag:s5], $0x800;
	s12 =	simm.s32 @!p0 $0x0  }
0x2e: {  	[sflag:s5] =	ssyncset.done $0x0;
	s13 =	sshll.u32 s12, $0xB  }
0x2f: {  	[sflag:s5] =	ssyncadd.s32 $0xFFFFF800;
	s15 =	sor.u32 $0x40, s13  }
0x30: {  	v2 =	vld [tilespmem:s15+$0x30]  }
0x31: {  	s12 =	smul.u32 $0x2040, s12;
	v4 =	vld [tilespmem:s15+$0xFFFFFFD0]  }
0x32: {  	v5 =	vld [tilespmem:s15+$0xFFFFFFE0]  }
0x33: {  	s31 =	sand.u32 $0x1, s10;
	s12 =	sshrl.u32 s12, $0x2;
	v0 =	vld [tilespmem:s15+$0xFFFFFFF0]  }
0x34: {  	s13 =	smul.u32 $0x2040, s31;
	v3 =	vld [tilespmem:s15+$0x0];
	s12 =	sor.u32 $0x1007, s12  }
0x35: {  	v1 =	vld [tilespmem:s15+$0x10];
	[tilespmem:s12+$0x0 ss:$0x81] =	vst.msk $0xffff, v2  }
0x36: {  	s13 =	sshrl.u32 s13, $0x2;
	[tilespmem:s12+$0xFFFFFFFA ss:$0x81] =	vst.msk $0xffff, v4;
	v4 =	vld [tilespmem:s15+$0x20]  }
0x37: {  	s14 =	simm.s32 $0x0;
	s13 =	sor.u32 $0x1000, s13;
	v2 =	vld [tilespmem:s15+$0xFFFFFFC0];
	[tilespmem:s12+$0xFFFFFFFB ss:$0x81] =	vst.msk $0xffff, v5;
	s15 =	sadd.s32 $0x80, s15  }
.LBB1_3:
0x38: {  	v5 =	vld [tilespmem:s15+$0x30];
	s14 =	sadd.s32 $0x8, s14;
	[tilespmem:s12+$0xFFFFFFFC ss:$0x81] =	vst.msk $0xffff, v0  }
0x39: {  	v6 =	vld [tilespmem:s15+$0xFFFFFFD0];
	p1 =	slt.u32 s14, $0x78;
	[tilespmem:s12+$0xFFFFFFFD ss:$0x81] =	vst.msk $0xffff, v3  }
0x3a: {  	v7 =	vld [tilespmem:s15+$0xFFFFFFE0];
	[tilespmem:s12+$0xFFFFFFFE ss:$0x81] =	vst.msk $0xffff, v1  }
.Ltmp3:
0x3b: {  	v0 =	vld [tilespmem:s15+$0xFFFFFFF0];
	[tilespmem:s12+$0xFFFFFFFF ss:$0x81] =	vst.msk $0xffff, v4;
	(pc) =	sbr.rel @p1 .LBB1_3-.Ltmp3, $4  }
0x3c: {  	v3 =	vld [tilespmem:s15+$0x0];
	[tilespmem:s12+$0xFFFFFFF9 ss:$0x81] =	vst.msk $0xffff, v2;
	s12 =	sadd.s32 $0x8, s12  }
0x3d: {  	v1 =	vld [tilespmem:s15+$0x10];
	[tilespmem:s12+$0x0 ss:$0x81] =	vst.msk $0xffff, v5  }
0x3e: {  	[tilespmem:s12+$0xFFFFFFFA ss:$0x81] =	vst.msk $0xffff, v6;
	v4 =	vld [tilespmem:s15+$0x20]  }
0x3f: {  	v2 =	vld [tilespmem:s15+$0xFFFFFFC0];
	[tilespmem:s12+$0xFFFFFFFB ss:$0x81] =	vst.msk $0xffff, v7;
	s15 =	sadd.s32 $0x80, s15  }
.Ltmp4:
0x40: {  	_ = 	snop;
	(pc) =	sbr.rel .LBB1_4-.Ltmp4, $1  }
0x41: {  	_ =	sdelay $0x3  }
.LBB1_6:
0x42: {  	_ =	sfence.sel $0x180000  }
0x43: {  	s2 =	simm.s32 $0x1;
	[bflag:$0x0] =	sbarrier.arrive $0xFFFF  }
0x44: {  	s31 =	simm.s32 $0x2;
	[sflag:s2] =	ssyncpa.u1 $0x1  }
0x45: {  	[sflag:s31] =	ssyncpa.u1 $0x1  }
0x46: {  	p0 =	sne.s32 s0, $0x0;
	_ =	strace $0x90000053  }
0x47: {  	s0 =	sadd.s32 @!p0 $0x100000, s1;
	[bflag:$0x2] =	sbarrier.arrive $0xFFFF  }
0x48: {  	[sflag:s0] =	ssyncadd.tile.s32 @!p0 $0x1;
	_ =	shalt  }
.Lfunc_end1:
_tile_overlayer_lowered:
.L_overlay_start_2:
0x49: {  	(tag) =	ssettag $0x2  }
0x4a: {  	s0 =	rddreg [dreg:$0x0];
	s2 =	stileid.u32  }
0x4b: {  	s1 =	rddreg [dreg:$0x1];
	p0 =	sne.s32 s2, $0x0  }
0x4c: {  	s3 =	rddreg [dreg:$0x2];
	[bflag:$0x3] =	sbarrier.arrive $0xFFFF;
	s2 =	simm.s32 @!p0 $0x1C01  }
0x4d: {  	[timem:s3], [sflag:s2] =	dma.local @!p0 [hbm:s0], s1  }
0x4e: {  	s0 =	simm.s32 @!p0 $0x1  }
0x4f: {  	_ =	swait.ge @!p0 [sflag:s0], s1  }
0x50: {  	s1 =	ssub.s32 @!p0 $0x0, s1;
	[sflag:s0] =	ssyncset.done @!p0 $0x0  }
0x51: {  	[sflag:s0] =	ssyncadd.s32 @!p0 s1  }
0x52: {  	[bflag:$0x3] =	sbarrier.arrive $0xFFFF  }
0x53: {  	_ =	shalt  }

</sc_bundles>
